<compile_context>
chip_gen: v7x
topology: tpu7x:2x2x1
jax: 0.10.2.dev20260603
libtpu: 0.0.44.dev20260713+nightly
codegen_flags: <defaults>
</compile_context>

<pallas_src>
import dataclasses
import functools

import jax
import jax.numpy as jnp
from jax import lax
from jax.experimental import pallas as pl
from jax.experimental.pallas import tpu as pltpu
from jax.experimental.pallas import tpu_sc as plsc

NC = 2
NS = 16
L = 16
NW = NC * NS
B = 4096
H = 200
D = 64
W = 2 * D
BPW = B // NW
G0 = 128
G1 = H - G0
UNROLL = 8
REPACK_BLK = 16384


def _sc_compiler_params():
    cp = pltpu.CompilerParams()
    fields = pltpu.CompilerParams.__dataclass_fields__
    if "needs_layout_passes" in fields:
        cp = dataclasses.replace(cp, needs_layout_passes=False)
    if "use_tc_tiling_on_sc" in fields:
        cp = dataclasses.replace(cp, use_tc_tiling_on_sc=False)
    return cp


def _tc_widen_table(embed_w):
    v = embed_w.shape[0]
    tab_t = embed_w.T

    def body(in_ref, o_ref):
        o_ref[:, :D] = in_ref[...].T

    return pl.pallas_call(
        body,
        grid=((v + REPACK_BLK - 1) // REPACK_BLK,),
        in_specs=[pl.BlockSpec((D, REPACK_BLK), lambda i: (0, i))],
        out_specs=pl.BlockSpec((REPACK_BLK, W), lambda i: (i, 0)),
        out_shape=jax.ShapeDtypeStruct((v, W), jnp.float32),
    )(tab_t)


def _sc_embedding_bag(ctx, ctx_v, itm_flat, tab2):
    mesh = plsc.VectorSubcoreMesh(core_axis_name="c", subcore_axis_name="s")

    @functools.partial(
        pl.kernel,
        out_type=[jax.ShapeDtypeStruct((B, D), jnp.int32),
                  jax.ShapeDtypeStruct((B, W), jnp.float32)],
        mesh=mesh,
        compiler_params=_sc_compiler_params(),
        scratch_types=[
            pltpu.VMEM((BPW, H), jnp.int32),
            pltpu.VMEM((BPW, H), jnp.float32),
            pltpu.VMEM((H, W), jnp.float32),
            pltpu.VMEM((H, W), jnp.float32),
            pltpu.VMEM((H, W), jnp.float32),
            pltpu.VMEM((BPW,), jnp.int32),
            pltpu.SemaphoreType.DMA,
            pltpu.SemaphoreType.DMA,
            pltpu.SemaphoreType.DMA,
        ],
    )
    def k(ctx_hbm, ctxv_hbm, itm_hbm, tab_hbm, ctxsum_hbm, itmrows_hbm,
          idx_v, w_v, rows0, rows1, rows2, itmidx_v, sem0, sem1, sem2):
        wid = lax.axis_index("s") * NC + lax.axis_index("c")
        base = wid * BPW
        bufs = (rows0, rows1, rows2)
        sems = (sem0, sem1, sem2)

        pltpu.sync_copy(itm_hbm.at[pl.ds(base, BPW)], itmidx_v)

        pltpu.sync_copy(ctx_hbm.at[pl.ds(base, BPW)], idx_v)
        pltpu.sync_copy(ctxv_hbm.at[pl.ds(base, BPW)], w_v)

        def issue(e, buf, sem):
            pltpu.make_async_copy(
                tab_hbm.at[idx_v.at[e, pl.ds(0, G0)]],
                buf.at[pl.ds(0, G0)], sem).start()
            pltpu.make_async_copy(
                tab_hbm.at[idx_v.at[e, pl.ds(G0, G1)]],
                buf.at[pl.ds(G0, G1)], sem).start()

        def drain(e, buf, sem):
            pltpu.make_async_copy(
                tab_hbm.at[idx_v.at[e, pl.ds(0, G0)]],
                buf.at[pl.ds(0, G0)], sem).wait()
            pltpu.make_async_copy(
                tab_hbm.at[idx_v.at[e, pl.ds(G0, G1)]],
                buf.at[pl.ds(G0, G1)], sem).wait()

        def compute(e, buf):
            def fma16(accs, wvec, lbase, ubase):
                for u in range(L - ubase):
                    l = lbase + u
                    wu = lax.gather(
                        wvec, jnp.full((L, 1), ubase + u, jnp.int32),
                        dimension_numbers=lax.GatherDimensionNumbers(
                            offset_dims=(), collapsed_slice_dims=(0,),
                            start_index_map=(0,)),
                        slice_sizes=(1,),
                        mode=lax.GatherScatterMode.PROMISE_IN_BOUNDS)
                    accs = tuple(acc + wu * buf[l, pl.ds(j * L, L)]
                                 for j, acc in enumerate(accs))
                return accs

            def body(l0, accs):
                wvec = w_v[e, pl.ds(l0 * L, L)]
                return fma16(accs, wvec, l0 * L, 0)

            accs = lax.fori_loop(
                0, H // L, body,
                tuple(jnp.zeros((L,), jnp.float32) for _ in range(D // L)))
            wvec = w_v[e, pl.ds(H - L, L)]
            accs = fma16(accs, wvec, (H // L) * L, L - H % L)
            for j in range(D // L):
                idx_v[e, pl.ds(j * L, L)] = plsc.bitcast(accs[j], jnp.int32)

        issue(0, bufs[0], sems[0])
        issue(1, bufs[1], sems[1])

        @pl.loop(0, BPW // 3)
        def _(p):
            e0 = p * 3
            for u in range(3):
                e = e0 + u
                drain(e, bufs[u], sems[u])
                compute(e, bufs[u])
                nxt = (u + 2) % 3
                issue(e + 2, bufs[nxt], sems[nxt])

        drain(BPW - 2, bufs[0], sems[0])
        compute(BPW - 2, bufs[0])
        drain(BPW - 1, bufs[1], sems[1])
        compute(BPW - 1, bufs[1])

        pltpu.sync_copy(idx_v.at[:, pl.ds(0, D)],
                        ctxsum_hbm.at[pl.ds(base, BPW)])

        pltpu.sync_copy(tab_hbm.at[itmidx_v], rows0.at[pl.ds(0, BPW)])
        pltpu.sync_copy(rows0.at[pl.ds(0, BPW)],
                        itmrows_hbm.at[pl.ds(base, BPW)])

    return k(ctx, ctx_v, itm_flat, tab2)


def _tc_tail(ctx_sum, itm_rows, z, fc1_w, fc1_b):
    def body(cs_ref, it_ref, z_ref, w_ref, b_ref, o_ref):
        cs = lax.bitcast_convert_type(cs_ref[...], jnp.float32)
        p = (cs * it_ref[:, :D] * w_ref[:, :D]
             + z_ref[...] * w_ref[:, D:])
        o_ref[...] = jnp.sum(p, axis=1, keepdims=True) + b_ref[...]

    return pl.pallas_call(
        body,
        out_shape=jax.ShapeDtypeStruct((B, 1), jnp.float32),
    )(ctx_sum, itm_rows, z, fc1_w, fc1_b)


def kernel(ctx, itm, pos, ctx_v, z, embed_w, fc1_w, fc1_b):
    del pos
    tab2 = _tc_widen_table(embed_w)
    ctx_sum, itm_rows = _sc_embedding_bag(ctx, ctx_v, itm.reshape(B), tab2)
    return _tc_tail(ctx_sum, itm_rows, z, fc1_w, fc1_b.reshape(1, 1))

# --- scband reference (transcript-rebuilt; emitter-appended) ---
"""Pipeline reference for scband-generator-z-2937757630692 (READ-ONLY COPY).

The authoritative reference and input builder live on the scoring server;
editing this copy changes nothing except your own understanding.
"""

import jax, jax.numpy as jnp
import numpy as np

INPUT_SIZE = 1000000
EMBED_DIM = 64
BATCH = 4096
HIST = 200


def setup_inputs(seed: int = 0) -> dict:
    key = jax.random.key(seed)
    k1, k2, k3, k4, k5, k6, k7 = jax.random.split(key, 7)
    ctx = jax.random.randint(k1, (BATCH, HIST), 0, INPUT_SIZE, dtype=jnp.int64 if jax.config.jax_enable_x64 else jnp.int32).astype(jnp.int32)
    itm = jax.random.randint(k2, (BATCH, 1), 0, INPUT_SIZE).astype(jnp.int32)
    pos = jax.random.randint(k3, (BATCH, 1), 0, HIST).astype(jnp.int32)
    ctx_v = jax.random.uniform(k4, (BATCH, HIST), dtype=jnp.float32)
    z = jax.random.normal(k5, (BATCH, EMBED_DIM), dtype=jnp.float32)
    # learned params
    embed_w = jax.random.normal(k6, (INPUT_SIZE, EMBED_DIM), dtype=jnp.float32) * 0.05
    embed_w = embed_w.at[0].set(0.0)  # padding_idx=0
    fc1_w = jax.random.normal(k7, (1, EMBED_DIM * 2), dtype=jnp.float32) * 0.05
    fc1_b = jnp.zeros((1,), dtype=jnp.float32)
    return {"ctx": ctx, "itm": itm, "pos": pos, "ctx_v": ctx_v, "z": z,
            "embed_w": embed_w, "fc1_w": fc1_w, "fc1_b": fc1_b}


def reference(ctx, itm, pos, ctx_v, z, embed_w, fc1_w, fc1_b):
    # module is in training mode by default, so the eval-mode masking branch is skipped
    ctx_e = jnp.take(embed_w, ctx, axis=0)              # [B, L, D] gather
    ctx_sum = jnp.sum(ctx_e * ctx_v[:, :, None], axis=1)  # [B, D]
    itm_e = jnp.take(embed_w, itm, axis=0)              # [B, 1, D] gather
    itm_sum = jnp.sum(itm_e, axis=1)                    # [B, D]
    x = jnp.concatenate([ctx_sum * itm_sum, z], axis=1)  # [B, 2D]
    x12 = x @ fc1_w.T + fc1_b                           # [B, 1]
    return x12

if __name__ == "__main__":
    import jax
    _d = setup_inputs()
    print(jax.jit(kernel)(*tuple(_d.values())))

</pallas_src>

<mosaic_0001>
#map = affine_map<(d0, d1) -> (0, 0)>
#map1 = affine_map<(d0, d1) -> (0)>
module attributes {stable_mosaic.version = 14 : i64} {
  func.func @k(%arg0: i32, %arg1: i32, %arg2: memref<4096x200xi32, #tpu.memory_space<hbm>>, %arg3: memref<4096x200xf32, #tpu.memory_space<hbm>>, %arg4: memref<4096xi32, #tpu.memory_space<hbm>>, %arg5: memref<1000000x128xf32, #tpu.memory_space<hbm>>, %arg6: memref<4096x64xi32, #tpu.memory_space<hbm>>, %arg7: memref<4096x128xf32, #tpu.memory_space<hbm>>, %arg8: memref<128x200xi32, #tpu.memory_space<vmem>>, %arg9: memref<128x200xf32, #tpu.memory_space<vmem>>, %arg10: memref<200x128xf32, #tpu.memory_space<vmem>>, %arg11: memref<200x128xf32, #tpu.memory_space<vmem>>, %arg12: memref<200x128xf32, #tpu.memory_space<vmem>>, %arg13: memref<128xi32, #tpu.memory_space<vmem>>, %arg14: memref<!tpu.dma_semaphore, #tpu.memory_space<semaphore_mem>>, %arg15: memref<!tpu.dma_semaphore, #tpu.memory_space<semaphore_mem>>, %arg16: memref<!tpu.dma_semaphore, #tpu.memory_space<semaphore_mem>>) attributes {dimension_semantics = [#tpu.dimension_semantics<core_parallel>, #tpu.dimension_semantics<subcore_parallel>], iteration_bounds = array<i64: 2, 16>, scalar_prefetch = 0 : i64, scratch_operands = 9 : i64, tpu.core_type = #tpu.core_type<sc_vector_subcore>, window_params = [{transform_indices = #map}, {transform_indices = #map}, {transform_indices = #map1}, {transform_indices = #map}, {transform_indices = #map}, {transform_indices = #map}]} {
    %mul3A = arith.constant 2 : i32
    %mul3A_0 = arith.muli %arg1, %mul3A : i32
    %add3A = arith.addi %mul3A_0, %arg0 : i32
    %mul3A_1 = arith.constant 128 : i32
    %mul3A_2 = arith.muli %add3A, %mul3A_1 : i32
    "tpu.region"() ({
      %run_scoped3A = tpu.sem_alloc : memref<!tpu.dma_semaphore, #tpu.memory_space<semaphore_mem>>
      %dma_start3A_604 = tpu.memref_slice %arg4[%mul3A_2] : memref<4096xi32, #tpu.memory_space<hbm>> -> memref<128xi32, #tpu.memory_space<hbm>>
      %dma_start3A_605 = tpu.memref_slice %arg4[%mul3A_2] : memref<4096xi32, #tpu.memory_space<hbm>> -> memref<128xi32, #tpu.memory_space<hbm>>
      tpu.enqueue_dma source(%dma_start3A_605 : memref<128xi32, #tpu.memory_space<hbm>>) target(%arg13 : memref<128xi32, #tpu.memory_space<vmem>>) target_semaphore(%run_scoped3A : memref<!tpu.dma_semaphore, #tpu.memory_space<semaphore_mem>>)
      %dma_wait3A_606 = tpu.memref_slice %arg4[%mul3A_2] : memref<4096xi32, #tpu.memory_space<hbm>> -> memref<128xi32, #tpu.memory_space<hbm>>
      %dma_wait3A_607 = tpu.memref_slice %arg4[%mul3A_2] : memref<4096xi32, #tpu.memory_space<hbm>> -> memref<128xi32, #tpu.memory_space<hbm>>
      tpu.wait_dma2 semaphore(%run_scoped3A : memref<!tpu.dma_semaphore, #tpu.memory_space<semaphore_mem>>) src(%dma_wait3A_607 : memref<128xi32, #tpu.memory_space<hbm>>) dst(%arg13 : memref<128xi32, #tpu.memory_space<vmem>>)
      tpu.yield
    }) : () -> ()
    "tpu.region"() ({
      %run_scoped3A = tpu.sem_alloc : memref<!tpu.dma_semaphore, #tpu.memory_space<semaphore_mem>>
      %dma_start3A_604 = arith.constant 0 : i32
      %dma_start3A_605 = tpu.memref_slice %arg2[%mul3A_2, %dma_start3A_604] : memref<4096x200xi32, #tpu.memory_space<hbm>> -> memref<128x200xi32, #tpu.memory_space<hbm>>
      %dma_start3A_606 = arith.constant 0 : i32
      %dma_start3A_607 = tpu.memref_slice %arg2[%mul3A_2, %dma_start3A_606] : memref<4096x200xi32, #tpu.memory_space<hbm>> -> memref<128x200xi32, #tpu.memory_space<hbm>>
      tpu.enqueue_dma source(%dma_start3A_607 : memref<128x200xi32, #tpu.memory_space<hbm>>) target(%arg8 : memref<128x200xi32, #tpu.memory_space<vmem>>) target_semaphore(%run_scoped3A : memref<!tpu.dma_semaphore, #tpu.memory_space<semaphore_mem>>)
      %dma_wait3A_608 = arith.constant 0 : i32
      %dma_wait3A_609 = tpu.memref_slice %arg2[%mul3A_2, %dma_wait3A_608] : memref<4096x200xi32, #tpu.memory_space<hbm>> -> memref<128x200xi32, #tpu.memory_space<hbm>>
      %dma_wait3A_610 = arith.constant 0 : i32
      %dma_wait3A_611 = tpu.memref_slice %arg2[%mul3A_2, %dma_wait3A_610] : memref<4096x200xi32, #tpu.memory_space<hbm>> -> memref<128x200xi32, #tpu.memory_space<hbm>>
      tpu.wait_dma2 semaphore(%run_scoped3A : memref<!tpu.dma_semaphore, #tpu.memory_space<semaphore_mem>>) src(%dma_wait3A_611 : memref<128x200xi32, #tpu.memory_space<hbm>>) dst(%arg8 : memref<128x200xi32, #tpu.memory_space<vmem>>)
      tpu.yield
    }) : () -> ()
    "tpu.region"() ({
      %run_scoped3A = tpu.sem_alloc : memref<!tpu.dma_semaphore, #tpu.memory_space<semaphore_mem>>
      %dma_start3A_604 = arith.constant 0 : i32
      %dma_start3A_605 = tpu.memref_slice %arg3[%mul3A_2, %dma_start3A_604] : memref<4096x200xf32, #tpu.memory_space<hbm>> -> memref<128x200xf32, #tpu.memory_space<hbm>>
      %dma_start3A_606 = arith.constant 0 : i32
      %dma_start3A_607 = tpu.memref_slice %arg3[%mul3A_2, %dma_start3A_606] : memref<4096x200xf32, #tpu.memory_space<hbm>> -> memref<128x200xf32, #tpu.memory_space<hbm>>
      tpu.enqueue_dma source(%dma_start3A_607 : memref<128x200xf32, #tpu.memory_space<hbm>>) target(%arg9 : memref<128x200xf32, #tpu.memory_space<vmem>>) target_semaphore(%run_scoped3A : memref<!tpu.dma_semaphore, #tpu.memory_space<semaphore_mem>>)
      %dma_wait3A_608 = arith.constant 0 : i32
      %dma_wait3A_609 = tpu.memref_slice %arg3[%mul3A_2, %dma_wait3A_608] : memref<4096x200xf32, #tpu.memory_space<hbm>> -> memref<128x200xf32, #tpu.memory_space<hbm>>
      %dma_wait3A_610 = arith.constant 0 : i32
      %dma_wait3A_611 = tpu.memref_slice %arg3[%mul3A_2, %dma_wait3A_610] : memref<4096x200xf32, #tpu.memory_space<hbm>> -> memref<128x200xf32, #tpu.memory_space<hbm>>
      tpu.wait_dma2 semaphore(%run_scoped3A : memref<!tpu.dma_semaphore, #tpu.memory_space<semaphore_mem>>) src(%dma_wait3A_611 : memref<128x200xf32, #tpu.memory_space<hbm>>) dst(%arg9 : memref<128x200xf32, #tpu.memory_space<vmem>>)
      tpu.yield
    }) : () -> ()
    %dma_start3A = arith.constant 0 : i32
    %dma_start3A_3 = arith.constant 0 : i32
    %dma_start3A_4 = arith.constant 0 : i32
    %dma_start3A_5 = tpu.memref_slice %arg10[%dma_start3A_3, %dma_start3A_4] : memref<200x128xf32, #tpu.memory_space<vmem>> -> memref<128x128xf32, #tpu.memory_space<vmem>>
    %dma_start3A_6 = arith.constant 0 : i32
    %dma_start3A_7 = tpu.memref_slice %arg8[%dma_start3A, %dma_start3A_6] : memref<128x200xi32, #tpu.memory_space<vmem>> -> memref<1x128xi32, #tpu.memory_space<vmem>>
    %dma_start3A_8 = tpu.memref_squeeze %dma_start3A_7 : memref<1x128xi32, #tpu.memory_space<vmem>> -> memref<128xi32, #tpu.memory_space<vmem>>
    %dma_start3A_9 = arith.constant 0 : i32
    %dma_start3A_10 = arith.constant 0 : i32
    %dma_start3A_11 = tpu.memref_slice %arg5[%dma_start3A_9, %dma_start3A_10] : memref<1000000x128xf32, #tpu.memory_space<hbm>> -> memref<1000000x128xf32, #tpu.memory_space<hbm>>
    tpu.enqueue_indirect_dma source(%dma_start3A_11 : memref<1000000x128xf32, #tpu.memory_space<hbm>>) target(%dma_start3A_5 : memref<128x128xf32, #tpu.memory_space<vmem>>) offsets(%dma_start3A_8 : memref<128xi32, #tpu.memory_space<vmem>>) semaphore(%arg14 : memref<!tpu.dma_semaphore, #tpu.memory_space<semaphore_mem>>)
    %dma_start3A_12 = arith.constant 0 : i32
    %dma_start3A_13 = arith.constant 128 : i32
    %dma_start3A_14 = arith.constant 0 : i32
    %dma_start3A_15 = tpu.memref_slice %arg10[%dma_start3A_13, %dma_start3A_14] : memref<200x128xf32, #tpu.memory_space<vmem>> -> memref<72x128xf32, #tpu.memory_space<vmem>>
    %dma_start3A_16 = arith.constant 128 : i32
    %dma_start3A_17 = tpu.memref_slice %arg8[%dma_start3A_12, %dma_start3A_16] : memref<128x200xi32, #tpu.memory_space<vmem>> -> memref<1x72xi32, #tpu.memory_space<vmem>>
    %dma_start3A_18 = tpu.memref_squeeze %dma_start3A_17 : memref<1x72xi32, #tpu.memory_space<vmem>> -> memref<72xi32, #tpu.memory_space<vmem>>
    %dma_start3A_19 = arith.constant 0 : i32
    %dma_start3A_20 = arith.constant 0 : i32
    %dma_start3A_21 = tpu.memref_slice %arg5[%dma_start3A_19, %dma_start3A_20] : memref<1000000x128xf32, #tpu.memory_space<hbm>> -> memref<1000000x128xf32, #tpu.memory_space<hbm>>
    tpu.enqueue_indirect_dma source(%dma_start3A_21 : memref<1000000x128xf32, #tpu.memory_space<hbm>>) target(%dma_start3A_15 : memref<72x128xf32, #tpu.memory_space<vmem>>) offsets(%dma_start3A_18 : memref<72xi32, #tpu.memory_space<vmem>>) semaphore(%arg14 : memref<!tpu.dma_semaphore, #tpu.memory_space<semaphore_mem>>)
    %dma_start3A_22 = arith.constant 1 : i32
    %dma_start3A_23 = arith.constant 0 : i32
    %dma_start3A_24 = arith.constant 0 : i32
    %dma_start3A_25 = tpu.memref_slice %arg11[%dma_start3A_23, %dma_start3A_24] : memref<200x128xf32, #tpu.memory_space<vmem>> -> memref<128x128xf32, #tpu.memory_space<vmem>>
    %dma_start3A_26 = arith.constant 0 : i32
    %dma_start3A_27 = tpu.memref_slice %arg8[%dma_start3A_22, %dma_start3A_26] : memref<128x200xi32, #tpu.memory_space<vmem>> -> memref<1x128xi32, #tpu.memory_space<vmem>>
    %dma_start3A_28 = tpu.memref_squeeze %dma_start3A_27 : memref<1x128xi32, #tpu.memory_space<vmem>> -> memref<128xi32, #tpu.memory_space<vmem>>
    %dma_start3A_29 = arith.constant 0 : i32
    %dma_start3A_30 = arith.constant 0 : i32
    %dma_start3A_31 = tpu.memref_slice %arg5[%dma_start3A_29, %dma_start3A_30] : memref<1000000x128xf32, #tpu.memory_space<hbm>> -> memref<1000000x128xf32, #tpu.memory_space<hbm>>
    tpu.enqueue_indirect_dma source(%dma_start3A_31 : memref<1000000x128xf32, #tpu.memory_space<hbm>>) target(%dma_start3A_25 : memref<128x128xf32, #tpu.memory_space<vmem>>) offsets(%dma_start3A_28 : memref<128xi32, #tpu.memory_space<vmem>>) semaphore(%arg15 : memref<!tpu.dma_semaphore, #tpu.memory_space<semaphore_mem>>)
    %dma_start3A_32 = arith.constant 1 : i32
    %dma_start3A_33 = arith.constant 128 : i32
    %dma_start3A_34 = arith.constant 0 : i32
    %dma_start3A_35 = tpu.memref_slice %arg11[%dma_start3A_33, %dma_start3A_34] : memref<200x128xf32, #tpu.memory_space<vmem>> -> memref<72x128xf32, #tpu.memory_space<vmem>>
    %dma_start3A_36 = arith.constant 128 : i32
    %dma_start3A_37 = tpu.memref_slice %arg8[%dma_start3A_32, %dma_start3A_36] : memref<128x200xi32, #tpu.memory_space<vmem>> -> memref<1x72xi32, #tpu.memory_space<vmem>>
    %dma_start3A_38 = tpu.memref_squeeze %dma_start3A_37 : memref<1x72xi32, #tpu.memory_space<vmem>> -> memref<72xi32, #tpu.memory_space<vmem>>
    %dma_start3A_39 = arith.constant 0 : i32
    %dma_start3A_40 = arith.constant 0 : i32
    %dma_start3A_41 = tpu.memref_slice %arg5[%dma_start3A_39, %dma_start3A_40] : memref<1000000x128xf32, #tpu.memory_space<hbm>> -> memref<1000000x128xf32, #tpu.memory_space<hbm>>
    tpu.enqueue_indirect_dma source(%dma_start3A_41 : memref<1000000x128xf32, #tpu.memory_space<hbm>>) target(%dma_start3A_35 : memref<72x128xf32, #tpu.memory_space<vmem>>) offsets(%dma_start3A_38 : memref<72xi32, #tpu.memory_space<vmem>>) semaphore(%arg15 : memref<!tpu.dma_semaphore, #tpu.memory_space<semaphore_mem>>)
    %scan3A = arith.constant 0 : i32
    %scan3A_42 = arith.constant 42 : i32
    %scan3A_43 = arith.addi %scan3A, %scan3A_42 : i32
    %scan3A_44 = arith.constant 1 : i32
    scf.for %scan3A_604 = %scan3A to %scan3A_43 step %scan3A_44  : i32 {
      %mul3A_605 = arith.constant 1 : i32
      %mul3A_606 = arith.muli %scan3A_604, %mul3A_605 : i32
      %add3A_607 = arith.constant 0 : i32
      %add3A_608 = arith.addi %add3A_607, %mul3A_606 : i32
      %mul3A_609 = arith.constant 3 : i32
      %mul3A_610 = arith.muli %add3A_608, %mul3A_609 : i32
      %add3A_611 = arith.constant 0 : i32
      %add3A_612 = arith.addi %mul3A_610, %add3A_611 : i32
      %dma_wait3A_613 = arith.constant 0 : i32
      %dma_wait3A_614 = arith.constant 0 : i32
      %dma_wait3A_615 = tpu.memref_slice %arg10[%dma_wait3A_613, %dma_wait3A_614] : memref<200x128xf32, #tpu.memory_space<vmem>> -> memref<128x128xf32, #tpu.memory_space<vmem>>
      %dma_wait3A_616 = arith.constant 0 : i32
      %dma_wait3A_617 = tpu.memref_slice %arg8[%add3A_612, %dma_wait3A_616] : memref<128x200xi32, #tpu.memory_space<vmem>> -> memref<1x128xi32, #tpu.memory_space<vmem>>
      %dma_wait3A_618 = tpu.memref_squeeze %dma_wait3A_617 : memref<1x128xi32, #tpu.memory_space<vmem>> -> memref<128xi32, #tpu.memory_space<vmem>>
      %dma_wait3A_619 = arith.constant 0 : i32
      %dma_wait3A_620 = arith.constant 0 : i32
      %dma_wait3A_621 = tpu.memref_slice %arg5[%dma_wait3A_619, %dma_wait3A_620] : memref<1000000x128xf32, #tpu.memory_space<hbm>> -> memref<1000000x128xf32, #tpu.memory_space<hbm>>
      tpu.wait_indirect_dma semaphore(%arg14 : memref<!tpu.dma_semaphore, #tpu.memory_space<semaphore_mem>>) src(%dma_wait3A_621 : memref<1000000x128xf32, #tpu.memory_space<hbm>>) dst(%dma_wait3A_615 : memref<128x128xf32, #tpu.memory_space<vmem>>)
      %dma_wait3A_622 = arith.constant 128 : i32
      %dma_wait3A_623 = arith.constant 0 : i32
      %dma_wait3A_624 = tpu.memref_slice %arg10[%dma_wait3A_622, %dma_wait3A_623] : memref<200x128xf32, #tpu.memory_space<vmem>> -> memref<72x128xf32, #tpu.memory_space<vmem>>
      %dma_wait3A_625 = arith.constant 128 : i32
      %dma_wait3A_626 = tpu.memref_slice %arg8[%add3A_612, %dma_wait3A_625] : memref<128x200xi32, #tpu.memory_space<vmem>> -> memref<1x72xi32, #tpu.memory_space<vmem>>
      %dma_wait3A_627 = tpu.memref_squeeze %dma_wait3A_626 : memref<1x72xi32, #tpu.memory_space<vmem>> -> memref<72xi32, #tpu.memory_space<vmem>>
      %dma_wait3A_628 = arith.constant 0 : i32
      %dma_wait3A_629 = arith.constant 0 : i32
      %dma_wait3A_630 = tpu.memref_slice %arg5[%dma_wait3A_628, %dma_wait3A_629] : memref<1000000x128xf32, #tpu.memory_space<hbm>> -> memref<1000000x128xf32, #tpu.memory_space<hbm>>
      tpu.wait_indirect_dma semaphore(%arg14 : memref<!tpu.dma_semaphore, #tpu.memory_space<semaphore_mem>>) src(%dma_wait3A_630 : memref<1000000x128xf32, #tpu.memory_space<hbm>>) dst(%dma_wait3A_624 : memref<72x128xf32, #tpu.memory_space<vmem>>)
      %broadcast_in_dim3A_631 = arith.constant 0.000000e+00 : f32
      %broadcast_in_dim3A_632 = vector.broadcast %broadcast_in_dim3A_631 : f32 to vector<16xf32>
      %broadcast_in_dim3A_633 = arith.constant 0.000000e+00 : f32
      %broadcast_in_dim3A_634 = vector.broadcast %broadcast_in_dim3A_633 : f32 to vector<16xf32>
      %broadcast_in_dim3A_635 = arith.constant 0.000000e+00 : f32
      %broadcast_in_dim3A_636 = vector.broadcast %broadcast_in_dim3A_635 : f32 to vector<16xf32>
      %broadcast_in_dim3A_637 = arith.constant 0.000000e+00 : f32
      %broadcast_in_dim3A_638 = vector.broadcast %broadcast_in_dim3A_637 : f32 to vector<16xf32>
      %scan3A_639 = arith.constant 0 : i32
      %scan3A_640 = arith.constant 12 : i32
      %scan3A_641 = arith.addi %scan3A_639, %scan3A_640 : i32
      %scan3A_642 = arith.constant 1 : i32
      %scan3A_643:4 = scf.for %scan3A_1502 = %scan3A_639 to %scan3A_641 step %scan3A_642 iter_args(%scan3A_1503 = %broadcast_in_dim3A_632, %scan3A_1504 = %broadcast_in_dim3A_634, %scan3A_1505 = %broadcast_in_dim3A_636, %scan3A_1506 = %broadcast_in_dim3A_638) -> (vector<16xf32>, vector<16xf32>, vector<16xf32>, vector<16xf32>)  : i32 {
        %mul3A_1507 = arith.constant 16 : i32
        %mul3A_1508 = arith.muli %scan3A_1502, %mul3A_1507 : i32
        %get3A_1509 = arith.index_cast %add3A_612 : i32 to index
        %get3A_1510 = arith.index_cast %mul3A_1508 : i32 to index
        %get3A_1511 = tpu.vector_load %arg9[%get3A_1509, %get3A_1510] {strides = array<i32>} : memref<128x200xf32, #tpu.memory_space<vmem>>, vector<16xf32>,
        %mul3A_1512 = arith.constant 16 : i32
        %mul3A_1513 = arith.muli %scan3A_1502, %mul3A_1512 : i32
        %add3A_1514 = arith.constant 0 : i32
        %add3A_1515 = arith.addi %mul3A_1513, %add3A_1514 : i32
        %broadcast_in_dim3A_1516 = arith.constant 0 : i32
        %broadcast_in_dim3A_1517 = vector.broadcast %broadcast_in_dim3A_1516 : i32 to vector<16x1xi32>
        %gather3A_1518 = vector.shape_cast %broadcast_in_dim3A_1517 : vector<16x1xi32> to vector<16xi32>
        %gather3A_1519 = tpu.dynamic_gather %get3A_1511[%gather3A_1518] in [0] : vector<16xf32>, vector<16xi32> -> vector<16xf32>
        %get3A_1520 = arith.index_cast %add3A_1515 : i32 to index
        %get3A_1521 = arith.constant 0 : index
        %get3A_1522 = tpu.vector_load %arg10[%get3A_1520, %get3A_1521] {strides = array<i32>} : memref<200x128xf32, #tpu.memory_space<vmem>>, vector<16xf32>,
        %mul3A_1523 = arith.mulf %gather3A_1519, %get3A_1522 : vector<16xf32>
        %add3A_1524 = arith.addf %scan3A_1503, %mul3A_1523 : vector<16xf32>
        %get3A_1525 = arith.index_cast %add3A_1515 : i32 to index
        %get3A_1526 = arith.constant 16 : index
        %get3A_1527 = tpu.vector_load %arg10[%get3A_1525, %get3A_1526] {strides = array<i32>} : memref<200x128xf32, #tpu.memory_space<vmem>>, vector<16xf32>,
        %mul3A_1528 = arith.mulf %gather3A_1519, %get3A_1527 : vector<16xf32>
        %add3A_1529 = arith.addf %scan3A_1504, %mul3A_1528 : vector<16xf32>
        %get3A_1530 = arith.index_cast %add3A_1515 : i32 to index
        %get3A_1531 = arith.constant 32 : index
        %get3A_1532 = tpu.vector_load %arg10[%get3A_1530, %get3A_1531] {strides = array<i32>} : memref<200x128xf32, #tpu.memory_space<vmem>>, vector<16xf32>,
        %mul3A_1533 = arith.mulf %gather3A_1519, %get3A_1532 : vector<16xf32>
        %add3A_1534 = arith.addf %scan3A_1505, %mul3A_1533 : vector<16xf32>
        %get3A_1535 = arith.index_cast %add3A_1515 : i32 to index
        %get3A_1536 = arith.constant 48 : index
        %get3A_1537 = tpu.vector_load %arg10[%get3A_1535, %get3A_1536] {strides = array<i32>} : memref<200x128xf32, #tpu.memory_space<vmem>>, vector<16xf32>,
        %mul3A_1538 = arith.mulf %gather3A_1519, %get3A_1537 : vector<16xf32>
        %add3A_1539 = arith.addf %scan3A_1506, %mul3A_1538 : vector<16xf32>
        %add3A_1540 = arith.constant 1 : i32
        %add3A_1541 = arith.addi %mul3A_1513, %add3A_1540 : i32
        %broadcast_in_dim3A_1542 = arith.constant 1 : i32
        %broadcast_in_dim3A_1543 = vector.broadcast %broadcast_in_dim3A_1542 : i32 to vector<16x1xi32>
        %gather3A_1544 = vector.shape_cast %broadcast_in_dim3A_1543 : vector<16x1xi32> to vector<16xi32>
        %gather3A_1545 = tpu.dynamic_gather %get3A_1511[%gather3A_1544] in [0] : vector<16xf32>, vector<16xi32> -> vector<16xf32>
        %get3A_1546 = arith.index_cast %add3A_1541 : i32 to index
        %get3A_1547 = arith.constant 0 : index
        %get3A_1548 = tpu.vector_load %arg10[%get3A_1546, %get3A_1547] {strides = array<i32>} : memref<200x128xf32, #tpu.memory_space<vmem>>, vector<16xf32>,
        %mul3A_1549 = arith.mulf %gather3A_1545, %get3A_1548 : vector<16xf32>
        %add3A_1550 = arith.addf %add3A_1524, %mul3A_1549 : vector<16xf32>
        %get3A_1551 = arith.index_cast %add3A_1541 : i32 to index
        %get3A_1552 = arith.constant 16 : index
        %get3A_1553 = tpu.vector_load %arg10[%get3A_1551, %get3A_1552] {strides = array<i32>} : memref<200x128xf32, #tpu.memory_space<vmem>>, vector<16xf32>,
        %mul3A_1554 = arith.mulf %gather3A_1545, %get3A_1553 : vector<16xf32>
        %add3A_1555 = arith.addf %add3A_1529, %mul3A_1554 : vector<16xf32>
        %get3A_1556 = arith.index_cast %add3A_1541 : i32 to index
        %get3A_1557 = arith.constant 32 : index
        %get3A_1558 = tpu.vector_load %arg10[%get3A_1556, %get3A_1557] {strides = array<i32>} : memref<200x128xf32, #tpu.memory_space<vmem>>, vector<16xf32>,
        %mul3A_1559 = arith.mulf %gather3A_1545, %get3A_1558 : vector<16xf32>
        %add3A_1560 = arith.addf %add3A_1534, %mul3A_1559 : vector<16xf32>
        %get3A_1561 = arith.index_cast %add3A_1541 : i32 to index
        %get3A_1562 = arith.constant 48 : index
        %get3A_1563 = tpu.vector_load %arg10[%get3A_1561, %get3A_1562] {strides = array<i32>} : memref<200x128xf32, #tpu.memory_space<vmem>>, vector<16xf32>,
        %mul3A_1564 = arith.mulf %gather3A_1545, %get3A_1563 : vector<16xf32>
        %add3A_1565 = arith.addf %add3A_1539, %mul3A_1564 : vector<16xf32>
        %add3A_1566 = arith.constant 2 : i32
        %add3A_1567 = arith.addi %mul3A_1513, %add3A_1566 : i32
        %broadcast_in_dim3A_1568 = arith.constant 2 : i32
        %broadcast_in_dim3A_1569 = vector.broadcast %broadcast_in_dim3A_1568 : i32 to vector<16x1xi32>
        %gather3A_1570 = vector.shape_cast %broadcast_in_dim3A_1569 : vector<16x1xi32> to vector<16xi32>
        %gather3A_1571 = tpu.dynamic_gather %get3A_1511[%gather3A_1570] in [0] : vector<16xf32>, vector<16xi32> -> vector<16xf32>
        %get3A_1572 = arith.index_cast %add3A_1567 : i32 to index
        %get3A_1573 = arith.constant 0 : index
        %get3A_1574 = tpu.vector_load %arg10[%get3A_1572, %get3A_1573] {strides = array<i32>} : memref<200x128xf32, #tpu.memory_space<vmem>>, vector<16xf32>,
        %mul3A_1575 = arith.mulf %gather3A_1571, %get3A_1574 : vector<16xf32>
        %add3A_1576 = arith.addf %add3A_1550, %mul3A_1575 : vector<16xf32>
        %get3A_1577 = arith.index_cast %add3A_1567 : i32 to index
        %get3A_1578 = arith.constant 16 : index
        %get3A_1579 = tpu.vector_load %arg10[%get3A_1577, %get3A_1578] {strides = array<i32>} : memref<200x128xf32, #tpu.memory_space<vmem>>, vector<16xf32>,
        %mul3A_1580 = arith.mulf %gather3A_1571, %get3A_1579 : vector<16xf32>
        %add3A_1581 = arith.addf %add3A_1555, %mul3A_1580 : vector<16xf32>
        %get3A_1582 = arith.index_cast %add3A_1567 : i32 to index
        %get3A_1583 = arith.constant 32 : index
        %get3A_1584 = tpu.vector_load %arg10[%get3A_1582, %get3A_1583] {strides = array<i32>} : memref<200x128xf32, #tpu.memory_space<vmem>>, vector<16xf32>,
        %mul3A_1585 = arith.mulf %gather3A_1571, %get3A_1584 : vector<16xf32>
        %add3A_1586 = arith.addf %add3A_1560, %mul3A_1585 : vector<16xf32>
        %get3A_1587 = arith.index_cast %add3A_1567 : i32 to index
        %get3A_1588 = arith.constant 48 : index
        %get3A_1589 = tpu.vector_load %arg10[%get3A_1587, %get3A_1588] {strides = array<i32>} : memref<200x128xf32, #tpu.memory_space<vmem>>, vector<16xf32>,
        %mul3A_1590 = arith.mulf %gather3A_1571, %get3A_1589 : vector<16xf32>
        %add3A_1591 = arith.addf %add3A_1565, %mul3A_1590 : vector<16xf32>
        %add3A_1592 = arith.constant 3 : i32
        %add3A_1593 = arith.addi %mul3A_1513, %add3A_1592 : i32
        %broadcast_in_dim3A_1594 = arith.constant 3 : i32
        %broadcast_in_dim3A_1595 = vector.broadcast %broadcast_in_dim3A_1594 : i32 to vector<16x1xi32>
        %gather3A_1596 = vector.shape_cast %broadcast_in_dim3A_1595 : vector<16x1xi32> to vector<16xi32>
        %gather3A_1597 = tpu.dynamic_gather %get3A_1511[%gather3A_1596] in [0] : vector<16xf32>, vector<16xi32> -> vector<16xf32>
        %get3A_1598 = arith.index_cast %add3A_1593 : i32 to index
        %get3A_1599 = arith.constant 0 : index
        %get3A_1600 = tpu.vector_load %arg10[%get3A_1598, %get3A_1599] {strides = array<i32>} : memref<200x128xf32, #tpu.memory_space<vmem>>, vector<16xf32>,
        %mul3A_1601 = arith.mulf %gather3A_1597, %get3A_1600 : vector<16xf32>
        %add3A_1602 = arith.addf %add3A_1576, %mul3A_1601 : vector<16xf32>
        %get3A_1603 = arith.index_cast %add3A_1593 : i32 to index
        %get3A_1604 = arith.constant 16 : index
        %get3A_1605 = tpu.vector_load %arg10[%get3A_1603, %get3A_1604] {strides = array<i32>} : memref<200x128xf32, #tpu.memory_space<vmem>>, vector<16xf32>,
        %mul3A_1606 = arith.mulf %gather3A_1597, %get3A_1605 : vector<16xf32>
        %add3A_1607 = arith.addf %add3A_1581, %mul3A_1606 : vector<16xf32>
        %get3A_1608 = arith.index_cast %add3A_1593 : i32 to index
        %get3A_1609 = arith.constant 32 : index
        %get3A_1610 = tpu.vector_load %arg10[%get3A_1608, %get3A_1609] {strides = array<i32>} : memref<200x128xf32, #tpu.memory_space<vmem>>, vector<16xf32>,
        %mul3A_1611 = arith.mulf %gather3A_1597, %get3A_1610 : vector<16xf32>
        %add3A_1612 = arith.addf %add3A_1586, %mul3A_1611 : vector<16xf32>
        %get3A_1613 = arith.index_cast %add3A_1593 : i32 to index
        %get3A_1614 = arith.constant 48 : index
        %get3A_1615 = tpu.vector_load %arg10[%get3A_1613, %get3A_1614] {strides = array<i32>} : memref<200x128xf32, #tpu.memory_space<vmem>>, vector<16xf32>,
        %mul3A_1616 = arith.mulf %gather3A_1597, %get3A_1615 : vector<16xf32>
        %add3A_1617 = arith.addf %add3A_1591, %mul3A_1616 : vector<16xf32>
        %add3A_1618 = arith.constant 4 : i32
        %add3A_1619 = arith.addi %mul3A_1513, %add3A_1618 : i32
        %broadcast_in_dim3A_1620 = arith.constant 4 : i32
        %broadcast_in_dim3A_1621 = vector.broadcast %broadcast_in_dim3A_1620 : i32 to vector<16x1xi32>
        %gather3A_1622 = vector.shape_cast %broadcast_in_dim3A_1621 : vector<16x1xi32> to vector<16xi32>
        %gather3A_1623 = tpu.dynamic_gather %get3A_1511[%gather3A_1622] in [0] : vector<16xf32>, vector<16xi32> -> vector<16xf32>
        %get3A_1624 = arith.index_cast %add3A_1619 : i32 to index
        %get3A_1625 = arith.constant 0 : index
        %get3A_1626 = tpu.vector_load %arg10[%get3A_1624, %get3A_1625] {strides = array<i32>} : memref<200x128xf32, #tpu.memory_space<vmem>>, vector<16xf32>,
        %mul3A_1627 = arith.mulf %gather3A_1623, %get3A_1626 : vector<16xf32>
        %add3A_1628 = arith.addf %add3A_1602, %mul3A_1627 : vector<16xf32>
        %get3A_1629 = arith.index_cast %add3A_1619 : i32 to index
        %get3A_1630 = arith.constant 16 : index
        %get3A_1631 = tpu.vector_load %arg10[%get3A_1629, %get3A_1630] {strides = array<i32>} : memref<200x128xf32, #tpu.memory_space<vmem>>, vector<16xf32>,
        %mul3A_1632 = arith.mulf %gather3A_1623, %get3A_1631 : vector<16xf32>
        %add3A_1633 = arith.addf %add3A_1607, %mul3A_1632 : vector<16xf32>
        %get3A_1634 = arith.index_cast %add3A_1619 : i32 to index
        %get3A_1635 = arith.constant 32 : index
        %get3A_1636 = tpu.vector_load %arg10[%get3A_1634, %get3A_1635] {strides = array<i32>} : memref<200x128xf32, #tpu.memory_space<vmem>>, vector<16xf32>,
        %mul3A_1637 = arith.mulf %gather3A_1623, %get3A_1636 : vector<16xf32>
        %add3A_1638 = arith.addf %add3A_1612, %mul3A_1637 : vector<16xf32>
        %get3A_1639 = arith.index_cast %add3A_1619 : i32 to index
        %get3A_1640 = arith.constant 48 : index
        %get3A_1641 = tpu.vector_load %arg10[%get3A_1639, %get3A_1640] {strides = array<i32>} : memref<200x128xf32, #tpu.memory_space<vmem>>, vector<16xf32>,
        %mul3A_1642 = arith.mulf %gather3A_1623, %get3A_1641 : vector<16xf32>
        %add3A_1643 = arith.addf %add3A_1617, %mul3A_1642 : vector<16xf32>
        %add3A_1644 = arith.constant 5 : i32
        %add3A_1645 = arith.addi %mul3A_1513, %add3A_1644 : i32
        %broadcast_in_dim3A_1646 = arith.constant 5 : i32
        %broadcast_in_dim3A_1647 = vector.broadcast %broadcast_in_dim3A_1646 : i32 to vector<16x1xi32>
        %gather3A_1648 = vector.shape_cast %broadcast_in_dim3A_1647 : vector<16x1xi32> to vector<16xi32>
        %gather3A_1649 = tpu.dynamic_gather %get3A_1511[%gather3A_1648] in [0] : vector<16xf32>, vector<16xi32> -> vector<16xf32>
        %get3A_1650 = arith.index_cast %add3A_1645 : i32 to index
        %get3A_1651 = arith.constant 0 : index
        %get3A_1652 = tpu.vector_load %arg10[%get3A_1650, %get3A_1651] {strides = array<i32>} : memref<200x128xf32, #tpu.memory_space<vmem>>, vector<16xf32>,
        %mul3A_1653 = arith.mulf %gather3A_1649, %get3A_1652 : vector<16xf32>
        %add3A_1654 = arith.addf %add3A_1628, %mul3A_1653 : vector<16xf32>
        %get3A_1655 = arith.index_cast %add3A_1645 : i32 to index
        %get3A_1656 = arith.constant 16 : index
        %get3A_1657 = tpu.vector_load %arg10[%get3A_1655, %get3A_1656] {strides = array<i32>} : memref<200x128xf32, #tpu.memory_space<vmem>>, vector<16xf32>,
        %mul3A_1658 = arith.mulf %gather3A_1649, %get3A_1657 : vector<16xf32>
        %add3A_1659 = arith.addf %add3A_1633, %mul3A_1658 : vector<16xf32>
        %get3A_1660 = arith.index_cast %add3A_1645 : i32 to index
        %get3A_1661 = arith.constant 32 : index
        %get3A_1662 = tpu.vector_load %arg10[%get3A_1660, %get3A_1661] {strides = array<i32>} : memref<200x128xf32, #tpu.memory_space<vmem>>, vector<16xf32>,
        %mul3A_1663 = arith.mulf %gather3A_1649, %get3A_1662 : vector<16xf32>
        %add3A_1664 = arith.addf %add3A_1638, %mul3A_1663 : vector<16xf32>
        %get3A_1665 = arith.index_cast %add3A_1645 : i32 to index
        %get3A_1666 = arith.constant 48 : index
        %get3A_1667 = tpu.vector_load %arg10[%get3A_1665, %get3A_1666] {strides = array<i32>} : memref<200x128xf32, #tpu.memory_space<vmem>>, vector<16xf32>,
        %mul3A_1668 = arith.mulf %gather3A_1649, %get3A_1667 : vector<16xf32>
        %add3A_1669 = arith.addf %add3A_1643, %mul3A_1668 : vector<16xf32>
        %add3A_1670 = arith.constant 6 : i32
        %add3A_1671 = arith.addi %mul3A_1513, %add3A_1670 : i32
        %broadcast_in_dim3A_1672 = arith.constant 6 : i32
        %broadcast_in_dim3A_1673 = vector.broadcast %broadcast_in_dim3A_1672 : i32 to vector<16x1xi32>
        %gather3A_1674 = vector.shape_cast %broadcast_in_dim3A_1673 : vector<16x1xi32> to vector<16xi32>
        %gather3A_1675 = tpu.dynamic_gather %get3A_1511[%gather3A_1674] in [0] : vector<16xf32>, vector<16xi32> -> vector<16xf32>
        %get3A_1676 = arith.index_cast %add3A_1671 : i32 to index
        %get3A_1677 = arith.constant 0 : index
        %get3A_1678 = tpu.vector_load %arg10[%get3A_1676, %get3A_1677] {strides = array<i32>} : memref<200x128xf32, #tpu.memory_space<vmem>>, vector<16xf32>,
        %mul3A_1679 = arith.mulf %gather3A_1675, %get3A_1678 : vector<16xf32>
        %add3A_1680 = arith.addf %add3A_1654, %mul3A_1679 : vector<16xf32>
        %get3A_1681 = arith.index_cast %add3A_1671 : i32 to index
        %get3A_1682 = arith.constant 16 : index
        %get3A_1683 = tpu.vector_load %arg10[%get3A_1681, %get3A_1682] {strides = array<i32>} : memref<200x128xf32, #tpu.memory_space<vmem>>, vector<16xf32>,
        %mul3A_1684 = arith.mulf %gather3A_1675, %get3A_1683 : vector<16xf32>
        %add3A_1685 = arith.addf %add3A_1659, %mul3A_1684 : vector<16xf32>
        %get3A_1686 = arith.index_cast %add3A_1671 : i32 to index
        %get3A_1687 = arith.constant 32 : index
        %get3A_1688 = tpu.vector_load %arg10[%get3A_1686, %get3A_1687] {strides = array<i32>} : memref<200x128xf32, #tpu.memory_space<vmem>>, vector<16xf32>,
        %mul3A_1689 = arith.mulf %gather3A_1675, %get3A_1688 : vector<16xf32>
        %add3A_1690 = arith.addf %add3A_1664, %mul3A_1689 : vector<16xf32>
        %get3A_1691 = arith.index_cast %add3A_1671 : i32 to index
        %get3A_1692 = arith.constant 48 : index
        %get3A_1693 = tpu.vector_load %arg10[%get3A_1691, %get3A_1692] {strides = array<i32>} : memref<200x128xf32, #tpu.memory_space<vmem>>, vector<16xf32>,
        %mul3A_1694 = arith.mulf %gather3A_1675, %get3A_1693 : vector<16xf32>
        %add3A_1695 = arith.addf %add3A_1669, %mul3A_1694 : vector<16xf32>
        %add3A_1696 = arith.constant 7 : i32
        %add3A_1697 = arith.addi %mul3A_1513, %add3A_1696 : i32
        %broadcast_in_dim3A_1698 = arith.constant 7 : i32
        %broadcast_in_dim3A_1699 = vector.broadcast %broadcast_in_dim3A_1698 : i32 to vector<16x1xi32>
        %gather3A_1700 = vector.shape_cast %broadcast_in_dim3A_1699 : vector<16x1xi32> to vector<16xi32>
        %gather3A_1701 = tpu.dynamic_gather %get3A_1511[%gather3A_1700] in [0] : vector<16xf32>, vector<16xi32> -> vector<16xf32>
        %get3A_1702 = arith.index_cast %add3A_1697 : i32 to index
        %get3A_1703 = arith.constant 0 : index
        %get3A_1704 = tpu.vector_load %arg10[%get3A_1702, %get3A_1703] {strides = array<i32>} : memref<200x128xf32, #tpu.memory_space<vmem>>, vector<16xf32>,
        %mul3A_1705 = arith.mulf %gather3A_1701, %get3A_1704 : vector<16xf32>
        %add3A_1706 = arith.addf %add3A_1680, %mul3A_1705 : vector<16xf32>
        %get3A_1707 = arith.index_cast %add3A_1697 : i32 to index
        %get3A_1708 = arith.constant 16 : index
        %get3A_1709 = tpu.vector_load %arg10[%get3A_1707, %get3A_1708] {strides = array<i32>} : memref<200x128xf32, #tpu.memory_space<vmem>>, vector<16xf32>,
        %mul3A_1710 = arith.mulf %gather3A_1701, %get3A_1709 : vector<16xf32>
        %add3A_1711 = arith.addf %add3A_1685, %mul3A_1710 : vector<16xf32>
        %get3A_1712 = arith.index_cast %add3A_1697 : i32 to index
        %get3A_1713 = arith.constant 32 : index
        %get3A_1714 = tpu.vector_load %arg10[%get3A_1712, %get3A_1713] {strides = array<i32>} : memref<200x128xf32, #tpu.memory_space<vmem>>, vector<16xf32>,
        %mul3A_1715 = arith.mulf %gather3A_1701, %get3A_1714 : vector<16xf32>
        %add3A_1716 = arith.addf %add3A_1690, %mul3A_1715 : vector<16xf32>
        %get3A_1717 = arith.index_cast %add3A_1697 : i32 to index
        %get3A_1718 = arith.constant 48 : index
        %get3A_1719 = tpu.vector_load %arg10[%get3A_1717, %get3A_1718] {strides = array<i32>} : memref<200x128xf32, #tpu.memory_space<vmem>>, vector<16xf32>,
        %mul3A_1720 = arith.mulf %gather3A_1701, %get3A_1719 : vector<16xf32>
        %add3A_1721 = arith.addf %add3A_1695, %mul3A_1720 : vector<16xf32>
        %add3A_1722 = arith.constant 8 : i32
        %add3A_1723 = arith.addi %mul3A_1513, %add3A_1722 : i32
        %broadcast_in_dim3A_1724 = arith.constant 8 : i32
        %broadcast_in_dim3A_1725 = vector.broadcast %broadcast_in_dim3A_1724 : i32 to vector<16x1xi32>
        %gather3A_1726 = vector.shape_cast %broadcast_in_dim3A_1725 : vector<16x1xi32> to vector<16xi32>
        %gather3A_1727 = tpu.dynamic_gather %get3A_1511[%gather3A_1726] in [0] : vector<16xf32>, vector<16xi32> -> vector<16xf32>
        %get3A_1728 = arith.index_cast %add3A_1723 : i32 to index
        %get3A_1729 = arith.constant 0 : index
        %get3A_1730 = tpu.vector_load %arg10[%get3A_1728, %get3A_1729] {strides = array<i32>} : memref<200x128xf32, #tpu.memory_space<vmem>>, vector<16xf32>,
        %mul3A_1731 = arith.mulf %gather3A_1727, %get3A_1730 : vector<16xf32>
        %add3A_1732 = arith.addf %add3A_1706, %mul3A_1731 : vector<16xf32>
        %get3A_1733 = arith.index_cast %add3A_1723 : i32 to index
        %get3A_1734 = arith.constant 16 : index
        %get3A_1735 = tpu.vector_load %arg10[%get3A_1733, %get3A_1734] {strides = array<i32>} : memref<200x128xf32, #tpu.memory_space<vmem>>, vector<16xf32>,
        %mul3A_1736 = arith.mulf %gather3A_1727, %get3A_1735 : vector<16xf32>
        %add3A_1737 = arith.addf %add3A_1711, %mul3A_1736 : vector<16xf32>
        %get3A_1738 = arith.index_cast %add3A_1723 : i32 to index
        %get3A_1739 = arith.constant 32 : index
        %get3A_1740 = tpu.vector_load %arg10[%get3A_1738, %get3A_1739] {strides = array<i32>} : memref<200x128xf32, #tpu.memory_space<vmem>>, vector<16xf32>,
        %mul3A_1741 = arith.mulf %gather3A_1727, %get3A_1740 : vector<16xf32>
        %add3A_1742 = arith.addf %add3A_1716, %mul3A_1741 : vector<16xf32>
        %get3A_1743 = arith.index_cast %add3A_1723 : i32 to index
        %get3A_1744 = arith.constant 48 : index
        %get3A_1745 = tpu.vector_load %arg10[%get3A_1743, %get3A_1744] {strides = array<i32>} : memref<200x128xf32, #tpu.memory_space<vmem>>, vector<16xf32>,
        %mul3A_1746 = arith.mulf %gather3A_1727, %get3A_1745 : vector<16xf32>
        %add3A_1747 = arith.addf %add3A_1721, %mul3A_1746 : vector<16xf32>
        %add3A_1748 = arith.constant 9 : i32
        %add3A_1749 = arith.addi %mul3A_1513, %add3A_1748 : i32
        %broadcast_in_dim3A_1750 = arith.constant 9 : i32
        %broadcast_in_dim3A_1751 = vector.broadcast %broadcast_in_dim3A_1750 : i32 to vector<16x1xi32>
        %gather3A_1752 = vector.shape_cast %broadcast_in_dim3A_1751 : vector<16x1xi32> to vector<16xi32>
        %gather3A_1753 = tpu.dynamic_gather %get3A_1511[%gather3A_1752] in [0] : vector<16xf32>, vector<16xi32> -> vector<16xf32>
        %get3A_1754 = arith.index_cast %add3A_1749 : i32 to index
        %get3A_1755 = arith.constant 0 : index
        %get3A_1756 = tpu.vector_load %arg10[%get3A_1754, %get3A_1755] {strides = array<i32>} : memref<200x128xf32, #tpu.memory_space<vmem>>, vector<16xf32>,
        %mul3A_1757 = arith.mulf %gather3A_1753, %get3A_1756 : vector<16xf32>
        %add3A_1758 = arith.addf %add3A_1732, %mul3A_1757 : vector<16xf32>
        %get3A_1759 = arith.index_cast %add3A_1749 : i32 to index
        %get3A_1760 = arith.constant 16 : index
        %get3A_1761 = tpu.vector_load %arg10[%get3A_1759, %get3A_1760] {strides = array<i32>} : memref<200x128xf32, #tpu.memory_space<vmem>>, vector<16xf32>,
        %mul3A_1762 = arith.mulf %gather3A_1753, %get3A_1761 : vector<16xf32>
        %add3A_1763 = arith.addf %add3A_1737, %mul3A_1762 : vector<16xf32>
        %get3A_1764 = arith.index_cast %add3A_1749 : i32 to index
        %get3A_1765 = arith.constant 32 : index
        %get3A_1766 = tpu.vector_load %arg10[%get3A_1764, %get3A_1765] {strides = array<i32>} : memref<200x128xf32, #tpu.memory_space<vmem>>, vector<16xf32>,
        %mul3A_1767 = arith.mulf %gather3A_1753, %get3A_1766 : vector<16xf32>
        %add3A_1768 = arith.addf %add3A_1742, %mul3A_1767 : vector<16xf32>
        %get3A_1769 = arith.index_cast %add3A_1749 : i32 to index
        %get3A_1770 = arith.constant 48 : index
        %get3A_1771 = tpu.vector_load %arg10[%get3A_1769, %get3A_1770] {strides = array<i32>} : memref<200x128xf32, #tpu.memory_space<vmem>>, vector<16xf32>,
        %mul3A_1772 = arith.mulf %gather3A_1753, %get3A_1771 : vector<16xf32>
        %add3A_1773 = arith.addf %add3A_1747, %mul3A_1772 : vector<16xf32>
        %add3A_1774 = arith.constant 10 : i32
        %add3A_1775 = arith.addi %mul3A_1513, %add3A_1774 : i32
        %broadcast_in_dim3A_1776 = arith.constant 10 : i32
        %broadcast_in_dim3A_1777 = vector.broadcast %broadcast_in_dim3A_1776 : i32 to vector<16x1xi32>
        %gather3A_1778 = vector.shape_cast %broadcast_in_dim3A_1777 : vector<16x1xi32> to vector<16xi32>
        %gather3A_1779 = tpu.dynamic_gather %get3A_1511[%gather3A_1778] in [0] : vector<16xf32>, vector<16xi32> -> vector<16xf32>
        %get3A_1780 = arith.index_cast %add3A_1775 : i32 to index
        %get3A_1781 = arith.constant 0 : index
        %get3A_1782 = tpu.vector_load %arg10[%get3A_1780, %get3A_1781] {strides = array<i32>} : memref<200x128xf32, #tpu.memory_space<vmem>>, vector<16xf32>,
        %mul3A_1783 = arith.mulf %gather3A_1779, %get3A_1782 : vector<16xf32>
        %add3A_1784 = arith.addf %add3A_1758, %mul3A_1783 : vector<16xf32>
        %get3A_1785 = arith.index_cast %add3A_1775 : i32 to index
        %get3A_1786 = arith.constant 16 : index
        %get3A_1787 = tpu.vector_load %arg10[%get3A_1785, %get3A_1786] {strides = array<i32>} : memref<200x128xf32, #tpu.memory_space<vmem>>, vector<16xf32>,
        %mul3A_1788 = arith.mulf %gather3A_1779, %get3A_1787 : vector<16xf32>
        %add3A_1789 = arith.addf %add3A_1763, %mul3A_1788 : vector<16xf32>
        %get3A_1790 = arith.index_cast %add3A_1775 : i32 to index
        %get3A_1791 = arith.constant 32 : index
        %get3A_1792 = tpu.vector_load %arg10[%get3A_1790, %get3A_1791] {strides = array<i32>} : memref<200x128xf32, #tpu.memory_space<vmem>>, vector<16xf32>,
        %mul3A_1793 = arith.mulf %gather3A_1779, %get3A_1792 : vector<16xf32>
        %add3A_1794 = arith.addf %add3A_1768, %mul3A_1793 : vector<16xf32>
        %get3A_1795 = arith.index_cast %add3A_1775 : i32 to index
        %get3A_1796 = arith.constant 48 : index
        %get3A_1797 = tpu.vector_load %arg10[%get3A_1795, %get3A_1796] {strides = array<i32>} : memref<200x128xf32, #tpu.memory_space<vmem>>, vector<16xf32>,
        %mul3A_1798 = arith.mulf %gather3A_1779, %get3A_1797 : vector<16xf32>
        %add3A_1799 = arith.addf %add3A_1773, %mul3A_1798 : vector<16xf32>
        %add3A_1800 = arith.constant 11 : i32
        %add3A_1801 = arith.addi %mul3A_1513, %add3A_1800 : i32
        %broadcast_in_dim3A_1802 = arith.constant 11 : i32
        %broadcast_in_dim3A_1803 = vector.broadcast %broadcast_in_dim3A_1802 : i32 to vector<16x1xi32>
        %gather3A_1804 = vector.shape_cast %broadcast_in_dim3A_1803 : vector<16x1xi32> to vector<16xi32>
        %gather3A_1805 = tpu.dynamic_gather %get3A_1511[%gather3A_1804] in [0] : vector<16xf32>, vector<16xi32> -> vector<16xf32>
        %get3A_1806 = arith.index_cast %add3A_1801 : i32 to index
        %get3A_1807 = arith.constant 0 : index
        %get3A_1808 = tpu.vector_load %arg10[%get3A_1806, %get3A_1807] {strides = array<i32>} : memref<200x128xf32, #tpu.memory_space<vmem>>, vector<16xf32>,
        %mul3A_1809 = arith.mulf %gather3A_1805, %get3A_1808 : vector<16xf32>
        %add3A_1810 = arith.addf %add3A_1784, %mul3A_1809 : vector<16xf32>
        %get3A_1811 = arith.index_cast %add3A_1801 : i32 to index
        %get3A_1812 = arith.constant 16 : index
        %get3A_1813 = tpu.vector_load %arg10[%get3A_1811, %get3A_1812] {strides = array<i32>} : memref<200x128xf32, #tpu.memory_space<vmem>>, vector<16xf32>,
        %mul3A_1814 = arith.mulf %gather3A_1805, %get3A_1813 : vector<16xf32>
        %add3A_1815 = arith.addf %add3A_1789, %mul3A_1814 : vector<16xf32>
        %get3A_1816 = arith.index_cast %add3A_1801 : i32 to index
        %get3A_1817 = arith.constant 32 : index
        %get3A_1818 = tpu.vector_load %arg10[%get3A_1816, %get3A_1817] {strides = array<i32>} : memref<200x128xf32, #tpu.memory_space<vmem>>, vector<16xf32>,
        %mul3A_1819 = arith.mulf %gather3A_1805, %get3A_1818 : vector<16xf32>
        %add3A_1820 = arith.addf %add3A_1794, %mul3A_1819 : vector<16xf32>
        %get3A_1821 = arith.index_cast %add3A_1801 : i32 to index
        %get3A_1822 = arith.constant 48 : index
        %get3A_1823 = tpu.vector_load %arg10[%get3A_1821, %get3A_1822] {strides = array<i32>} : memref<200x128xf32, #tpu.memory_space<vmem>>, vector<16xf32>,
        %mul3A_1824 = arith.mulf %gather3A_1805, %get3A_1823 : vector<16xf32>
        %add3A_1825 = arith.addf %add3A_1799, %mul3A_1824 : vector<16xf32>
        %add3A_1826 = arith.constant 12 : i32
        %add3A_1827 = arith.addi %mul3A_1513, %add3A_1826 : i32
        %broadcast_in_dim3A_1828 = arith.constant 12 : i32
        %broadcast_in_dim3A_1829 = vector.broadcast %broadcast_in_dim3A_1828 : i32 to vector<16x1xi32>
        %gather3A_1830 = vector.shape_cast %broadcast_in_dim3A_1829 : vector<16x1xi32> to vector<16xi32>
        %gather3A_1831 = tpu.dynamic_gather %get3A_1511[%gather3A_1830] in [0] : vector<16xf32>, vector<16xi32> -> vector<16xf32>
        %get3A_1832 = arith.index_cast %add3A_1827 : i32 to index
        %get3A_1833 = arith.constant 0 : index
        %get3A_1834 = tpu.vector_load %arg10[%get3A_1832, %get3A_1833] {strides = array<i32>} : memref<200x128xf32, #tpu.memory_space<vmem>>, vector<16xf32>,
        %mul3A_1835 = arith.mulf %gather3A_1831, %get3A_1834 : vector<16xf32>
        %add3A_1836 = arith.addf %add3A_1810, %mul3A_1835 : vector<16xf32>
        %get3A_1837 = arith.index_cast %add3A_1827 : i32 to index
        %get3A_1838 = arith.constant 16 : index
        %get3A_1839 = tpu.vector_load %arg10[%get3A_1837, %get3A_1838] {strides = array<i32>} : memref<200x128xf32, #tpu.memory_space<vmem>>, vector<16xf32>,
        %mul3A_1840 = arith.mulf %gather3A_1831, %get3A_1839 : vector<16xf32>
        %add3A_1841 = arith.addf %add3A_1815, %mul3A_1840 : vector<16xf32>
        %get3A_1842 = arith.index_cast %add3A_1827 : i32 to index
        %get3A_1843 = arith.constant 32 : index
        %get3A_1844 = tpu.vector_load %arg10[%get3A_1842, %get3A_1843] {strides = array<i32>} : memref<200x128xf32, #tpu.memory_space<vmem>>, vector<16xf32>,
        %mul3A_1845 = arith.mulf %gather3A_1831, %get3A_1844 : vector<16xf32>
        %add3A_1846 = arith.addf %add3A_1820, %mul3A_1845 : vector<16xf32>
        %get3A_1847 = arith.index_cast %add3A_1827 : i32 to index
        %get3A_1848 = arith.constant 48 : index
        %get3A_1849 = tpu.vector_load %arg10[%get3A_1847, %get3A_1848] {strides = array<i32>} : memref<200x128xf32, #tpu.memory_space<vmem>>, vector<16xf32>,
        %mul3A_1850 = arith.mulf %gather3A_1831, %get3A_1849 : vector<16xf32>
        %add3A_1851 = arith.addf %add3A_1825, %mul3A_1850 : vector<16xf32>
        %add3A_1852 = arith.constant 13 : i32
        %add3A_1853 = arith.addi %mul3A_1513, %add3A_1852 : i32
        %broadcast_in_dim3A_1854 = arith.constant 13 : i32
        %broadcast_in_dim3A_1855 = vector.broadcast %broadcast_in_dim3A_1854 : i32 to vector<16x1xi32>
        %gather3A_1856 = vector.shape_cast %broadcast_in_dim3A_1855 : vector<16x1xi32> to vector<16xi32>
        %gather3A_1857 = tpu.dynamic_gather %get3A_1511[%gather3A_1856] in [0] : vector<16xf32>, vector<16xi32> -> vector<16xf32>
        %get3A_1858 = arith.index_cast %add3A_1853 : i32 to index
        %get3A_1859 = arith.constant 0 : index
        %get3A_1860 = tpu.vector_load %arg10[%get3A_1858, %get3A_1859] {strides = array<i32>} : memref<200x128xf32, #tpu.memory_space<vmem>>, vector<16xf32>,
        %mul3A_1861 = arith.mulf %gather3A_1857, %get3A_1860 : vector<16xf32>
        %add3A_1862 = arith.addf %add3A_1836, %mul3A_1861 : vector<16xf32>
        %get3A_1863 = arith.index_cast %add3A_1853 : i32 to index
        %get3A_1864 = arith.constant 16 : index
        %get3A_1865 = tpu.vector_load %arg10[%get3A_1863, %get3A_1864] {strides = array<i32>} : memref<200x128xf32, #tpu.memory_space<vmem>>, vector<16xf32>,
        %mul3A_1866 = arith.mulf %gather3A_1857, %get3A_1865 : vector<16xf32>
        %add3A_1867 = arith.addf %add3A_1841, %mul3A_1866 : vector<16xf32>
        %get3A_1868 = arith.index_cast %add3A_1853 : i32 to index
        %get3A_1869 = arith.constant 32 : index
        %get3A_1870 = tpu.vector_load %arg10[%get3A_1868, %get3A_1869] {strides = array<i32>} : memref<200x128xf32, #tpu.memory_space<vmem>>, vector<16xf32>,
        %mul3A_1871 = arith.mulf %gather3A_1857, %get3A_1870 : vector<16xf32>
        %add3A_1872 = arith.addf %add3A_1846, %mul3A_1871 : vector<16xf32>
        %get3A_1873 = arith.index_cast %add3A_1853 : i32 to index
        %get3A_1874 = arith.constant 48 : index
        %get3A_1875 = tpu.vector_load %arg10[%get3A_1873, %get3A_1874] {strides = array<i32>} : memref<200x128xf32, #tpu.memory_space<vmem>>, vector<16xf32>,
        %mul3A_1876 = arith.mulf %gather3A_1857, %get3A_1875 : vector<16xf32>
        %add3A_1877 = arith.addf %add3A_1851, %mul3A_1876 : vector<16xf32>
        %add3A_1878 = arith.constant 14 : i32
        %add3A_1879 = arith.addi %mul3A_1513, %add3A_1878 : i32
        %broadcast_in_dim3A_1880 = arith.constant 14 : i32
        %broadcast_in_dim3A_1881 = vector.broadcast %broadcast_in_dim3A_1880 : i32 to vector<16x1xi32>
        %gather3A_1882 = vector.shape_cast %broadcast_in_dim3A_1881 : vector<16x1xi32> to vector<16xi32>
        %gather3A_1883 = tpu.dynamic_gather %get3A_1511[%gather3A_1882] in [0] : vector<16xf32>, vector<16xi32> -> vector<16xf32>
        %get3A_1884 = arith.index_cast %add3A_1879 : i32 to index
        %get3A_1885 = arith.constant 0 : index
        %get3A_1886 = tpu.vector_load %arg10[%get3A_1884, %get3A_1885] {strides = array<i32>} : memref<200x128xf32, #tpu.memory_space<vmem>>, vector<16xf32>,
        %mul3A_1887 = arith.mulf %gather3A_1883, %get3A_1886 : vector<16xf32>
        %add3A_1888 = arith.addf %add3A_1862, %mul3A_1887 : vector<16xf32>
        %get3A_1889 = arith.index_cast %add3A_1879 : i32 to index
        %get3A_1890 = arith.constant 16 : index
        %get3A_1891 = tpu.vector_load %arg10[%get3A_1889, %get3A_1890] {strides = array<i32>} : memref<200x128xf32, #tpu.memory_space<vmem>>, vector<16xf32>,
        %mul3A_1892 = arith.mulf %gather3A_1883, %get3A_1891 : vector<16xf32>
        %add3A_1893 = arith.addf %add3A_1867, %mul3A_1892 : vector<16xf32>
        %get3A_1894 = arith.index_cast %add3A_1879 : i32 to index
        %get3A_1895 = arith.constant 32 : index
        %get3A_1896 = tpu.vector_load %arg10[%get3A_1894, %get3A_1895] {strides = array<i32>} : memref<200x128xf32, #tpu.memory_space<vmem>>, vector<16xf32>,
        %mul3A_1897 = arith.mulf %gather3A_1883, %get3A_1896 : vector<16xf32>
        %add3A_1898 = arith.addf %add3A_1872, %mul3A_1897 : vector<16xf32>
        %get3A_1899 = arith.index_cast %add3A_1879 : i32 to index
        %get3A_1900 = arith.constant 48 : index
        %get3A_1901 = tpu.vector_load %arg10[%get3A_1899, %get3A_1900] {strides = array<i32>} : memref<200x128xf32, #tpu.memory_space<vmem>>, vector<16xf32>,
        %mul3A_1902 = arith.mulf %gather3A_1883, %get3A_1901 : vector<16xf32>
        %add3A_1903 = arith.addf %add3A_1877, %mul3A_1902 : vector<16xf32>
        %add3A_1904 = arith.constant 15 : i32
        %add3A_1905 = arith.addi %mul3A_1513, %add3A_1904 : i32
        %broadcast_in_dim3A_1906 = arith.constant 15 : i32
        %broadcast_in_dim3A_1907 = vector.broadcast %broadcast_in_dim3A_1906 : i32 to vector<16x1xi32>
        %gather3A_1908 = vector.shape_cast %broadcast_in_dim3A_1907 : vector<16x1xi32> to vector<16xi32>
        %gather3A_1909 = tpu.dynamic_gather %get3A_1511[%gather3A_1908] in [0] : vector<16xf32>, vector<16xi32> -> vector<16xf32>
        %get3A_1910 = arith.index_cast %add3A_1905 : i32 to index
        %get3A_1911 = arith.constant 0 : index
        %get3A_1912 = tpu.vector_load %arg10[%get3A_1910, %get3A_1911] {strides = array<i32>} : memref<200x128xf32, #tpu.memory_space<vmem>>, vector<16xf32>,
        %mul3A_1913 = arith.mulf %gather3A_1909, %get3A_1912 : vector<16xf32>
        %add3A_1914 = arith.addf %add3A_1888, %mul3A_1913 : vector<16xf32>
        %get3A_1915 = arith.index_cast %add3A_1905 : i32 to index
        %get3A_1916 = arith.constant 16 : index
        %get3A_1917 = tpu.vector_load %arg10[%get3A_1915, %get3A_1916] {strides = array<i32>} : memref<200x128xf32, #tpu.memory_space<vmem>>, vector<16xf32>,
        %mul3A_1918 = arith.mulf %gather3A_1909, %get3A_1917 : vector<16xf32>
        %add3A_1919 = arith.addf %add3A_1893, %mul3A_1918 : vector<16xf32>
        %get3A_1920 = arith.index_cast %add3A_1905 : i32 to index
        %get3A_1921 = arith.constant 32 : index
        %get3A_1922 = tpu.vector_load %arg10[%get3A_1920, %get3A_1921] {strides = array<i32>} : memref<200x128xf32, #tpu.memory_space<vmem>>, vector<16xf32>,
        %mul3A_1923 = arith.mulf %gather3A_1909, %get3A_1922 : vector<16xf32>
        %add3A_1924 = arith.addf %add3A_1898, %mul3A_1923 : vector<16xf32>
        %get3A_1925 = arith.index_cast %add3A_1905 : i32 to index
        %get3A_1926 = arith.constant 48 : index
        %get3A_1927 = tpu.vector_load %arg10[%get3A_1925, %get3A_1926] {strides = array<i32>} : memref<200x128xf32, #tpu.memory_space<vmem>>, vector<16xf32>,
        %mul3A_1928 = arith.mulf %gather3A_1909, %get3A_1927 : vector<16xf32>
        %add3A_1929 = arith.addf %add3A_1903, %mul3A_1928 : vector<16xf32>
        scf.yield %add3A_1914, %add3A_1919, %add3A_1924, %add3A_1929 : vector<16xf32>, vector<16xf32>, vector<16xf32>, vector<16xf32>
      }
      %scan3A_644 = arith.constant 12 : i32
      %get3A_645 = arith.index_cast %add3A_612 : i32 to index
      %get3A_646 = arith.constant 184 : index
      %get3A_647 = tpu.vector_load %arg9[%get3A_645, %get3A_646] {strides = array<i32>} : memref<128x200xf32, #tpu.memory_space<vmem>>, vector<16xf32>,
      %broadcast_in_dim3A_648 = arith.constant 8 : i32
      %broadcast_in_dim3A_649 = vector.broadcast %broadcast_in_dim3A_648 : i32 to vector<16x1xi32>
      %gather3A_650 = vector.shape_cast %broadcast_in_dim3A_649 : vector<16x1xi32> to vector<16xi32>
      %gather3A_651 = tpu.dynamic_gather %get3A_647[%gather3A_650] in [0] : vector<16xf32>, vector<16xi32> -> vector<16xf32>
      %get3A_652 = arith.constant 192 : i32
      %get3A_653 = arith.index_cast %get3A_652 : i32 to index
      %get3A_654 = arith.constant 0 : index
      %get3A_655 = tpu.vector_load %arg10[%get3A_653, %get3A_654] {strides = array<i32>} : memref<200x128xf32, #tpu.memory_space<vmem>>, vector<16xf32>,
      %mul3A_656 = arith.mulf %gather3A_651, %get3A_655 : vector<16xf32>
      %add3A_657 = arith.addf %scan3A_643#0, %mul3A_656 : vector<16xf32>
      %get3A_658 = arith.constant 192 : i32
      %get3A_659 = arith.index_cast %get3A_658 : i32 to index
      %get3A_660 = arith.constant 16 : index
      %get3A_661 = tpu.vector_load %arg10[%get3A_659, %get3A_660] {strides = array<i32>} : memref<200x128xf32, #tpu.memory_space<vmem>>, vector<16xf32>,
      %mul3A_662 = arith.mulf %gather3A_651, %get3A_661 : vector<16xf32>
      %add3A_663 = arith.addf %scan3A_643#1, %mul3A_662 : vector<16xf32>
      %get3A_664 = arith.constant 192 : i32
      %get3A_665 = arith.index_cast %get3A_664 : i32 to index
      %get3A_666 = arith.constant 32 : index
      %get3A_667 = tpu.vector_load %arg10[%get3A_665, %get3A_666] {strides = array<i32>} : memref<200x128xf32, #tpu.memory_space<vmem>>, vector<16xf32>,
      %mul3A_668 = arith.mulf %gather3A_651, %get3A_667 : vector<16xf32>
      %add3A_669 = arith.addf %scan3A_643#2, %mul3A_668 : vector<16xf32>
      %get3A_670 = arith.constant 192 : i32
      %get3A_671 = arith.index_cast %get3A_670 : i32 to index
      %get3A_672 = arith.constant 48 : index
      %get3A_673 = tpu.vector_load %arg10[%get3A_671, %get3A_672] {strides = array<i32>} : memref<200x128xf32, #tpu.memory_space<vmem>>, vector<16xf32>,
      %mul3A_674 = arith.mulf %gather3A_651, %get3A_673 : vector<16xf32>
      %add3A_675 = arith.addf %scan3A_643#3, %mul3A_674 : vector<16xf32>
      %broadcast_in_dim3A_676 = arith.constant 9 : i32
      %broadcast_in_dim3A_677 = vector.broadcast %broadcast_in_dim3A_676 : i32 to vector<16x1xi32>
      %gather3A_678 = vector.shape_cast %broadcast_in_dim3A_677 : vector<16x1xi32> to vector<16xi32>
      %gather3A_679 = tpu.dynamic_gather %get3A_647[%gather3A_678] in [0] : vector<16xf32>, vector<16xi32> -> vector<16xf32>
      %get3A_680 = arith.constant 193 : i32
      %get3A_681 = arith.index_cast %get3A_680 : i32 to index
      %get3A_682 = arith.constant 0 : index
      %get3A_683 = tpu.vector_load %arg10[%get3A_681, %get3A_682] {strides = array<i32>} : memref<200x128xf32, #tpu.memory_space<vmem>>, vector<16xf32>,
      %mul3A_684 = arith.mulf %gather3A_679, %get3A_683 : vector<16xf32>
      %add3A_685 = arith.addf %add3A_657, %mul3A_684 : vector<16xf32>
      %get3A_686 = arith.constant 193 : i32
      %get3A_687 = arith.index_cast %get3A_686 : i32 to index
      %get3A_688 = arith.constant 16 : index
      %get3A_689 = tpu.vector_load %arg10[%get3A_687, %get3A_688] {strides = array<i32>} : memref<200x128xf32, #tpu.memory_space<vmem>>, vector<16xf32>,
      %mul3A_690 = arith.mulf %gather3A_679, %get3A_689 : vector<16xf32>
      %add3A_691 = arith.addf %add3A_663, %mul3A_690 : vector<16xf32>
      %get3A_692 = arith.constant 193 : i32
      %get3A_693 = arith.index_cast %get3A_692 : i32 to index
      %get3A_694 = arith.constant 32 : index
      %get3A_695 = tpu.vector_load %arg10[%get3A_693, %get3A_694] {strides = array<i32>} : memref<200x128xf32, #tpu.memory_space<vmem>>, vector<16xf32>,
      %mul3A_696 = arith.mulf %gather3A_679, %get3A_695 : vector<16xf32>
      %add3A_697 = arith.addf %add3A_669, %mul3A_696 : vector<16xf32>
      %get3A_698 = arith.constant 193 : i32
      %get3A_699 = arith.index_cast %get3A_698 : i32 to index
      %get3A_700 = arith.constant 48 : index
      %get3A_701 = tpu.vector_load %arg10[%get3A_699, %get3A_700] {strides = array<i32>} : memref<200x128xf32, #tpu.memory_space<vmem>>, vector<16xf32>,
      %mul3A_702 = arith.mulf %gather3A_679, %get3A_701 : vector<16xf32>
      %add3A_703 = arith.addf %add3A_675, %mul3A_702 : vector<16xf32>
      %broadcast_in_dim3A_704 = arith.constant 10 : i32
      %broadcast_in_dim3A_705 = vector.broadcast %broadcast_in_dim3A_704 : i32 to vector<16x1xi32>
      %gather3A_706 = vector.shape_cast %broadcast_in_dim3A_705 : vector<16x1xi32> to vector<16xi32>
      %gather3A_707 = tpu.dynamic_gather %get3A_647[%gather3A_706] in [0] : vector<16xf32>, vector<16xi32> -> vector<16xf32>
      %get3A_708 = arith.constant 194 : i32
      %get3A_709 = arith.index_cast %get3A_708 : i32 to index
      %get3A_710 = arith.constant 0 : index
      %get3A_711 = tpu.vector_load %arg10[%get3A_709, %get3A_710] {strides = array<i32>} : memref<200x128xf32, #tpu.memory_space<vmem>>, vector<16xf32>,
      %mul3A_712 = arith.mulf %gather3A_707, %get3A_711 : vector<16xf32>
      %add3A_713 = arith.addf %add3A_685, %mul3A_712 : vector<16xf32>
      %get3A_714 = arith.constant 194 : i32
      %get3A_715 = arith.index_cast %get3A_714 : i32 to index
      %get3A_716 = arith.constant 16 : index
      %get3A_717 = tpu.vector_load %arg10[%get3A_715, %get3A_716] {strides = array<i32>} : memref<200x128xf32, #tpu.memory_space<vmem>>, vector<16xf32>,
      %mul3A_718 = arith.mulf %gather3A_707, %get3A_717 : vector<16xf32>
      %add3A_719 = arith.addf %add3A_691, %mul3A_718 : vector<16xf32>
      %get3A_720 = arith.constant 194 : i32
      %get3A_721 = arith.index_cast %get3A_720 : i32 to index
      %get3A_722 = arith.constant 32 : index
      %get3A_723 = tpu.vector_load %arg10[%get3A_721, %get3A_722] {strides = array<i32>} : memref<200x128xf32, #tpu.memory_space<vmem>>, vector<16xf32>,
      %mul3A_724 = arith.mulf %gather3A_707, %get3A_723 : vector<16xf32>
      %add3A_725 = arith.addf %add3A_697, %mul3A_724 : vector<16xf32>
      %get3A_726 = arith.constant 194 : i32
      %get3A_727 = arith.index_cast %get3A_726 : i32 to index
      %get3A_728 = arith.constant 48 : index
      %get3A_729 = tpu.vector_load %arg10[%get3A_727, %get3A_728] {strides = array<i32>} : memref<200x128xf32, #tpu.memory_space<vmem>>, vector<16xf32>,
      %mul3A_730 = arith.mulf %gather3A_707, %get3A_729 : vector<16xf32>
      %add3A_731 = arith.addf %add3A_703, %mul3A_730 : vector<16xf32>
      %broadcast_in_dim3A_732 = arith.constant 11 : i32
      %broadcast_in_dim3A_733 = vector.broadcast %broadcast_in_dim3A_732 : i32 to vector<16x1xi32>
      %gather3A_734 = vector.shape_cast %broadcast_in_dim3A_733 : vector<16x1xi32> to vector<16xi32>
      %gather3A_735 = tpu.dynamic_gather %get3A_647[%gather3A_734] in [0] : vector<16xf32>, vector<16xi32> -> vector<16xf32>
      %get3A_736 = arith.constant 195 : i32
      %get3A_737 = arith.index_cast %get3A_736 : i32 to index
      %get3A_738 = arith.constant 0 : index
      %get3A_739 = tpu.vector_load %arg10[%get3A_737, %get3A_738] {strides = array<i32>} : memref<200x128xf32, #tpu.memory_space<vmem>>, vector<16xf32>,
      %mul3A_740 = arith.mulf %gather3A_735, %get3A_739 : vector<16xf32>
      %add3A_741 = arith.addf %add3A_713, %mul3A_740 : vector<16xf32>
      %get3A_742 = arith.constant 195 : i32
      %get3A_743 = arith.index_cast %get3A_742 : i32 to index
      %get3A_744 = arith.constant 16 : index
      %get3A_745 = tpu.vector_load %arg10[%get3A_743, %get3A_744] {strides = array<i32>} : memref<200x128xf32, #tpu.memory_space<vmem>>, vector<16xf32>,
      %mul3A_746 = arith.mulf %gather3A_735, %get3A_745 : vector<16xf32>
      %add3A_747 = arith.addf %add3A_719, %mul3A_746 : vector<16xf32>
      %get3A_748 = arith.constant 195 : i32
      %get3A_749 = arith.index_cast %get3A_748 : i32 to index
      %get3A_750 = arith.constant 32 : index
      %get3A_751 = tpu.vector_load %arg10[%get3A_749, %get3A_750] {strides = array<i32>} : memref<200x128xf32, #tpu.memory_space<vmem>>, vector<16xf32>,
      %mul3A_752 = arith.mulf %gather3A_735, %get3A_751 : vector<16xf32>
      %add3A_753 = arith.addf %add3A_725, %mul3A_752 : vector<16xf32>
      %get3A_754 = arith.constant 195 : i32
      %get3A_755 = arith.index_cast %get3A_754 : i32 to index
      %get3A_756 = arith.constant 48 : index
      %get3A_757 = tpu.vector_load %arg10[%get3A_755, %get3A_756] {strides = array<i32>} : memref<200x128xf32, #tpu.memory_space<vmem>>, vector<16xf32>,
      %mul3A_758 = arith.mulf %gather3A_735, %get3A_757 : vector<16xf32>
      %add3A_759 = arith.addf %add3A_731, %mul3A_758 : vector<16xf32>
      %broadcast_in_dim3A_760 = arith.constant 12 : i32
      %broadcast_in_dim3A_761 = vector.broadcast %broadcast_in_dim3A_760 : i32 to vector<16x1xi32>
      %gather3A_762 = vector.shape_cast %broadcast_in_dim3A_761 : vector<16x1xi32> to vector<16xi32>
      %gather3A_763 = tpu.dynamic_gather %get3A_647[%gather3A_762] in [0] : vector<16xf32>, vector<16xi32> -> vector<16xf32>
      %get3A_764 = arith.constant 196 : i32
      %get3A_765 = arith.index_cast %get3A_764 : i32 to index
      %get3A_766 = arith.constant 0 : index
      %get3A_767 = tpu.vector_load %arg10[%get3A_765, %get3A_766] {strides = array<i32>} : memref<200x128xf32, #tpu.memory_space<vmem>>, vector<16xf32>,
      %mul3A_768 = arith.mulf %gather3A_763, %get3A_767 : vector<16xf32>
      %add3A_769 = arith.addf %add3A_741, %mul3A_768 : vector<16xf32>
      %get3A_770 = arith.constant 196 : i32
      %get3A_771 = arith.index_cast %get3A_770 : i32 to index
      %get3A_772 = arith.constant 16 : index
      %get3A_773 = tpu.vector_load %arg10[%get3A_771, %get3A_772] {strides = array<i32>} : memref<200x128xf32, #tpu.memory_space<vmem>>, vector<16xf32>,
      %mul3A_774 = arith.mulf %gather3A_763, %get3A_773 : vector<16xf32>
      %add3A_775 = arith.addf %add3A_747, %mul3A_774 : vector<16xf32>
      %get3A_776 = arith.constant 196 : i32
      %get3A_777 = arith.index_cast %get3A_776 : i32 to index
      %get3A_778 = arith.constant 32 : index
      %get3A_779 = tpu.vector_load %arg10[%get3A_777, %get3A_778] {strides = array<i32>} : memref<200x128xf32, #tpu.memory_space<vmem>>, vector<16xf32>,
      %mul3A_780 = arith.mulf %gather3A_763, %get3A_779 : vector<16xf32>
      %add3A_781 = arith.addf %add3A_753, %mul3A_780 : vector<16xf32>
      %get3A_782 = arith.constant 196 : i32
      %get3A_783 = arith.index_cast %get3A_782 : i32 to index
      %get3A_784 = arith.constant 48 : index
      %get3A_785 = tpu.vector_load %arg10[%get3A_783, %get3A_784] {strides = array<i32>} : memref<200x128xf32, #tpu.memory_space<vmem>>, vector<16xf32>,
      %mul3A_786 = arith.mulf %gather3A_763, %get3A_785 : vector<16xf32>
      %add3A_787 = arith.addf %add3A_759, %mul3A_786 : vector<16xf32>
      %broadcast_in_dim3A_788 = arith.constant 13 : i32
      %broadcast_in_dim3A_789 = vector.broadcast %broadcast_in_dim3A_788 : i32 to vector<16x1xi32>
      %gather3A_790 = vector.shape_cast %broadcast_in_dim3A_789 : vector<16x1xi32> to vector<16xi32>
      %gather3A_791 = tpu.dynamic_gather %get3A_647[%gather3A_790] in [0] : vector<16xf32>, vector<16xi32> -> vector<16xf32>
      %get3A_792 = arith.constant 197 : i32
      %get3A_793 = arith.index_cast %get3A_792 : i32 to index
      %get3A_794 = arith.constant 0 : index
      %get3A_795 = tpu.vector_load %arg10[%get3A_793, %get3A_794] {strides = array<i32>} : memref<200x128xf32, #tpu.memory_space<vmem>>, vector<16xf32>,
      %mul3A_796 = arith.mulf %gather3A_791, %get3A_795 : vector<16xf32>
      %add3A_797 = arith.addf %add3A_769, %mul3A_796 : vector<16xf32>
      %get3A_798 = arith.constant 197 : i32
      %get3A_799 = arith.index_cast %get3A_798 : i32 to index
      %get3A_800 = arith.constant 16 : index
      %get3A_801 = tpu.vector_load %arg10[%get3A_799, %get3A_800] {strides = array<i32>} : memref<200x128xf32, #tpu.memory_space<vmem>>, vector<16xf32>,
      %mul3A_802 = arith.mulf %gather3A_791, %get3A_801 : vector<16xf32>
      %add3A_803 = arith.addf %add3A_775, %mul3A_802 : vector<16xf32>
      %get3A_804 = arith.constant 197 : i32
      %get3A_805 = arith.index_cast %get3A_804 : i32 to index
      %get3A_806 = arith.constant 32 : index
      %get3A_807 = tpu.vector_load %arg10[%get3A_805, %get3A_806] {strides = array<i32>} : memref<200x128xf32, #tpu.memory_space<vmem>>, vector<16xf32>,
      %mul3A_808 = arith.mulf %gather3A_791, %get3A_807 : vector<16xf32>
      %add3A_809 = arith.addf %add3A_781, %mul3A_808 : vector<16xf32>
      %get3A_810 = arith.constant 197 : i32
      %get3A_811 = arith.index_cast %get3A_810 : i32 to index
      %get3A_812 = arith.constant 48 : index
      %get3A_813 = tpu.vector_load %arg10[%get3A_811, %get3A_812] {strides = array<i32>} : memref<200x128xf32, #tpu.memory_space<vmem>>, vector<16xf32>,
      %mul3A_814 = arith.mulf %gather3A_791, %get3A_813 : vector<16xf32>
      %add3A_815 = arith.addf %add3A_787, %mul3A_814 : vector<16xf32>
      %broadcast_in_dim3A_816 = arith.constant 14 : i32
      %broadcast_in_dim3A_817 = vector.broadcast %broadcast_in_dim3A_816 : i32 to vector<16x1xi32>
      %gather3A_818 = vector.shape_cast %broadcast_in_dim3A_817 : vector<16x1xi32> to vector<16xi32>
      %gather3A_819 = tpu.dynamic_gather %get3A_647[%gather3A_818] in [0] : vector<16xf32>, vector<16xi32> -> vector<16xf32>
      %get3A_820 = arith.constant 198 : i32
      %get3A_821 = arith.index_cast %get3A_820 : i32 to index
      %get3A_822 = arith.constant 0 : index
      %get3A_823 = tpu.vector_load %arg10[%get3A_821, %get3A_822] {strides = array<i32>} : memref<200x128xf32, #tpu.memory_space<vmem>>, vector<16xf32>,
      %mul3A_824 = arith.mulf %gather3A_819, %get3A_823 : vector<16xf32>
      %add3A_825 = arith.addf %add3A_797, %mul3A_824 : vector<16xf32>
      %get3A_826 = arith.constant 198 : i32
      %get3A_827 = arith.index_cast %get3A_826 : i32 to index
      %get3A_828 = arith.constant 16 : index
      %get3A_829 = tpu.vector_load %arg10[%get3A_827, %get3A_828] {strides = array<i32>} : memref<200x128xf32, #tpu.memory_space<vmem>>, vector<16xf32>,
      %mul3A_830 = arith.mulf %gather3A_819, %get3A_829 : vector<16xf32>
      %add3A_831 = arith.addf %add3A_803, %mul3A_830 : vector<16xf32>
      %get3A_832 = arith.constant 198 : i32
      %get3A_833 = arith.index_cast %get3A_832 : i32 to index
      %get3A_834 = arith.constant 32 : index
      %get3A_835 = tpu.vector_load %arg10[%get3A_833, %get3A_834] {strides = array<i32>} : memref<200x128xf32, #tpu.memory_space<vmem>>, vector<16xf32>,
      %mul3A_836 = arith.mulf %gather3A_819, %get3A_835 : vector<16xf32>
      %add3A_837 = arith.addf %add3A_809, %mul3A_836 : vector<16xf32>
      %get3A_838 = arith.constant 198 : i32
      %get3A_839 = arith.index_cast %get3A_838 : i32 to index
      %get3A_840 = arith.constant 48 : index
      %get3A_841 = tpu.vector_load %arg10[%get3A_839, %get3A_840] {strides = array<i32>} : memref<200x128xf32, #tpu.memory_space<vmem>>, vector<16xf32>,
      %mul3A_842 = arith.mulf %gather3A_819, %get3A_841 : vector<16xf32>
      %add3A_843 = arith.addf %add3A_815, %mul3A_842 : vector<16xf32>
      %broadcast_in_dim3A_844 = arith.constant 15 : i32
      %broadcast_in_dim3A_845 = vector.broadcast %broadcast_in_dim3A_844 : i32 to vector<16x1xi32>
      %gather3A_846 = vector.shape_cast %broadcast_in_dim3A_845 : vector<16x1xi32> to vector<16xi32>
      %gather3A_847 = tpu.dynamic_gather %get3A_647[%gather3A_846] in [0] : vector<16xf32>, vector<16xi32> -> vector<16xf32>
      %get3A_848 = arith.constant 199 : i32
      %get3A_849 = arith.index_cast %get3A_848 : i32 to index
      %get3A_850 = arith.constant 0 : index
      %get3A_851 = tpu.vector_load %arg10[%get3A_849, %get3A_850] {strides = array<i32>} : memref<200x128xf32, #tpu.memory_space<vmem>>, vector<16xf32>,
      %mul3A_852 = arith.mulf %gather3A_847, %get3A_851 : vector<16xf32>
      %add3A_853 = arith.addf %add3A_825, %mul3A_852 : vector<16xf32>
      %get3A_854 = arith.constant 199 : i32
      %get3A_855 = arith.index_cast %get3A_854 : i32 to index
      %get3A_856 = arith.constant 16 : index
      %get3A_857 = tpu.vector_load %arg10[%get3A_855, %get3A_856] {strides = array<i32>} : memref<200x128xf32, #tpu.memory_space<vmem>>, vector<16xf32>,
      %mul3A_858 = arith.mulf %gather3A_847, %get3A_857 : vector<16xf32>
      %add3A_859 = arith.addf %add3A_831, %mul3A_858 : vector<16xf32>
      %get3A_860 = arith.constant 199 : i32
      %get3A_861 = arith.index_cast %get3A_860 : i32 to index
      %get3A_862 = arith.constant 32 : index
      %get3A_863 = tpu.vector_load %arg10[%get3A_861, %get3A_862] {strides = array<i32>} : memref<200x128xf32, #tpu.memory_space<vmem>>, vector<16xf32>,
      %mul3A_864 = arith.mulf %gather3A_847, %get3A_863 : vector<16xf32>
      %add3A_865 = arith.addf %add3A_837, %mul3A_864 : vector<16xf32>
      %get3A_866 = arith.constant 199 : i32
      %get3A_867 = arith.index_cast %get3A_866 : i32 to index
      %get3A_868 = arith.constant 48 : index
      %get3A_869 = tpu.vector_load %arg10[%get3A_867, %get3A_868] {strides = array<i32>} : memref<200x128xf32, #tpu.memory_space<vmem>>, vector<16xf32>,
      %mul3A_870 = arith.mulf %gather3A_847, %get3A_869 : vector<16xf32>
      %add3A_871 = arith.addf %add3A_843, %mul3A_870 : vector<16xf32>
      %bitcast3A_872 = vector.bitcast %add3A_853 : vector<16xf32> to vector<16xi32>
      %swap3A_873 = arith.index_cast %add3A_612 : i32 to index
      %swap3A_874 = arith.constant 0 : index
      %swap3A_875 = tpu.vector_load %arg8[%swap3A_873, %swap3A_874] {strides = array<i32>} : memref<128x200xi32, #tpu.memory_space<vmem>>, vector<16xi32>,
      tpu.vector_store %arg8[%swap3A_873, %swap3A_874], %bitcast3A_872 {strides = array<i32>} : memref<128x200xi32, #tpu.memory_space<vmem>>, vector<16xi32>,
      %bitcast3A_876 = vector.bitcast %add3A_859 : vector<16xf32> to vector<16xi32>
      %swap3A_877 = arith.index_cast %add3A_612 : i32 to index
      %swap3A_878 = arith.constant 16 : index
      %swap3A_879 = tpu.vector_load %arg8[%swap3A_877, %swap3A_878] {strides = array<i32>} : memref<128x200xi32, #tpu.memory_space<vmem>>, vector<16xi32>,
      tpu.vector_store %arg8[%swap3A_877, %swap3A_878], %bitcast3A_876 {strides = array<i32>} : memref<128x200xi32, #tpu.memory_space<vmem>>, vector<16xi32>,
      %bitcast3A_880 = vector.bitcast %add3A_865 : vector<16xf32> to vector<16xi32>
      %swap3A_881 = arith.index_cast %add3A_612 : i32 to index
      %swap3A_882 = arith.constant 32 : index
      %swap3A_883 = tpu.vector_load %arg8[%swap3A_881, %swap3A_882] {strides = array<i32>} : memref<128x200xi32, #tpu.memory_space<vmem>>, vector<16xi32>,
      tpu.vector_store %arg8[%swap3A_881, %swap3A_882], %bitcast3A_880 {strides = array<i32>} : memref<128x200xi32, #tpu.memory_space<vmem>>, vector<16xi32>,
      %bitcast3A_884 = vector.bitcast %add3A_871 : vector<16xf32> to vector<16xi32>
      %swap3A_885 = arith.index_cast %add3A_612 : i32 to index
      %swap3A_886 = arith.constant 48 : index
      %swap3A_887 = tpu.vector_load %arg8[%swap3A_885, %swap3A_886] {strides = array<i32>} : memref<128x200xi32, #tpu.memory_space<vmem>>, vector<16xi32>,
      tpu.vector_store %arg8[%swap3A_885, %swap3A_886], %bitcast3A_884 {strides = array<i32>} : memref<128x200xi32, #tpu.memory_space<vmem>>, vector<16xi32>,
      %add3A_888 = arith.constant 2 : i32
      %add3A_889 = arith.addi %add3A_612, %add3A_888 : i32
      %dma_start3A_890 = arith.constant 0 : i32
      %dma_start3A_891 = arith.constant 0 : i32
      %dma_start3A_892 = tpu.memref_slice %arg12[%dma_start3A_890, %dma_start3A_891] : memref<200x128xf32, #tpu.memory_space<vmem>> -> memref<128x128xf32, #tpu.memory_space<vmem>>
      %dma_start3A_893 = arith.constant 0 : i32
      %dma_start3A_894 = tpu.memref_slice %arg8[%add3A_889, %dma_start3A_893] : memref<128x200xi32, #tpu.memory_space<vmem>> -> memref<1x128xi32, #tpu.memory_space<vmem>>
      %dma_start3A_895 = tpu.memref_squeeze %dma_start3A_894 : memref<1x128xi32, #tpu.memory_space<vmem>> -> memref<128xi32, #tpu.memory_space<vmem>>
      %dma_start3A_896 = arith.constant 0 : i32
      %dma_start3A_897 = arith.constant 0 : i32
      %dma_start3A_898 = tpu.memref_slice %arg5[%dma_start3A_896, %dma_start3A_897] : memref<1000000x128xf32, #tpu.memory_space<hbm>> -> memref<1000000x128xf32, #tpu.memory_space<hbm>>
      tpu.enqueue_indirect_dma source(%dma_start3A_898 : memref<1000000x128xf32, #tpu.memory_space<hbm>>) target(%dma_start3A_892 : memref<128x128xf32, #tpu.memory_space<vmem>>) offsets(%dma_start3A_895 : memref<128xi32, #tpu.memory_space<vmem>>) semaphore(%arg16 : memref<!tpu.dma_semaphore, #tpu.memory_space<semaphore_mem>>)
      %dma_start3A_899 = arith.constant 128 : i32
      %dma_start3A_900 = arith.constant 0 : i32
      %dma_start3A_901 = tpu.memref_slice %arg12[%dma_start3A_899, %dma_start3A_900] : memref<200x128xf32, #tpu.memory_space<vmem>> -> memref<72x128xf32, #tpu.memory_space<vmem>>
      %dma_start3A_902 = arith.constant 128 : i32
      %dma_start3A_903 = tpu.memref_slice %arg8[%add3A_889, %dma_start3A_902] : memref<128x200xi32, #tpu.memory_space<vmem>> -> memref<1x72xi32, #tpu.memory_space<vmem>>
      %dma_start3A_904 = tpu.memref_squeeze %dma_start3A_903 : memref<1x72xi32, #tpu.memory_space<vmem>> -> memref<72xi32, #tpu.memory_space<vmem>>
      %dma_start3A_905 = arith.constant 0 : i32
      %dma_start3A_906 = arith.constant 0 : i32
      %dma_start3A_907 = tpu.memref_slice %arg5[%dma_start3A_905, %dma_start3A_906] : memref<1000000x128xf32, #tpu.memory_space<hbm>> -> memref<1000000x128xf32, #tpu.memory_space<hbm>>
      tpu.enqueue_indirect_dma source(%dma_start3A_907 : memref<1000000x128xf32, #tpu.memory_space<hbm>>) target(%dma_start3A_901 : memref<72x128xf32, #tpu.memory_space<vmem>>) offsets(%dma_start3A_904 : memref<72xi32, #tpu.memory_space<vmem>>) semaphore(%arg16 : memref<!tpu.dma_semaphore, #tpu.memory_space<semaphore_mem>>)
      %add3A_908 = arith.constant 1 : i32
      %add3A_909 = arith.addi %mul3A_610, %add3A_908 : i32
      %dma_wait3A_910 = arith.constant 0 : i32
      %dma_wait3A_911 = arith.constant 0 : i32
      %dma_wait3A_912 = tpu.memref_slice %arg11[%dma_wait3A_910, %dma_wait3A_911] : memref<200x128xf32, #tpu.memory_space<vmem>> -> memref<128x128xf32, #tpu.memory_space<vmem>>
      %dma_wait3A_913 = arith.constant 0 : i32
      %dma_wait3A_914 = tpu.memref_slice %arg8[%add3A_909, %dma_wait3A_913] : memref<128x200xi32, #tpu.memory_space<vmem>> -> memref<1x128xi32, #tpu.memory_space<vmem>>
      %dma_wait3A_915 = tpu.memref_squeeze %dma_wait3A_914 : memref<1x128xi32, #tpu.memory_space<vmem>> -> memref<128xi32, #tpu.memory_space<vmem>>
      %dma_wait3A_916 = arith.constant 0 : i32
      %dma_wait3A_917 = arith.constant 0 : i32
      %dma_wait3A_918 = tpu.memref_slice %arg5[%dma_wait3A_916, %dma_wait3A_917] : memref<1000000x128xf32, #tpu.memory_space<hbm>> -> memref<1000000x128xf32, #tpu.memory_space<hbm>>
      tpu.wait_indirect_dma semaphore(%arg15 : memref<!tpu.dma_semaphore, #tpu.memory_space<semaphore_mem>>) src(%dma_wait3A_918 : memref<1000000x128xf32, #tpu.memory_space<hbm>>) dst(%dma_wait3A_912 : memref<128x128xf32, #tpu.memory_space<vmem>>)
      %dma_wait3A_919 = arith.constant 128 : i32
      %dma_wait3A_920 = arith.constant 0 : i32
      %dma_wait3A_921 = tpu.memref_slice %arg11[%dma_wait3A_919, %dma_wait3A_920] : memref<200x128xf32, #tpu.memory_space<vmem>> -> memref<72x128xf32, #tpu.memory_space<vmem>>
      %dma_wait3A_922 = arith.constant 128 : i32
      %dma_wait3A_923 = tpu.memref_slice %arg8[%add3A_909, %dma_wait3A_922] : memref<128x200xi32, #tpu.memory_space<vmem>> -> memref<1x72xi32, #tpu.memory_space<vmem>>
      %dma_wait3A_924 = tpu.memref_squeeze %dma_wait3A_923 : memref<1x72xi32, #tpu.memory_space<vmem>> -> memref<72xi32, #tpu.memory_space<vmem>>
      %dma_wait3A_925 = arith.constant 0 : i32
      %dma_wait3A_926 = arith.constant 0 : i32
      %dma_wait3A_927 = tpu.memref_slice %arg5[%dma_wait3A_925, %dma_wait3A_926] : memref<1000000x128xf32, #tpu.memory_space<hbm>> -> memref<1000000x128xf32, #tpu.memory_space<hbm>>
      tpu.wait_indirect_dma semaphore(%arg15 : memref<!tpu.dma_semaphore, #tpu.memory_space<semaphore_mem>>) src(%dma_wait3A_927 : memref<1000000x128xf32, #tpu.memory_space<hbm>>) dst(%dma_wait3A_921 : memref<72x128xf32, #tpu.memory_space<vmem>>)
      %broadcast_in_dim3A_928 = arith.constant 0.000000e+00 : f32
      %broadcast_in_dim3A_929 = vector.broadcast %broadcast_in_dim3A_928 : f32 to vector<16xf32>
      %broadcast_in_dim3A_930 = arith.constant 0.000000e+00 : f32
      %broadcast_in_dim3A_931 = vector.broadcast %broadcast_in_dim3A_930 : f32 to vector<16xf32>
      %broadcast_in_dim3A_932 = arith.constant 0.000000e+00 : f32
      %broadcast_in_dim3A_933 = vector.broadcast %broadcast_in_dim3A_932 : f32 to vector<16xf32>
      %broadcast_in_dim3A_934 = arith.constant 0.000000e+00 : f32
      %broadcast_in_dim3A_935 = vector.broadcast %broadcast_in_dim3A_934 : f32 to vector<16xf32>
      %scan3A_936 = arith.constant 0 : i32
      %scan3A_937 = arith.constant 12 : i32
      %scan3A_938 = arith.addi %scan3A_936, %scan3A_937 : i32
      %scan3A_939 = arith.constant 1 : i32
      %scan3A_940:4 = scf.for %scan3A_1502 = %scan3A_936 to %scan3A_938 step %scan3A_939 iter_args(%scan3A_1503 = %broadcast_in_dim3A_929, %scan3A_1504 = %broadcast_in_dim3A_931, %scan3A_1505 = %broadcast_in_dim3A_933, %scan3A_1506 = %broadcast_in_dim3A_935) -> (vector<16xf32>, vector<16xf32>, vector<16xf32>, vector<16xf32>)  : i32 {
        %mul3A_1507 = arith.constant 16 : i32
        %mul3A_1508 = arith.muli %scan3A_1502, %mul3A_1507 : i32
        %get3A_1509 = arith.index_cast %add3A_909 : i32 to index
        %get3A_1510 = arith.index_cast %mul3A_1508 : i32 to index
        %get3A_1511 = tpu.vector_load %arg9[%get3A_1509, %get3A_1510] {strides = array<i32>} : memref<128x200xf32, #tpu.memory_space<vmem>>, vector<16xf32>,
        %mul3A_1512 = arith.constant 16 : i32
        %mul3A_1513 = arith.muli %scan3A_1502, %mul3A_1512 : i32
        %add3A_1514 = arith.constant 0 : i32
        %add3A_1515 = arith.addi %mul3A_1513, %add3A_1514 : i32
        %broadcast_in_dim3A_1516 = arith.constant 0 : i32
        %broadcast_in_dim3A_1517 = vector.broadcast %broadcast_in_dim3A_1516 : i32 to vector<16x1xi32>
        %gather3A_1518 = vector.shape_cast %broadcast_in_dim3A_1517 : vector<16x1xi32> to vector<16xi32>
        %gather3A_1519 = tpu.dynamic_gather %get3A_1511[%gather3A_1518] in [0] : vector<16xf32>, vector<16xi32> -> vector<16xf32>
        %get3A_1520 = arith.index_cast %add3A_1515 : i32 to index
        %get3A_1521 = arith.constant 0 : index
        %get3A_1522 = tpu.vector_load %arg11[%get3A_1520, %get3A_1521] {strides = array<i32>} : memref<200x128xf32, #tpu.memory_space<vmem>>, vector<16xf32>,
        %mul3A_1523 = arith.mulf %gather3A_1519, %get3A_1522 : vector<16xf32>
        %add3A_1524 = arith.addf %scan3A_1503, %mul3A_1523 : vector<16xf32>
        %get3A_1525 = arith.index_cast %add3A_1515 : i32 to index
        %get3A_1526 = arith.constant 16 : index
        %get3A_1527 = tpu.vector_load %arg11[%get3A_1525, %get3A_1526] {strides = array<i32>} : memref<200x128xf32, #tpu.memory_space<vmem>>, vector<16xf32>,
        %mul3A_1528 = arith.mulf %gather3A_1519, %get3A_1527 : vector<16xf32>
        %add3A_1529 = arith.addf %scan3A_1504, %mul3A_1528 : vector<16xf32>
        %get3A_1530 = arith.index_cast %add3A_1515 : i32 to index
        %get3A_1531 = arith.constant 32 : index
        %get3A_1532 = tpu.vector_load %arg11[%get3A_1530, %get3A_1531] {strides = array<i32>} : memref<200x128xf32, #tpu.memory_space<vmem>>, vector<16xf32>,
        %mul3A_1533 = arith.mulf %gather3A_1519, %get3A_1532 : vector<16xf32>
        %add3A_1534 = arith.addf %scan3A_1505, %mul3A_1533 : vector<16xf32>
        %get3A_1535 = arith.index_cast %add3A_1515 : i32 to index
        %get3A_1536 = arith.constant 48 : index
        %get3A_1537 = tpu.vector_load %arg11[%get3A_1535, %get3A_1536] {strides = array<i32>} : memref<200x128xf32, #tpu.memory_space<vmem>>, vector<16xf32>,
        %mul3A_1538 = arith.mulf %gather3A_1519, %get3A_1537 : vector<16xf32>
        %add3A_1539 = arith.addf %scan3A_1506, %mul3A_1538 : vector<16xf32>
        %add3A_1540 = arith.constant 1 : i32
        %add3A_1541 = arith.addi %mul3A_1513, %add3A_1540 : i32
        %broadcast_in_dim3A_1542 = arith.constant 1 : i32
        %broadcast_in_dim3A_1543 = vector.broadcast %broadcast_in_dim3A_1542 : i32 to vector<16x1xi32>
        %gather3A_1544 = vector.shape_cast %broadcast_in_dim3A_1543 : vector<16x1xi32> to vector<16xi32>
        %gather3A_1545 = tpu.dynamic_gather %get3A_1511[%gather3A_1544] in [0] : vector<16xf32>, vector<16xi32> -> vector<16xf32>
        %get3A_1546 = arith.index_cast %add3A_1541 : i32 to index
        %get3A_1547 = arith.constant 0 : index
        %get3A_1548 = tpu.vector_load %arg11[%get3A_1546, %get3A_1547] {strides = array<i32>} : memref<200x128xf32, #tpu.memory_space<vmem>>, vector<16xf32>,
        %mul3A_1549 = arith.mulf %gather3A_1545, %get3A_1548 : vector<16xf32>
        %add3A_1550 = arith.addf %add3A_1524, %mul3A_1549 : vector<16xf32>
        %get3A_1551 = arith.index_cast %add3A_1541 : i32 to index
        %get3A_1552 = arith.constant 16 : index
        %get3A_1553 = tpu.vector_load %arg11[%get3A_1551, %get3A_1552] {strides = array<i32>} : memref<200x128xf32, #tpu.memory_space<vmem>>, vector<16xf32>,
        %mul3A_1554 = arith.mulf %gather3A_1545, %get3A_1553 : vector<16xf32>
        %add3A_1555 = arith.addf %add3A_1529, %mul3A_1554 : vector<16xf32>
        %get3A_1556 = arith.index_cast %add3A_1541 : i32 to index
        %get3A_1557 = arith.constant 32 : index
        %get3A_1558 = tpu.vector_load %arg11[%get3A_1556, %get3A_1557] {strides = array<i32>} : memref<200x128xf32, #tpu.memory_space<vmem>>, vector<16xf32>,
        %mul3A_1559 = arith.mulf %gather3A_1545, %get3A_1558 : vector<16xf32>
        %add3A_1560 = arith.addf %add3A_1534, %mul3A_1559 : vector<16xf32>
        %get3A_1561 = arith.index_cast %add3A_1541 : i32 to index
        %get3A_1562 = arith.constant 48 : index
        %get3A_1563 = tpu.vector_load %arg11[%get3A_1561, %get3A_1562] {strides = array<i32>} : memref<200x128xf32, #tpu.memory_space<vmem>>, vector<16xf32>,
        %mul3A_1564 = arith.mulf %gather3A_1545, %get3A_1563 : vector<16xf32>
        %add3A_1565 = arith.addf %add3A_1539, %mul3A_1564 : vector<16xf32>
        %add3A_1566 = arith.constant 2 : i32
        %add3A_1567 = arith.addi %mul3A_1513, %add3A_1566 : i32
        %broadcast_in_dim3A_1568 = arith.constant 2 : i32
        %broadcast_in_dim3A_1569 = vector.broadcast %broadcast_in_dim3A_1568 : i32 to vector<16x1xi32>
        %gather3A_1570 = vector.shape_cast %broadcast_in_dim3A_1569 : vector<16x1xi32> to vector<16xi32>
        %gather3A_1571 = tpu.dynamic_gather %get3A_1511[%gather3A_1570] in [0] : vector<16xf32>, vector<16xi32> -> vector<16xf32>
        %get3A_1572 = arith.index_cast %add3A_1567 : i32 to index
        %get3A_1573 = arith.constant 0 : index
        %get3A_1574 = tpu.vector_load %arg11[%get3A_1572, %get3A_1573] {strides = array<i32>} : memref<200x128xf32, #tpu.memory_space<vmem>>, vector<16xf32>,
        %mul3A_1575 = arith.mulf %gather3A_1571, %get3A_1574 : vector<16xf32>
        %add3A_1576 = arith.addf %add3A_1550, %mul3A_1575 : vector<16xf32>
        %get3A_1577 = arith.index_cast %add3A_1567 : i32 to index
        %get3A_1578 = arith.constant 16 : index
        %get3A_1579 = tpu.vector_load %arg11[%get3A_1577, %get3A_1578] {strides = array<i32>} : memref<200x128xf32, #tpu.memory_space<vmem>>, vector<16xf32>,
        %mul3A_1580 = arith.mulf %gather3A_1571, %get3A_1579 : vector<16xf32>
        %add3A_1581 = arith.addf %add3A_1555, %mul3A_1580 : vector<16xf32>
        %get3A_1582 = arith.index_cast %add3A_1567 : i32 to index
        %get3A_1583 = arith.constant 32 : index
        %get3A_1584 = tpu.vector_load %arg11[%get3A_1582, %get3A_1583] {strides = array<i32>} : memref<200x128xf32, #tpu.memory_space<vmem>>, vector<16xf32>,
        %mul3A_1585 = arith.mulf %gather3A_1571, %get3A_1584 : vector<16xf32>
        %add3A_1586 = arith.addf %add3A_1560, %mul3A_1585 : vector<16xf32>
        %get3A_1587 = arith.index_cast %add3A_1567 : i32 to index
        %get3A_1588 = arith.constant 48 : index
        %get3A_1589 = tpu.vector_load %arg11[%get3A_1587, %get3A_1588] {strides = array<i32>} : memref<200x128xf32, #tpu.memory_space<vmem>>, vector<16xf32>,
        %mul3A_1590 = arith.mulf %gather3A_1571, %get3A_1589 : vector<16xf32>
        %add3A_1591 = arith.addf %add3A_1565, %mul3A_1590 : vector<16xf32>
        %add3A_1592 = arith.constant 3 : i32
        %add3A_1593 = arith.addi %mul3A_1513, %add3A_1592 : i32
        %broadcast_in_dim3A_1594 = arith.constant 3 : i32
        %broadcast_in_dim3A_1595 = vector.broadcast %broadcast_in_dim3A_1594 : i32 to vector<16x1xi32>
        %gather3A_1596 = vector.shape_cast %broadcast_in_dim3A_1595 : vector<16x1xi32> to vector<16xi32>
        %gather3A_1597 = tpu.dynamic_gather %get3A_1511[%gather3A_1596] in [0] : vector<16xf32>, vector<16xi32> -> vector<16xf32>
        %get3A_1598 = arith.index_cast %add3A_1593 : i32 to index
        %get3A_1599 = arith.constant 0 : index
        %get3A_1600 = tpu.vector_load %arg11[%get3A_1598, %get3A_1599] {strides = array<i32>} : memref<200x128xf32, #tpu.memory_space<vmem>>, vector<16xf32>,
        %mul3A_1601 = arith.mulf %gather3A_1597, %get3A_1600 : vector<16xf32>
        %add3A_1602 = arith.addf %add3A_1576, %mul3A_1601 : vector<16xf32>
        %get3A_1603 = arith.index_cast %add3A_1593 : i32 to index
        %get3A_1604 = arith.constant 16 : index
        %get3A_1605 = tpu.vector_load %arg11[%get3A_1603, %get3A_1604] {strides = array<i32>} : memref<200x128xf32, #tpu.memory_space<vmem>>, vector<16xf32>,
        %mul3A_1606 = arith.mulf %gather3A_1597, %get3A_1605 : vector<16xf32>
        %add3A_1607 = arith.addf %add3A_1581, %mul3A_1606 : vector<16xf32>
        %get3A_1608 = arith.index_cast %add3A_1593 : i32 to index
        %get3A_1609 = arith.constant 32 : index
        %get3A_1610 = tpu.vector_load %arg11[%get3A_1608, %get3A_1609] {strides = array<i32>} : memref<200x128xf32, #tpu.memory_space<vmem>>, vector<16xf32>,
        %mul3A_1611 = arith.mulf %gather3A_1597, %get3A_1610 : vector<16xf32>
        %add3A_1612 = arith.addf %add3A_1586, %mul3A_1611 : vector<16xf32>
        %get3A_1613 = arith.index_cast %add3A_1593 : i32 to index
        %get3A_1614 = arith.constant 48 : index
        %get3A_1615 = tpu.vector_load %arg11[%get3A_1613, %get3A_1614] {strides = array<i32>} : memref<200x128xf32, #tpu.memory_space<vmem>>, vector<16xf32>,
        %mul3A_1616 = arith.mulf %gather3A_1597, %get3A_1615 : vector<16xf32>
        %add3A_1617 = arith.addf %add3A_1591, %mul3A_1616 : vector<16xf32>
        %add3A_1618 = arith.constant 4 : i32
        %add3A_1619 = arith.addi %mul3A_1513, %add3A_1618 : i32
        %broadcast_in_dim3A_1620 = arith.constant 4 : i32
        %broadcast_in_dim3A_1621 = vector.broadcast %broadcast_in_dim3A_1620 : i32 to vector<16x1xi32>
        %gather3A_1622 = vector.shape_cast %broadcast_in_dim3A_1621 : vector<16x1xi32> to vector<16xi32>
        %gather3A_1623 = tpu.dynamic_gather %get3A_1511[%gather3A_1622] in [0] : vector<16xf32>, vector<16xi32> -> vector<16xf32>
        %get3A_1624 = arith.index_cast %add3A_1619 : i32 to index
        %get3A_1625 = arith.constant 0 : index
        %get3A_1626 = tpu.vector_load %arg11[%get3A_1624, %get3A_1625] {strides = array<i32>} : memref<200x128xf32, #tpu.memory_space<vmem>>, vector<16xf32>,
        %mul3A_1627 = arith.mulf %gather3A_1623, %get3A_1626 : vector<16xf32>
        %add3A_1628 = arith.addf %add3A_1602, %mul3A_1627 : vector<16xf32>
        %get3A_1629 = arith.index_cast %add3A_1619 : i32 to index
        %get3A_1630 = arith.constant 16 : index
        %get3A_1631 = tpu.vector_load %arg11[%get3A_1629, %get3A_1630] {strides = array<i32>} : memref<200x128xf32, #tpu.memory_space<vmem>>, vector<16xf32>,
        %mul3A_1632 = arith.mulf %gather3A_1623, %get3A_1631 : vector<16xf32>
        %add3A_1633 = arith.addf %add3A_1607, %mul3A_1632 : vector<16xf32>
        %get3A_1634 = arith.index_cast %add3A_1619 : i32 to index
        %get3A_1635 = arith.constant 32 : index
        %get3A_1636 = tpu.vector_load %arg11[%get3A_1634, %get3A_1635] {strides = array<i32>} : memref<200x128xf32, #tpu.memory_space<vmem>>, vector<16xf32>,
        %mul3A_1637 = arith.mulf %gather3A_1623, %get3A_1636 : vector<16xf32>
        %add3A_1638 = arith.addf %add3A_1612, %mul3A_1637 : vector<16xf32>
        %get3A_1639 = arith.index_cast %add3A_1619 : i32 to index
        %get3A_1640 = arith.constant 48 : index
        %get3A_1641 = tpu.vector_load %arg11[%get3A_1639, %get3A_1640] {strides = array<i32>} : memref<200x128xf32, #tpu.memory_space<vmem>>, vector<16xf32>,
        %mul3A_1642 = arith.mulf %gather3A_1623, %get3A_1641 : vector<16xf32>
        %add3A_1643 = arith.addf %add3A_1617, %mul3A_1642 : vector<16xf32>
        %add3A_1644 = arith.constant 5 : i32
        %add3A_1645 = arith.addi %mul3A_1513, %add3A_1644 : i32
        %broadcast_in_dim3A_1646 = arith.constant 5 : i32
        %broadcast_in_dim3A_1647 = vector.broadcast %broadcast_in_dim3A_1646 : i32 to vector<16x1xi32>
        %gather3A_1648 = vector.shape_cast %broadcast_in_dim3A_1647 : vector<16x1xi32> to vector<16xi32>
        %gather3A_1649 = tpu.dynamic_gather %get3A_1511[%gather3A_1648] in [0] : vector<16xf32>, vector<16xi32> -> vector<16xf32>
        %get3A_1650 = arith.index_cast %add3A_1645 : i32 to index
        %get3A_1651 = arith.constant 0 : index
        %get3A_1652 = tpu.vector_load %arg11[%get3A_1650, %get3A_1651] {strides = array<i32>} : memref<200x128xf32, #tpu.memory_space<vmem>>, vector<16xf32>,
        %mul3A_1653 = arith.mulf %gather3A_1649, %get3A_1652 : vector<16xf32>
        %add3A_1654 = arith.addf %add3A_1628, %mul3A_1653 : vector<16xf32>
        %get3A_1655 = arith.index_cast %add3A_1645 : i32 to index
        %get3A_1656 = arith.constant 16 : index
        %get3A_1657 = tpu.vector_load %arg11[%get3A_1655, %get3A_1656] {strides = array<i32>} : memref<200x128xf32, #tpu.memory_space<vmem>>, vector<16xf32>,
        %mul3A_1658 = arith.mulf %gather3A_1649, %get3A_1657 : vector<16xf32>
        %add3A_1659 = arith.addf %add3A_1633, %mul3A_1658 : vector<16xf32>
        %get3A_1660 = arith.index_cast %add3A_1645 : i32 to index
        %get3A_1661 = arith.constant 32 : index
        %get3A_1662 = tpu.vector_load %arg11[%get3A_1660, %get3A_1661] {strides = array<i32>} : memref<200x128xf32, #tpu.memory_space<vmem>>, vector<16xf32>,
        %mul3A_1663 = arith.mulf %gather3A_1649, %get3A_1662 : vector<16xf32>
        %add3A_1664 = arith.addf %add3A_1638, %mul3A_1663 : vector<16xf32>
        %get3A_1665 = arith.index_cast %add3A_1645 : i32 to index
        %get3A_1666 = arith.constant 48 : index
        %get3A_1667 = tpu.vector_load %arg11[%get3A_1665, %get3A_1666] {strides = array<i32>} : memref<200x128xf32, #tpu.memory_space<vmem>>, vector<16xf32>,
        %mul3A_1668 = arith.mulf %gather3A_1649, %get3A_1667 : vector<16xf32>
        %add3A_1669 = arith.addf %add3A_1643, %mul3A_1668 : vector<16xf32>
        %add3A_1670 = arith.constant 6 : i32
        %add3A_1671 = arith.addi %mul3A_1513, %add3A_1670 : i32
        %broadcast_in_dim3A_1672 = arith.constant 6 : i32
        %broadcast_in_dim3A_1673 = vector.broadcast %broadcast_in_dim3A_1672 : i32 to vector<16x1xi32>
        %gather3A_1674 = vector.shape_cast %broadcast_in_dim3A_1673 : vector<16x1xi32> to vector<16xi32>
        %gather3A_1675 = tpu.dynamic_gather %get3A_1511[%gather3A_1674] in [0] : vector<16xf32>, vector<16xi32> -> vector<16xf32>
        %get3A_1676 = arith.index_cast %add3A_1671 : i32 to index
        %get3A_1677 = arith.constant 0 : index
        %get3A_1678 = tpu.vector_load %arg11[%get3A_1676, %get3A_1677] {strides = array<i32>} : memref<200x128xf32, #tpu.memory_space<vmem>>, vector<16xf32>,
        %mul3A_1679 = arith.mulf %gather3A_1675, %get3A_1678 : vector<16xf32>
        %add3A_1680 = arith.addf %add3A_1654, %mul3A_1679 : vector<16xf32>
        %get3A_1681 = arith.index_cast %add3A_1671 : i32 to index
        %get3A_1682 = arith.constant 16 : index
        %get3A_1683 = tpu.vector_load %arg11[%get3A_1681, %get3A_1682] {strides = array<i32>} : memref<200x128xf32, #tpu.memory_space<vmem>>, vector<16xf32>,
        %mul3A_1684 = arith.mulf %gather3A_1675, %get3A_1683 : vector<16xf32>
        %add3A_1685 = arith.addf %add3A_1659, %mul3A_1684 : vector<16xf32>
        %get3A_1686 = arith.index_cast %add3A_1671 : i32 to index
        %get3A_1687 = arith.constant 32 : index
        %get3A_1688 = tpu.vector_load %arg11[%get3A_1686, %get3A_1687] {strides = array<i32>} : memref<200x128xf32, #tpu.memory_space<vmem>>, vector<16xf32>,
        %mul3A_1689 = arith.mulf %gather3A_1675, %get3A_1688 : vector<16xf32>
        %add3A_1690 = arith.addf %add3A_1664, %mul3A_1689 : vector<16xf32>
        %get3A_1691 = arith.index_cast %add3A_1671 : i32 to index
        %get3A_1692 = arith.constant 48 : index
        %get3A_1693 = tpu.vector_load %arg11[%get3A_1691, %get3A_1692] {strides = array<i32>} : memref<200x128xf32, #tpu.memory_space<vmem>>, vector<16xf32>,
        %mul3A_1694 = arith.mulf %gather3A_1675, %get3A_1693 : vector<16xf32>
        %add3A_1695 = arith.addf %add3A_1669, %mul3A_1694 : vector<16xf32>
        %add3A_1696 = arith.constant 7 : i32
        %add3A_1697 = arith.addi %mul3A_1513, %add3A_1696 : i32
        %broadcast_in_dim3A_1698 = arith.constant 7 : i32
        %broadcast_in_dim3A_1699 = vector.broadcast %broadcast_in_dim3A_1698 : i32 to vector<16x1xi32>
        %gather3A_1700 = vector.shape_cast %broadcast_in_dim3A_1699 : vector<16x1xi32> to vector<16xi32>
        %gather3A_1701 = tpu.dynamic_gather %get3A_1511[%gather3A_1700] in [0] : vector<16xf32>, vector<16xi32> -> vector<16xf32>
        %get3A_1702 = arith.index_cast %add3A_1697 : i32 to index
        %get3A_1703 = arith.constant 0 : index
        %get3A_1704 = tpu.vector_load %arg11[%get3A_1702, %get3A_1703] {strides = array<i32>} : memref<200x128xf32, #tpu.memory_space<vmem>>, vector<16xf32>,
        %mul3A_1705 = arith.mulf %gather3A_1701, %get3A_1704 : vector<16xf32>
        %add3A_1706 = arith.addf %add3A_1680, %mul3A_1705 : vector<16xf32>
        %get3A_1707 = arith.index_cast %add3A_1697 : i32 to index
        %get3A_1708 = arith.constant 16 : index
        %get3A_1709 = tpu.vector_load %arg11[%get3A_1707, %get3A_1708] {strides = array<i32>} : memref<200x128xf32, #tpu.memory_space<vmem>>, vector<16xf32>,
        %mul3A_1710 = arith.mulf %gather3A_1701, %get3A_1709 : vector<16xf32>
        %add3A_1711 = arith.addf %add3A_1685, %mul3A_1710 : vector<16xf32>
        %get3A_1712 = arith.index_cast %add3A_1697 : i32 to index
        %get3A_1713 = arith.constant 32 : index
        %get3A_1714 = tpu.vector_load %arg11[%get3A_1712, %get3A_1713] {strides = array<i32>} : memref<200x128xf32, #tpu.memory_space<vmem>>, vector<16xf32>,
        %mul3A_1715 = arith.mulf %gather3A_1701, %get3A_1714 : vector<16xf32>
        %add3A_1716 = arith.addf %add3A_1690, %mul3A_1715 : vector<16xf32>
        %get3A_1717 = arith.index_cast %add3A_1697 : i32 to index
        %get3A_1718 = arith.constant 48 : index
        %get3A_1719 = tpu.vector_load %arg11[%get3A_1717, %get3A_1718] {strides = array<i32>} : memref<200x128xf32, #tpu.memory_space<vmem>>, vector<16xf32>,
        %mul3A_1720 = arith.mulf %gather3A_1701, %get3A_1719 : vector<16xf32>
        %add3A_1721 = arith.addf %add3A_1695, %mul3A_1720 : vector<16xf32>
        %add3A_1722 = arith.constant 8 : i32
        %add3A_1723 = arith.addi %mul3A_1513, %add3A_1722 : i32
        %broadcast_in_dim3A_1724 = arith.constant 8 : i32
        %broadcast_in_dim3A_1725 = vector.broadcast %broadcast_in_dim3A_1724 : i32 to vector<16x1xi32>
        %gather3A_1726 = vector.shape_cast %broadcast_in_dim3A_1725 : vector<16x1xi32> to vector<16xi32>
        %gather3A_1727 = tpu.dynamic_gather %get3A_1511[%gather3A_1726] in [0] : vector<16xf32>, vector<16xi32> -> vector<16xf32>
        %get3A_1728 = arith.index_cast %add3A_1723 : i32 to index
        %get3A_1729 = arith.constant 0 : index
        %get3A_1730 = tpu.vector_load %arg11[%get3A_1728, %get3A_1729] {strides = array<i32>} : memref<200x128xf32, #tpu.memory_space<vmem>>, vector<16xf32>,
        %mul3A_1731 = arith.mulf %gather3A_1727, %get3A_1730 : vector<16xf32>
        %add3A_1732 = arith.addf %add3A_1706, %mul3A_1731 : vector<16xf32>
        %get3A_1733 = arith.index_cast %add3A_1723 : i32 to index
        %get3A_1734 = arith.constant 16 : index
        %get3A_1735 = tpu.vector_load %arg11[%get3A_1733, %get3A_1734] {strides = array<i32>} : memref<200x128xf32, #tpu.memory_space<vmem>>, vector<16xf32>,
        %mul3A_1736 = arith.mulf %gather3A_1727, %get3A_1735 : vector<16xf32>
        %add3A_1737 = arith.addf %add3A_1711, %mul3A_1736 : vector<16xf32>
        %get3A_1738 = arith.index_cast %add3A_1723 : i32 to index
        %get3A_1739 = arith.constant 32 : index
        %get3A_1740 = tpu.vector_load %arg11[%get3A_1738, %get3A_1739] {strides = array<i32>} : memref<200x128xf32, #tpu.memory_space<vmem>>, vector<16xf32>,
        %mul3A_1741 = arith.mulf %gather3A_1727, %get3A_1740 : vector<16xf32>
        %add3A_1742 = arith.addf %add3A_1716, %mul3A_1741 : vector<16xf32>
        %get3A_1743 = arith.index_cast %add3A_1723 : i32 to index
        %get3A_1744 = arith.constant 48 : index
        %get3A_1745 = tpu.vector_load %arg11[%get3A_1743, %get3A_1744] {strides = array<i32>} : memref<200x128xf32, #tpu.memory_space<vmem>>, vector<16xf32>,
        %mul3A_1746 = arith.mulf %gather3A_1727, %get3A_1745 : vector<16xf32>
        %add3A_1747 = arith.addf %add3A_1721, %mul3A_1746 : vector<16xf32>
        %add3A_1748 = arith.constant 9 : i32
        %add3A_1749 = arith.addi %mul3A_1513, %add3A_1748 : i32
        %broadcast_in_dim3A_1750 = arith.constant 9 : i32
        %broadcast_in_dim3A_1751 = vector.broadcast %broadcast_in_dim3A_1750 : i32 to vector<16x1xi32>
        %gather3A_1752 = vector.shape_cast %broadcast_in_dim3A_1751 : vector<16x1xi32> to vector<16xi32>
        %gather3A_1753 = tpu.dynamic_gather %get3A_1511[%gather3A_1752] in [0] : vector<16xf32>, vector<16xi32> -> vector<16xf32>
        %get3A_1754 = arith.index_cast %add3A_1749 : i32 to index
        %get3A_1755 = arith.constant 0 : index
        %get3A_1756 = tpu.vector_load %arg11[%get3A_1754, %get3A_1755] {strides = array<i32>} : memref<200x128xf32, #tpu.memory_space<vmem>>, vector<16xf32>,
        %mul3A_1757 = arith.mulf %gather3A_1753, %get3A_1756 : vector<16xf32>
        %add3A_1758 = arith.addf %add3A_1732, %mul3A_1757 : vector<16xf32>
        %get3A_1759 = arith.index_cast %add3A_1749 : i32 to index
        %get3A_1760 = arith.constant 16 : index
        %get3A_1761 = tpu.vector_load %arg11[%get3A_1759, %get3A_1760] {strides = array<i32>} : memref<200x128xf32, #tpu.memory_space<vmem>>, vector<16xf32>,
        %mul3A_1762 = arith.mulf %gather3A_1753, %get3A_1761 : vector<16xf32>
        %add3A_1763 = arith.addf %add3A_1737, %mul3A_1762 : vector<16xf32>
        %get3A_1764 = arith.index_cast %add3A_1749 : i32 to index
        %get3A_1765 = arith.constant 32 : index
        %get3A_1766 = tpu.vector_load %arg11[%get3A_1764, %get3A_1765] {strides = array<i32>} : memref<200x128xf32, #tpu.memory_space<vmem>>, vector<16xf32>,
        %mul3A_1767 = arith.mulf %gather3A_1753, %get3A_1766 : vector<16xf32>
        %add3A_1768 = arith.addf %add3A_1742, %mul3A_1767 : vector<16xf32>
        %get3A_1769 = arith.index_cast %add3A_1749 : i32 to index
        %get3A_1770 = arith.constant 48 : index
        %get3A_1771 = tpu.vector_load %arg11[%get3A_1769, %get3A_1770] {strides = array<i32>} : memref<200x128xf32, #tpu.memory_space<vmem>>, vector<16xf32>,
        %mul3A_1772 = arith.mulf %gather3A_1753, %get3A_1771 : vector<16xf32>
        %add3A_1773 = arith.addf %add3A_1747, %mul3A_1772 : vector<16xf32>
        %add3A_1774 = arith.constant 10 : i32
        %add3A_1775 = arith.addi %mul3A_1513, %add3A_1774 : i32
        %broadcast_in_dim3A_1776 = arith.constant 10 : i32
        %broadcast_in_dim3A_1777 = vector.broadcast %broadcast_in_dim3A_1776 : i32 to vector<16x1xi32>
        %gather3A_1778 = vector.shape_cast %broadcast_in_dim3A_1777 : vector<16x1xi32> to vector<16xi32>
        %gather3A_1779 = tpu.dynamic_gather %get3A_1511[%gather3A_1778] in [0] : vector<16xf32>, vector<16xi32> -> vector<16xf32>
        %get3A_1780 = arith.index_cast %add3A_1775 : i32 to index
        %get3A_1781 = arith.constant 0 : index
        %get3A_1782 = tpu.vector_load %arg11[%get3A_1780, %get3A_1781] {strides = array<i32>} : memref<200x128xf32, #tpu.memory_space<vmem>>, vector<16xf32>,
        %mul3A_1783 = arith.mulf %gather3A_1779, %get3A_1782 : vector<16xf32>
        %add3A_1784 = arith.addf %add3A_1758, %mul3A_1783 : vector<16xf32>
        %get3A_1785 = arith.index_cast %add3A_1775 : i32 to index
        %get3A_1786 = arith.constant 16 : index
        %get3A_1787 = tpu.vector_load %arg11[%get3A_1785, %get3A_1786] {strides = array<i32>} : memref<200x128xf32, #tpu.memory_space<vmem>>, vector<16xf32>,
        %mul3A_1788 = arith.mulf %gather3A_1779, %get3A_1787 : vector<16xf32>
        %add3A_1789 = arith.addf %add3A_1763, %mul3A_1788 : vector<16xf32>
        %get3A_1790 = arith.index_cast %add3A_1775 : i32 to index
        %get3A_1791 = arith.constant 32 : index
        %get3A_1792 = tpu.vector_load %arg11[%get3A_1790, %get3A_1791] {strides = array<i32>} : memref<200x128xf32, #tpu.memory_space<vmem>>, vector<16xf32>,
        %mul3A_1793 = arith.mulf %gather3A_1779, %get3A_1792 : vector<16xf32>
        %add3A_1794 = arith.addf %add3A_1768, %mul3A_1793 : vector<16xf32>
        %get3A_1795 = arith.index_cast %add3A_1775 : i32 to index
        %get3A_1796 = arith.constant 48 : index
        %get3A_1797 = tpu.vector_load %arg11[%get3A_1795, %get3A_1796] {strides = array<i32>} : memref<200x128xf32, #tpu.memory_space<vmem>>, vector<16xf32>,
        %mul3A_1798 = arith.mulf %gather3A_1779, %get3A_1797 : vector<16xf32>
        %add3A_1799 = arith.addf %add3A_1773, %mul3A_1798 : vector<16xf32>
        %add3A_1800 = arith.constant 11 : i32
        %add3A_1801 = arith.addi %mul3A_1513, %add3A_1800 : i32
        %broadcast_in_dim3A_1802 = arith.constant 11 : i32
        %broadcast_in_dim3A_1803 = vector.broadcast %broadcast_in_dim3A_1802 : i32 to vector<16x1xi32>
        %gather3A_1804 = vector.shape_cast %broadcast_in_dim3A_1803 : vector<16x1xi32> to vector<16xi32>
        %gather3A_1805 = tpu.dynamic_gather %get3A_1511[%gather3A_1804] in [0] : vector<16xf32>, vector<16xi32> -> vector<16xf32>
        %get3A_1806 = arith.index_cast %add3A_1801 : i32 to index
        %get3A_1807 = arith.constant 0 : index
        %get3A_1808 = tpu.vector_load %arg11[%get3A_1806, %get3A_1807] {strides = array<i32>} : memref<200x128xf32, #tpu.memory_space<vmem>>, vector<16xf32>,
        %mul3A_1809 = arith.mulf %gather3A_1805, %get3A_1808 : vector<16xf32>
        %add3A_1810 = arith.addf %add3A_1784, %mul3A_1809 : vector<16xf32>
        %get3A_1811 = arith.index_cast %add3A_1801 : i32 to index
        %get3A_1812 = arith.constant 16 : index
        %get3A_1813 = tpu.vector_load %arg11[%get3A_1811, %get3A_1812] {strides = array<i32>} : memref<200x128xf32, #tpu.memory_space<vmem>>, vector<16xf32>,
        %mul3A_1814 = arith.mulf %gather3A_1805, %get3A_1813 : vector<16xf32>
        %add3A_1815 = arith.addf %add3A_1789, %mul3A_1814 : vector<16xf32>
        %get3A_1816 = arith.index_cast %add3A_1801 : i32 to index
        %get3A_1817 = arith.constant 32 : index
        %get3A_1818 = tpu.vector_load %arg11[%get3A_1816, %get3A_1817] {strides = array<i32>} : memref<200x128xf32, #tpu.memory_space<vmem>>, vector<16xf32>,
        %mul3A_1819 = arith.mulf %gather3A_1805, %get3A_1818 : vector<16xf32>
        %add3A_1820 = arith.addf %add3A_1794, %mul3A_1819 : vector<16xf32>
        %get3A_1821 = arith.index_cast %add3A_1801 : i32 to index
        %get3A_1822 = arith.constant 48 : index
        %get3A_1823 = tpu.vector_load %arg11[%get3A_1821, %get3A_1822] {strides = array<i32>} : memref<200x128xf32, #tpu.memory_space<vmem>>, vector<16xf32>,
        %mul3A_1824 = arith.mulf %gather3A_1805, %get3A_1823 : vector<16xf32>
        %add3A_1825 = arith.addf %add3A_1799, %mul3A_1824 : vector<16xf32>
        %add3A_1826 = arith.constant 12 : i32
        %add3A_1827 = arith.addi %mul3A_1513, %add3A_1826 : i32
        %broadcast_in_dim3A_1828 = arith.constant 12 : i32
        %broadcast_in_dim3A_1829 = vector.broadcast %broadcast_in_dim3A_1828 : i32 to vector<16x1xi32>
        %gather3A_1830 = vector.shape_cast %broadcast_in_dim3A_1829 : vector<16x1xi32> to vector<16xi32>
        %gather3A_1831 = tpu.dynamic_gather %get3A_1511[%gather3A_1830] in [0] : vector<16xf32>, vector<16xi32> -> vector<16xf32>
        %get3A_1832 = arith.index_cast %add3A_1827 : i32 to index
        %get3A_1833 = arith.constant 0 : index
        %get3A_1834 = tpu.vector_load %arg11[%get3A_1832, %get3A_1833] {strides = array<i32>} : memref<200x128xf32, #tpu.memory_space<vmem>>, vector<16xf32>,
        %mul3A_1835 = arith.mulf %gather3A_1831, %get3A_1834 : vector<16xf32>
        %add3A_1836 = arith.addf %add3A_1810, %mul3A_1835 : vector<16xf32>
        %get3A_1837 = arith.index_cast %add3A_1827 : i32 to index
        %get3A_1838 = arith.constant 16 : index
        %get3A_1839 = tpu.vector_load %arg11[%get3A_1837, %get3A_1838] {strides = array<i32>} : memref<200x128xf32, #tpu.memory_space<vmem>>, vector<16xf32>,
        %mul3A_1840 = arith.mulf %gather3A_1831, %get3A_1839 : vector<16xf32>
        %add3A_1841 = arith.addf %add3A_1815, %mul3A_1840 : vector<16xf32>
        %get3A_1842 = arith.index_cast %add3A_1827 : i32 to index
        %get3A_1843 = arith.constant 32 : index
        %get3A_1844 = tpu.vector_load %arg11[%get3A_1842, %get3A_1843] {strides = array<i32>} : memref<200x128xf32, #tpu.memory_space<vmem>>, vector<16xf32>,
        %mul3A_1845 = arith.mulf %gather3A_1831, %get3A_1844 : vector<16xf32>
        %add3A_1846 = arith.addf %add3A_1820, %mul3A_1845 : vector<16xf32>
        %get3A_1847 = arith.index_cast %add3A_1827 : i32 to index
        %get3A_1848 = arith.constant 48 : index
        %get3A_1849 = tpu.vector_load %arg11[%get3A_1847, %get3A_1848] {strides = array<i32>} : memref<200x128xf32, #tpu.memory_space<vmem>>, vector<16xf32>,
        %mul3A_1850 = arith.mulf %gather3A_1831, %get3A_1849 : vector<16xf32>
        %add3A_1851 = arith.addf %add3A_1825, %mul3A_1850 : vector<16xf32>
        %add3A_1852 = arith.constant 13 : i32
        %add3A_1853 = arith.addi %mul3A_1513, %add3A_1852 : i32
        %broadcast_in_dim3A_1854 = arith.constant 13 : i32
        %broadcast_in_dim3A_1855 = vector.broadcast %broadcast_in_dim3A_1854 : i32 to vector<16x1xi32>
        %gather3A_1856 = vector.shape_cast %broadcast_in_dim3A_1855 : vector<16x1xi32> to vector<16xi32>
        %gather3A_1857 = tpu.dynamic_gather %get3A_1511[%gather3A_1856] in [0] : vector<16xf32>, vector<16xi32> -> vector<16xf32>
        %get3A_1858 = arith.index_cast %add3A_1853 : i32 to index
        %get3A_1859 = arith.constant 0 : index
        %get3A_1860 = tpu.vector_load %arg11[%get3A_1858, %get3A_1859] {strides = array<i32>} : memref<200x128xf32, #tpu.memory_space<vmem>>, vector<16xf32>,
        %mul3A_1861 = arith.mulf %gather3A_1857, %get3A_1860 : vector<16xf32>
        %add3A_1862 = arith.addf %add3A_1836, %mul3A_1861 : vector<16xf32>
        %get3A_1863 = arith.index_cast %add3A_1853 : i32 to index
        %get3A_1864 = arith.constant 16 : index
        %get3A_1865 = tpu.vector_load %arg11[%get3A_1863, %get3A_1864] {strides = array<i32>} : memref<200x128xf32, #tpu.memory_space<vmem>>, vector<16xf32>,
        %mul3A_1866 = arith.mulf %gather3A_1857, %get3A_1865 : vector<16xf32>
        %add3A_1867 = arith.addf %add3A_1841, %mul3A_1866 : vector<16xf32>
        %get3A_1868 = arith.index_cast %add3A_1853 : i32 to index
        %get3A_1869 = arith.constant 32 : index
        %get3A_1870 = tpu.vector_load %arg11[%get3A_1868, %get3A_1869] {strides = array<i32>} : memref<200x128xf32, #tpu.memory_space<vmem>>, vector<16xf32>,
        %mul3A_1871 = arith.mulf %gather3A_1857, %get3A_1870 : vector<16xf32>
        %add3A_1872 = arith.addf %add3A_1846, %mul3A_1871 : vector<16xf32>
        %get3A_1873 = arith.index_cast %add3A_1853 : i32 to index
        %get3A_1874 = arith.constant 48 : index
        %get3A_1875 = tpu.vector_load %arg11[%get3A_1873, %get3A_1874] {strides = array<i32>} : memref<200x128xf32, #tpu.memory_space<vmem>>, vector<16xf32>,
        %mul3A_1876 = arith.mulf %gather3A_1857, %get3A_1875 : vector<16xf32>
        %add3A_1877 = arith.addf %add3A_1851, %mul3A_1876 : vector<16xf32>
        %add3A_1878 = arith.constant 14 : i32
        %add3A_1879 = arith.addi %mul3A_1513, %add3A_1878 : i32
        %broadcast_in_dim3A_1880 = arith.constant 14 : i32
        %broadcast_in_dim3A_1881 = vector.broadcast %broadcast_in_dim3A_1880 : i32 to vector<16x1xi32>
        %gather3A_1882 = vector.shape_cast %broadcast_in_dim3A_1881 : vector<16x1xi32> to vector<16xi32>
        %gather3A_1883 = tpu.dynamic_gather %get3A_1511[%gather3A_1882] in [0] : vector<16xf32>, vector<16xi32> -> vector<16xf32>
        %get3A_1884 = arith.index_cast %add3A_1879 : i32 to index
        %get3A_1885 = arith.constant 0 : index
        %get3A_1886 = tpu.vector_load %arg11[%get3A_1884, %get3A_1885] {strides = array<i32>} : memref<200x128xf32, #tpu.memory_space<vmem>>, vector<16xf32>,
        %mul3A_1887 = arith.mulf %gather3A_1883, %get3A_1886 : vector<16xf32>
        %add3A_1888 = arith.addf %add3A_1862, %mul3A_1887 : vector<16xf32>
        %get3A_1889 = arith.index_cast %add3A_1879 : i32 to index
        %get3A_1890 = arith.constant 16 : index
        %get3A_1891 = tpu.vector_load %arg11[%get3A_1889, %get3A_1890] {strides = array<i32>} : memref<200x128xf32, #tpu.memory_space<vmem>>, vector<16xf32>,
        %mul3A_1892 = arith.mulf %gather3A_1883, %get3A_1891 : vector<16xf32>
        %add3A_1893 = arith.addf %add3A_1867, %mul3A_1892 : vector<16xf32>
        %get3A_1894 = arith.index_cast %add3A_1879 : i32 to index
        %get3A_1895 = arith.constant 32 : index
        %get3A_1896 = tpu.vector_load %arg11[%get3A_1894, %get3A_1895] {strides = array<i32>} : memref<200x128xf32, #tpu.memory_space<vmem>>, vector<16xf32>,
        %mul3A_1897 = arith.mulf %gather3A_1883, %get3A_1896 : vector<16xf32>
        %add3A_1898 = arith.addf %add3A_1872, %mul3A_1897 : vector<16xf32>
        %get3A_1899 = arith.index_cast %add3A_1879 : i32 to index
        %get3A_1900 = arith.constant 48 : index
        %get3A_1901 = tpu.vector_load %arg11[%get3A_1899, %get3A_1900] {strides = array<i32>} : memref<200x128xf32, #tpu.memory_space<vmem>>, vector<16xf32>,
        %mul3A_1902 = arith.mulf %gather3A_1883, %get3A_1901 : vector<16xf32>
        %add3A_1903 = arith.addf %add3A_1877, %mul3A_1902 : vector<16xf32>
        %add3A_1904 = arith.constant 15 : i32
        %add3A_1905 = arith.addi %mul3A_1513, %add3A_1904 : i32
        %broadcast_in_dim3A_1906 = arith.constant 15 : i32
        %broadcast_in_dim3A_1907 = vector.broadcast %broadcast_in_dim3A_1906 : i32 to vector<16x1xi32>
        %gather3A_1908 = vector.shape_cast %broadcast_in_dim3A_1907 : vector<16x1xi32> to vector<16xi32>
        %gather3A_1909 = tpu.dynamic_gather %get3A_1511[%gather3A_1908] in [0] : vector<16xf32>, vector<16xi32> -> vector<16xf32>
        %get3A_1910 = arith.index_cast %add3A_1905 : i32 to index
        %get3A_1911 = arith.constant 0 : index
        %get3A_1912 = tpu.vector_load %arg11[%get3A_1910, %get3A_1911] {strides = array<i32>} : memref<200x128xf32, #tpu.memory_space<vmem>>, vector<16xf32>,
        %mul3A_1913 = arith.mulf %gather3A_1909, %get3A_1912 : vector<16xf32>
        %add3A_1914 = arith.addf %add3A_1888, %mul3A_1913 : vector<16xf32>
        %get3A_1915 = arith.index_cast %add3A_1905 : i32 to index
        %get3A_1916 = arith.constant 16 : index
        %get3A_1917 = tpu.vector_load %arg11[%get3A_1915, %get3A_1916] {strides = array<i32>} : memref<200x128xf32, #tpu.memory_space<vmem>>, vector<16xf32>,
        %mul3A_1918 = arith.mulf %gather3A_1909, %get3A_1917 : vector<16xf32>
        %add3A_1919 = arith.addf %add3A_1893, %mul3A_1918 : vector<16xf32>
        %get3A_1920 = arith.index_cast %add3A_1905 : i32 to index
        %get3A_1921 = arith.constant 32 : index
        %get3A_1922 = tpu.vector_load %arg11[%get3A_1920, %get3A_1921] {strides = array<i32>} : memref<200x128xf32, #tpu.memory_space<vmem>>, vector<16xf32>,
        %mul3A_1923 = arith.mulf %gather3A_1909, %get3A_1922 : vector<16xf32>
        %add3A_1924 = arith.addf %add3A_1898, %mul3A_1923 : vector<16xf32>
        %get3A_1925 = arith.index_cast %add3A_1905 : i32 to index
        %get3A_1926 = arith.constant 48 : index
        %get3A_1927 = tpu.vector_load %arg11[%get3A_1925, %get3A_1926] {strides = array<i32>} : memref<200x128xf32, #tpu.memory_space<vmem>>, vector<16xf32>,
        %mul3A_1928 = arith.mulf %gather3A_1909, %get3A_1927 : vector<16xf32>
        %add3A_1929 = arith.addf %add3A_1903, %mul3A_1928 : vector<16xf32>
        scf.yield %add3A_1914, %add3A_1919, %add3A_1924, %add3A_1929 : vector<16xf32>, vector<16xf32>, vector<16xf32>, vector<16xf32>
      }
      %scan3A_941 = arith.constant 12 : i32
      %get3A_942 = arith.index_cast %add3A_909 : i32 to index
      %get3A_943 = arith.constant 184 : index
      %get3A_944 = tpu.vector_load %arg9[%get3A_942, %get3A_943] {strides = array<i32>} : memref<128x200xf32, #tpu.memory_space<vmem>>, vector<16xf32>,
      %broadcast_in_dim3A_945 = arith.constant 8 : i32
      %broadcast_in_dim3A_946 = vector.broadcast %broadcast_in_dim3A_945 : i32 to vector<16x1xi32>
      %gather3A_947 = vector.shape_cast %broadcast_in_dim3A_946 : vector<16x1xi32> to vector<16xi32>
      %gather3A_948 = tpu.dynamic_gather %get3A_944[%gather3A_947] in [0] : vector<16xf32>, vector<16xi32> -> vector<16xf32>
      %get3A_949 = arith.constant 192 : i32
      %get3A_950 = arith.index_cast %get3A_949 : i32 to index
      %get3A_951 = arith.constant 0 : index
      %get3A_952 = tpu.vector_load %arg11[%get3A_950, %get3A_951] {strides = array<i32>} : memref<200x128xf32, #tpu.memory_space<vmem>>, vector<16xf32>,
      %mul3A_953 = arith.mulf %gather3A_948, %get3A_952 : vector<16xf32>
      %add3A_954 = arith.addf %scan3A_940#0, %mul3A_953 : vector<16xf32>
      %get3A_955 = arith.constant 192 : i32
      %get3A_956 = arith.index_cast %get3A_955 : i32 to index
      %get3A_957 = arith.constant 16 : index
      %get3A_958 = tpu.vector_load %arg11[%get3A_956, %get3A_957] {strides = array<i32>} : memref<200x128xf32, #tpu.memory_space<vmem>>, vector<16xf32>,
      %mul3A_959 = arith.mulf %gather3A_948, %get3A_958 : vector<16xf32>
      %add3A_960 = arith.addf %scan3A_940#1, %mul3A_959 : vector<16xf32>
      %get3A_961 = arith.constant 192 : i32
      %get3A_962 = arith.index_cast %get3A_961 : i32 to index
      %get3A_963 = arith.constant 32 : index
      %get3A_964 = tpu.vector_load %arg11[%get3A_962, %get3A_963] {strides = array<i32>} : memref<200x128xf32, #tpu.memory_space<vmem>>, vector<16xf32>,
      %mul3A_965 = arith.mulf %gather3A_948, %get3A_964 : vector<16xf32>
      %add3A_966 = arith.addf %scan3A_940#2, %mul3A_965 : vector<16xf32>
      %get3A_967 = arith.constant 192 : i32
      %get3A_968 = arith.index_cast %get3A_967 : i32 to index
      %get3A_969 = arith.constant 48 : index
      %get3A_970 = tpu.vector_load %arg11[%get3A_968, %get3A_969] {strides = array<i32>} : memref<200x128xf32, #tpu.memory_space<vmem>>, vector<16xf32>,
      %mul3A_971 = arith.mulf %gather3A_948, %get3A_970 : vector<16xf32>
      %add3A_972 = arith.addf %scan3A_940#3, %mul3A_971 : vector<16xf32>
      %broadcast_in_dim3A_973 = arith.constant 9 : i32
      %broadcast_in_dim3A_974 = vector.broadcast %broadcast_in_dim3A_973 : i32 to vector<16x1xi32>
      %gather3A_975 = vector.shape_cast %broadcast_in_dim3A_974 : vector<16x1xi32> to vector<16xi32>
      %gather3A_976 = tpu.dynamic_gather %get3A_944[%gather3A_975] in [0] : vector<16xf32>, vector<16xi32> -> vector<16xf32>
      %get3A_977 = arith.constant 193 : i32
      %get3A_978 = arith.index_cast %get3A_977 : i32 to index
      %get3A_979 = arith.constant 0 : index
      %get3A_980 = tpu.vector_load %arg11[%get3A_978, %get3A_979] {strides = array<i32>} : memref<200x128xf32, #tpu.memory_space<vmem>>, vector<16xf32>,
      %mul3A_981 = arith.mulf %gather3A_976, %get3A_980 : vector<16xf32>
      %add3A_982 = arith.addf %add3A_954, %mul3A_981 : vector<16xf32>
      %get3A_983 = arith.constant 193 : i32
      %get3A_984 = arith.index_cast %get3A_983 : i32 to index
      %get3A_985 = arith.constant 16 : index
      %get3A_986 = tpu.vector_load %arg11[%get3A_984, %get3A_985] {strides = array<i32>} : memref<200x128xf32, #tpu.memory_space<vmem>>, vector<16xf32>,
      %mul3A_987 = arith.mulf %gather3A_976, %get3A_986 : vector<16xf32>
      %add3A_988 = arith.addf %add3A_960, %mul3A_987 : vector<16xf32>
      %get3A_989 = arith.constant 193 : i32
      %get3A_990 = arith.index_cast %get3A_989 : i32 to index
      %get3A_991 = arith.constant 32 : index
      %get3A_992 = tpu.vector_load %arg11[%get3A_990, %get3A_991] {strides = array<i32>} : memref<200x128xf32, #tpu.memory_space<vmem>>, vector<16xf32>,
      %mul3A_993 = arith.mulf %gather3A_976, %get3A_992 : vector<16xf32>
      %add3A_994 = arith.addf %add3A_966, %mul3A_993 : vector<16xf32>
      %get3A_995 = arith.constant 193 : i32
      %get3A_996 = arith.index_cast %get3A_995 : i32 to index
      %get3A_997 = arith.constant 48 : index
      %get3A_998 = tpu.vector_load %arg11[%get3A_996, %get3A_997] {strides = array<i32>} : memref<200x128xf32, #tpu.memory_space<vmem>>, vector<16xf32>,
      %mul3A_999 = arith.mulf %gather3A_976, %get3A_998 : vector<16xf32>
      %add3A_1000 = arith.addf %add3A_972, %mul3A_999 : vector<16xf32>
      %broadcast_in_dim3A_1001 = arith.constant 10 : i32
      %broadcast_in_dim3A_1002 = vector.broadcast %broadcast_in_dim3A_1001 : i32 to vector<16x1xi32>
      %gather3A_1003 = vector.shape_cast %broadcast_in_dim3A_1002 : vector<16x1xi32> to vector<16xi32>
      %gather3A_1004 = tpu.dynamic_gather %get3A_944[%gather3A_1003] in [0] : vector<16xf32>, vector<16xi32> -> vector<16xf32>
      %get3A_1005 = arith.constant 194 : i32
      %get3A_1006 = arith.index_cast %get3A_1005 : i32 to index
      %get3A_1007 = arith.constant 0 : index
      %get3A_1008 = tpu.vector_load %arg11[%get3A_1006, %get3A_1007] {strides = array<i32>} : memref<200x128xf32, #tpu.memory_space<vmem>>, vector<16xf32>,
      %mul3A_1009 = arith.mulf %gather3A_1004, %get3A_1008 : vector<16xf32>
      %add3A_1010 = arith.addf %add3A_982, %mul3A_1009 : vector<16xf32>
      %get3A_1011 = arith.constant 194 : i32
      %get3A_1012 = arith.index_cast %get3A_1011 : i32 to index
      %get3A_1013 = arith.constant 16 : index
      %get3A_1014 = tpu.vector_load %arg11[%get3A_1012, %get3A_1013] {strides = array<i32>} : memref<200x128xf32, #tpu.memory_space<vmem>>, vector<16xf32>,
      %mul3A_1015 = arith.mulf %gather3A_1004, %get3A_1014 : vector<16xf32>
      %add3A_1016 = arith.addf %add3A_988, %mul3A_1015 : vector<16xf32>
      %get3A_1017 = arith.constant 194 : i32
      %get3A_1018 = arith.index_cast %get3A_1017 : i32 to index
      %get3A_1019 = arith.constant 32 : index
      %get3A_1020 = tpu.vector_load %arg11[%get3A_1018, %get3A_1019] {strides = array<i32>} : memref<200x128xf32, #tpu.memory_space<vmem>>, vector<16xf32>,
      %mul3A_1021 = arith.mulf %gather3A_1004, %get3A_1020 : vector<16xf32>
      %add3A_1022 = arith.addf %add3A_994, %mul3A_1021 : vector<16xf32>
      %get3A_1023 = arith.constant 194 : i32
      %get3A_1024 = arith.index_cast %get3A_1023 : i32 to index
      %get3A_1025 = arith.constant 48 : index
      %get3A_1026 = tpu.vector_load %arg11[%get3A_1024, %get3A_1025] {strides = array<i32>} : memref<200x128xf32, #tpu.memory_space<vmem>>, vector<16xf32>,
      %mul3A_1027 = arith.mulf %gather3A_1004, %get3A_1026 : vector<16xf32>
      %add3A_1028 = arith.addf %add3A_1000, %mul3A_1027 : vector<16xf32>
      %broadcast_in_dim3A_1029 = arith.constant 11 : i32
      %broadcast_in_dim3A_1030 = vector.broadcast %broadcast_in_dim3A_1029 : i32 to vector<16x1xi32>
      %gather3A_1031 = vector.shape_cast %broadcast_in_dim3A_1030 : vector<16x1xi32> to vector<16xi32>
      %gather3A_1032 = tpu.dynamic_gather %get3A_944[%gather3A_1031] in [0] : vector<16xf32>, vector<16xi32> -> vector<16xf32>
      %get3A_1033 = arith.constant 195 : i32
      %get3A_1034 = arith.index_cast %get3A_1033 : i32 to index
      %get3A_1035 = arith.constant 0 : index
      %get3A_1036 = tpu.vector_load %arg11[%get3A_1034, %get3A_1035] {strides = array<i32>} : memref<200x128xf32, #tpu.memory_space<vmem>>, vector<16xf32>,
      %mul3A_1037 = arith.mulf %gather3A_1032, %get3A_1036 : vector<16xf32>
      %add3A_1038 = arith.addf %add3A_1010, %mul3A_1037 : vector<16xf32>
      %get3A_1039 = arith.constant 195 : i32
      %get3A_1040 = arith.index_cast %get3A_1039 : i32 to index
      %get3A_1041 = arith.constant 16 : index
      %get3A_1042 = tpu.vector_load %arg11[%get3A_1040, %get3A_1041] {strides = array<i32>} : memref<200x128xf32, #tpu.memory_space<vmem>>, vector<16xf32>,
      %mul3A_1043 = arith.mulf %gather3A_1032, %get3A_1042 : vector<16xf32>
      %add3A_1044 = arith.addf %add3A_1016, %mul3A_1043 : vector<16xf32>
      %get3A_1045 = arith.constant 195 : i32
      %get3A_1046 = arith.index_cast %get3A_1045 : i32 to index
      %get3A_1047 = arith.constant 32 : index
      %get3A_1048 = tpu.vector_load %arg11[%get3A_1046, %get3A_1047] {strides = array<i32>} : memref<200x128xf32, #tpu.memory_space<vmem>>, vector<16xf32>,
      %mul3A_1049 = arith.mulf %gather3A_1032, %get3A_1048 : vector<16xf32>
      %add3A_1050 = arith.addf %add3A_1022, %mul3A_1049 : vector<16xf32>
      %get3A_1051 = arith.constant 195 : i32
      %get3A_1052 = arith.index_cast %get3A_1051 : i32 to index
      %get3A_1053 = arith.constant 48 : index
      %get3A_1054 = tpu.vector_load %arg11[%get3A_1052, %get3A_1053] {strides = array<i32>} : memref<200x128xf32, #tpu.memory_space<vmem>>, vector<16xf32>,
      %mul3A_1055 = arith.mulf %gather3A_1032, %get3A_1054 : vector<16xf32>
      %add3A_1056 = arith.addf %add3A_1028, %mul3A_1055 : vector<16xf32>
      %broadcast_in_dim3A_1057 = arith.constant 12 : i32
      %broadcast_in_dim3A_1058 = vector.broadcast %broadcast_in_dim3A_1057 : i32 to vector<16x1xi32>
      %gather3A_1059 = vector.shape_cast %broadcast_in_dim3A_1058 : vector<16x1xi32> to vector<16xi32>
      %gather3A_1060 = tpu.dynamic_gather %get3A_944[%gather3A_1059] in [0] : vector<16xf32>, vector<16xi32> -> vector<16xf32>
      %get3A_1061 = arith.constant 196 : i32
      %get3A_1062 = arith.index_cast %get3A_1061 : i32 to index
      %get3A_1063 = arith.constant 0 : index
      %get3A_1064 = tpu.vector_load %arg11[%get3A_1062, %get3A_1063] {strides = array<i32>} : memref<200x128xf32, #tpu.memory_space<vmem>>, vector<16xf32>,
      %mul3A_1065 = arith.mulf %gather3A_1060, %get3A_1064 : vector<16xf32>
      %add3A_1066 = arith.addf %add3A_1038, %mul3A_1065 : vector<16xf32>
      %get3A_1067 = arith.constant 196 : i32
      %get3A_1068 = arith.index_cast %get3A_1067 : i32 to index
      %get3A_1069 = arith.constant 16 : index
      %get3A_1070 = tpu.vector_load %arg11[%get3A_1068, %get3A_1069] {strides = array<i32>} : memref<200x128xf32, #tpu.memory_space<vmem>>, vector<16xf32>,
      %mul3A_1071 = arith.mulf %gather3A_1060, %get3A_1070 : vector<16xf32>
      %add3A_1072 = arith.addf %add3A_1044, %mul3A_1071 : vector<16xf32>
      %get3A_1073 = arith.constant 196 : i32
      %get3A_1074 = arith.index_cast %get3A_1073 : i32 to index
      %get3A_1075 = arith.constant 32 : index
      %get3A_1076 = tpu.vector_load %arg11[%get3A_1074, %get3A_1075] {strides = array<i32>} : memref<200x128xf32, #tpu.memory_space<vmem>>, vector<16xf32>,
      %mul3A_1077 = arith.mulf %gather3A_1060, %get3A_1076 : vector<16xf32>
      %add3A_1078 = arith.addf %add3A_1050, %mul3A_1077 : vector<16xf32>
      %get3A_1079 = arith.constant 196 : i32
      %get3A_1080 = arith.index_cast %get3A_1079 : i32 to index
      %get3A_1081 = arith.constant 48 : index
      %get3A_1082 = tpu.vector_load %arg11[%get3A_1080, %get3A_1081] {strides = array<i32>} : memref<200x128xf32, #tpu.memory_space<vmem>>, vector<16xf32>,
      %mul3A_1083 = arith.mulf %gather3A_1060, %get3A_1082 : vector<16xf32>
      %add3A_1084 = arith.addf %add3A_1056, %mul3A_1083 : vector<16xf32>
      %broadcast_in_dim3A_1085 = arith.constant 13 : i32
      %broadcast_in_dim3A_1086 = vector.broadcast %broadcast_in_dim3A_1085 : i32 to vector<16x1xi32>
      %gather3A_1087 = vector.shape_cast %broadcast_in_dim3A_1086 : vector<16x1xi32> to vector<16xi32>
      %gather3A_1088 = tpu.dynamic_gather %get3A_944[%gather3A_1087] in [0] : vector<16xf32>, vector<16xi32> -> vector<16xf32>
      %get3A_1089 = arith.constant 197 : i32
      %get3A_1090 = arith.index_cast %get3A_1089 : i32 to index
      %get3A_1091 = arith.constant 0 : index
      %get3A_1092 = tpu.vector_load %arg11[%get3A_1090, %get3A_1091] {strides = array<i32>} : memref<200x128xf32, #tpu.memory_space<vmem>>, vector<16xf32>,
      %mul3A_1093 = arith.mulf %gather3A_1088, %get3A_1092 : vector<16xf32>
      %add3A_1094 = arith.addf %add3A_1066, %mul3A_1093 : vector<16xf32>
      %get3A_1095 = arith.constant 197 : i32
      %get3A_1096 = arith.index_cast %get3A_1095 : i32 to index
      %get3A_1097 = arith.constant 16 : index
      %get3A_1098 = tpu.vector_load %arg11[%get3A_1096, %get3A_1097] {strides = array<i32>} : memref<200x128xf32, #tpu.memory_space<vmem>>, vector<16xf32>,
      %mul3A_1099 = arith.mulf %gather3A_1088, %get3A_1098 : vector<16xf32>
      %add3A_1100 = arith.addf %add3A_1072, %mul3A_1099 : vector<16xf32>
      %get3A_1101 = arith.constant 197 : i32
      %get3A_1102 = arith.index_cast %get3A_1101 : i32 to index
      %get3A_1103 = arith.constant 32 : index
      %get3A_1104 = tpu.vector_load %arg11[%get3A_1102, %get3A_1103] {strides = array<i32>} : memref<200x128xf32, #tpu.memory_space<vmem>>, vector<16xf32>,
      %mul3A_1105 = arith.mulf %gather3A_1088, %get3A_1104 : vector<16xf32>
      %add3A_1106 = arith.addf %add3A_1078, %mul3A_1105 : vector<16xf32>
      %get3A_1107 = arith.constant 197 : i32
      %get3A_1108 = arith.index_cast %get3A_1107 : i32 to index
      %get3A_1109 = arith.constant 48 : index
      %get3A_1110 = tpu.vector_load %arg11[%get3A_1108, %get3A_1109] {strides = array<i32>} : memref<200x128xf32, #tpu.memory_space<vmem>>, vector<16xf32>,
      %mul3A_1111 = arith.mulf %gather3A_1088, %get3A_1110 : vector<16xf32>
      %add3A_1112 = arith.addf %add3A_1084, %mul3A_1111 : vector<16xf32>
      %broadcast_in_dim3A_1113 = arith.constant 14 : i32
      %broadcast_in_dim3A_1114 = vector.broadcast %broadcast_in_dim3A_1113 : i32 to vector<16x1xi32>
      %gather3A_1115 = vector.shape_cast %broadcast_in_dim3A_1114 : vector<16x1xi32> to vector<16xi32>
      %gather3A_1116 = tpu.dynamic_gather %get3A_944[%gather3A_1115] in [0] : vector<16xf32>, vector<16xi32> -> vector<16xf32>
      %get3A_1117 = arith.constant 198 : i32
      %get3A_1118 = arith.index_cast %get3A_1117 : i32 to index
      %get3A_1119 = arith.constant 0 : index
      %get3A_1120 = tpu.vector_load %arg11[%get3A_1118, %get3A_1119] {strides = array<i32>} : memref<200x128xf32, #tpu.memory_space<vmem>>, vector<16xf32>,
      %mul3A_1121 = arith.mulf %gather3A_1116, %get3A_1120 : vector<16xf32>
      %add3A_1122 = arith.addf %add3A_1094, %mul3A_1121 : vector<16xf32>
      %get3A_1123 = arith.constant 198 : i32
      %get3A_1124 = arith.index_cast %get3A_1123 : i32 to index
      %get3A_1125 = arith.constant 16 : index
      %get3A_1126 = tpu.vector_load %arg11[%get3A_1124, %get3A_1125] {strides = array<i32>} : memref<200x128xf32, #tpu.memory_space<vmem>>, vector<16xf32>,
      %mul3A_1127 = arith.mulf %gather3A_1116, %get3A_1126 : vector<16xf32>
      %add3A_1128 = arith.addf %add3A_1100, %mul3A_1127 : vector<16xf32>
      %get3A_1129 = arith.constant 198 : i32
      %get3A_1130 = arith.index_cast %get3A_1129 : i32 to index
      %get3A_1131 = arith.constant 32 : index
      %get3A_1132 = tpu.vector_load %arg11[%get3A_1130, %get3A_1131] {strides = array<i32>} : memref<200x128xf32, #tpu.memory_space<vmem>>, vector<16xf32>,
      %mul3A_1133 = arith.mulf %gather3A_1116, %get3A_1132 : vector<16xf32>
      %add3A_1134 = arith.addf %add3A_1106, %mul3A_1133 : vector<16xf32>
      %get3A_1135 = arith.constant 198 : i32
      %get3A_1136 = arith.index_cast %get3A_1135 : i32 to index
      %get3A_1137 = arith.constant 48 : index
      %get3A_1138 = tpu.vector_load %arg11[%get3A_1136, %get3A_1137] {strides = array<i32>} : memref<200x128xf32, #tpu.memory_space<vmem>>, vector<16xf32>,
      %mul3A_1139 = arith.mulf %gather3A_1116, %get3A_1138 : vector<16xf32>
      %add3A_1140 = arith.addf %add3A_1112, %mul3A_1139 : vector<16xf32>
      %broadcast_in_dim3A_1141 = arith.constant 15 : i32
      %broadcast_in_dim3A_1142 = vector.broadcast %broadcast_in_dim3A_1141 : i32 to vector<16x1xi32>
      %gather3A_1143 = vector.shape_cast %broadcast_in_dim3A_1142 : vector<16x1xi32> to vector<16xi32>
      %gather3A_1144 = tpu.dynamic_gather %get3A_944[%gather3A_1143] in [0] : vector<16xf32>, vector<16xi32> -> vector<16xf32>
      %get3A_1145 = arith.constant 199 : i32
      %get3A_1146 = arith.index_cast %get3A_1145 : i32 to index
      %get3A_1147 = arith.constant 0 : index
      %get3A_1148 = tpu.vector_load %arg11[%get3A_1146, %get3A_1147] {strides = array<i32>} : memref<200x128xf32, #tpu.memory_space<vmem>>, vector<16xf32>,
      %mul3A_1149 = arith.mulf %gather3A_1144, %get3A_1148 : vector<16xf32>
      %add3A_1150 = arith.addf %add3A_1122, %mul3A_1149 : vector<16xf32>
      %get3A_1151 = arith.constant 199 : i32
      %get3A_1152 = arith.index_cast %get3A_1151 : i32 to index
      %get3A_1153 = arith.constant 16 : index
      %get3A_1154 = tpu.vector_load %arg11[%get3A_1152, %get3A_1153] {strides = array<i32>} : memref<200x128xf32, #tpu.memory_space<vmem>>, vector<16xf32>,
      %mul3A_1155 = arith.mulf %gather3A_1144, %get3A_1154 : vector<16xf32>
      %add3A_1156 = arith.addf %add3A_1128, %mul3A_1155 : vector<16xf32>
      %get3A_1157 = arith.constant 199 : i32
      %get3A_1158 = arith.index_cast %get3A_1157 : i32 to index
      %get3A_1159 = arith.constant 32 : index
      %get3A_1160 = tpu.vector_load %arg11[%get3A_1158, %get3A_1159] {strides = array<i32>} : memref<200x128xf32, #tpu.memory_space<vmem>>, vector<16xf32>,
      %mul3A_1161 = arith.mulf %gather3A_1144, %get3A_1160 : vector<16xf32>
      %add3A_1162 = arith.addf %add3A_1134, %mul3A_1161 : vector<16xf32>
      %get3A_1163 = arith.constant 199 : i32
      %get3A_1164 = arith.index_cast %get3A_1163 : i32 to index
      %get3A_1165 = arith.constant 48 : index
      %get3A_1166 = tpu.vector_load %arg11[%get3A_1164, %get3A_1165] {strides = array<i32>} : memref<200x128xf32, #tpu.memory_space<vmem>>, vector<16xf32>,
      %mul3A_1167 = arith.mulf %gather3A_1144, %get3A_1166 : vector<16xf32>
      %add3A_1168 = arith.addf %add3A_1140, %mul3A_1167 : vector<16xf32>
      %bitcast3A_1169 = vector.bitcast %add3A_1150 : vector<16xf32> to vector<16xi32>
      %swap3A_1170 = arith.index_cast %add3A_909 : i32 to index
      %swap3A_1171 = arith.constant 0 : index
      %swap3A_1172 = tpu.vector_load %arg8[%swap3A_1170, %swap3A_1171] {strides = array<i32>} : memref<128x200xi32, #tpu.memory_space<vmem>>, vector<16xi32>,
      tpu.vector_store %arg8[%swap3A_1170, %swap3A_1171], %bitcast3A_1169 {strides = array<i32>} : memref<128x200xi32, #tpu.memory_space<vmem>>, vector<16xi32>,
      %bitcast3A_1173 = vector.bitcast %add3A_1156 : vector<16xf32> to vector<16xi32>
      %swap3A_1174 = arith.index_cast %add3A_909 : i32 to index
      %swap3A_1175 = arith.constant 16 : index
      %swap3A_1176 = tpu.vector_load %arg8[%swap3A_1174, %swap3A_1175] {strides = array<i32>} : memref<128x200xi32, #tpu.memory_space<vmem>>, vector<16xi32>,
      tpu.vector_store %arg8[%swap3A_1174, %swap3A_1175], %bitcast3A_1173 {strides = array<i32>} : memref<128x200xi32, #tpu.memory_space<vmem>>, vector<16xi32>,
      %bitcast3A_1177 = vector.bitcast %add3A_1162 : vector<16xf32> to vector<16xi32>
      %swap3A_1178 = arith.index_cast %add3A_909 : i32 to index
      %swap3A_1179 = arith.constant 32 : index
      %swap3A_1180 = tpu.vector_load %arg8[%swap3A_1178, %swap3A_1179] {strides = array<i32>} : memref<128x200xi32, #tpu.memory_space<vmem>>, vector<16xi32>,
      tpu.vector_store %arg8[%swap3A_1178, %swap3A_1179], %bitcast3A_1177 {strides = array<i32>} : memref<128x200xi32, #tpu.memory_space<vmem>>, vector<16xi32>,
      %bitcast3A_1181 = vector.bitcast %add3A_1168 : vector<16xf32> to vector<16xi32>
      %swap3A_1182 = arith.index_cast %add3A_909 : i32 to index
      %swap3A_1183 = arith.constant 48 : index
      %swap3A_1184 = tpu.vector_load %arg8[%swap3A_1182, %swap3A_1183] {strides = array<i32>} : memref<128x200xi32, #tpu.memory_space<vmem>>, vector<16xi32>,
      tpu.vector_store %arg8[%swap3A_1182, %swap3A_1183], %bitcast3A_1181 {strides = array<i32>} : memref<128x200xi32, #tpu.memory_space<vmem>>, vector<16xi32>,
      %add3A_1185 = arith.constant 2 : i32
      %add3A_1186 = arith.addi %add3A_909, %add3A_1185 : i32
      %dma_start3A_1187 = arith.constant 0 : i32
      %dma_start3A_1188 = arith.constant 0 : i32
      %dma_start3A_1189 = tpu.memref_slice %arg10[%dma_start3A_1187, %dma_start3A_1188] : memref<200x128xf32, #tpu.memory_space<vmem>> -> memref<128x128xf32, #tpu.memory_space<vmem>>
      %dma_start3A_1190 = arith.constant 0 : i32
      %dma_start3A_1191 = tpu.memref_slice %arg8[%add3A_1186, %dma_start3A_1190] : memref<128x200xi32, #tpu.memory_space<vmem>> -> memref<1x128xi32, #tpu.memory_space<vmem>>
      %dma_start3A_1192 = tpu.memref_squeeze %dma_start3A_1191 : memref<1x128xi32, #tpu.memory_space<vmem>> -> memref<128xi32, #tpu.memory_space<vmem>>
      %dma_start3A_1193 = arith.constant 0 : i32
      %dma_start3A_1194 = arith.constant 0 : i32
      %dma_start3A_1195 = tpu.memref_slice %arg5[%dma_start3A_1193, %dma_start3A_1194] : memref<1000000x128xf32, #tpu.memory_space<hbm>> -> memref<1000000x128xf32, #tpu.memory_space<hbm>>
      tpu.enqueue_indirect_dma source(%dma_start3A_1195 : memref<1000000x128xf32, #tpu.memory_space<hbm>>) target(%dma_start3A_1189 : memref<128x128xf32, #tpu.memory_space<vmem>>) offsets(%dma_start3A_1192 : memref<128xi32, #tpu.memory_space<vmem>>) semaphore(%arg14 : memref<!tpu.dma_semaphore, #tpu.memory_space<semaphore_mem>>)
      %dma_start3A_1196 = arith.constant 128 : i32
      %dma_start3A_1197 = arith.constant 0 : i32
      %dma_start3A_1198 = tpu.memref_slice %arg10[%dma_start3A_1196, %dma_start3A_1197] : memref<200x128xf32, #tpu.memory_space<vmem>> -> memref<72x128xf32, #tpu.memory_space<vmem>>
      %dma_start3A_1199 = arith.constant 128 : i32
      %dma_start3A_1200 = tpu.memref_slice %arg8[%add3A_1186, %dma_start3A_1199] : memref<128x200xi32, #tpu.memory_space<vmem>> -> memref<1x72xi32, #tpu.memory_space<vmem>>
      %dma_start3A_1201 = tpu.memref_squeeze %dma_start3A_1200 : memref<1x72xi32, #tpu.memory_space<vmem>> -> memref<72xi32, #tpu.memory_space<vmem>>
      %dma_start3A_1202 = arith.constant 0 : i32
      %dma_start3A_1203 = arith.constant 0 : i32
      %dma_start3A_1204 = tpu.memref_slice %arg5[%dma_start3A_1202, %dma_start3A_1203] : memref<1000000x128xf32, #tpu.memory_space<hbm>> -> memref<1000000x128xf32, #tpu.memory_space<hbm>>
      tpu.enqueue_indirect_dma source(%dma_start3A_1204 : memref<1000000x128xf32, #tpu.memory_space<hbm>>) target(%dma_start3A_1198 : memref<72x128xf32, #tpu.memory_space<vmem>>) offsets(%dma_start3A_1201 : memref<72xi32, #tpu.memory_space<vmem>>) semaphore(%arg14 : memref<!tpu.dma_semaphore, #tpu.memory_space<semaphore_mem>>)
      %add3A_1205 = arith.constant 2 : i32
      %add3A_1206 = arith.addi %mul3A_610, %add3A_1205 : i32
      %dma_wait3A_1207 = arith.constant 0 : i32
      %dma_wait3A_1208 = arith.constant 0 : i32
      %dma_wait3A_1209 = tpu.memref_slice %arg12[%dma_wait3A_1207, %dma_wait3A_1208] : memref<200x128xf32, #tpu.memory_space<vmem>> -> memref<128x128xf32, #tpu.memory_space<vmem>>
      %dma_wait3A_1210 = arith.constant 0 : i32
      %dma_wait3A_1211 = tpu.memref_slice %arg8[%add3A_1206, %dma_wait3A_1210] : memref<128x200xi32, #tpu.memory_space<vmem>> -> memref<1x128xi32, #tpu.memory_space<vmem>>
      %dma_wait3A_1212 = tpu.memref_squeeze %dma_wait3A_1211 : memref<1x128xi32, #tpu.memory_space<vmem>> -> memref<128xi32, #tpu.memory_space<vmem>>
      %dma_wait3A_1213 = arith.constant 0 : i32
      %dma_wait3A_1214 = arith.constant 0 : i32
      %dma_wait3A_1215 = tpu.memref_slice %arg5[%dma_wait3A_1213, %dma_wait3A_1214] : memref<1000000x128xf32, #tpu.memory_space<hbm>> -> memref<1000000x128xf32, #tpu.memory_space<hbm>>
      tpu.wait_indirect_dma semaphore(%arg16 : memref<!tpu.dma_semaphore, #tpu.memory_space<semaphore_mem>>) src(%dma_wait3A_1215 : memref<1000000x128xf32, #tpu.memory_space<hbm>>) dst(%dma_wait3A_1209 : memref<128x128xf32, #tpu.memory_space<vmem>>)
      %dma_wait3A_1216 = arith.constant 128 : i32
      %dma_wait3A_1217 = arith.constant 0 : i32
      %dma_wait3A_1218 = tpu.memref_slice %arg12[%dma_wait3A_1216, %dma_wait3A_1217] : memref<200x128xf32, #tpu.memory_space<vmem>> -> memref<72x128xf32, #tpu.memory_space<vmem>>
      %dma_wait3A_1219 = arith.constant 128 : i32
      %dma_wait3A_1220 = tpu.memref_slice %arg8[%add3A_1206, %dma_wait3A_1219] : memref<128x200xi32, #tpu.memory_space<vmem>> -> memref<1x72xi32, #tpu.memory_space<vmem>>
      %dma_wait3A_1221 = tpu.memref_squeeze %dma_wait3A_1220 : memref<1x72xi32, #tpu.memory_space<vmem>> -> memref<72xi32, #tpu.memory_space<vmem>>
      %dma_wait3A_1222 = arith.constant 0 : i32
      %dma_wait3A_1223 = arith.constant 0 : i32
      %dma_wait3A_1224 = tpu.memref_slice %arg5[%dma_wait3A_1222, %dma_wait3A_1223] : memref<1000000x128xf32, #tpu.memory_space<hbm>> -> memref<1000000x128xf32, #tpu.memory_space<hbm>>
      tpu.wait_indirect_dma semaphore(%arg16 : memref<!tpu.dma_semaphore, #tpu.memory_space<semaphore_mem>>) src(%dma_wait3A_1224 : memref<1000000x128xf32, #tpu.memory_space<hbm>>) dst(%dma_wait3A_1218 : memref<72x128xf32, #tpu.memory_space<vmem>>)
      %broadcast_in_dim3A_1225 = arith.constant 0.000000e+00 : f32
      %broadcast_in_dim3A_1226 = vector.broadcast %broadcast_in_dim3A_1225 : f32 to vector<16xf32>
      %broadcast_in_dim3A_1227 = arith.constant 0.000000e+00 : f32
      %broadcast_in_dim3A_1228 = vector.broadcast %broadcast_in_dim3A_1227 : f32 to vector<16xf32>
      %broadcast_in_dim3A_1229 = arith.constant 0.000000e+00 : f32
      %broadcast_in_dim3A_1230 = vector.broadcast %broadcast_in_dim3A_1229 : f32 to vector<16xf32>
      %broadcast_in_dim3A_1231 = arith.constant 0.000000e+00 : f32
      %broadcast_in_dim3A_1232 = vector.broadcast %broadcast_in_dim3A_1231 : f32 to vector<16xf32>
      %scan3A_1233 = arith.constant 0 : i32
      %scan3A_1234 = arith.constant 12 : i32
      %scan3A_1235 = arith.addi %scan3A_1233, %scan3A_1234 : i32
      %scan3A_1236 = arith.constant 1 : i32
      %scan3A_1237:4 = scf.for %scan3A_1502 = %scan3A_1233 to %scan3A_1235 step %scan3A_1236 iter_args(%scan3A_1503 = %broadcast_in_dim3A_1226, %scan3A_1504 = %broadcast_in_dim3A_1228, %scan3A_1505 = %broadcast_in_dim3A_1230, %scan3A_1506 = %broadcast_in_dim3A_1232) -> (vector<16xf32>, vector<16xf32>, vector<16xf32>, vector<16xf32>)  : i32 {
        %mul3A_1507 = arith.constant 16 : i32
        %mul3A_1508 = arith.muli %scan3A_1502, %mul3A_1507 : i32
        %get3A_1509 = arith.index_cast %add3A_1206 : i32 to index
        %get3A_1510 = arith.index_cast %mul3A_1508 : i32 to index
        %get3A_1511 = tpu.vector_load %arg9[%get3A_1509, %get3A_1510] {strides = array<i32>} : memref<128x200xf32, #tpu.memory_space<vmem>>, vector<16xf32>,
        %mul3A_1512 = arith.constant 16 : i32
        %mul3A_1513 = arith.muli %scan3A_1502, %mul3A_1512 : i32
        %add3A_1514 = arith.constant 0 : i32
        %add3A_1515 = arith.addi %mul3A_1513, %add3A_1514 : i32
        %broadcast_in_dim3A_1516 = arith.constant 0 : i32
        %broadcast_in_dim3A_1517 = vector.broadcast %broadcast_in_dim3A_1516 : i32 to vector<16x1xi32>
        %gather3A_1518 = vector.shape_cast %broadcast_in_dim3A_1517 : vector<16x1xi32> to vector<16xi32>
        %gather3A_1519 = tpu.dynamic_gather %get3A_1511[%gather3A_1518] in [0] : vector<16xf32>, vector<16xi32> -> vector<16xf32>
        %get3A_1520 = arith.index_cast %add3A_1515 : i32 to index
        %get3A_1521 = arith.constant 0 : index
        %get3A_1522 = tpu.vector_load %arg12[%get3A_1520, %get3A_1521] {strides = array<i32>} : memref<200x128xf32, #tpu.memory_space<vmem>>, vector<16xf32>,
        %mul3A_1523 = arith.mulf %gather3A_1519, %get3A_1522 : vector<16xf32>
        %add3A_1524 = arith.addf %scan3A_1503, %mul3A_1523 : vector<16xf32>
        %get3A_1525 = arith.index_cast %add3A_1515 : i32 to index
        %get3A_1526 = arith.constant 16 : index
        %get3A_1527 = tpu.vector_load %arg12[%get3A_1525, %get3A_1526] {strides = array<i32>} : memref<200x128xf32, #tpu.memory_space<vmem>>, vector<16xf32>,
        %mul3A_1528 = arith.mulf %gather3A_1519, %get3A_1527 : vector<16xf32>
        %add3A_1529 = arith.addf %scan3A_1504, %mul3A_1528 : vector<16xf32>
        %get3A_1530 = arith.index_cast %add3A_1515 : i32 to index
        %get3A_1531 = arith.constant 32 : index
        %get3A_1532 = tpu.vector_load %arg12[%get3A_1530, %get3A_1531] {strides = array<i32>} : memref<200x128xf32, #tpu.memory_space<vmem>>, vector<16xf32>,
        %mul3A_1533 = arith.mulf %gather3A_1519, %get3A_1532 : vector<16xf32>
        %add3A_1534 = arith.addf %scan3A_1505, %mul3A_1533 : vector<16xf32>
        %get3A_1535 = arith.index_cast %add3A_1515 : i32 to index
        %get3A_1536 = arith.constant 48 : index
        %get3A_1537 = tpu.vector_load %arg12[%get3A_1535, %get3A_1536] {strides = array<i32>} : memref<200x128xf32, #tpu.memory_space<vmem>>, vector<16xf32>,
        %mul3A_1538 = arith.mulf %gather3A_1519, %get3A_1537 : vector<16xf32>
        %add3A_1539 = arith.addf %scan3A_1506, %mul3A_1538 : vector<16xf32>
        %add3A_1540 = arith.constant 1 : i32
        %add3A_1541 = arith.addi %mul3A_1513, %add3A_1540 : i32
        %broadcast_in_dim3A_1542 = arith.constant 1 : i32
        %broadcast_in_dim3A_1543 = vector.broadcast %broadcast_in_dim3A_1542 : i32 to vector<16x1xi32>
        %gather3A_1544 = vector.shape_cast %broadcast_in_dim3A_1543 : vector<16x1xi32> to vector<16xi32>
        %gather3A_1545 = tpu.dynamic_gather %get3A_1511[%gather3A_1544] in [0] : vector<16xf32>, vector<16xi32> -> vector<16xf32>
        %get3A_1546 = arith.index_cast %add3A_1541 : i32 to index
        %get3A_1547 = arith.constant 0 : index
        %get3A_1548 = tpu.vector_load %arg12[%get3A_1546, %get3A_1547] {strides = array<i32>} : memref<200x128xf32, #tpu.memory_space<vmem>>, vector<16xf32>,
        %mul3A_1549 = arith.mulf %gather3A_1545, %get3A_1548 : vector<16xf32>
        %add3A_1550 = arith.addf %add3A_1524, %mul3A_1549 : vector<16xf32>
        %get3A_1551 = arith.index_cast %add3A_1541 : i32 to index
        %get3A_1552 = arith.constant 16 : index
        %get3A_1553 = tpu.vector_load %arg12[%get3A_1551, %get3A_1552] {strides = array<i32>} : memref<200x128xf32, #tpu.memory_space<vmem>>, vector<16xf32>,
        %mul3A_1554 = arith.mulf %gather3A_1545, %get3A_1553 : vector<16xf32>
        %add3A_1555 = arith.addf %add3A_1529, %mul3A_1554 : vector<16xf32>
        %get3A_1556 = arith.index_cast %add3A_1541 : i32 to index
        %get3A_1557 = arith.constant 32 : index
        %get3A_1558 = tpu.vector_load %arg12[%get3A_1556, %get3A_1557] {strides = array<i32>} : memref<200x128xf32, #tpu.memory_space<vmem>>, vector<16xf32>,
        %mul3A_1559 = arith.mulf %gather3A_1545, %get3A_1558 : vector<16xf32>
        %add3A_1560 = arith.addf %add3A_1534, %mul3A_1559 : vector<16xf32>
        %get3A_1561 = arith.index_cast %add3A_1541 : i32 to index
        %get3A_1562 = arith.constant 48 : index
        %get3A_1563 = tpu.vector_load %arg12[%get3A_1561, %get3A_1562] {strides = array<i32>} : memref<200x128xf32, #tpu.memory_space<vmem>>, vector<16xf32>,
        %mul3A_1564 = arith.mulf %gather3A_1545, %get3A_1563 : vector<16xf32>
        %add3A_1565 = arith.addf %add3A_1539, %mul3A_1564 : vector<16xf32>
        %add3A_1566 = arith.constant 2 : i32
        %add3A_1567 = arith.addi %mul3A_1513, %add3A_1566 : i32
        %broadcast_in_dim3A_1568 = arith.constant 2 : i32
        %broadcast_in_dim3A_1569 = vector.broadcast %broadcast_in_dim3A_1568 : i32 to vector<16x1xi32>
        %gather3A_1570 = vector.shape_cast %broadcast_in_dim3A_1569 : vector<16x1xi32> to vector<16xi32>
        %gather3A_1571 = tpu.dynamic_gather %get3A_1511[%gather3A_1570] in [0] : vector<16xf32>, vector<16xi32> -> vector<16xf32>
        %get3A_1572 = arith.index_cast %add3A_1567 : i32 to index
        %get3A_1573 = arith.constant 0 : index
        %get3A_1574 = tpu.vector_load %arg12[%get3A_1572, %get3A_1573] {strides = array<i32>} : memref<200x128xf32, #tpu.memory_space<vmem>>, vector<16xf32>,
        %mul3A_1575 = arith.mulf %gather3A_1571, %get3A_1574 : vector<16xf32>
        %add3A_1576 = arith.addf %add3A_1550, %mul3A_1575 : vector<16xf32>
        %get3A_1577 = arith.index_cast %add3A_1567 : i32 to index
        %get3A_1578 = arith.constant 16 : index
        %get3A_1579 = tpu.vector_load %arg12[%get3A_1577, %get3A_1578] {strides = array<i32>} : memref<200x128xf32, #tpu.memory_space<vmem>>, vector<16xf32>,
        %mul3A_1580 = arith.mulf %gather3A_1571, %get3A_1579 : vector<16xf32>
        %add3A_1581 = arith.addf %add3A_1555, %mul3A_1580 : vector<16xf32>
        %get3A_1582 = arith.index_cast %add3A_1567 : i32 to index
        %get3A_1583 = arith.constant 32 : index
        %get3A_1584 = tpu.vector_load %arg12[%get3A_1582, %get3A_1583] {strides = array<i32>} : memref<200x128xf32, #tpu.memory_space<vmem>>, vector<16xf32>,
        %mul3A_1585 = arith.mulf %gather3A_1571, %get3A_1584 : vector<16xf32>
        %add3A_1586 = arith.addf %add3A_1560, %mul3A_1585 : vector<16xf32>
        %get3A_1587 = arith.index_cast %add3A_1567 : i32 to index
        %get3A_1588 = arith.constant 48 : index
        %get3A_1589 = tpu.vector_load %arg12[%get3A_1587, %get3A_1588] {strides = array<i32>} : memref<200x128xf32, #tpu.memory_space<vmem>>, vector<16xf32>,
        %mul3A_1590 = arith.mulf %gather3A_1571, %get3A_1589 : vector<16xf32>
        %add3A_1591 = arith.addf %add3A_1565, %mul3A_1590 : vector<16xf32>
        %add3A_1592 = arith.constant 3 : i32
        %add3A_1593 = arith.addi %mul3A_1513, %add3A_1592 : i32
        %broadcast_in_dim3A_1594 = arith.constant 3 : i32
        %broadcast_in_dim3A_1595 = vector.broadcast %broadcast_in_dim3A_1594 : i32 to vector<16x1xi32>
        %gather3A_1596 = vector.shape_cast %broadcast_in_dim3A_1595 : vector<16x1xi32> to vector<16xi32>
        %gather3A_1597 = tpu.dynamic_gather %get3A_1511[%gather3A_1596] in [0] : vector<16xf32>, vector<16xi32> -> vector<16xf32>
        %get3A_1598 = arith.index_cast %add3A_1593 : i32 to index
        %get3A_1599 = arith.constant 0 : index
        %get3A_1600 = tpu.vector_load %arg12[%get3A_1598, %get3A_1599] {strides = array<i32>} : memref<200x128xf32, #tpu.memory_space<vmem>>, vector<16xf32>,
        %mul3A_1601 = arith.mulf %gather3A_1597, %get3A_1600 : vector<16xf32>
        %add3A_1602 = arith.addf %add3A_1576, %mul3A_1601 : vector<16xf32>
        %get3A_1603 = arith.index_cast %add3A_1593 : i32 to index
        %get3A_1604 = arith.constant 16 : index
        %get3A_1605 = tpu.vector_load %arg12[%get3A_1603, %get3A_1604] {strides = array<i32>} : memref<200x128xf32, #tpu.memory_space<vmem>>, vector<16xf32>,
        %mul3A_1606 = arith.mulf %gather3A_1597, %get3A_1605 : vector<16xf32>
        %add3A_1607 = arith.addf %add3A_1581, %mul3A_1606 : vector<16xf32>
        %get3A_1608 = arith.index_cast %add3A_1593 : i32 to index
        %get3A_1609 = arith.constant 32 : index
        %get3A_1610 = tpu.vector_load %arg12[%get3A_1608, %get3A_1609] {strides = array<i32>} : memref<200x128xf32, #tpu.memory_space<vmem>>, vector<16xf32>,
        %mul3A_1611 = arith.mulf %gather3A_1597, %get3A_1610 : vector<16xf32>
        %add3A_1612 = arith.addf %add3A_1586, %mul3A_1611 : vector<16xf32>
        %get3A_1613 = arith.index_cast %add3A_1593 : i32 to index
        %get3A_1614 = arith.constant 48 : index
        %get3A_1615 = tpu.vector_load %arg12[%get3A_1613, %get3A_1614] {strides = array<i32>} : memref<200x128xf32, #tpu.memory_space<vmem>>, vector<16xf32>,
        %mul3A_1616 = arith.mulf %gather3A_1597, %get3A_1615 : vector<16xf32>
        %add3A_1617 = arith.addf %add3A_1591, %mul3A_1616 : vector<16xf32>
        %add3A_1618 = arith.constant 4 : i32
        %add3A_1619 = arith.addi %mul3A_1513, %add3A_1618 : i32
        %broadcast_in_dim3A_1620 = arith.constant 4 : i32
        %broadcast_in_dim3A_1621 = vector.broadcast %broadcast_in_dim3A_1620 : i32 to vector<16x1xi32>
        %gather3A_1622 = vector.shape_cast %broadcast_in_dim3A_1621 : vector<16x1xi32> to vector<16xi32>
        %gather3A_1623 = tpu.dynamic_gather %get3A_1511[%gather3A_1622] in [0] : vector<16xf32>, vector<16xi32> -> vector<16xf32>
        %get3A_1624 = arith.index_cast %add3A_1619 : i32 to index
        %get3A_1625 = arith.constant 0 : index
        %get3A_1626 = tpu.vector_load %arg12[%get3A_1624, %get3A_1625] {strides = array<i32>} : memref<200x128xf32, #tpu.memory_space<vmem>>, vector<16xf32>,
        %mul3A_1627 = arith.mulf %gather3A_1623, %get3A_1626 : vector<16xf32>
        %add3A_1628 = arith.addf %add3A_1602, %mul3A_1627 : vector<16xf32>
        %get3A_1629 = arith.index_cast %add3A_1619 : i32 to index
        %get3A_1630 = arith.constant 16 : index
        %get3A_1631 = tpu.vector_load %arg12[%get3A_1629, %get3A_1630] {strides = array<i32>} : memref<200x128xf32, #tpu.memory_space<vmem>>, vector<16xf32>,
        %mul3A_1632 = arith.mulf %gather3A_1623, %get3A_1631 : vector<16xf32>
        %add3A_1633 = arith.addf %add3A_1607, %mul3A_1632 : vector<16xf32>
        %get3A_1634 = arith.index_cast %add3A_1619 : i32 to index
        %get3A_1635 = arith.constant 32 : index
        %get3A_1636 = tpu.vector_load %arg12[%get3A_1634, %get3A_1635] {strides = array<i32>} : memref<200x128xf32, #tpu.memory_space<vmem>>, vector<16xf32>,
        %mul3A_1637 = arith.mulf %gather3A_1623, %get3A_1636 : vector<16xf32>
        %add3A_1638 = arith.addf %add3A_1612, %mul3A_1637 : vector<16xf32>
        %get3A_1639 = arith.index_cast %add3A_1619 : i32 to index
        %get3A_1640 = arith.constant 48 : index
        %get3A_1641 = tpu.vector_load %arg12[%get3A_1639, %get3A_1640] {strides = array<i32>} : memref<200x128xf32, #tpu.memory_space<vmem>>, vector<16xf32>,
        %mul3A_1642 = arith.mulf %gather3A_1623, %get3A_1641 : vector<16xf32>
        %add3A_1643 = arith.addf %add3A_1617, %mul3A_1642 : vector<16xf32>
        %add3A_1644 = arith.constant 5 : i32
        %add3A_1645 = arith.addi %mul3A_1513, %add3A_1644 : i32
        %broadcast_in_dim3A_1646 = arith.constant 5 : i32
        %broadcast_in_dim3A_1647 = vector.broadcast %broadcast_in_dim3A_1646 : i32 to vector<16x1xi32>
        %gather3A_1648 = vector.shape_cast %broadcast_in_dim3A_1647 : vector<16x1xi32> to vector<16xi32>
        %gather3A_1649 = tpu.dynamic_gather %get3A_1511[%gather3A_1648] in [0] : vector<16xf32>, vector<16xi32> -> vector<16xf32>
        %get3A_1650 = arith.index_cast %add3A_1645 : i32 to index
        %get3A_1651 = arith.constant 0 : index
        %get3A_1652 = tpu.vector_load %arg12[%get3A_1650, %get3A_1651] {strides = array<i32>} : memref<200x128xf32, #tpu.memory_space<vmem>>, vector<16xf32>,
        %mul3A_1653 = arith.mulf %gather3A_1649, %get3A_1652 : vector<16xf32>
        %add3A_1654 = arith.addf %add3A_1628, %mul3A_1653 : vector<16xf32>
        %get3A_1655 = arith.index_cast %add3A_1645 : i32 to index
        %get3A_1656 = arith.constant 16 : index
        %get3A_1657 = tpu.vector_load %arg12[%get3A_1655, %get3A_1656] {strides = array<i32>} : memref<200x128xf32, #tpu.memory_space<vmem>>, vector<16xf32>,
        %mul3A_1658 = arith.mulf %gather3A_1649, %get3A_1657 : vector<16xf32>
        %add3A_1659 = arith.addf %add3A_1633, %mul3A_1658 : vector<16xf32>
        %get3A_1660 = arith.index_cast %add3A_1645 : i32 to index
        %get3A_1661 = arith.constant 32 : index
        %get3A_1662 = tpu.vector_load %arg12[%get3A_1660, %get3A_1661] {strides = array<i32>} : memref<200x128xf32, #tpu.memory_space<vmem>>, vector<16xf32>,
        %mul3A_1663 = arith.mulf %gather3A_1649, %get3A_1662 : vector<16xf32>
        %add3A_1664 = arith.addf %add3A_1638, %mul3A_1663 : vector<16xf32>
        %get3A_1665 = arith.index_cast %add3A_1645 : i32 to index
        %get3A_1666 = arith.constant 48 : index
        %get3A_1667 = tpu.vector_load %arg12[%get3A_1665, %get3A_1666] {strides = array<i32>} : memref<200x128xf32, #tpu.memory_space<vmem>>, vector<16xf32>,
        %mul3A_1668 = arith.mulf %gather3A_1649, %get3A_1667 : vector<16xf32>
        %add3A_1669 = arith.addf %add3A_1643, %mul3A_1668 : vector<16xf32>
        %add3A_1670 = arith.constant 6 : i32
        %add3A_1671 = arith.addi %mul3A_1513, %add3A_1670 : i32
        %broadcast_in_dim3A_1672 = arith.constant 6 : i32
        %broadcast_in_dim3A_1673 = vector.broadcast %broadcast_in_dim3A_1672 : i32 to vector<16x1xi32>
        %gather3A_1674 = vector.shape_cast %broadcast_in_dim3A_1673 : vector<16x1xi32> to vector<16xi32>
        %gather3A_1675 = tpu.dynamic_gather %get3A_1511[%gather3A_1674] in [0] : vector<16xf32>, vector<16xi32> -> vector<16xf32>
        %get3A_1676 = arith.index_cast %add3A_1671 : i32 to index
        %get3A_1677 = arith.constant 0 : index
        %get3A_1678 = tpu.vector_load %arg12[%get3A_1676, %get3A_1677] {strides = array<i32>} : memref<200x128xf32, #tpu.memory_space<vmem>>, vector<16xf32>,
        %mul3A_1679 = arith.mulf %gather3A_1675, %get3A_1678 : vector<16xf32>
        %add3A_1680 = arith.addf %add3A_1654, %mul3A_1679 : vector<16xf32>
        %get3A_1681 = arith.index_cast %add3A_1671 : i32 to index
        %get3A_1682 = arith.constant 16 : index
        %get3A_1683 = tpu.vector_load %arg12[%get3A_1681, %get3A_1682] {strides = array<i32>} : memref<200x128xf32, #tpu.memory_space<vmem>>, vector<16xf32>,
        %mul3A_1684 = arith.mulf %gather3A_1675, %get3A_1683 : vector<16xf32>
        %add3A_1685 = arith.addf %add3A_1659, %mul3A_1684 : vector<16xf32>
        %get3A_1686 = arith.index_cast %add3A_1671 : i32 to index
        %get3A_1687 = arith.constant 32 : index
        %get3A_1688 = tpu.vector_load %arg12[%get3A_1686, %get3A_1687] {strides = array<i32>} : memref<200x128xf32, #tpu.memory_space<vmem>>, vector<16xf32>,
        %mul3A_1689 = arith.mulf %gather3A_1675, %get3A_1688 : vector<16xf32>
        %add3A_1690 = arith.addf %add3A_1664, %mul3A_1689 : vector<16xf32>
        %get3A_1691 = arith.index_cast %add3A_1671 : i32 to index
        %get3A_1692 = arith.constant 48 : index
        %get3A_1693 = tpu.vector_load %arg12[%get3A_1691, %get3A_1692] {strides = array<i32>} : memref<200x128xf32, #tpu.memory_space<vmem>>, vector<16xf32>,
        %mul3A_1694 = arith.mulf %gather3A_1675, %get3A_1693 : vector<16xf32>
        %add3A_1695 = arith.addf %add3A_1669, %mul3A_1694 : vector<16xf32>
        %add3A_1696 = arith.constant 7 : i32
        %add3A_1697 = arith.addi %mul3A_1513, %add3A_1696 : i32
        %broadcast_in_dim3A_1698 = arith.constant 7 : i32
        %broadcast_in_dim3A_1699 = vector.broadcast %broadcast_in_dim3A_1698 : i32 to vector<16x1xi32>
        %gather3A_1700 = vector.shape_cast %broadcast_in_dim3A_1699 : vector<16x1xi32> to vector<16xi32>
        %gather3A_1701 = tpu.dynamic_gather %get3A_1511[%gather3A_1700] in [0] : vector<16xf32>, vector<16xi32> -> vector<16xf32>
        %get3A_1702 = arith.index_cast %add3A_1697 : i32 to index
        %get3A_1703 = arith.constant 0 : index
        %get3A_1704 = tpu.vector_load %arg12[%get3A_1702, %get3A_1703] {strides = array<i32>} : memref<200x128xf32, #tpu.memory_space<vmem>>, vector<16xf32>,
        %mul3A_1705 = arith.mulf %gather3A_1701, %get3A_1704 : vector<16xf32>
        %add3A_1706 = arith.addf %add3A_1680, %mul3A_1705 : vector<16xf32>
        %get3A_1707 = arith.index_cast %add3A_1697 : i32 to index
        %get3A_1708 = arith.constant 16 : index
        %get3A_1709 = tpu.vector_load %arg12[%get3A_1707, %get3A_1708] {strides = array<i32>} : memref<200x128xf32, #tpu.memory_space<vmem>>, vector<16xf32>,
        %mul3A_1710 = arith.mulf %gather3A_1701, %get3A_1709 : vector<16xf32>
        %add3A_1711 = arith.addf %add3A_1685, %mul3A_1710 : vector<16xf32>
        %get3A_1712 = arith.index_cast %add3A_1697 : i32 to index
        %get3A_1713 = arith.constant 32 : index
        %get3A_1714 = tpu.vector_load %arg12[%get3A_1712, %get3A_1713] {strides = array<i32>} : memref<200x128xf32, #tpu.memory_space<vmem>>, vector<16xf32>,
        %mul3A_1715 = arith.mulf %gather3A_1701, %get3A_1714 : vector<16xf32>
        %add3A_1716 = arith.addf %add3A_1690, %mul3A_1715 : vector<16xf32>
        %get3A_1717 = arith.index_cast %add3A_1697 : i32 to index
        %get3A_1718 = arith.constant 48 : index
        %get3A_1719 = tpu.vector_load %arg12[%get3A_1717, %get3A_1718] {strides = array<i32>} : memref<200x128xf32, #tpu.memory_space<vmem>>, vector<16xf32>,
        %mul3A_1720 = arith.mulf %gather3A_1701, %get3A_1719 : vector<16xf32>
        %add3A_1721 = arith.addf %add3A_1695, %mul3A_1720 : vector<16xf32>
        %add3A_1722 = arith.constant 8 : i32
        %add3A_1723 = arith.addi %mul3A_1513, %add3A_1722 : i32
        %broadcast_in_dim3A_1724 = arith.constant 8 : i32
        %broadcast_in_dim3A_1725 = vector.broadcast %broadcast_in_dim3A_1724 : i32 to vector<16x1xi32>
        %gather3A_1726 = vector.shape_cast %broadcast_in_dim3A_1725 : vector<16x1xi32> to vector<16xi32>
        %gather3A_1727 = tpu.dynamic_gather %get3A_1511[%gather3A_1726] in [0] : vector<16xf32>, vector<16xi32> -> vector<16xf32>
        %get3A_1728 = arith.index_cast %add3A_1723 : i32 to index
        %get3A_1729 = arith.constant 0 : index
        %get3A_1730 = tpu.vector_load %arg12[%get3A_1728, %get3A_1729] {strides = array<i32>} : memref<200x128xf32, #tpu.memory_space<vmem>>, vector<16xf32>,
        %mul3A_1731 = arith.mulf %gather3A_1727, %get3A_1730 : vector<16xf32>
        %add3A_1732 = arith.addf %add3A_1706, %mul3A_1731 : vector<16xf32>
        %get3A_1733 = arith.index_cast %add3A_1723 : i32 to index
        %get3A_1734 = arith.constant 16 : index
        %get3A_1735 = tpu.vector_load %arg12[%get3A_1733, %get3A_1734] {strides = array<i32>} : memref<200x128xf32, #tpu.memory_space<vmem>>, vector<16xf32>,
        %mul3A_1736 = arith.mulf %gather3A_1727, %get3A_1735 : vector<16xf32>
        %add3A_1737 = arith.addf %add3A_1711, %mul3A_1736 : vector<16xf32>
        %get3A_1738 = arith.index_cast %add3A_1723 : i32 to index
        %get3A_1739 = arith.constant 32 : index
        %get3A_1740 = tpu.vector_load %arg12[%get3A_1738, %get3A_1739] {strides = array<i32>} : memref<200x128xf32, #tpu.memory_space<vmem>>, vector<16xf32>,
        %mul3A_1741 = arith.mulf %gather3A_1727, %get3A_1740 : vector<16xf32>
        %add3A_1742 = arith.addf %add3A_1716, %mul3A_1741 : vector<16xf32>
        %get3A_1743 = arith.index_cast %add3A_1723 : i32 to index
        %get3A_1744 = arith.constant 48 : index
        %get3A_1745 = tpu.vector_load %arg12[%get3A_1743, %get3A_1744] {strides = array<i32>} : memref<200x128xf32, #tpu.memory_space<vmem>>, vector<16xf32>,
        %mul3A_1746 = arith.mulf %gather3A_1727, %get3A_1745 : vector<16xf32>
        %add3A_1747 = arith.addf %add3A_1721, %mul3A_1746 : vector<16xf32>
        %add3A_1748 = arith.constant 9 : i32
        %add3A_1749 = arith.addi %mul3A_1513, %add3A_1748 : i32
        %broadcast_in_dim3A_1750 = arith.constant 9 : i32
        %broadcast_in_dim3A_1751 = vector.broadcast %broadcast_in_dim3A_1750 : i32 to vector<16x1xi32>
        %gather3A_1752 = vector.shape_cast %broadcast_in_dim3A_1751 : vector<16x1xi32> to vector<16xi32>
        %gather3A_1753 = tpu.dynamic_gather %get3A_1511[%gather3A_1752] in [0] : vector<16xf32>, vector<16xi32> -> vector<16xf32>
        %get3A_1754 = arith.index_cast %add3A_1749 : i32 to index
        %get3A_1755 = arith.constant 0 : index
        %get3A_1756 = tpu.vector_load %arg12[%get3A_1754, %get3A_1755] {strides = array<i32>} : memref<200x128xf32, #tpu.memory_space<vmem>>, vector<16xf32>,
        %mul3A_1757 = arith.mulf %gather3A_1753, %get3A_1756 : vector<16xf32>
        %add3A_1758 = arith.addf %add3A_1732, %mul3A_1757 : vector<16xf32>
        %get3A_1759 = arith.index_cast %add3A_1749 : i32 to index
        %get3A_1760 = arith.constant 16 : index
        %get3A_1761 = tpu.vector_load %arg12[%get3A_1759, %get3A_1760] {strides = array<i32>} : memref<200x128xf32, #tpu.memory_space<vmem>>, vector<16xf32>,
        %mul3A_1762 = arith.mulf %gather3A_1753, %get3A_1761 : vector<16xf32>
        %add3A_1763 = arith.addf %add3A_1737, %mul3A_1762 : vector<16xf32>
        %get3A_1764 = arith.index_cast %add3A_1749 : i32 to index
        %get3A_1765 = arith.constant 32 : index
        %get3A_1766 = tpu.vector_load %arg12[%get3A_1764, %get3A_1765] {strides = array<i32>} : memref<200x128xf32, #tpu.memory_space<vmem>>, vector<16xf32>,
        %mul3A_1767 = arith.mulf %gather3A_1753, %get3A_1766 : vector<16xf32>
        %add3A_1768 = arith.addf %add3A_1742, %mul3A_1767 : vector<16xf32>
        %get3A_1769 = arith.index_cast %add3A_1749 : i32 to index
        %get3A_1770 = arith.constant 48 : index
        %get3A_1771 = tpu.vector_load %arg12[%get3A_1769, %get3A_1770] {strides = array<i32>} : memref<200x128xf32, #tpu.memory_space<vmem>>, vector<16xf32>,
        %mul3A_1772 = arith.mulf %gather3A_1753, %get3A_1771 : vector<16xf32>
        %add3A_1773 = arith.addf %add3A_1747, %mul3A_1772 : vector<16xf32>
        %add3A_1774 = arith.constant 10 : i32
        %add3A_1775 = arith.addi %mul3A_1513, %add3A_1774 : i32
        %broadcast_in_dim3A_1776 = arith.constant 10 : i32
        %broadcast_in_dim3A_1777 = vector.broadcast %broadcast_in_dim3A_1776 : i32 to vector<16x1xi32>
        %gather3A_1778 = vector.shape_cast %broadcast_in_dim3A_1777 : vector<16x1xi32> to vector<16xi32>
        %gather3A_1779 = tpu.dynamic_gather %get3A_1511[%gather3A_1778] in [0] : vector<16xf32>, vector<16xi32> -> vector<16xf32>
        %get3A_1780 = arith.index_cast %add3A_1775 : i32 to index
        %get3A_1781 = arith.constant 0 : index
        %get3A_1782 = tpu.vector_load %arg12[%get3A_1780, %get3A_1781] {strides = array<i32>} : memref<200x128xf32, #tpu.memory_space<vmem>>, vector<16xf32>,
        %mul3A_1783 = arith.mulf %gather3A_1779, %get3A_1782 : vector<16xf32>
        %add3A_1784 = arith.addf %add3A_1758, %mul3A_1783 : vector<16xf32>
        %get3A_1785 = arith.index_cast %add3A_1775 : i32 to index
        %get3A_1786 = arith.constant 16 : index
        %get3A_1787 = tpu.vector_load %arg12[%get3A_1785, %get3A_1786] {strides = array<i32>} : memref<200x128xf32, #tpu.memory_space<vmem>>, vector<16xf32>,
        %mul3A_1788 = arith.mulf %gather3A_1779, %get3A_1787 : vector<16xf32>
        %add3A_1789 = arith.addf %add3A_1763, %mul3A_1788 : vector<16xf32>
        %get3A_1790 = arith.index_cast %add3A_1775 : i32 to index
        %get3A_1791 = arith.constant 32 : index
        %get3A_1792 = tpu.vector_load %arg12[%get3A_1790, %get3A_1791] {strides = array<i32>} : memref<200x128xf32, #tpu.memory_space<vmem>>, vector<16xf32>,
        %mul3A_1793 = arith.mulf %gather3A_1779, %get3A_1792 : vector<16xf32>
        %add3A_1794 = arith.addf %add3A_1768, %mul3A_1793 : vector<16xf32>
        %get3A_1795 = arith.index_cast %add3A_1775 : i32 to index
        %get3A_1796 = arith.constant 48 : index
        %get3A_1797 = tpu.vector_load %arg12[%get3A_1795, %get3A_1796] {strides = array<i32>} : memref<200x128xf32, #tpu.memory_space<vmem>>, vector<16xf32>,
        %mul3A_1798 = arith.mulf %gather3A_1779, %get3A_1797 : vector<16xf32>
        %add3A_1799 = arith.addf %add3A_1773, %mul3A_1798 : vector<16xf32>
        %add3A_1800 = arith.constant 11 : i32
        %add3A_1801 = arith.addi %mul3A_1513, %add3A_1800 : i32
        %broadcast_in_dim3A_1802 = arith.constant 11 : i32
        %broadcast_in_dim3A_1803 = vector.broadcast %broadcast_in_dim3A_1802 : i32 to vector<16x1xi32>
        %gather3A_1804 = vector.shape_cast %broadcast_in_dim3A_1803 : vector<16x1xi32> to vector<16xi32>
        %gather3A_1805 = tpu.dynamic_gather %get3A_1511[%gather3A_1804] in [0] : vector<16xf32>, vector<16xi32> -> vector<16xf32>
        %get3A_1806 = arith.index_cast %add3A_1801 : i32 to index
        %get3A_1807 = arith.constant 0 : index
        %get3A_1808 = tpu.vector_load %arg12[%get3A_1806, %get3A_1807] {strides = array<i32>} : memref<200x128xf32, #tpu.memory_space<vmem>>, vector<16xf32>,
        %mul3A_1809 = arith.mulf %gather3A_1805, %get3A_1808 : vector<16xf32>
        %add3A_1810 = arith.addf %add3A_1784, %mul3A_1809 : vector<16xf32>
        %get3A_1811 = arith.index_cast %add3A_1801 : i32 to index
        %get3A_1812 = arith.constant 16 : index
        %get3A_1813 = tpu.vector_load %arg12[%get3A_1811, %get3A_1812] {strides = array<i32>} : memref<200x128xf32, #tpu.memory_space<vmem>>, vector<16xf32>,
        %mul3A_1814 = arith.mulf %gather3A_1805, %get3A_1813 : vector<16xf32>
        %add3A_1815 = arith.addf %add3A_1789, %mul3A_1814 : vector<16xf32>
        %get3A_1816 = arith.index_cast %add3A_1801 : i32 to index
        %get3A_1817 = arith.constant 32 : index
        %get3A_1818 = tpu.vector_load %arg12[%get3A_1816, %get3A_1817] {strides = array<i32>} : memref<200x128xf32, #tpu.memory_space<vmem>>, vector<16xf32>,
        %mul3A_1819 = arith.mulf %gather3A_1805, %get3A_1818 : vector<16xf32>
        %add3A_1820 = arith.addf %add3A_1794, %mul3A_1819 : vector<16xf32>
        %get3A_1821 = arith.index_cast %add3A_1801 : i32 to index
        %get3A_1822 = arith.constant 48 : index
        %get3A_1823 = tpu.vector_load %arg12[%get3A_1821, %get3A_1822] {strides = array<i32>} : memref<200x128xf32, #tpu.memory_space<vmem>>, vector<16xf32>,
        %mul3A_1824 = arith.mulf %gather3A_1805, %get3A_1823 : vector<16xf32>
        %add3A_1825 = arith.addf %add3A_1799, %mul3A_1824 : vector<16xf32>
        %add3A_1826 = arith.constant 12 : i32
        %add3A_1827 = arith.addi %mul3A_1513, %add3A_1826 : i32
        %broadcast_in_dim3A_1828 = arith.constant 12 : i32
        %broadcast_in_dim3A_1829 = vector.broadcast %broadcast_in_dim3A_1828 : i32 to vector<16x1xi32>
        %gather3A_1830 = vector.shape_cast %broadcast_in_dim3A_1829 : vector<16x1xi32> to vector<16xi32>
        %gather3A_1831 = tpu.dynamic_gather %get3A_1511[%gather3A_1830] in [0] : vector<16xf32>, vector<16xi32> -> vector<16xf32>
        %get3A_1832 = arith.index_cast %add3A_1827 : i32 to index
        %get3A_1833 = arith.constant 0 : index
        %get3A_1834 = tpu.vector_load %arg12[%get3A_1832, %get3A_1833] {strides = array<i32>} : memref<200x128xf32, #tpu.memory_space<vmem>>, vector<16xf32>,
        %mul3A_1835 = arith.mulf %gather3A_1831, %get3A_1834 : vector<16xf32>
        %add3A_1836 = arith.addf %add3A_1810, %mul3A_1835 : vector<16xf32>
        %get3A_1837 = arith.index_cast %add3A_1827 : i32 to index
        %get3A_1838 = arith.constant 16 : index
        %get3A_1839 = tpu.vector_load %arg12[%get3A_1837, %get3A_1838] {strides = array<i32>} : memref<200x128xf32, #tpu.memory_space<vmem>>, vector<16xf32>,
        %mul3A_1840 = arith.mulf %gather3A_1831, %get3A_1839 : vector<16xf32>
        %add3A_1841 = arith.addf %add3A_1815, %mul3A_1840 : vector<16xf32>
        %get3A_1842 = arith.index_cast %add3A_1827 : i32 to index
        %get3A_1843 = arith.constant 32 : index
        %get3A_1844 = tpu.vector_load %arg12[%get3A_1842, %get3A_1843] {strides = array<i32>} : memref<200x128xf32, #tpu.memory_space<vmem>>, vector<16xf32>,
        %mul3A_1845 = arith.mulf %gather3A_1831, %get3A_1844 : vector<16xf32>
        %add3A_1846 = arith.addf %add3A_1820, %mul3A_1845 : vector<16xf32>
        %get3A_1847 = arith.index_cast %add3A_1827 : i32 to index
        %get3A_1848 = arith.constant 48 : index
        %get3A_1849 = tpu.vector_load %arg12[%get3A_1847, %get3A_1848] {strides = array<i32>} : memref<200x128xf32, #tpu.memory_space<vmem>>, vector<16xf32>,
        %mul3A_1850 = arith.mulf %gather3A_1831, %get3A_1849 : vector<16xf32>
        %add3A_1851 = arith.addf %add3A_1825, %mul3A_1850 : vector<16xf32>
        %add3A_1852 = arith.constant 13 : i32
        %add3A_1853 = arith.addi %mul3A_1513, %add3A_1852 : i32
        %broadcast_in_dim3A_1854 = arith.constant 13 : i32
        %broadcast_in_dim3A_1855 = vector.broadcast %broadcast_in_dim3A_1854 : i32 to vector<16x1xi32>
        %gather3A_1856 = vector.shape_cast %broadcast_in_dim3A_1855 : vector<16x1xi32> to vector<16xi32>
        %gather3A_1857 = tpu.dynamic_gather %get3A_1511[%gather3A_1856] in [0] : vector<16xf32>, vector<16xi32> -> vector<16xf32>
        %get3A_1858 = arith.index_cast %add3A_1853 : i32 to index
        %get3A_1859 = arith.constant 0 : index
        %get3A_1860 = tpu.vector_load %arg12[%get3A_1858, %get3A_1859] {strides = array<i32>} : memref<200x128xf32, #tpu.memory_space<vmem>>, vector<16xf32>,
        %mul3A_1861 = arith.mulf %gather3A_1857, %get3A_1860 : vector<16xf32>
        %add3A_1862 = arith.addf %add3A_1836, %mul3A_1861 : vector<16xf32>
        %get3A_1863 = arith.index_cast %add3A_1853 : i32 to index
        %get3A_1864 = arith.constant 16 : index
        %get3A_1865 = tpu.vector_load %arg12[%get3A_1863, %get3A_1864] {strides = array<i32>} : memref<200x128xf32, #tpu.memory_space<vmem>>, vector<16xf32>,
        %mul3A_1866 = arith.mulf %gather3A_1857, %get3A_1865 : vector<16xf32>
        %add3A_1867 = arith.addf %add3A_1841, %mul3A_1866 : vector<16xf32>
        %get3A_1868 = arith.index_cast %add3A_1853 : i32 to index
        %get3A_1869 = arith.constant 32 : index
        %get3A_1870 = tpu.vector_load %arg12[%get3A_1868, %get3A_1869] {strides = array<i32>} : memref<200x128xf32, #tpu.memory_space<vmem>>, vector<16xf32>,
        %mul3A_1871 = arith.mulf %gather3A_1857, %get3A_1870 : vector<16xf32>
        %add3A_1872 = arith.addf %add3A_1846, %mul3A_1871 : vector<16xf32>
        %get3A_1873 = arith.index_cast %add3A_1853 : i32 to index
        %get3A_1874 = arith.constant 48 : index
        %get3A_1875 = tpu.vector_load %arg12[%get3A_1873, %get3A_1874] {strides = array<i32>} : memref<200x128xf32, #tpu.memory_space<vmem>>, vector<16xf32>,
        %mul3A_1876 = arith.mulf %gather3A_1857, %get3A_1875 : vector<16xf32>
        %add3A_1877 = arith.addf %add3A_1851, %mul3A_1876 : vector<16xf32>
        %add3A_1878 = arith.constant 14 : i32
        %add3A_1879 = arith.addi %mul3A_1513, %add3A_1878 : i32
        %broadcast_in_dim3A_1880 = arith.constant 14 : i32
        %broadcast_in_dim3A_1881 = vector.broadcast %broadcast_in_dim3A_1880 : i32 to vector<16x1xi32>
        %gather3A_1882 = vector.shape_cast %broadcast_in_dim3A_1881 : vector<16x1xi32> to vector<16xi32>
        %gather3A_1883 = tpu.dynamic_gather %get3A_1511[%gather3A_1882] in [0] : vector<16xf32>, vector<16xi32> -> vector<16xf32>
        %get3A_1884 = arith.index_cast %add3A_1879 : i32 to index
        %get3A_1885 = arith.constant 0 : index
        %get3A_1886 = tpu.vector_load %arg12[%get3A_1884, %get3A_1885] {strides = array<i32>} : memref<200x128xf32, #tpu.memory_space<vmem>>, vector<16xf32>,
        %mul3A_1887 = arith.mulf %gather3A_1883, %get3A_1886 : vector<16xf32>
        %add3A_1888 = arith.addf %add3A_1862, %mul3A_1887 : vector<16xf32>
        %get3A_1889 = arith.index_cast %add3A_1879 : i32 to index
        %get3A_1890 = arith.constant 16 : index
        %get3A_1891 = tpu.vector_load %arg12[%get3A_1889, %get3A_1890] {strides = array<i32>} : memref<200x128xf32, #tpu.memory_space<vmem>>, vector<16xf32>,
        %mul3A_1892 = arith.mulf %gather3A_1883, %get3A_1891 : vector<16xf32>
        %add3A_1893 = arith.addf %add3A_1867, %mul3A_1892 : vector<16xf32>
        %get3A_1894 = arith.index_cast %add3A_1879 : i32 to index
        %get3A_1895 = arith.constant 32 : index
        %get3A_1896 = tpu.vector_load %arg12[%get3A_1894, %get3A_1895] {strides = array<i32>} : memref<200x128xf32, #tpu.memory_space<vmem>>, vector<16xf32>,
        %mul3A_1897 = arith.mulf %gather3A_1883, %get3A_1896 : vector<16xf32>
        %add3A_1898 = arith.addf %add3A_1872, %mul3A_1897 : vector<16xf32>
        %get3A_1899 = arith.index_cast %add3A_1879 : i32 to index
        %get3A_1900 = arith.constant 48 : index
        %get3A_1901 = tpu.vector_load %arg12[%get3A_1899, %get3A_1900] {strides = array<i32>} : memref<200x128xf32, #tpu.memory_space<vmem>>, vector<16xf32>,
        %mul3A_1902 = arith.mulf %gather3A_1883, %get3A_1901 : vector<16xf32>
        %add3A_1903 = arith.addf %add3A_1877, %mul3A_1902 : vector<16xf32>
        %add3A_1904 = arith.constant 15 : i32
        %add3A_1905 = arith.addi %mul3A_1513, %add3A_1904 : i32
        %broadcast_in_dim3A_1906 = arith.constant 15 : i32
        %broadcast_in_dim3A_1907 = vector.broadcast %broadcast_in_dim3A_1906 : i32 to vector<16x1xi32>
        %gather3A_1908 = vector.shape_cast %broadcast_in_dim3A_1907 : vector<16x1xi32> to vector<16xi32>
        %gather3A_1909 = tpu.dynamic_gather %get3A_1511[%gather3A_1908] in [0] : vector<16xf32>, vector<16xi32> -> vector<16xf32>
        %get3A_1910 = arith.index_cast %add3A_1905 : i32 to index
        %get3A_1911 = arith.constant 0 : index
        %get3A_1912 = tpu.vector_load %arg12[%get3A_1910, %get3A_1911] {strides = array<i32>} : memref<200x128xf32, #tpu.memory_space<vmem>>, vector<16xf32>,
        %mul3A_1913 = arith.mulf %gather3A_1909, %get3A_1912 : vector<16xf32>
        %add3A_1914 = arith.addf %add3A_1888, %mul3A_1913 : vector<16xf32>
        %get3A_1915 = arith.index_cast %add3A_1905 : i32 to index
        %get3A_1916 = arith.constant 16 : index
        %get3A_1917 = tpu.vector_load %arg12[%get3A_1915, %get3A_1916] {strides = array<i32>} : memref<200x128xf32, #tpu.memory_space<vmem>>, vector<16xf32>,
        %mul3A_1918 = arith.mulf %gather3A_1909, %get3A_1917 : vector<16xf32>
        %add3A_1919 = arith.addf %add3A_1893, %mul3A_1918 : vector<16xf32>
        %get3A_1920 = arith.index_cast %add3A_1905 : i32 to index
        %get3A_1921 = arith.constant 32 : index
        %get3A_1922 = tpu.vector_load %arg12[%get3A_1920, %get3A_1921] {strides = array<i32>} : memref<200x128xf32, #tpu.memory_space<vmem>>, vector<16xf32>,
        %mul3A_1923 = arith.mulf %gather3A_1909, %get3A_1922 : vector<16xf32>
        %add3A_1924 = arith.addf %add3A_1898, %mul3A_1923 : vector<16xf32>
        %get3A_1925 = arith.index_cast %add3A_1905 : i32 to index
        %get3A_1926 = arith.constant 48 : index
        %get3A_1927 = tpu.vector_load %arg12[%get3A_1925, %get3A_1926] {strides = array<i32>} : memref<200x128xf32, #tpu.memory_space<vmem>>, vector<16xf32>,
        %mul3A_1928 = arith.mulf %gather3A_1909, %get3A_1927 : vector<16xf32>
        %add3A_1929 = arith.addf %add3A_1903, %mul3A_1928 : vector<16xf32>
        scf.yield %add3A_1914, %add3A_1919, %add3A_1924, %add3A_1929 : vector<16xf32>, vector<16xf32>, vector<16xf32>, vector<16xf32>
      }
      %scan3A_1238 = arith.constant 12 : i32
      %get3A_1239 = arith.index_cast %add3A_1206 : i32 to index
      %get3A_1240 = arith.constant 184 : index
      %get3A_1241 = tpu.vector_load %arg9[%get3A_1239, %get3A_1240] {strides = array<i32>} : memref<128x200xf32, #tpu.memory_space<vmem>>, vector<16xf32>,
      %broadcast_in_dim3A_1242 = arith.constant 8 : i32
      %broadcast_in_dim3A_1243 = vector.broadcast %broadcast_in_dim3A_1242 : i32 to vector<16x1xi32>
      %gather3A_1244 = vector.shape_cast %broadcast_in_dim3A_1243 : vector<16x1xi32> to vector<16xi32>
      %gather3A_1245 = tpu.dynamic_gather %get3A_1241[%gather3A_1244] in [0] : vector<16xf32>, vector<16xi32> -> vector<16xf32>
      %get3A_1246 = arith.constant 192 : i32
      %get3A_1247 = arith.index_cast %get3A_1246 : i32 to index
      %get3A_1248 = arith.constant 0 : index
      %get3A_1249 = tpu.vector_load %arg12[%get3A_1247, %get3A_1248] {strides = array<i32>} : memref<200x128xf32, #tpu.memory_space<vmem>>, vector<16xf32>,
      %mul3A_1250 = arith.mulf %gather3A_1245, %get3A_1249 : vector<16xf32>
      %add3A_1251 = arith.addf %scan3A_1237#0, %mul3A_1250 : vector<16xf32>
      %get3A_1252 = arith.constant 192 : i32
      %get3A_1253 = arith.index_cast %get3A_1252 : i32 to index
      %get3A_1254 = arith.constant 16 : index
      %get3A_1255 = tpu.vector_load %arg12[%get3A_1253, %get3A_1254] {strides = array<i32>} : memref<200x128xf32, #tpu.memory_space<vmem>>, vector<16xf32>,
      %mul3A_1256 = arith.mulf %gather3A_1245, %get3A_1255 : vector<16xf32>
      %add3A_1257 = arith.addf %scan3A_1237#1, %mul3A_1256 : vector<16xf32>
      %get3A_1258 = arith.constant 192 : i32
      %get3A_1259 = arith.index_cast %get3A_1258 : i32 to index
      %get3A_1260 = arith.constant 32 : index
      %get3A_1261 = tpu.vector_load %arg12[%get3A_1259, %get3A_1260] {strides = array<i32>} : memref<200x128xf32, #tpu.memory_space<vmem>>, vector<16xf32>,
      %mul3A_1262 = arith.mulf %gather3A_1245, %get3A_1261 : vector<16xf32>
      %add3A_1263 = arith.addf %scan3A_1237#2, %mul3A_1262 : vector<16xf32>
      %get3A_1264 = arith.constant 192 : i32
      %get3A_1265 = arith.index_cast %get3A_1264 : i32 to index
      %get3A_1266 = arith.constant 48 : index
      %get3A_1267 = tpu.vector_load %arg12[%get3A_1265, %get3A_1266] {strides = array<i32>} : memref<200x128xf32, #tpu.memory_space<vmem>>, vector<16xf32>,
      %mul3A_1268 = arith.mulf %gather3A_1245, %get3A_1267 : vector<16xf32>
      %add3A_1269 = arith.addf %scan3A_1237#3, %mul3A_1268 : vector<16xf32>
      %broadcast_in_dim3A_1270 = arith.constant 9 : i32
      %broadcast_in_dim3A_1271 = vector.broadcast %broadcast_in_dim3A_1270 : i32 to vector<16x1xi32>
      %gather3A_1272 = vector.shape_cast %broadcast_in_dim3A_1271 : vector<16x1xi32> to vector<16xi32>
      %gather3A_1273 = tpu.dynamic_gather %get3A_1241[%gather3A_1272] in [0] : vector<16xf32>, vector<16xi32> -> vector<16xf32>
      %get3A_1274 = arith.constant 193 : i32
      %get3A_1275 = arith.index_cast %get3A_1274 : i32 to index
      %get3A_1276 = arith.constant 0 : index
      %get3A_1277 = tpu.vector_load %arg12[%get3A_1275, %get3A_1276] {strides = array<i32>} : memref<200x128xf32, #tpu.memory_space<vmem>>, vector<16xf32>,
      %mul3A_1278 = arith.mulf %gather3A_1273, %get3A_1277 : vector<16xf32>
      %add3A_1279 = arith.addf %add3A_1251, %mul3A_1278 : vector<16xf32>
      %get3A_1280 = arith.constant 193 : i32
      %get3A_1281 = arith.index_cast %get3A_1280 : i32 to index
      %get3A_1282 = arith.constant 16 : index
      %get3A_1283 = tpu.vector_load %arg12[%get3A_1281, %get3A_1282] {strides = array<i32>} : memref<200x128xf32, #tpu.memory_space<vmem>>, vector<16xf32>,
      %mul3A_1284 = arith.mulf %gather3A_1273, %get3A_1283 : vector<16xf32>
      %add3A_1285 = arith.addf %add3A_1257, %mul3A_1284 : vector<16xf32>
      %get3A_1286 = arith.constant 193 : i32
      %get3A_1287 = arith.index_cast %get3A_1286 : i32 to index
      %get3A_1288 = arith.constant 32 : index
      %get3A_1289 = tpu.vector_load %arg12[%get3A_1287, %get3A_1288] {strides = array<i32>} : memref<200x128xf32, #tpu.memory_space<vmem>>, vector<16xf32>,
      %mul3A_1290 = arith.mulf %gather3A_1273, %get3A_1289 : vector<16xf32>
      %add3A_1291 = arith.addf %add3A_1263, %mul3A_1290 : vector<16xf32>
      %get3A_1292 = arith.constant 193 : i32
      %get3A_1293 = arith.index_cast %get3A_1292 : i32 to index
      %get3A_1294 = arith.constant 48 : index
      %get3A_1295 = tpu.vector_load %arg12[%get3A_1293, %get3A_1294] {strides = array<i32>} : memref<200x128xf32, #tpu.memory_space<vmem>>, vector<16xf32>,
      %mul3A_1296 = arith.mulf %gather3A_1273, %get3A_1295 : vector<16xf32>
      %add3A_1297 = arith.addf %add3A_1269, %mul3A_1296 : vector<16xf32>
      %broadcast_in_dim3A_1298 = arith.constant 10 : i32
      %broadcast_in_dim3A_1299 = vector.broadcast %broadcast_in_dim3A_1298 : i32 to vector<16x1xi32>
      %gather3A_1300 = vector.shape_cast %broadcast_in_dim3A_1299 : vector<16x1xi32> to vector<16xi32>
      %gather3A_1301 = tpu.dynamic_gather %get3A_1241[%gather3A_1300] in [0] : vector<16xf32>, vector<16xi32> -> vector<16xf32>
      %get3A_1302 = arith.constant 194 : i32
      %get3A_1303 = arith.index_cast %get3A_1302 : i32 to index
      %get3A_1304 = arith.constant 0 : index
      %get3A_1305 = tpu.vector_load %arg12[%get3A_1303, %get3A_1304] {strides = array<i32>} : memref<200x128xf32, #tpu.memory_space<vmem>>, vector<16xf32>,
      %mul3A_1306 = arith.mulf %gather3A_1301, %get3A_1305 : vector<16xf32>
      %add3A_1307 = arith.addf %add3A_1279, %mul3A_1306 : vector<16xf32>
      %get3A_1308 = arith.constant 194 : i32
      %get3A_1309 = arith.index_cast %get3A_1308 : i32 to index
      %get3A_1310 = arith.constant 16 : index
      %get3A_1311 = tpu.vector_load %arg12[%get3A_1309, %get3A_1310] {strides = array<i32>} : memref<200x128xf32, #tpu.memory_space<vmem>>, vector<16xf32>,
      %mul3A_1312 = arith.mulf %gather3A_1301, %get3A_1311 : vector<16xf32>
      %add3A_1313 = arith.addf %add3A_1285, %mul3A_1312 : vector<16xf32>
      %get3A_1314 = arith.constant 194 : i32
      %get3A_1315 = arith.index_cast %get3A_1314 : i32 to index
      %get3A_1316 = arith.constant 32 : index
      %get3A_1317 = tpu.vector_load %arg12[%get3A_1315, %get3A_1316] {strides = array<i32>} : memref<200x128xf32, #tpu.memory_space<vmem>>, vector<16xf32>,
      %mul3A_1318 = arith.mulf %gather3A_1301, %get3A_1317 : vector<16xf32>
      %add3A_1319 = arith.addf %add3A_1291, %mul3A_1318 : vector<16xf32>
      %get3A_1320 = arith.constant 194 : i32
      %get3A_1321 = arith.index_cast %get3A_1320 : i32 to index
      %get3A_1322 = arith.constant 48 : index
      %get3A_1323 = tpu.vector_load %arg12[%get3A_1321, %get3A_1322] {strides = array<i32>} : memref<200x128xf32, #tpu.memory_space<vmem>>, vector<16xf32>,
      %mul3A_1324 = arith.mulf %gather3A_1301, %get3A_1323 : vector<16xf32>
      %add3A_1325 = arith.addf %add3A_1297, %mul3A_1324 : vector<16xf32>
      %broadcast_in_dim3A_1326 = arith.constant 11 : i32
      %broadcast_in_dim3A_1327 = vector.broadcast %broadcast_in_dim3A_1326 : i32 to vector<16x1xi32>
      %gather3A_1328 = vector.shape_cast %broadcast_in_dim3A_1327 : vector<16x1xi32> to vector<16xi32>
      %gather3A_1329 = tpu.dynamic_gather %get3A_1241[%gather3A_1328] in [0] : vector<16xf32>, vector<16xi32> -> vector<16xf32>
      %get3A_1330 = arith.constant 195 : i32
      %get3A_1331 = arith.index_cast %get3A_1330 : i32 to index
      %get3A_1332 = arith.constant 0 : index
      %get3A_1333 = tpu.vector_load %arg12[%get3A_1331, %get3A_1332] {strides = array<i32>} : memref<200x128xf32, #tpu.memory_space<vmem>>, vector<16xf32>,
      %mul3A_1334 = arith.mulf %gather3A_1329, %get3A_1333 : vector<16xf32>
      %add3A_1335 = arith.addf %add3A_1307, %mul3A_1334 : vector<16xf32>
      %get3A_1336 = arith.constant 195 : i32
      %get3A_1337 = arith.index_cast %get3A_1336 : i32 to index
      %get3A_1338 = arith.constant 16 : index
      %get3A_1339 = tpu.vector_load %arg12[%get3A_1337, %get3A_1338] {strides = array<i32>} : memref<200x128xf32, #tpu.memory_space<vmem>>, vector<16xf32>,
      %mul3A_1340 = arith.mulf %gather3A_1329, %get3A_1339 : vector<16xf32>
      %add3A_1341 = arith.addf %add3A_1313, %mul3A_1340 : vector<16xf32>
      %get3A_1342 = arith.constant 195 : i32
      %get3A_1343 = arith.index_cast %get3A_1342 : i32 to index
      %get3A_1344 = arith.constant 32 : index
      %get3A_1345 = tpu.vector_load %arg12[%get3A_1343, %get3A_1344] {strides = array<i32>} : memref<200x128xf32, #tpu.memory_space<vmem>>, vector<16xf32>,
      %mul3A_1346 = arith.mulf %gather3A_1329, %get3A_1345 : vector<16xf32>
      %add3A_1347 = arith.addf %add3A_1319, %mul3A_1346 : vector<16xf32>
      %get3A_1348 = arith.constant 195 : i32
      %get3A_1349 = arith.index_cast %get3A_1348 : i32 to index
      %get3A_1350 = arith.constant 48 : index
      %get3A_1351 = tpu.vector_load %arg12[%get3A_1349, %get3A_1350] {strides = array<i32>} : memref<200x128xf32, #tpu.memory_space<vmem>>, vector<16xf32>,
      %mul3A_1352 = arith.mulf %gather3A_1329, %get3A_1351 : vector<16xf32>
      %add3A_1353 = arith.addf %add3A_1325, %mul3A_1352 : vector<16xf32>
      %broadcast_in_dim3A_1354 = arith.constant 12 : i32
      %broadcast_in_dim3A_1355 = vector.broadcast %broadcast_in_dim3A_1354 : i32 to vector<16x1xi32>
      %gather3A_1356 = vector.shape_cast %broadcast_in_dim3A_1355 : vector<16x1xi32> to vector<16xi32>
      %gather3A_1357 = tpu.dynamic_gather %get3A_1241[%gather3A_1356] in [0] : vector<16xf32>, vector<16xi32> -> vector<16xf32>
      %get3A_1358 = arith.constant 196 : i32
      %get3A_1359 = arith.index_cast %get3A_1358 : i32 to index
      %get3A_1360 = arith.constant 0 : index
      %get3A_1361 = tpu.vector_load %arg12[%get3A_1359, %get3A_1360] {strides = array<i32>} : memref<200x128xf32, #tpu.memory_space<vmem>>, vector<16xf32>,
      %mul3A_1362 = arith.mulf %gather3A_1357, %get3A_1361 : vector<16xf32>
      %add3A_1363 = arith.addf %add3A_1335, %mul3A_1362 : vector<16xf32>
      %get3A_1364 = arith.constant 196 : i32
      %get3A_1365 = arith.index_cast %get3A_1364 : i32 to index
      %get3A_1366 = arith.constant 16 : index
      %get3A_1367 = tpu.vector_load %arg12[%get3A_1365, %get3A_1366] {strides = array<i32>} : memref<200x128xf32, #tpu.memory_space<vmem>>, vector<16xf32>,
      %mul3A_1368 = arith.mulf %gather3A_1357, %get3A_1367 : vector<16xf32>
      %add3A_1369 = arith.addf %add3A_1341, %mul3A_1368 : vector<16xf32>
      %get3A_1370 = arith.constant 196 : i32
      %get3A_1371 = arith.index_cast %get3A_1370 : i32 to index
      %get3A_1372 = arith.constant 32 : index
      %get3A_1373 = tpu.vector_load %arg12[%get3A_1371, %get3A_1372] {strides = array<i32>} : memref<200x128xf32, #tpu.memory_space<vmem>>, vector<16xf32>,
      %mul3A_1374 = arith.mulf %gather3A_1357, %get3A_1373 : vector<16xf32>
      %add3A_1375 = arith.addf %add3A_1347, %mul3A_1374 : vector<16xf32>
      %get3A_1376 = arith.constant 196 : i32
      %get3A_1377 = arith.index_cast %get3A_1376 : i32 to index
      %get3A_1378 = arith.constant 48 : index
      %get3A_1379 = tpu.vector_load %arg12[%get3A_1377, %get3A_1378] {strides = array<i32>} : memref<200x128xf32, #tpu.memory_space<vmem>>, vector<16xf32>,
      %mul3A_1380 = arith.mulf %gather3A_1357, %get3A_1379 : vector<16xf32>
      %add3A_1381 = arith.addf %add3A_1353, %mul3A_1380 : vector<16xf32>
      %broadcast_in_dim3A_1382 = arith.constant 13 : i32
      %broadcast_in_dim3A_1383 = vector.broadcast %broadcast_in_dim3A_1382 : i32 to vector<16x1xi32>
      %gather3A_1384 = vector.shape_cast %broadcast_in_dim3A_1383 : vector<16x1xi32> to vector<16xi32>
      %gather3A_1385 = tpu.dynamic_gather %get3A_1241[%gather3A_1384] in [0] : vector<16xf32>, vector<16xi32> -> vector<16xf32>
      %get3A_1386 = arith.constant 197 : i32
      %get3A_1387 = arith.index_cast %get3A_1386 : i32 to index
      %get3A_1388 = arith.constant 0 : index
      %get3A_1389 = tpu.vector_load %arg12[%get3A_1387, %get3A_1388] {strides = array<i32>} : memref<200x128xf32, #tpu.memory_space<vmem>>, vector<16xf32>,
      %mul3A_1390 = arith.mulf %gather3A_1385, %get3A_1389 : vector<16xf32>
      %add3A_1391 = arith.addf %add3A_1363, %mul3A_1390 : vector<16xf32>
      %get3A_1392 = arith.constant 197 : i32
      %get3A_1393 = arith.index_cast %get3A_1392 : i32 to index
      %get3A_1394 = arith.constant 16 : index
      %get3A_1395 = tpu.vector_load %arg12[%get3A_1393, %get3A_1394] {strides = array<i32>} : memref<200x128xf32, #tpu.memory_space<vmem>>, vector<16xf32>,
      %mul3A_1396 = arith.mulf %gather3A_1385, %get3A_1395 : vector<16xf32>
      %add3A_1397 = arith.addf %add3A_1369, %mul3A_1396 : vector<16xf32>
      %get3A_1398 = arith.constant 197 : i32
      %get3A_1399 = arith.index_cast %get3A_1398 : i32 to index
      %get3A_1400 = arith.constant 32 : index
      %get3A_1401 = tpu.vector_load %arg12[%get3A_1399, %get3A_1400] {strides = array<i32>} : memref<200x128xf32, #tpu.memory_space<vmem>>, vector<16xf32>,
      %mul3A_1402 = arith.mulf %gather3A_1385, %get3A_1401 : vector<16xf32>
      %add3A_1403 = arith.addf %add3A_1375, %mul3A_1402 : vector<16xf32>
      %get3A_1404 = arith.constant 197 : i32
      %get3A_1405 = arith.index_cast %get3A_1404 : i32 to index
      %get3A_1406 = arith.constant 48 : index
      %get3A_1407 = tpu.vector_load %arg12[%get3A_1405, %get3A_1406] {strides = array<i32>} : memref<200x128xf32, #tpu.memory_space<vmem>>, vector<16xf32>,
      %mul3A_1408 = arith.mulf %gather3A_1385, %get3A_1407 : vector<16xf32>
      %add3A_1409 = arith.addf %add3A_1381, %mul3A_1408 : vector<16xf32>
      %broadcast_in_dim3A_1410 = arith.constant 14 : i32
      %broadcast_in_dim3A_1411 = vector.broadcast %broadcast_in_dim3A_1410 : i32 to vector<16x1xi32>
      %gather3A_1412 = vector.shape_cast %broadcast_in_dim3A_1411 : vector<16x1xi32> to vector<16xi32>
      %gather3A_1413 = tpu.dynamic_gather %get3A_1241[%gather3A_1412] in [0] : vector<16xf32>, vector<16xi32> -> vector<16xf32>
      %get3A_1414 = arith.constant 198 : i32
      %get3A_1415 = arith.index_cast %get3A_1414 : i32 to index
      %get3A_1416 = arith.constant 0 : index
      %get3A_1417 = tpu.vector_load %arg12[%get3A_1415, %get3A_1416] {strides = array<i32>} : memref<200x128xf32, #tpu.memory_space<vmem>>, vector<16xf32>,
      %mul3A_1418 = arith.mulf %gather3A_1413, %get3A_1417 : vector<16xf32>
      %add3A_1419 = arith.addf %add3A_1391, %mul3A_1418 : vector<16xf32>
      %get3A_1420 = arith.constant 198 : i32
      %get3A_1421 = arith.index_cast %get3A_1420 : i32 to index
      %get3A_1422 = arith.constant 16 : index
      %get3A_1423 = tpu.vector_load %arg12[%get3A_1421, %get3A_1422] {strides = array<i32>} : memref<200x128xf32, #tpu.memory_space<vmem>>, vector<16xf32>,
      %mul3A_1424 = arith.mulf %gather3A_1413, %get3A_1423 : vector<16xf32>
      %add3A_1425 = arith.addf %add3A_1397, %mul3A_1424 : vector<16xf32>
      %get3A_1426 = arith.constant 198 : i32
      %get3A_1427 = arith.index_cast %get3A_1426 : i32 to index
      %get3A_1428 = arith.constant 32 : index
      %get3A_1429 = tpu.vector_load %arg12[%get3A_1427, %get3A_1428] {strides = array<i32>} : memref<200x128xf32, #tpu.memory_space<vmem>>, vector<16xf32>,
      %mul3A_1430 = arith.mulf %gather3A_1413, %get3A_1429 : vector<16xf32>
      %add3A_1431 = arith.addf %add3A_1403, %mul3A_1430 : vector<16xf32>
      %get3A_1432 = arith.constant 198 : i32
      %get3A_1433 = arith.index_cast %get3A_1432 : i32 to index
      %get3A_1434 = arith.constant 48 : index
      %get3A_1435 = tpu.vector_load %arg12[%get3A_1433, %get3A_1434] {strides = array<i32>} : memref<200x128xf32, #tpu.memory_space<vmem>>, vector<16xf32>,
      %mul3A_1436 = arith.mulf %gather3A_1413, %get3A_1435 : vector<16xf32>
      %add3A_1437 = arith.addf %add3A_1409, %mul3A_1436 : vector<16xf32>
      %broadcast_in_dim3A_1438 = arith.constant 15 : i32
      %broadcast_in_dim3A_1439 = vector.broadcast %broadcast_in_dim3A_1438 : i32 to vector<16x1xi32>
      %gather3A_1440 = vector.shape_cast %broadcast_in_dim3A_1439 : vector<16x1xi32> to vector<16xi32>
      %gather3A_1441 = tpu.dynamic_gather %get3A_1241[%gather3A_1440] in [0] : vector<16xf32>, vector<16xi32> -> vector<16xf32>
      %get3A_1442 = arith.constant 199 : i32
      %get3A_1443 = arith.index_cast %get3A_1442 : i32 to index
      %get3A_1444 = arith.constant 0 : index
      %get3A_1445 = tpu.vector_load %arg12[%get3A_1443, %get3A_1444] {strides = array<i32>} : memref<200x128xf32, #tpu.memory_space<vmem>>, vector<16xf32>,
      %mul3A_1446 = arith.mulf %gather3A_1441, %get3A_1445 : vector<16xf32>
      %add3A_1447 = arith.addf %add3A_1419, %mul3A_1446 : vector<16xf32>
      %get3A_1448 = arith.constant 199 : i32
      %get3A_1449 = arith.index_cast %get3A_1448 : i32 to index
      %get3A_1450 = arith.constant 16 : index
      %get3A_1451 = tpu.vector_load %arg12[%get3A_1449, %get3A_1450] {strides = array<i32>} : memref<200x128xf32, #tpu.memory_space<vmem>>, vector<16xf32>,
      %mul3A_1452 = arith.mulf %gather3A_1441, %get3A_1451 : vector<16xf32>
      %add3A_1453 = arith.addf %add3A_1425, %mul3A_1452 : vector<16xf32>
      %get3A_1454 = arith.constant 199 : i32
      %get3A_1455 = arith.index_cast %get3A_1454 : i32 to index
      %get3A_1456 = arith.constant 32 : index
      %get3A_1457 = tpu.vector_load %arg12[%get3A_1455, %get3A_1456] {strides = array<i32>} : memref<200x128xf32, #tpu.memory_space<vmem>>, vector<16xf32>,
      %mul3A_1458 = arith.mulf %gather3A_1441, %get3A_1457 : vector<16xf32>
      %add3A_1459 = arith.addf %add3A_1431, %mul3A_1458 : vector<16xf32>
      %get3A_1460 = arith.constant 199 : i32
      %get3A_1461 = arith.index_cast %get3A_1460 : i32 to index
      %get3A_1462 = arith.constant 48 : index
      %get3A_1463 = tpu.vector_load %arg12[%get3A_1461, %get3A_1462] {strides = array<i32>} : memref<200x128xf32, #tpu.memory_space<vmem>>, vector<16xf32>,
      %mul3A_1464 = arith.mulf %gather3A_1441, %get3A_1463 : vector<16xf32>
      %add3A_1465 = arith.addf %add3A_1437, %mul3A_1464 : vector<16xf32>
      %bitcast3A_1466 = vector.bitcast %add3A_1447 : vector<16xf32> to vector<16xi32>
      %swap3A_1467 = arith.index_cast %add3A_1206 : i32 to index
      %swap3A_1468 = arith.constant 0 : index
      %swap3A_1469 = tpu.vector_load %arg8[%swap3A_1467, %swap3A_1468] {strides = array<i32>} : memref<128x200xi32, #tpu.memory_space<vmem>>, vector<16xi32>,
      tpu.vector_store %arg8[%swap3A_1467, %swap3A_1468], %bitcast3A_1466 {strides = array<i32>} : memref<128x200xi32, #tpu.memory_space<vmem>>, vector<16xi32>,
      %bitcast3A_1470 = vector.bitcast %add3A_1453 : vector<16xf32> to vector<16xi32>
      %swap3A_1471 = arith.index_cast %add3A_1206 : i32 to index
      %swap3A_1472 = arith.constant 16 : index
      %swap3A_1473 = tpu.vector_load %arg8[%swap3A_1471, %swap3A_1472] {strides = array<i32>} : memref<128x200xi32, #tpu.memory_space<vmem>>, vector<16xi32>,
      tpu.vector_store %arg8[%swap3A_1471, %swap3A_1472], %bitcast3A_1470 {strides = array<i32>} : memref<128x200xi32, #tpu.memory_space<vmem>>, vector<16xi32>,
      %bitcast3A_1474 = vector.bitcast %add3A_1459 : vector<16xf32> to vector<16xi32>
      %swap3A_1475 = arith.index_cast %add3A_1206 : i32 to index
      %swap3A_1476 = arith.constant 32 : index
      %swap3A_1477 = tpu.vector_load %arg8[%swap3A_1475, %swap3A_1476] {strides = array<i32>} : memref<128x200xi32, #tpu.memory_space<vmem>>, vector<16xi32>,
      tpu.vector_store %arg8[%swap3A_1475, %swap3A_1476], %bitcast3A_1474 {strides = array<i32>} : memref<128x200xi32, #tpu.memory_space<vmem>>, vector<16xi32>,
      %bitcast3A_1478 = vector.bitcast %add3A_1465 : vector<16xf32> to vector<16xi32>
      %swap3A_1479 = arith.index_cast %add3A_1206 : i32 to index
      %swap3A_1480 = arith.constant 48 : index
      %swap3A_1481 = tpu.vector_load %arg8[%swap3A_1479, %swap3A_1480] {strides = array<i32>} : memref<128x200xi32, #tpu.memory_space<vmem>>, vector<16xi32>,
      tpu.vector_store %arg8[%swap3A_1479, %swap3A_1480], %bitcast3A_1478 {strides = array<i32>} : memref<128x200xi32, #tpu.memory_space<vmem>>, vector<16xi32>,
      %add3A_1482 = arith.constant 2 : i32
      %add3A_1483 = arith.addi %add3A_1206, %add3A_1482 : i32
      %dma_start3A_1484 = arith.constant 0 : i32
      %dma_start3A_1485 = arith.constant 0 : i32
      %dma_start3A_1486 = tpu.memref_slice %arg11[%dma_start3A_1484, %dma_start3A_1485] : memref<200x128xf32, #tpu.memory_space<vmem>> -> memref<128x128xf32, #tpu.memory_space<vmem>>
      %dma_start3A_1487 = arith.constant 0 : i32
      %dma_start3A_1488 = tpu.memref_slice %arg8[%add3A_1483, %dma_start3A_1487] : memref<128x200xi32, #tpu.memory_space<vmem>> -> memref<1x128xi32, #tpu.memory_space<vmem>>
      %dma_start3A_1489 = tpu.memref_squeeze %dma_start3A_1488 : memref<1x128xi32, #tpu.memory_space<vmem>> -> memref<128xi32, #tpu.memory_space<vmem>>
      %dma_start3A_1490 = arith.constant 0 : i32
      %dma_start3A_1491 = arith.constant 0 : i32
      %dma_start3A_1492 = tpu.memref_slice %arg5[%dma_start3A_1490, %dma_start3A_1491] : memref<1000000x128xf32, #tpu.memory_space<hbm>> -> memref<1000000x128xf32, #tpu.memory_space<hbm>>
      tpu.enqueue_indirect_dma source(%dma_start3A_1492 : memref<1000000x128xf32, #tpu.memory_space<hbm>>) target(%dma_start3A_1486 : memref<128x128xf32, #tpu.memory_space<vmem>>) offsets(%dma_start3A_1489 : memref<128xi32, #tpu.memory_space<vmem>>) semaphore(%arg15 : memref<!tpu.dma_semaphore, #tpu.memory_space<semaphore_mem>>)
      %dma_start3A_1493 = arith.constant 128 : i32
      %dma_start3A_1494 = arith.constant 0 : i32
      %dma_start3A_1495 = tpu.memref_slice %arg11[%dma_start3A_1493, %dma_start3A_1494] : memref<200x128xf32, #tpu.memory_space<vmem>> -> memref<72x128xf32, #tpu.memory_space<vmem>>
      %dma_start3A_1496 = arith.constant 128 : i32
      %dma_start3A_1497 = tpu.memref_slice %arg8[%add3A_1483, %dma_start3A_1496] : memref<128x200xi32, #tpu.memory_space<vmem>> -> memref<1x72xi32, #tpu.memory_space<vmem>>
      %dma_start3A_1498 = tpu.memref_squeeze %dma_start3A_1497 : memref<1x72xi32, #tpu.memory_space<vmem>> -> memref<72xi32, #tpu.memory_space<vmem>>
      %dma_start3A_1499 = arith.constant 0 : i32
      %dma_start3A_1500 = arith.constant 0 : i32
      %dma_start3A_1501 = tpu.memref_slice %arg5[%dma_start3A_1499, %dma_start3A_1500] : memref<1000000x128xf32, #tpu.memory_space<hbm>> -> memref<1000000x128xf32, #tpu.memory_space<hbm>>
      tpu.enqueue_indirect_dma source(%dma_start3A_1501 : memref<1000000x128xf32, #tpu.memory_space<hbm>>) target(%dma_start3A_1495 : memref<72x128xf32, #tpu.memory_space<vmem>>) offsets(%dma_start3A_1498 : memref<72xi32, #tpu.memory_space<vmem>>) semaphore(%arg15 : memref<!tpu.dma_semaphore, #tpu.memory_space<semaphore_mem>>)
    }
    %scan3A_45 = arith.constant 42 : i32
    %dma_wait3A = arith.constant 126 : i32
    %dma_wait3A_46 = arith.constant 0 : i32
    %dma_wait3A_47 = arith.constant 0 : i32
    %dma_wait3A_48 = tpu.memref_slice %arg10[%dma_wait3A_46, %dma_wait3A_47] : memref<200x128xf32, #tpu.memory_space<vmem>> -> memref<128x128xf32, #tpu.memory_space<vmem>>
    %dma_wait3A_49 = arith.constant 0 : i32
    %dma_wait3A_50 = tpu.memref_slice %arg8[%dma_wait3A, %dma_wait3A_49] : memref<128x200xi32, #tpu.memory_space<vmem>> -> memref<1x128xi32, #tpu.memory_space<vmem>>
    %dma_wait3A_51 = tpu.memref_squeeze %dma_wait3A_50 : memref<1x128xi32, #tpu.memory_space<vmem>> -> memref<128xi32, #tpu.memory_space<vmem>>
    %dma_wait3A_52 = arith.constant 0 : i32
    %dma_wait3A_53 = arith.constant 0 : i32
    %dma_wait3A_54 = tpu.memref_slice %arg5[%dma_wait3A_52, %dma_wait3A_53] : memref<1000000x128xf32, #tpu.memory_space<hbm>> -> memref<1000000x128xf32, #tpu.memory_space<hbm>>
    tpu.wait_indirect_dma semaphore(%arg14 : memref<!tpu.dma_semaphore, #tpu.memory_space<semaphore_mem>>) src(%dma_wait3A_54 : memref<1000000x128xf32, #tpu.memory_space<hbm>>) dst(%dma_wait3A_48 : memref<128x128xf32, #tpu.memory_space<vmem>>)
    %dma_wait3A_55 = arith.constant 126 : i32
    %dma_wait3A_56 = arith.constant 128 : i32
    %dma_wait3A_57 = arith.constant 0 : i32
    %dma_wait3A_58 = tpu.memref_slice %arg10[%dma_wait3A_56, %dma_wait3A_57] : memref<200x128xf32, #tpu.memory_space<vmem>> -> memref<72x128xf32, #tpu.memory_space<vmem>>
    %dma_wait3A_59 = arith.constant 128 : i32
    %dma_wait3A_60 = tpu.memref_slice %arg8[%dma_wait3A_55, %dma_wait3A_59] : memref<128x200xi32, #tpu.memory_space<vmem>> -> memref<1x72xi32, #tpu.memory_space<vmem>>
    %dma_wait3A_61 = tpu.memref_squeeze %dma_wait3A_60 : memref<1x72xi32, #tpu.memory_space<vmem>> -> memref<72xi32, #tpu.memory_space<vmem>>
    %dma_wait3A_62 = arith.constant 0 : i32
    %dma_wait3A_63 = arith.constant 0 : i32
    %dma_wait3A_64 = tpu.memref_slice %arg5[%dma_wait3A_62, %dma_wait3A_63] : memref<1000000x128xf32, #tpu.memory_space<hbm>> -> memref<1000000x128xf32, #tpu.memory_space<hbm>>
    tpu.wait_indirect_dma semaphore(%arg14 : memref<!tpu.dma_semaphore, #tpu.memory_space<semaphore_mem>>) src(%dma_wait3A_64 : memref<1000000x128xf32, #tpu.memory_space<hbm>>) dst(%dma_wait3A_58 : memref<72x128xf32, #tpu.memory_space<vmem>>)
    %broadcast_in_dim3A = arith.constant 0.000000e+00 : f32
    %broadcast_in_dim3A_65 = vector.broadcast %broadcast_in_dim3A : f32 to vector<16xf32>
    %broadcast_in_dim3A_66 = arith.constant 0.000000e+00 : f32
    %broadcast_in_dim3A_67 = vector.broadcast %broadcast_in_dim3A_66 : f32 to vector<16xf32>
    %broadcast_in_dim3A_68 = arith.constant 0.000000e+00 : f32
    %broadcast_in_dim3A_69 = vector.broadcast %broadcast_in_dim3A_68 : f32 to vector<16xf32>
    %broadcast_in_dim3A_70 = arith.constant 0.000000e+00 : f32
    %broadcast_in_dim3A_71 = vector.broadcast %broadcast_in_dim3A_70 : f32 to vector<16xf32>
    %scan3A_72 = arith.constant 0 : i32
    %scan3A_73 = arith.constant 12 : i32
    %scan3A_74 = arith.addi %scan3A_72, %scan3A_73 : i32
    %scan3A_75 = arith.constant 1 : i32
    %scan3A_76:4 = scf.for %scan3A_604 = %scan3A_72 to %scan3A_74 step %scan3A_75 iter_args(%scan3A_605 = %broadcast_in_dim3A_65, %scan3A_606 = %broadcast_in_dim3A_67, %scan3A_607 = %broadcast_in_dim3A_69, %scan3A_608 = %broadcast_in_dim3A_71) -> (vector<16xf32>, vector<16xf32>, vector<16xf32>, vector<16xf32>)  : i32 {
      %mul3A_609 = arith.constant 16 : i32
      %mul3A_610 = arith.muli %scan3A_604, %mul3A_609 : i32
      %get3A_611 = arith.constant 126 : i32
      %get3A_612 = arith.index_cast %get3A_611 : i32 to index
      %get3A_613 = arith.index_cast %mul3A_610 : i32 to index
      %get3A_614 = tpu.vector_load %arg9[%get3A_612, %get3A_613] {strides = array<i32>} : memref<128x200xf32, #tpu.memory_space<vmem>>, vector<16xf32>,
      %mul3A_615 = arith.constant 16 : i32
      %mul3A_616 = arith.muli %scan3A_604, %mul3A_615 : i32
      %add3A_617 = arith.constant 0 : i32
      %add3A_618 = arith.addi %mul3A_616, %add3A_617 : i32
      %broadcast_in_dim3A_619 = arith.constant 0 : i32
      %broadcast_in_dim3A_620 = vector.broadcast %broadcast_in_dim3A_619 : i32 to vector<16x1xi32>
      %gather3A_621 = vector.shape_cast %broadcast_in_dim3A_620 : vector<16x1xi32> to vector<16xi32>
      %gather3A_622 = tpu.dynamic_gather %get3A_614[%gather3A_621] in [0] : vector<16xf32>, vector<16xi32> -> vector<16xf32>
      %get3A_623 = arith.index_cast %add3A_618 : i32 to index
      %get3A_624 = arith.constant 0 : index
      %get3A_625 = tpu.vector_load %arg10[%get3A_623, %get3A_624] {strides = array<i32>} : memref<200x128xf32, #tpu.memory_space<vmem>>, vector<16xf32>,
      %mul3A_626 = arith.mulf %gather3A_622, %get3A_625 : vector<16xf32>
      %add3A_627 = arith.addf %scan3A_605, %mul3A_626 : vector<16xf32>
      %get3A_628 = arith.index_cast %add3A_618 : i32 to index
      %get3A_629 = arith.constant 16 : index
      %get3A_630 = tpu.vector_load %arg10[%get3A_628, %get3A_629] {strides = array<i32>} : memref<200x128xf32, #tpu.memory_space<vmem>>, vector<16xf32>,
      %mul3A_631 = arith.mulf %gather3A_622, %get3A_630 : vector<16xf32>
      %add3A_632 = arith.addf %scan3A_606, %mul3A_631 : vector<16xf32>
      %get3A_633 = arith.index_cast %add3A_618 : i32 to index
      %get3A_634 = arith.constant 32 : index
      %get3A_635 = tpu.vector_load %arg10[%get3A_633, %get3A_634] {strides = array<i32>} : memref<200x128xf32, #tpu.memory_space<vmem>>, vector<16xf32>,
      %mul3A_636 = arith.mulf %gather3A_622, %get3A_635 : vector<16xf32>
      %add3A_637 = arith.addf %scan3A_607, %mul3A_636 : vector<16xf32>
      %get3A_638 = arith.index_cast %add3A_618 : i32 to index
      %get3A_639 = arith.constant 48 : index
      %get3A_640 = tpu.vector_load %arg10[%get3A_638, %get3A_639] {strides = array<i32>} : memref<200x128xf32, #tpu.memory_space<vmem>>, vector<16xf32>,
      %mul3A_641 = arith.mulf %gather3A_622, %get3A_640 : vector<16xf32>
      %add3A_642 = arith.addf %scan3A_608, %mul3A_641 : vector<16xf32>
      %add3A_643 = arith.constant 1 : i32
      %add3A_644 = arith.addi %mul3A_616, %add3A_643 : i32
      %broadcast_in_dim3A_645 = arith.constant 1 : i32
      %broadcast_in_dim3A_646 = vector.broadcast %broadcast_in_dim3A_645 : i32 to vector<16x1xi32>
      %gather3A_647 = vector.shape_cast %broadcast_in_dim3A_646 : vector<16x1xi32> to vector<16xi32>
      %gather3A_648 = tpu.dynamic_gather %get3A_614[%gather3A_647] in [0] : vector<16xf32>, vector<16xi32> -> vector<16xf32>
      %get3A_649 = arith.index_cast %add3A_644 : i32 to index
      %get3A_650 = arith.constant 0 : index
      %get3A_651 = tpu.vector_load %arg10[%get3A_649, %get3A_650] {strides = array<i32>} : memref<200x128xf32, #tpu.memory_space<vmem>>, vector<16xf32>,
      %mul3A_652 = arith.mulf %gather3A_648, %get3A_651 : vector<16xf32>
      %add3A_653 = arith.addf %add3A_627, %mul3A_652 : vector<16xf32>
      %get3A_654 = arith.index_cast %add3A_644 : i32 to index
      %get3A_655 = arith.constant 16 : index
      %get3A_656 = tpu.vector_load %arg10[%get3A_654, %get3A_655] {strides = array<i32>} : memref<200x128xf32, #tpu.memory_space<vmem>>, vector<16xf32>,
      %mul3A_657 = arith.mulf %gather3A_648, %get3A_656 : vector<16xf32>
      %add3A_658 = arith.addf %add3A_632, %mul3A_657 : vector<16xf32>
      %get3A_659 = arith.index_cast %add3A_644 : i32 to index
      %get3A_660 = arith.constant 32 : index
      %get3A_661 = tpu.vector_load %arg10[%get3A_659, %get3A_660] {strides = array<i32>} : memref<200x128xf32, #tpu.memory_space<vmem>>, vector<16xf32>,
      %mul3A_662 = arith.mulf %gather3A_648, %get3A_661 : vector<16xf32>
      %add3A_663 = arith.addf %add3A_637, %mul3A_662 : vector<16xf32>
      %get3A_664 = arith.index_cast %add3A_644 : i32 to index
      %get3A_665 = arith.constant 48 : index
      %get3A_666 = tpu.vector_load %arg10[%get3A_664, %get3A_665] {strides = array<i32>} : memref<200x128xf32, #tpu.memory_space<vmem>>, vector<16xf32>,
      %mul3A_667 = arith.mulf %gather3A_648, %get3A_666 : vector<16xf32>
      %add3A_668 = arith.addf %add3A_642, %mul3A_667 : vector<16xf32>
      %add3A_669 = arith.constant 2 : i32
      %add3A_670 = arith.addi %mul3A_616, %add3A_669 : i32
      %broadcast_in_dim3A_671 = arith.constant 2 : i32
      %broadcast_in_dim3A_672 = vector.broadcast %broadcast_in_dim3A_671 : i32 to vector<16x1xi32>
      %gather3A_673 = vector.shape_cast %broadcast_in_dim3A_672 : vector<16x1xi32> to vector<16xi32>
      %gather3A_674 = tpu.dynamic_gather %get3A_614[%gather3A_673] in [0] : vector<16xf32>, vector<16xi32> -> vector<16xf32>
      %get3A_675 = arith.index_cast %add3A_670 : i32 to index
      %get3A_676 = arith.constant 0 : index
      %get3A_677 = tpu.vector_load %arg10[%get3A_675, %get3A_676] {strides = array<i32>} : memref<200x128xf32, #tpu.memory_space<vmem>>, vector<16xf32>,
      %mul3A_678 = arith.mulf %gather3A_674, %get3A_677 : vector<16xf32>
      %add3A_679 = arith.addf %add3A_653, %mul3A_678 : vector<16xf32>
      %get3A_680 = arith.index_cast %add3A_670 : i32 to index
      %get3A_681 = arith.constant 16 : index
      %get3A_682 = tpu.vector_load %arg10[%get3A_680, %get3A_681] {strides = array<i32>} : memref<200x128xf32, #tpu.memory_space<vmem>>, vector<16xf32>,
      %mul3A_683 = arith.mulf %gather3A_674, %get3A_682 : vector<16xf32>
      %add3A_684 = arith.addf %add3A_658, %mul3A_683 : vector<16xf32>
      %get3A_685 = arith.index_cast %add3A_670 : i32 to index
      %get3A_686 = arith.constant 32 : index
      %get3A_687 = tpu.vector_load %arg10[%get3A_685, %get3A_686] {strides = array<i32>} : memref<200x128xf32, #tpu.memory_space<vmem>>, vector<16xf32>,
      %mul3A_688 = arith.mulf %gather3A_674, %get3A_687 : vector<16xf32>
      %add3A_689 = arith.addf %add3A_663, %mul3A_688 : vector<16xf32>
      %get3A_690 = arith.index_cast %add3A_670 : i32 to index
      %get3A_691 = arith.constant 48 : index
      %get3A_692 = tpu.vector_load %arg10[%get3A_690, %get3A_691] {strides = array<i32>} : memref<200x128xf32, #tpu.memory_space<vmem>>, vector<16xf32>,
      %mul3A_693 = arith.mulf %gather3A_674, %get3A_692 : vector<16xf32>
      %add3A_694 = arith.addf %add3A_668, %mul3A_693 : vector<16xf32>
      %add3A_695 = arith.constant 3 : i32
      %add3A_696 = arith.addi %mul3A_616, %add3A_695 : i32
      %broadcast_in_dim3A_697 = arith.constant 3 : i32
      %broadcast_in_dim3A_698 = vector.broadcast %broadcast_in_dim3A_697 : i32 to vector<16x1xi32>
      %gather3A_699 = vector.shape_cast %broadcast_in_dim3A_698 : vector<16x1xi32> to vector<16xi32>
      %gather3A_700 = tpu.dynamic_gather %get3A_614[%gather3A_699] in [0] : vector<16xf32>, vector<16xi32> -> vector<16xf32>
      %get3A_701 = arith.index_cast %add3A_696 : i32 to index
      %get3A_702 = arith.constant 0 : index
      %get3A_703 = tpu.vector_load %arg10[%get3A_701, %get3A_702] {strides = array<i32>} : memref<200x128xf32, #tpu.memory_space<vmem>>, vector<16xf32>,
      %mul3A_704 = arith.mulf %gather3A_700, %get3A_703 : vector<16xf32>
      %add3A_705 = arith.addf %add3A_679, %mul3A_704 : vector<16xf32>
      %get3A_706 = arith.index_cast %add3A_696 : i32 to index
      %get3A_707 = arith.constant 16 : index
      %get3A_708 = tpu.vector_load %arg10[%get3A_706, %get3A_707] {strides = array<i32>} : memref<200x128xf32, #tpu.memory_space<vmem>>, vector<16xf32>,
      %mul3A_709 = arith.mulf %gather3A_700, %get3A_708 : vector<16xf32>
      %add3A_710 = arith.addf %add3A_684, %mul3A_709 : vector<16xf32>
      %get3A_711 = arith.index_cast %add3A_696 : i32 to index
      %get3A_712 = arith.constant 32 : index
      %get3A_713 = tpu.vector_load %arg10[%get3A_711, %get3A_712] {strides = array<i32>} : memref<200x128xf32, #tpu.memory_space<vmem>>, vector<16xf32>,
      %mul3A_714 = arith.mulf %gather3A_700, %get3A_713 : vector<16xf32>
      %add3A_715 = arith.addf %add3A_689, %mul3A_714 : vector<16xf32>
      %get3A_716 = arith.index_cast %add3A_696 : i32 to index
      %get3A_717 = arith.constant 48 : index
      %get3A_718 = tpu.vector_load %arg10[%get3A_716, %get3A_717] {strides = array<i32>} : memref<200x128xf32, #tpu.memory_space<vmem>>, vector<16xf32>,
      %mul3A_719 = arith.mulf %gather3A_700, %get3A_718 : vector<16xf32>
      %add3A_720 = arith.addf %add3A_694, %mul3A_719 : vector<16xf32>
      %add3A_721 = arith.constant 4 : i32
      %add3A_722 = arith.addi %mul3A_616, %add3A_721 : i32
      %broadcast_in_dim3A_723 = arith.constant 4 : i32
      %broadcast_in_dim3A_724 = vector.broadcast %broadcast_in_dim3A_723 : i32 to vector<16x1xi32>
      %gather3A_725 = vector.shape_cast %broadcast_in_dim3A_724 : vector<16x1xi32> to vector<16xi32>
      %gather3A_726 = tpu.dynamic_gather %get3A_614[%gather3A_725] in [0] : vector<16xf32>, vector<16xi32> -> vector<16xf32>
      %get3A_727 = arith.index_cast %add3A_722 : i32 to index
      %get3A_728 = arith.constant 0 : index
      %get3A_729 = tpu.vector_load %arg10[%get3A_727, %get3A_728] {strides = array<i32>} : memref<200x128xf32, #tpu.memory_space<vmem>>, vector<16xf32>,
      %mul3A_730 = arith.mulf %gather3A_726, %get3A_729 : vector<16xf32>
      %add3A_731 = arith.addf %add3A_705, %mul3A_730 : vector<16xf32>
      %get3A_732 = arith.index_cast %add3A_722 : i32 to index
      %get3A_733 = arith.constant 16 : index
      %get3A_734 = tpu.vector_load %arg10[%get3A_732, %get3A_733] {strides = array<i32>} : memref<200x128xf32, #tpu.memory_space<vmem>>, vector<16xf32>,
      %mul3A_735 = arith.mulf %gather3A_726, %get3A_734 : vector<16xf32>
      %add3A_736 = arith.addf %add3A_710, %mul3A_735 : vector<16xf32>
      %get3A_737 = arith.index_cast %add3A_722 : i32 to index
      %get3A_738 = arith.constant 32 : index
      %get3A_739 = tpu.vector_load %arg10[%get3A_737, %get3A_738] {strides = array<i32>} : memref<200x128xf32, #tpu.memory_space<vmem>>, vector<16xf32>,
      %mul3A_740 = arith.mulf %gather3A_726, %get3A_739 : vector<16xf32>
      %add3A_741 = arith.addf %add3A_715, %mul3A_740 : vector<16xf32>
      %get3A_742 = arith.index_cast %add3A_722 : i32 to index
      %get3A_743 = arith.constant 48 : index
      %get3A_744 = tpu.vector_load %arg10[%get3A_742, %get3A_743] {strides = array<i32>} : memref<200x128xf32, #tpu.memory_space<vmem>>, vector<16xf32>,
      %mul3A_745 = arith.mulf %gather3A_726, %get3A_744 : vector<16xf32>
      %add3A_746 = arith.addf %add3A_720, %mul3A_745 : vector<16xf32>
      %add3A_747 = arith.constant 5 : i32
      %add3A_748 = arith.addi %mul3A_616, %add3A_747 : i32
      %broadcast_in_dim3A_749 = arith.constant 5 : i32
      %broadcast_in_dim3A_750 = vector.broadcast %broadcast_in_dim3A_749 : i32 to vector<16x1xi32>
      %gather3A_751 = vector.shape_cast %broadcast_in_dim3A_750 : vector<16x1xi32> to vector<16xi32>
      %gather3A_752 = tpu.dynamic_gather %get3A_614[%gather3A_751] in [0] : vector<16xf32>, vector<16xi32> -> vector<16xf32>
      %get3A_753 = arith.index_cast %add3A_748 : i32 to index
      %get3A_754 = arith.constant 0 : index
      %get3A_755 = tpu.vector_load %arg10[%get3A_753, %get3A_754] {strides = array<i32>} : memref<200x128xf32, #tpu.memory_space<vmem>>, vector<16xf32>,
      %mul3A_756 = arith.mulf %gather3A_752, %get3A_755 : vector<16xf32>
      %add3A_757 = arith.addf %add3A_731, %mul3A_756 : vector<16xf32>
      %get3A_758 = arith.index_cast %add3A_748 : i32 to index
      %get3A_759 = arith.constant 16 : index
      %get3A_760 = tpu.vector_load %arg10[%get3A_758, %get3A_759] {strides = array<i32>} : memref<200x128xf32, #tpu.memory_space<vmem>>, vector<16xf32>,
      %mul3A_761 = arith.mulf %gather3A_752, %get3A_760 : vector<16xf32>
      %add3A_762 = arith.addf %add3A_736, %mul3A_761 : vector<16xf32>
      %get3A_763 = arith.index_cast %add3A_748 : i32 to index
      %get3A_764 = arith.constant 32 : index
      %get3A_765 = tpu.vector_load %arg10[%get3A_763, %get3A_764] {strides = array<i32>} : memref<200x128xf32, #tpu.memory_space<vmem>>, vector<16xf32>,
      %mul3A_766 = arith.mulf %gather3A_752, %get3A_765 : vector<16xf32>
      %add3A_767 = arith.addf %add3A_741, %mul3A_766 : vector<16xf32>
      %get3A_768 = arith.index_cast %add3A_748 : i32 to index
      %get3A_769 = arith.constant 48 : index
      %get3A_770 = tpu.vector_load %arg10[%get3A_768, %get3A_769] {strides = array<i32>} : memref<200x128xf32, #tpu.memory_space<vmem>>, vector<16xf32>,
      %mul3A_771 = arith.mulf %gather3A_752, %get3A_770 : vector<16xf32>
      %add3A_772 = arith.addf %add3A_746, %mul3A_771 : vector<16xf32>
      %add3A_773 = arith.constant 6 : i32
      %add3A_774 = arith.addi %mul3A_616, %add3A_773 : i32
      %broadcast_in_dim3A_775 = arith.constant 6 : i32
      %broadcast_in_dim3A_776 = vector.broadcast %broadcast_in_dim3A_775 : i32 to vector<16x1xi32>
      %gather3A_777 = vector.shape_cast %broadcast_in_dim3A_776 : vector<16x1xi32> to vector<16xi32>
      %gather3A_778 = tpu.dynamic_gather %get3A_614[%gather3A_777] in [0] : vector<16xf32>, vector<16xi32> -> vector<16xf32>
      %get3A_779 = arith.index_cast %add3A_774 : i32 to index
      %get3A_780 = arith.constant 0 : index
      %get3A_781 = tpu.vector_load %arg10[%get3A_779, %get3A_780] {strides = array<i32>} : memref<200x128xf32, #tpu.memory_space<vmem>>, vector<16xf32>,
      %mul3A_782 = arith.mulf %gather3A_778, %get3A_781 : vector<16xf32>
      %add3A_783 = arith.addf %add3A_757, %mul3A_782 : vector<16xf32>
      %get3A_784 = arith.index_cast %add3A_774 : i32 to index
      %get3A_785 = arith.constant 16 : index
      %get3A_786 = tpu.vector_load %arg10[%get3A_784, %get3A_785] {strides = array<i32>} : memref<200x128xf32, #tpu.memory_space<vmem>>, vector<16xf32>,
      %mul3A_787 = arith.mulf %gather3A_778, %get3A_786 : vector<16xf32>
      %add3A_788 = arith.addf %add3A_762, %mul3A_787 : vector<16xf32>
      %get3A_789 = arith.index_cast %add3A_774 : i32 to index
      %get3A_790 = arith.constant 32 : index
      %get3A_791 = tpu.vector_load %arg10[%get3A_789, %get3A_790] {strides = array<i32>} : memref<200x128xf32, #tpu.memory_space<vmem>>, vector<16xf32>,
      %mul3A_792 = arith.mulf %gather3A_778, %get3A_791 : vector<16xf32>
      %add3A_793 = arith.addf %add3A_767, %mul3A_792 : vector<16xf32>
      %get3A_794 = arith.index_cast %add3A_774 : i32 to index
      %get3A_795 = arith.constant 48 : index
      %get3A_796 = tpu.vector_load %arg10[%get3A_794, %get3A_795] {strides = array<i32>} : memref<200x128xf32, #tpu.memory_space<vmem>>, vector<16xf32>,
      %mul3A_797 = arith.mulf %gather3A_778, %get3A_796 : vector<16xf32>
      %add3A_798 = arith.addf %add3A_772, %mul3A_797 : vector<16xf32>
      %add3A_799 = arith.constant 7 : i32
      %add3A_800 = arith.addi %mul3A_616, %add3A_799 : i32
      %broadcast_in_dim3A_801 = arith.constant 7 : i32
      %broadcast_in_dim3A_802 = vector.broadcast %broadcast_in_dim3A_801 : i32 to vector<16x1xi32>
      %gather3A_803 = vector.shape_cast %broadcast_in_dim3A_802 : vector<16x1xi32> to vector<16xi32>
      %gather3A_804 = tpu.dynamic_gather %get3A_614[%gather3A_803] in [0] : vector<16xf32>, vector<16xi32> -> vector<16xf32>
      %get3A_805 = arith.index_cast %add3A_800 : i32 to index
      %get3A_806 = arith.constant 0 : index
      %get3A_807 = tpu.vector_load %arg10[%get3A_805, %get3A_806] {strides = array<i32>} : memref<200x128xf32, #tpu.memory_space<vmem>>, vector<16xf32>,
      %mul3A_808 = arith.mulf %gather3A_804, %get3A_807 : vector<16xf32>
      %add3A_809 = arith.addf %add3A_783, %mul3A_808 : vector<16xf32>
      %get3A_810 = arith.index_cast %add3A_800 : i32 to index
      %get3A_811 = arith.constant 16 : index
      %get3A_812 = tpu.vector_load %arg10[%get3A_810, %get3A_811] {strides = array<i32>} : memref<200x128xf32, #tpu.memory_space<vmem>>, vector<16xf32>,
      %mul3A_813 = arith.mulf %gather3A_804, %get3A_812 : vector<16xf32>
      %add3A_814 = arith.addf %add3A_788, %mul3A_813 : vector<16xf32>
      %get3A_815 = arith.index_cast %add3A_800 : i32 to index
      %get3A_816 = arith.constant 32 : index
      %get3A_817 = tpu.vector_load %arg10[%get3A_815, %get3A_816] {strides = array<i32>} : memref<200x128xf32, #tpu.memory_space<vmem>>, vector<16xf32>,
      %mul3A_818 = arith.mulf %gather3A_804, %get3A_817 : vector<16xf32>
      %add3A_819 = arith.addf %add3A_793, %mul3A_818 : vector<16xf32>
      %get3A_820 = arith.index_cast %add3A_800 : i32 to index
      %get3A_821 = arith.constant 48 : index
      %get3A_822 = tpu.vector_load %arg10[%get3A_820, %get3A_821] {strides = array<i32>} : memref<200x128xf32, #tpu.memory_space<vmem>>, vector<16xf32>,
      %mul3A_823 = arith.mulf %gather3A_804, %get3A_822 : vector<16xf32>
      %add3A_824 = arith.addf %add3A_798, %mul3A_823 : vector<16xf32>
      %add3A_825 = arith.constant 8 : i32
      %add3A_826 = arith.addi %mul3A_616, %add3A_825 : i32
      %broadcast_in_dim3A_827 = arith.constant 8 : i32
      %broadcast_in_dim3A_828 = vector.broadcast %broadcast_in_dim3A_827 : i32 to vector<16x1xi32>
      %gather3A_829 = vector.shape_cast %broadcast_in_dim3A_828 : vector<16x1xi32> to vector<16xi32>
      %gather3A_830 = tpu.dynamic_gather %get3A_614[%gather3A_829] in [0] : vector<16xf32>, vector<16xi32> -> vector<16xf32>
      %get3A_831 = arith.index_cast %add3A_826 : i32 to index
      %get3A_832 = arith.constant 0 : index
      %get3A_833 = tpu.vector_load %arg10[%get3A_831, %get3A_832] {strides = array<i32>} : memref<200x128xf32, #tpu.memory_space<vmem>>, vector<16xf32>,
      %mul3A_834 = arith.mulf %gather3A_830, %get3A_833 : vector<16xf32>
      %add3A_835 = arith.addf %add3A_809, %mul3A_834 : vector<16xf32>
      %get3A_836 = arith.index_cast %add3A_826 : i32 to index
      %get3A_837 = arith.constant 16 : index
      %get3A_838 = tpu.vector_load %arg10[%get3A_836, %get3A_837] {strides = array<i32>} : memref<200x128xf32, #tpu.memory_space<vmem>>, vector<16xf32>,
      %mul3A_839 = arith.mulf %gather3A_830, %get3A_838 : vector<16xf32>
      %add3A_840 = arith.addf %add3A_814, %mul3A_839 : vector<16xf32>
      %get3A_841 = arith.index_cast %add3A_826 : i32 to index
      %get3A_842 = arith.constant 32 : index
      %get3A_843 = tpu.vector_load %arg10[%get3A_841, %get3A_842] {strides = array<i32>} : memref<200x128xf32, #tpu.memory_space<vmem>>, vector<16xf32>,
      %mul3A_844 = arith.mulf %gather3A_830, %get3A_843 : vector<16xf32>
      %add3A_845 = arith.addf %add3A_819, %mul3A_844 : vector<16xf32>
      %get3A_846 = arith.index_cast %add3A_826 : i32 to index
      %get3A_847 = arith.constant 48 : index
      %get3A_848 = tpu.vector_load %arg10[%get3A_846, %get3A_847] {strides = array<i32>} : memref<200x128xf32, #tpu.memory_space<vmem>>, vector<16xf32>,
      %mul3A_849 = arith.mulf %gather3A_830, %get3A_848 : vector<16xf32>
      %add3A_850 = arith.addf %add3A_824, %mul3A_849 : vector<16xf32>
      %add3A_851 = arith.constant 9 : i32
      %add3A_852 = arith.addi %mul3A_616, %add3A_851 : i32
      %broadcast_in_dim3A_853 = arith.constant 9 : i32
      %broadcast_in_dim3A_854 = vector.broadcast %broadcast_in_dim3A_853 : i32 to vector<16x1xi32>
      %gather3A_855 = vector.shape_cast %broadcast_in_dim3A_854 : vector<16x1xi32> to vector<16xi32>
      %gather3A_856 = tpu.dynamic_gather %get3A_614[%gather3A_855] in [0] : vector<16xf32>, vector<16xi32> -> vector<16xf32>
      %get3A_857 = arith.index_cast %add3A_852 : i32 to index
      %get3A_858 = arith.constant 0 : index
      %get3A_859 = tpu.vector_load %arg10[%get3A_857, %get3A_858] {strides = array<i32>} : memref<200x128xf32, #tpu.memory_space<vmem>>, vector<16xf32>,
      %mul3A_860 = arith.mulf %gather3A_856, %get3A_859 : vector<16xf32>
      %add3A_861 = arith.addf %add3A_835, %mul3A_860 : vector<16xf32>
      %get3A_862 = arith.index_cast %add3A_852 : i32 to index
      %get3A_863 = arith.constant 16 : index
      %get3A_864 = tpu.vector_load %arg10[%get3A_862, %get3A_863] {strides = array<i32>} : memref<200x128xf32, #tpu.memory_space<vmem>>, vector<16xf32>,
      %mul3A_865 = arith.mulf %gather3A_856, %get3A_864 : vector<16xf32>
      %add3A_866 = arith.addf %add3A_840, %mul3A_865 : vector<16xf32>
      %get3A_867 = arith.index_cast %add3A_852 : i32 to index
      %get3A_868 = arith.constant 32 : index
      %get3A_869 = tpu.vector_load %arg10[%get3A_867, %get3A_868] {strides = array<i32>} : memref<200x128xf32, #tpu.memory_space<vmem>>, vector<16xf32>,
      %mul3A_870 = arith.mulf %gather3A_856, %get3A_869 : vector<16xf32>
      %add3A_871 = arith.addf %add3A_845, %mul3A_870 : vector<16xf32>
      %get3A_872 = arith.index_cast %add3A_852 : i32 to index
      %get3A_873 = arith.constant 48 : index
      %get3A_874 = tpu.vector_load %arg10[%get3A_872, %get3A_873] {strides = array<i32>} : memref<200x128xf32, #tpu.memory_space<vmem>>, vector<16xf32>,
      %mul3A_875 = arith.mulf %gather3A_856, %get3A_874 : vector<16xf32>
      %add3A_876 = arith.addf %add3A_850, %mul3A_875 : vector<16xf32>
      %add3A_877 = arith.constant 10 : i32
      %add3A_878 = arith.addi %mul3A_616, %add3A_877 : i32
      %broadcast_in_dim3A_879 = arith.constant 10 : i32
      %broadcast_in_dim3A_880 = vector.broadcast %broadcast_in_dim3A_879 : i32 to vector<16x1xi32>
      %gather3A_881 = vector.shape_cast %broadcast_in_dim3A_880 : vector<16x1xi32> to vector<16xi32>
      %gather3A_882 = tpu.dynamic_gather %get3A_614[%gather3A_881] in [0] : vector<16xf32>, vector<16xi32> -> vector<16xf32>
      %get3A_883 = arith.index_cast %add3A_878 : i32 to index
      %get3A_884 = arith.constant 0 : index
      %get3A_885 = tpu.vector_load %arg10[%get3A_883, %get3A_884] {strides = array<i32>} : memref<200x128xf32, #tpu.memory_space<vmem>>, vector<16xf32>,
      %mul3A_886 = arith.mulf %gather3A_882, %get3A_885 : vector<16xf32>
      %add3A_887 = arith.addf %add3A_861, %mul3A_886 : vector<16xf32>
      %get3A_888 = arith.index_cast %add3A_878 : i32 to index
      %get3A_889 = arith.constant 16 : index
      %get3A_890 = tpu.vector_load %arg10[%get3A_888, %get3A_889] {strides = array<i32>} : memref<200x128xf32, #tpu.memory_space<vmem>>, vector<16xf32>,
      %mul3A_891 = arith.mulf %gather3A_882, %get3A_890 : vector<16xf32>
      %add3A_892 = arith.addf %add3A_866, %mul3A_891 : vector<16xf32>
      %get3A_893 = arith.index_cast %add3A_878 : i32 to index
      %get3A_894 = arith.constant 32 : index
      %get3A_895 = tpu.vector_load %arg10[%get3A_893, %get3A_894] {strides = array<i32>} : memref<200x128xf32, #tpu.memory_space<vmem>>, vector<16xf32>,
      %mul3A_896 = arith.mulf %gather3A_882, %get3A_895 : vector<16xf32>
      %add3A_897 = arith.addf %add3A_871, %mul3A_896 : vector<16xf32>
      %get3A_898 = arith.index_cast %add3A_878 : i32 to index
      %get3A_899 = arith.constant 48 : index
      %get3A_900 = tpu.vector_load %arg10[%get3A_898, %get3A_899] {strides = array<i32>} : memref<200x128xf32, #tpu.memory_space<vmem>>, vector<16xf32>,
      %mul3A_901 = arith.mulf %gather3A_882, %get3A_900 : vector<16xf32>
      %add3A_902 = arith.addf %add3A_876, %mul3A_901 : vector<16xf32>
      %add3A_903 = arith.constant 11 : i32
      %add3A_904 = arith.addi %mul3A_616, %add3A_903 : i32
      %broadcast_in_dim3A_905 = arith.constant 11 : i32
      %broadcast_in_dim3A_906 = vector.broadcast %broadcast_in_dim3A_905 : i32 to vector<16x1xi32>
      %gather3A_907 = vector.shape_cast %broadcast_in_dim3A_906 : vector<16x1xi32> to vector<16xi32>
      %gather3A_908 = tpu.dynamic_gather %get3A_614[%gather3A_907] in [0] : vector<16xf32>, vector<16xi32> -> vector<16xf32>
      %get3A_909 = arith.index_cast %add3A_904 : i32 to index
      %get3A_910 = arith.constant 0 : index
      %get3A_911 = tpu.vector_load %arg10[%get3A_909, %get3A_910] {strides = array<i32>} : memref<200x128xf32, #tpu.memory_space<vmem>>, vector<16xf32>,
      %mul3A_912 = arith.mulf %gather3A_908, %get3A_911 : vector<16xf32>
      %add3A_913 = arith.addf %add3A_887, %mul3A_912 : vector<16xf32>
      %get3A_914 = arith.index_cast %add3A_904 : i32 to index
      %get3A_915 = arith.constant 16 : index
      %get3A_916 = tpu.vector_load %arg10[%get3A_914, %get3A_915] {strides = array<i32>} : memref<200x128xf32, #tpu.memory_space<vmem>>, vector<16xf32>,
      %mul3A_917 = arith.mulf %gather3A_908, %get3A_916 : vector<16xf32>
      %add3A_918 = arith.addf %add3A_892, %mul3A_917 : vector<16xf32>
      %get3A_919 = arith.index_cast %add3A_904 : i32 to index
      %get3A_920 = arith.constant 32 : index
      %get3A_921 = tpu.vector_load %arg10[%get3A_919, %get3A_920] {strides = array<i32>} : memref<200x128xf32, #tpu.memory_space<vmem>>, vector<16xf32>,
      %mul3A_922 = arith.mulf %gather3A_908, %get3A_921 : vector<16xf32>
      %add3A_923 = arith.addf %add3A_897, %mul3A_922 : vector<16xf32>
      %get3A_924 = arith.index_cast %add3A_904 : i32 to index
      %get3A_925 = arith.constant 48 : index
      %get3A_926 = tpu.vector_load %arg10[%get3A_924, %get3A_925] {strides = array<i32>} : memref<200x128xf32, #tpu.memory_space<vmem>>, vector<16xf32>,
      %mul3A_927 = arith.mulf %gather3A_908, %get3A_926 : vector<16xf32>
      %add3A_928 = arith.addf %add3A_902, %mul3A_927 : vector<16xf32>
      %add3A_929 = arith.constant 12 : i32
      %add3A_930 = arith.addi %mul3A_616, %add3A_929 : i32
      %broadcast_in_dim3A_931 = arith.constant 12 : i32
      %broadcast_in_dim3A_932 = vector.broadcast %broadcast_in_dim3A_931 : i32 to vector<16x1xi32>
      %gather3A_933 = vector.shape_cast %broadcast_in_dim3A_932 : vector<16x1xi32> to vector<16xi32>
      %gather3A_934 = tpu.dynamic_gather %get3A_614[%gather3A_933] in [0] : vector<16xf32>, vector<16xi32> -> vector<16xf32>
      %get3A_935 = arith.index_cast %add3A_930 : i32 to index
      %get3A_936 = arith.constant 0 : index
      %get3A_937 = tpu.vector_load %arg10[%get3A_935, %get3A_936] {strides = array<i32>} : memref<200x128xf32, #tpu.memory_space<vmem>>, vector<16xf32>,
      %mul3A_938 = arith.mulf %gather3A_934, %get3A_937 : vector<16xf32>
      %add3A_939 = arith.addf %add3A_913, %mul3A_938 : vector<16xf32>
      %get3A_940 = arith.index_cast %add3A_930 : i32 to index
      %get3A_941 = arith.constant 16 : index
      %get3A_942 = tpu.vector_load %arg10[%get3A_940, %get3A_941] {strides = array<i32>} : memref<200x128xf32, #tpu.memory_space<vmem>>, vector<16xf32>,
      %mul3A_943 = arith.mulf %gather3A_934, %get3A_942 : vector<16xf32>
      %add3A_944 = arith.addf %add3A_918, %mul3A_943 : vector<16xf32>
      %get3A_945 = arith.index_cast %add3A_930 : i32 to index
      %get3A_946 = arith.constant 32 : index
      %get3A_947 = tpu.vector_load %arg10[%get3A_945, %get3A_946] {strides = array<i32>} : memref<200x128xf32, #tpu.memory_space<vmem>>, vector<16xf32>,
      %mul3A_948 = arith.mulf %gather3A_934, %get3A_947 : vector<16xf32>
      %add3A_949 = arith.addf %add3A_923, %mul3A_948 : vector<16xf32>
      %get3A_950 = arith.index_cast %add3A_930 : i32 to index
      %get3A_951 = arith.constant 48 : index
      %get3A_952 = tpu.vector_load %arg10[%get3A_950, %get3A_951] {strides = array<i32>} : memref<200x128xf32, #tpu.memory_space<vmem>>, vector<16xf32>,
      %mul3A_953 = arith.mulf %gather3A_934, %get3A_952 : vector<16xf32>
      %add3A_954 = arith.addf %add3A_928, %mul3A_953 : vector<16xf32>
      %add3A_955 = arith.constant 13 : i32
      %add3A_956 = arith.addi %mul3A_616, %add3A_955 : i32
      %broadcast_in_dim3A_957 = arith.constant 13 : i32
      %broadcast_in_dim3A_958 = vector.broadcast %broadcast_in_dim3A_957 : i32 to vector<16x1xi32>
      %gather3A_959 = vector.shape_cast %broadcast_in_dim3A_958 : vector<16x1xi32> to vector<16xi32>
      %gather3A_960 = tpu.dynamic_gather %get3A_614[%gather3A_959] in [0] : vector<16xf32>, vector<16xi32> -> vector<16xf32>
      %get3A_961 = arith.index_cast %add3A_956 : i32 to index
      %get3A_962 = arith.constant 0 : index
      %get3A_963 = tpu.vector_load %arg10[%get3A_961, %get3A_962] {strides = array<i32>} : memref<200x128xf32, #tpu.memory_space<vmem>>, vector<16xf32>,
      %mul3A_964 = arith.mulf %gather3A_960, %get3A_963 : vector<16xf32>
      %add3A_965 = arith.addf %add3A_939, %mul3A_964 : vector<16xf32>
      %get3A_966 = arith.index_cast %add3A_956 : i32 to index
      %get3A_967 = arith.constant 16 : index
      %get3A_968 = tpu.vector_load %arg10[%get3A_966, %get3A_967] {strides = array<i32>} : memref<200x128xf32, #tpu.memory_space<vmem>>, vector<16xf32>,
      %mul3A_969 = arith.mulf %gather3A_960, %get3A_968 : vector<16xf32>
      %add3A_970 = arith.addf %add3A_944, %mul3A_969 : vector<16xf32>
      %get3A_971 = arith.index_cast %add3A_956 : i32 to index
      %get3A_972 = arith.constant 32 : index
      %get3A_973 = tpu.vector_load %arg10[%get3A_971, %get3A_972] {strides = array<i32>} : memref<200x128xf32, #tpu.memory_space<vmem>>, vector<16xf32>,
      %mul3A_974 = arith.mulf %gather3A_960, %get3A_973 : vector<16xf32>
      %add3A_975 = arith.addf %add3A_949, %mul3A_974 : vector<16xf32>
      %get3A_976 = arith.index_cast %add3A_956 : i32 to index
      %get3A_977 = arith.constant 48 : index
      %get3A_978 = tpu.vector_load %arg10[%get3A_976, %get3A_977] {strides = array<i32>} : memref<200x128xf32, #tpu.memory_space<vmem>>, vector<16xf32>,
      %mul3A_979 = arith.mulf %gather3A_960, %get3A_978 : vector<16xf32>
      %add3A_980 = arith.addf %add3A_954, %mul3A_979 : vector<16xf32>
      %add3A_981 = arith.constant 14 : i32
      %add3A_982 = arith.addi %mul3A_616, %add3A_981 : i32
      %broadcast_in_dim3A_983 = arith.constant 14 : i32
      %broadcast_in_dim3A_984 = vector.broadcast %broadcast_in_dim3A_983 : i32 to vector<16x1xi32>
      %gather3A_985 = vector.shape_cast %broadcast_in_dim3A_984 : vector<16x1xi32> to vector<16xi32>
      %gather3A_986 = tpu.dynamic_gather %get3A_614[%gather3A_985] in [0] : vector<16xf32>, vector<16xi32> -> vector<16xf32>
      %get3A_987 = arith.index_cast %add3A_982 : i32 to index
      %get3A_988 = arith.constant 0 : index
      %get3A_989 = tpu.vector_load %arg10[%get3A_987, %get3A_988] {strides = array<i32>} : memref<200x128xf32, #tpu.memory_space<vmem>>, vector<16xf32>,
      %mul3A_990 = arith.mulf %gather3A_986, %get3A_989 : vector<16xf32>
      %add3A_991 = arith.addf %add3A_965, %mul3A_990 : vector<16xf32>
      %get3A_992 = arith.index_cast %add3A_982 : i32 to index
      %get3A_993 = arith.constant 16 : index
      %get3A_994 = tpu.vector_load %arg10[%get3A_992, %get3A_993] {strides = array<i32>} : memref<200x128xf32, #tpu.memory_space<vmem>>, vector<16xf32>,
      %mul3A_995 = arith.mulf %gather3A_986, %get3A_994 : vector<16xf32>
      %add3A_996 = arith.addf %add3A_970, %mul3A_995 : vector<16xf32>
      %get3A_997 = arith.index_cast %add3A_982 : i32 to index
      %get3A_998 = arith.constant 32 : index
      %get3A_999 = tpu.vector_load %arg10[%get3A_997, %get3A_998] {strides = array<i32>} : memref<200x128xf32, #tpu.memory_space<vmem>>, vector<16xf32>,
      %mul3A_1000 = arith.mulf %gather3A_986, %get3A_999 : vector<16xf32>
      %add3A_1001 = arith.addf %add3A_975, %mul3A_1000 : vector<16xf32>
      %get3A_1002 = arith.index_cast %add3A_982 : i32 to index
      %get3A_1003 = arith.constant 48 : index
      %get3A_1004 = tpu.vector_load %arg10[%get3A_1002, %get3A_1003] {strides = array<i32>} : memref<200x128xf32, #tpu.memory_space<vmem>>, vector<16xf32>,
      %mul3A_1005 = arith.mulf %gather3A_986, %get3A_1004 : vector<16xf32>
      %add3A_1006 = arith.addf %add3A_980, %mul3A_1005 : vector<16xf32>
      %add3A_1007 = arith.constant 15 : i32
      %add3A_1008 = arith.addi %mul3A_616, %add3A_1007 : i32
      %broadcast_in_dim3A_1009 = arith.constant 15 : i32
      %broadcast_in_dim3A_1010 = vector.broadcast %broadcast_in_dim3A_1009 : i32 to vector<16x1xi32>
      %gather3A_1011 = vector.shape_cast %broadcast_in_dim3A_1010 : vector<16x1xi32> to vector<16xi32>
      %gather3A_1012 = tpu.dynamic_gather %get3A_614[%gather3A_1011] in [0] : vector<16xf32>, vector<16xi32> -> vector<16xf32>
      %get3A_1013 = arith.index_cast %add3A_1008 : i32 to index
      %get3A_1014 = arith.constant 0 : index
      %get3A_1015 = tpu.vector_load %arg10[%get3A_1013, %get3A_1014] {strides = array<i32>} : memref<200x128xf32, #tpu.memory_space<vmem>>, vector<16xf32>,
      %mul3A_1016 = arith.mulf %gather3A_1012, %get3A_1015 : vector<16xf32>
      %add3A_1017 = arith.addf %add3A_991, %mul3A_1016 : vector<16xf32>
      %get3A_1018 = arith.index_cast %add3A_1008 : i32 to index
      %get3A_1019 = arith.constant 16 : index
      %get3A_1020 = tpu.vector_load %arg10[%get3A_1018, %get3A_1019] {strides = array<i32>} : memref<200x128xf32, #tpu.memory_space<vmem>>, vector<16xf32>,
      %mul3A_1021 = arith.mulf %gather3A_1012, %get3A_1020 : vector<16xf32>
      %add3A_1022 = arith.addf %add3A_996, %mul3A_1021 : vector<16xf32>
      %get3A_1023 = arith.index_cast %add3A_1008 : i32 to index
      %get3A_1024 = arith.constant 32 : index
      %get3A_1025 = tpu.vector_load %arg10[%get3A_1023, %get3A_1024] {strides = array<i32>} : memref<200x128xf32, #tpu.memory_space<vmem>>, vector<16xf32>,
      %mul3A_1026 = arith.mulf %gather3A_1012, %get3A_1025 : vector<16xf32>
      %add3A_1027 = arith.addf %add3A_1001, %mul3A_1026 : vector<16xf32>
      %get3A_1028 = arith.index_cast %add3A_1008 : i32 to index
      %get3A_1029 = arith.constant 48 : index
      %get3A_1030 = tpu.vector_load %arg10[%get3A_1028, %get3A_1029] {strides = array<i32>} : memref<200x128xf32, #tpu.memory_space<vmem>>, vector<16xf32>,
      %mul3A_1031 = arith.mulf %gather3A_1012, %get3A_1030 : vector<16xf32>
      %add3A_1032 = arith.addf %add3A_1006, %mul3A_1031 : vector<16xf32>
      scf.yield %add3A_1017, %add3A_1022, %add3A_1027, %add3A_1032 : vector<16xf32>, vector<16xf32>, vector<16xf32>, vector<16xf32>
    }
    %scan3A_77 = arith.constant 12 : i32
    %get3A = arith.constant 126 : i32
    %get3A_78 = arith.index_cast %get3A : i32 to index
    %get3A_79 = arith.constant 184 : index
    %get3A_80 = tpu.vector_load %arg9[%get3A_78, %get3A_79] {strides = array<i32>} : memref<128x200xf32, #tpu.memory_space<vmem>>, vector<16xf32>,
    %broadcast_in_dim3A_81 = arith.constant 8 : i32
    %broadcast_in_dim3A_82 = vector.broadcast %broadcast_in_dim3A_81 : i32 to vector<16x1xi32>
    %gather3A = vector.shape_cast %broadcast_in_dim3A_82 : vector<16x1xi32> to vector<16xi32>
    %gather3A_83 = tpu.dynamic_gather %get3A_80[%gather3A] in [0] : vector<16xf32>, vector<16xi32> -> vector<16xf32>
    %get3A_84 = arith.constant 192 : i32
    %get3A_85 = arith.index_cast %get3A_84 : i32 to index
    %get3A_86 = arith.constant 0 : index
    %get3A_87 = tpu.vector_load %arg10[%get3A_85, %get3A_86] {strides = array<i32>} : memref<200x128xf32, #tpu.memory_space<vmem>>, vector<16xf32>,
    %mul3A_88 = arith.mulf %gather3A_83, %get3A_87 : vector<16xf32>
    %add3A_89 = arith.addf %scan3A_76#0, %mul3A_88 : vector<16xf32>
    %get3A_90 = arith.constant 192 : i32
    %get3A_91 = arith.index_cast %get3A_90 : i32 to index
    %get3A_92 = arith.constant 16 : index
    %get3A_93 = tpu.vector_load %arg10[%get3A_91, %get3A_92] {strides = array<i32>} : memref<200x128xf32, #tpu.memory_space<vmem>>, vector<16xf32>,
    %mul3A_94 = arith.mulf %gather3A_83, %get3A_93 : vector<16xf32>
    %add3A_95 = arith.addf %scan3A_76#1, %mul3A_94 : vector<16xf32>
    %get3A_96 = arith.constant 192 : i32
    %get3A_97 = arith.index_cast %get3A_96 : i32 to index
    %get3A_98 = arith.constant 32 : index
    %get3A_99 = tpu.vector_load %arg10[%get3A_97, %get3A_98] {strides = array<i32>} : memref<200x128xf32, #tpu.memory_space<vmem>>, vector<16xf32>,
    %mul3A_100 = arith.mulf %gather3A_83, %get3A_99 : vector<16xf32>
    %add3A_101 = arith.addf %scan3A_76#2, %mul3A_100 : vector<16xf32>
    %get3A_102 = arith.constant 192 : i32
    %get3A_103 = arith.index_cast %get3A_102 : i32 to index
    %get3A_104 = arith.constant 48 : index
    %get3A_105 = tpu.vector_load %arg10[%get3A_103, %get3A_104] {strides = array<i32>} : memref<200x128xf32, #tpu.memory_space<vmem>>, vector<16xf32>,
    %mul3A_106 = arith.mulf %gather3A_83, %get3A_105 : vector<16xf32>
    %add3A_107 = arith.addf %scan3A_76#3, %mul3A_106 : vector<16xf32>
    %broadcast_in_dim3A_108 = arith.constant 9 : i32
    %broadcast_in_dim3A_109 = vector.broadcast %broadcast_in_dim3A_108 : i32 to vector<16x1xi32>
    %gather3A_110 = vector.shape_cast %broadcast_in_dim3A_109 : vector<16x1xi32> to vector<16xi32>
    %gather3A_111 = tpu.dynamic_gather %get3A_80[%gather3A_110] in [0] : vector<16xf32>, vector<16xi32> -> vector<16xf32>
    %get3A_112 = arith.constant 193 : i32
    %get3A_113 = arith.index_cast %get3A_112 : i32 to index
    %get3A_114 = arith.constant 0 : index
    %get3A_115 = tpu.vector_load %arg10[%get3A_113, %get3A_114] {strides = array<i32>} : memref<200x128xf32, #tpu.memory_space<vmem>>, vector<16xf32>,
    %mul3A_116 = arith.mulf %gather3A_111, %get3A_115 : vector<16xf32>
    %add3A_117 = arith.addf %add3A_89, %mul3A_116 : vector<16xf32>
    %get3A_118 = arith.constant 193 : i32
    %get3A_119 = arith.index_cast %get3A_118 : i32 to index
    %get3A_120 = arith.constant 16 : index
    %get3A_121 = tpu.vector_load %arg10[%get3A_119, %get3A_120] {strides = array<i32>} : memref<200x128xf32, #tpu.memory_space<vmem>>, vector<16xf32>,
    %mul3A_122 = arith.mulf %gather3A_111, %get3A_121 : vector<16xf32>
    %add3A_123 = arith.addf %add3A_95, %mul3A_122 : vector<16xf32>
    %get3A_124 = arith.constant 193 : i32
    %get3A_125 = arith.index_cast %get3A_124 : i32 to index
    %get3A_126 = arith.constant 32 : index
    %get3A_127 = tpu.vector_load %arg10[%get3A_125, %get3A_126] {strides = array<i32>} : memref<200x128xf32, #tpu.memory_space<vmem>>, vector<16xf32>,
    %mul3A_128 = arith.mulf %gather3A_111, %get3A_127 : vector<16xf32>
    %add3A_129 = arith.addf %add3A_101, %mul3A_128 : vector<16xf32>
    %get3A_130 = arith.constant 193 : i32
    %get3A_131 = arith.index_cast %get3A_130 : i32 to index
    %get3A_132 = arith.constant 48 : index
    %get3A_133 = tpu.vector_load %arg10[%get3A_131, %get3A_132] {strides = array<i32>} : memref<200x128xf32, #tpu.memory_space<vmem>>, vector<16xf32>,
    %mul3A_134 = arith.mulf %gather3A_111, %get3A_133 : vector<16xf32>
    %add3A_135 = arith.addf %add3A_107, %mul3A_134 : vector<16xf32>
    %broadcast_in_dim3A_136 = arith.constant 10 : i32
    %broadcast_in_dim3A_137 = vector.broadcast %broadcast_in_dim3A_136 : i32 to vector<16x1xi32>
    %gather3A_138 = vector.shape_cast %broadcast_in_dim3A_137 : vector<16x1xi32> to vector<16xi32>
    %gather3A_139 = tpu.dynamic_gather %get3A_80[%gather3A_138] in [0] : vector<16xf32>, vector<16xi32> -> vector<16xf32>
    %get3A_140 = arith.constant 194 : i32
    %get3A_141 = arith.index_cast %get3A_140 : i32 to index
    %get3A_142 = arith.constant 0 : index
    %get3A_143 = tpu.vector_load %arg10[%get3A_141, %get3A_142] {strides = array<i32>} : memref<200x128xf32, #tpu.memory_space<vmem>>, vector<16xf32>,
    %mul3A_144 = arith.mulf %gather3A_139, %get3A_143 : vector<16xf32>
    %add3A_145 = arith.addf %add3A_117, %mul3A_144 : vector<16xf32>
    %get3A_146 = arith.constant 194 : i32
    %get3A_147 = arith.index_cast %get3A_146 : i32 to index
    %get3A_148 = arith.constant 16 : index
    %get3A_149 = tpu.vector_load %arg10[%get3A_147, %get3A_148] {strides = array<i32>} : memref<200x128xf32, #tpu.memory_space<vmem>>, vector<16xf32>,
    %mul3A_150 = arith.mulf %gather3A_139, %get3A_149 : vector<16xf32>
    %add3A_151 = arith.addf %add3A_123, %mul3A_150 : vector<16xf32>
    %get3A_152 = arith.constant 194 : i32
    %get3A_153 = arith.index_cast %get3A_152 : i32 to index
    %get3A_154 = arith.constant 32 : index
    %get3A_155 = tpu.vector_load %arg10[%get3A_153, %get3A_154] {strides = array<i32>} : memref<200x128xf32, #tpu.memory_space<vmem>>, vector<16xf32>,
    %mul3A_156 = arith.mulf %gather3A_139, %get3A_155 : vector<16xf32>
    %add3A_157 = arith.addf %add3A_129, %mul3A_156 : vector<16xf32>
    %get3A_158 = arith.constant 194 : i32
    %get3A_159 = arith.index_cast %get3A_158 : i32 to index
    %get3A_160 = arith.constant 48 : index
    %get3A_161 = tpu.vector_load %arg10[%get3A_159, %get3A_160] {strides = array<i32>} : memref<200x128xf32, #tpu.memory_space<vmem>>, vector<16xf32>,
    %mul3A_162 = arith.mulf %gather3A_139, %get3A_161 : vector<16xf32>
    %add3A_163 = arith.addf %add3A_135, %mul3A_162 : vector<16xf32>
    %broadcast_in_dim3A_164 = arith.constant 11 : i32
    %broadcast_in_dim3A_165 = vector.broadcast %broadcast_in_dim3A_164 : i32 to vector<16x1xi32>
    %gather3A_166 = vector.shape_cast %broadcast_in_dim3A_165 : vector<16x1xi32> to vector<16xi32>
    %gather3A_167 = tpu.dynamic_gather %get3A_80[%gather3A_166] in [0] : vector<16xf32>, vector<16xi32> -> vector<16xf32>
    %get3A_168 = arith.constant 195 : i32
    %get3A_169 = arith.index_cast %get3A_168 : i32 to index
    %get3A_170 = arith.constant 0 : index
    %get3A_171 = tpu.vector_load %arg10[%get3A_169, %get3A_170] {strides = array<i32>} : memref<200x128xf32, #tpu.memory_space<vmem>>, vector<16xf32>,
    %mul3A_172 = arith.mulf %gather3A_167, %get3A_171 : vector<16xf32>
    %add3A_173 = arith.addf %add3A_145, %mul3A_172 : vector<16xf32>
    %get3A_174 = arith.constant 195 : i32
    %get3A_175 = arith.index_cast %get3A_174 : i32 to index
    %get3A_176 = arith.constant 16 : index
    %get3A_177 = tpu.vector_load %arg10[%get3A_175, %get3A_176] {strides = array<i32>} : memref<200x128xf32, #tpu.memory_space<vmem>>, vector<16xf32>,
    %mul3A_178 = arith.mulf %gather3A_167, %get3A_177 : vector<16xf32>
    %add3A_179 = arith.addf %add3A_151, %mul3A_178 : vector<16xf32>
    %get3A_180 = arith.constant 195 : i32
    %get3A_181 = arith.index_cast %get3A_180 : i32 to index
    %get3A_182 = arith.constant 32 : index
    %get3A_183 = tpu.vector_load %arg10[%get3A_181, %get3A_182] {strides = array<i32>} : memref<200x128xf32, #tpu.memory_space<vmem>>, vector<16xf32>,
    %mul3A_184 = arith.mulf %gather3A_167, %get3A_183 : vector<16xf32>
    %add3A_185 = arith.addf %add3A_157, %mul3A_184 : vector<16xf32>
    %get3A_186 = arith.constant 195 : i32
    %get3A_187 = arith.index_cast %get3A_186 : i32 to index
    %get3A_188 = arith.constant 48 : index
    %get3A_189 = tpu.vector_load %arg10[%get3A_187, %get3A_188] {strides = array<i32>} : memref<200x128xf32, #tpu.memory_space<vmem>>, vector<16xf32>,
    %mul3A_190 = arith.mulf %gather3A_167, %get3A_189 : vector<16xf32>
    %add3A_191 = arith.addf %add3A_163, %mul3A_190 : vector<16xf32>
    %broadcast_in_dim3A_192 = arith.constant 12 : i32
    %broadcast_in_dim3A_193 = vector.broadcast %broadcast_in_dim3A_192 : i32 to vector<16x1xi32>
    %gather3A_194 = vector.shape_cast %broadcast_in_dim3A_193 : vector<16x1xi32> to vector<16xi32>
    %gather3A_195 = tpu.dynamic_gather %get3A_80[%gather3A_194] in [0] : vector<16xf32>, vector<16xi32> -> vector<16xf32>
    %get3A_196 = arith.constant 196 : i32
    %get3A_197 = arith.index_cast %get3A_196 : i32 to index
    %get3A_198 = arith.constant 0 : index
    %get3A_199 = tpu.vector_load %arg10[%get3A_197, %get3A_198] {strides = array<i32>} : memref<200x128xf32, #tpu.memory_space<vmem>>, vector<16xf32>,
    %mul3A_200 = arith.mulf %gather3A_195, %get3A_199 : vector<16xf32>
    %add3A_201 = arith.addf %add3A_173, %mul3A_200 : vector<16xf32>
    %get3A_202 = arith.constant 196 : i32
    %get3A_203 = arith.index_cast %get3A_202 : i32 to index
    %get3A_204 = arith.constant 16 : index
    %get3A_205 = tpu.vector_load %arg10[%get3A_203, %get3A_204] {strides = array<i32>} : memref<200x128xf32, #tpu.memory_space<vmem>>, vector<16xf32>,
    %mul3A_206 = arith.mulf %gather3A_195, %get3A_205 : vector<16xf32>
    %add3A_207 = arith.addf %add3A_179, %mul3A_206 : vector<16xf32>
    %get3A_208 = arith.constant 196 : i32
    %get3A_209 = arith.index_cast %get3A_208 : i32 to index
    %get3A_210 = arith.constant 32 : index
    %get3A_211 = tpu.vector_load %arg10[%get3A_209, %get3A_210] {strides = array<i32>} : memref<200x128xf32, #tpu.memory_space<vmem>>, vector<16xf32>,
    %mul3A_212 = arith.mulf %gather3A_195, %get3A_211 : vector<16xf32>
    %add3A_213 = arith.addf %add3A_185, %mul3A_212 : vector<16xf32>
    %get3A_214 = arith.constant 196 : i32
    %get3A_215 = arith.index_cast %get3A_214 : i32 to index
    %get3A_216 = arith.constant 48 : index
    %get3A_217 = tpu.vector_load %arg10[%get3A_215, %get3A_216] {strides = array<i32>} : memref<200x128xf32, #tpu.memory_space<vmem>>, vector<16xf32>,
    %mul3A_218 = arith.mulf %gather3A_195, %get3A_217 : vector<16xf32>
    %add3A_219 = arith.addf %add3A_191, %mul3A_218 : vector<16xf32>
    %broadcast_in_dim3A_220 = arith.constant 13 : i32
    %broadcast_in_dim3A_221 = vector.broadcast %broadcast_in_dim3A_220 : i32 to vector<16x1xi32>
    %gather3A_222 = vector.shape_cast %broadcast_in_dim3A_221 : vector<16x1xi32> to vector<16xi32>
    %gather3A_223 = tpu.dynamic_gather %get3A_80[%gather3A_222] in [0] : vector<16xf32>, vector<16xi32> -> vector<16xf32>
    %get3A_224 = arith.constant 197 : i32
    %get3A_225 = arith.index_cast %get3A_224 : i32 to index
    %get3A_226 = arith.constant 0 : index
    %get3A_227 = tpu.vector_load %arg10[%get3A_225, %get3A_226] {strides = array<i32>} : memref<200x128xf32, #tpu.memory_space<vmem>>, vector<16xf32>,
    %mul3A_228 = arith.mulf %gather3A_223, %get3A_227 : vector<16xf32>
    %add3A_229 = arith.addf %add3A_201, %mul3A_228 : vector<16xf32>
    %get3A_230 = arith.constant 197 : i32
    %get3A_231 = arith.index_cast %get3A_230 : i32 to index
    %get3A_232 = arith.constant 16 : index
    %get3A_233 = tpu.vector_load %arg10[%get3A_231, %get3A_232] {strides = array<i32>} : memref<200x128xf32, #tpu.memory_space<vmem>>, vector<16xf32>,
    %mul3A_234 = arith.mulf %gather3A_223, %get3A_233 : vector<16xf32>
    %add3A_235 = arith.addf %add3A_207, %mul3A_234 : vector<16xf32>
    %get3A_236 = arith.constant 197 : i32
    %get3A_237 = arith.index_cast %get3A_236 : i32 to index
    %get3A_238 = arith.constant 32 : index
    %get3A_239 = tpu.vector_load %arg10[%get3A_237, %get3A_238] {strides = array<i32>} : memref<200x128xf32, #tpu.memory_space<vmem>>, vector<16xf32>,
    %mul3A_240 = arith.mulf %gather3A_223, %get3A_239 : vector<16xf32>
    %add3A_241 = arith.addf %add3A_213, %mul3A_240 : vector<16xf32>
    %get3A_242 = arith.constant 197 : i32
    %get3A_243 = arith.index_cast %get3A_242 : i32 to index
    %get3A_244 = arith.constant 48 : index
    %get3A_245 = tpu.vector_load %arg10[%get3A_243, %get3A_244] {strides = array<i32>} : memref<200x128xf32, #tpu.memory_space<vmem>>, vector<16xf32>,
    %mul3A_246 = arith.mulf %gather3A_223, %get3A_245 : vector<16xf32>
    %add3A_247 = arith.addf %add3A_219, %mul3A_246 : vector<16xf32>
    %broadcast_in_dim3A_248 = arith.constant 14 : i32
    %broadcast_in_dim3A_249 = vector.broadcast %broadcast_in_dim3A_248 : i32 to vector<16x1xi32>
    %gather3A_250 = vector.shape_cast %broadcast_in_dim3A_249 : vector<16x1xi32> to vector<16xi32>
    %gather3A_251 = tpu.dynamic_gather %get3A_80[%gather3A_250] in [0] : vector<16xf32>, vector<16xi32> -> vector<16xf32>
    %get3A_252 = arith.constant 198 : i32
    %get3A_253 = arith.index_cast %get3A_252 : i32 to index
    %get3A_254 = arith.constant 0 : index
    %get3A_255 = tpu.vector_load %arg10[%get3A_253, %get3A_254] {strides = array<i32>} : memref<200x128xf32, #tpu.memory_space<vmem>>, vector<16xf32>,
    %mul3A_256 = arith.mulf %gather3A_251, %get3A_255 : vector<16xf32>
    %add3A_257 = arith.addf %add3A_229, %mul3A_256 : vector<16xf32>
    %get3A_258 = arith.constant 198 : i32
    %get3A_259 = arith.index_cast %get3A_258 : i32 to index
    %get3A_260 = arith.constant 16 : index
    %get3A_261 = tpu.vector_load %arg10[%get3A_259, %get3A_260] {strides = array<i32>} : memref<200x128xf32, #tpu.memory_space<vmem>>, vector<16xf32>,
    %mul3A_262 = arith.mulf %gather3A_251, %get3A_261 : vector<16xf32>
    %add3A_263 = arith.addf %add3A_235, %mul3A_262 : vector<16xf32>
    %get3A_264 = arith.constant 198 : i32
    %get3A_265 = arith.index_cast %get3A_264 : i32 to index
    %get3A_266 = arith.constant 32 : index
    %get3A_267 = tpu.vector_load %arg10[%get3A_265, %get3A_266] {strides = array<i32>} : memref<200x128xf32, #tpu.memory_space<vmem>>, vector<16xf32>,
    %mul3A_268 = arith.mulf %gather3A_251, %get3A_267 : vector<16xf32>
    %add3A_269 = arith.addf %add3A_241, %mul3A_268 : vector<16xf32>
    %get3A_270 = arith.constant 198 : i32
    %get3A_271 = arith.index_cast %get3A_270 : i32 to index
    %get3A_272 = arith.constant 48 : index
    %get3A_273 = tpu.vector_load %arg10[%get3A_271, %get3A_272] {strides = array<i32>} : memref<200x128xf32, #tpu.memory_space<vmem>>, vector<16xf32>,
    %mul3A_274 = arith.mulf %gather3A_251, %get3A_273 : vector<16xf32>
    %add3A_275 = arith.addf %add3A_247, %mul3A_274 : vector<16xf32>
    %broadcast_in_dim3A_276 = arith.constant 15 : i32
    %broadcast_in_dim3A_277 = vector.broadcast %broadcast_in_dim3A_276 : i32 to vector<16x1xi32>
    %gather3A_278 = vector.shape_cast %broadcast_in_dim3A_277 : vector<16x1xi32> to vector<16xi32>
    %gather3A_279 = tpu.dynamic_gather %get3A_80[%gather3A_278] in [0] : vector<16xf32>, vector<16xi32> -> vector<16xf32>
    %get3A_280 = arith.constant 199 : i32
    %get3A_281 = arith.index_cast %get3A_280 : i32 to index
    %get3A_282 = arith.constant 0 : index
    %get3A_283 = tpu.vector_load %arg10[%get3A_281, %get3A_282] {strides = array<i32>} : memref<200x128xf32, #tpu.memory_space<vmem>>, vector<16xf32>,
    %mul3A_284 = arith.mulf %gather3A_279, %get3A_283 : vector<16xf32>
    %add3A_285 = arith.addf %add3A_257, %mul3A_284 : vector<16xf32>
    %get3A_286 = arith.constant 199 : i32
    %get3A_287 = arith.index_cast %get3A_286 : i32 to index
    %get3A_288 = arith.constant 16 : index
    %get3A_289 = tpu.vector_load %arg10[%get3A_287, %get3A_288] {strides = array<i32>} : memref<200x128xf32, #tpu.memory_space<vmem>>, vector<16xf32>,
    %mul3A_290 = arith.mulf %gather3A_279, %get3A_289 : vector<16xf32>
    %add3A_291 = arith.addf %add3A_263, %mul3A_290 : vector<16xf32>
    %get3A_292 = arith.constant 199 : i32
    %get3A_293 = arith.index_cast %get3A_292 : i32 to index
    %get3A_294 = arith.constant 32 : index
    %get3A_295 = tpu.vector_load %arg10[%get3A_293, %get3A_294] {strides = array<i32>} : memref<200x128xf32, #tpu.memory_space<vmem>>, vector<16xf32>,
    %mul3A_296 = arith.mulf %gather3A_279, %get3A_295 : vector<16xf32>
    %add3A_297 = arith.addf %add3A_269, %mul3A_296 : vector<16xf32>
    %get3A_298 = arith.constant 199 : i32
    %get3A_299 = arith.index_cast %get3A_298 : i32 to index
    %get3A_300 = arith.constant 48 : index
    %get3A_301 = tpu.vector_load %arg10[%get3A_299, %get3A_300] {strides = array<i32>} : memref<200x128xf32, #tpu.memory_space<vmem>>, vector<16xf32>,
    %mul3A_302 = arith.mulf %gather3A_279, %get3A_301 : vector<16xf32>
    %add3A_303 = arith.addf %add3A_275, %mul3A_302 : vector<16xf32>
    %bitcast3A = vector.bitcast %add3A_285 : vector<16xf32> to vector<16xi32>
    %swap3A = arith.constant 126 : i32
    %swap3A_304 = arith.index_cast %swap3A : i32 to index
    %swap3A_305 = arith.constant 0 : index
    %swap3A_306 = tpu.vector_load %arg8[%swap3A_304, %swap3A_305] {strides = array<i32>} : memref<128x200xi32, #tpu.memory_space<vmem>>, vector<16xi32>,
    tpu.vector_store %arg8[%swap3A_304, %swap3A_305], %bitcast3A {strides = array<i32>} : memref<128x200xi32, #tpu.memory_space<vmem>>, vector<16xi32>,
    %bitcast3A_307 = vector.bitcast %add3A_291 : vector<16xf32> to vector<16xi32>
    %swap3A_308 = arith.constant 126 : i32
    %swap3A_309 = arith.index_cast %swap3A_308 : i32 to index
    %swap3A_310 = arith.constant 16 : index
    %swap3A_311 = tpu.vector_load %arg8[%swap3A_309, %swap3A_310] {strides = array<i32>} : memref<128x200xi32, #tpu.memory_space<vmem>>, vector<16xi32>,
    tpu.vector_store %arg8[%swap3A_309, %swap3A_310], %bitcast3A_307 {strides = array<i32>} : memref<128x200xi32, #tpu.memory_space<vmem>>, vector<16xi32>,
    %bitcast3A_312 = vector.bitcast %add3A_297 : vector<16xf32> to vector<16xi32>
    %swap3A_313 = arith.constant 126 : i32
    %swap3A_314 = arith.index_cast %swap3A_313 : i32 to index
    %swap3A_315 = arith.constant 32 : index
    %swap3A_316 = tpu.vector_load %arg8[%swap3A_314, %swap3A_315] {strides = array<i32>} : memref<128x200xi32, #tpu.memory_space<vmem>>, vector<16xi32>,
    tpu.vector_store %arg8[%swap3A_314, %swap3A_315], %bitcast3A_312 {strides = array<i32>} : memref<128x200xi32, #tpu.memory_space<vmem>>, vector<16xi32>,
    %bitcast3A_317 = vector.bitcast %add3A_303 : vector<16xf32> to vector<16xi32>
    %swap3A_318 = arith.constant 126 : i32
    %swap3A_319 = arith.index_cast %swap3A_318 : i32 to index
    %swap3A_320 = arith.constant 48 : index
    %swap3A_321 = tpu.vector_load %arg8[%swap3A_319, %swap3A_320] {strides = array<i32>} : memref<128x200xi32, #tpu.memory_space<vmem>>, vector<16xi32>,
    tpu.vector_store %arg8[%swap3A_319, %swap3A_320], %bitcast3A_317 {strides = array<i32>} : memref<128x200xi32, #tpu.memory_space<vmem>>, vector<16xi32>,
    %dma_wait3A_322 = arith.constant 127 : i32
    %dma_wait3A_323 = arith.constant 0 : i32
    %dma_wait3A_324 = arith.constant 0 : i32
    %dma_wait3A_325 = tpu.memref_slice %arg11[%dma_wait3A_323, %dma_wait3A_324] : memref<200x128xf32, #tpu.memory_space<vmem>> -> memref<128x128xf32, #tpu.memory_space<vmem>>
    %dma_wait3A_326 = arith.constant 0 : i32
    %dma_wait3A_327 = tpu.memref_slice %arg8[%dma_wait3A_322, %dma_wait3A_326] : memref<128x200xi32, #tpu.memory_space<vmem>> -> memref<1x128xi32, #tpu.memory_space<vmem>>
    %dma_wait3A_328 = tpu.memref_squeeze %dma_wait3A_327 : memref<1x128xi32, #tpu.memory_space<vmem>> -> memref<128xi32, #tpu.memory_space<vmem>>
    %dma_wait3A_329 = arith.constant 0 : i32
    %dma_wait3A_330 = arith.constant 0 : i32
    %dma_wait3A_331 = tpu.memref_slice %arg5[%dma_wait3A_329, %dma_wait3A_330] : memref<1000000x128xf32, #tpu.memory_space<hbm>> -> memref<1000000x128xf32, #tpu.memory_space<hbm>>
    tpu.wait_indirect_dma semaphore(%arg15 : memref<!tpu.dma_semaphore, #tpu.memory_space<semaphore_mem>>) src(%dma_wait3A_331 : memref<1000000x128xf32, #tpu.memory_space<hbm>>) dst(%dma_wait3A_325 : memref<128x128xf32, #tpu.memory_space<vmem>>)
    %dma_wait3A_332 = arith.constant 127 : i32
    %dma_wait3A_333 = arith.constant 128 : i32
    %dma_wait3A_334 = arith.constant 0 : i32
    %dma_wait3A_335 = tpu.memref_slice %arg11[%dma_wait3A_333, %dma_wait3A_334] : memref<200x128xf32, #tpu.memory_space<vmem>> -> memref<72x128xf32, #tpu.memory_space<vmem>>
    %dma_wait3A_336 = arith.constant 128 : i32
    %dma_wait3A_337 = tpu.memref_slice %arg8[%dma_wait3A_332, %dma_wait3A_336] : memref<128x200xi32, #tpu.memory_space<vmem>> -> memref<1x72xi32, #tpu.memory_space<vmem>>
    %dma_wait3A_338 = tpu.memref_squeeze %dma_wait3A_337 : memref<1x72xi32, #tpu.memory_space<vmem>> -> memref<72xi32, #tpu.memory_space<vmem>>
    %dma_wait3A_339 = arith.constant 0 : i32
    %dma_wait3A_340 = arith.constant 0 : i32
    %dma_wait3A_341 = tpu.memref_slice %arg5[%dma_wait3A_339, %dma_wait3A_340] : memref<1000000x128xf32, #tpu.memory_space<hbm>> -> memref<1000000x128xf32, #tpu.memory_space<hbm>>
    tpu.wait_indirect_dma semaphore(%arg15 : memref<!tpu.dma_semaphore, #tpu.memory_space<semaphore_mem>>) src(%dma_wait3A_341 : memref<1000000x128xf32, #tpu.memory_space<hbm>>) dst(%dma_wait3A_335 : memref<72x128xf32, #tpu.memory_space<vmem>>)
    %broadcast_in_dim3A_342 = arith.constant 0.000000e+00 : f32
    %broadcast_in_dim3A_343 = vector.broadcast %broadcast_in_dim3A_342 : f32 to vector<16xf32>
    %broadcast_in_dim3A_344 = arith.constant 0.000000e+00 : f32
    %broadcast_in_dim3A_345 = vector.broadcast %broadcast_in_dim3A_344 : f32 to vector<16xf32>
    %broadcast_in_dim3A_346 = arith.constant 0.000000e+00 : f32
    %broadcast_in_dim3A_347 = vector.broadcast %broadcast_in_dim3A_346 : f32 to vector<16xf32>
    %broadcast_in_dim3A_348 = arith.constant 0.000000e+00 : f32
    %broadcast_in_dim3A_349 = vector.broadcast %broadcast_in_dim3A_348 : f32 to vector<16xf32>
    %scan3A_350 = arith.constant 0 : i32
    %scan3A_351 = arith.constant 12 : i32
    %scan3A_352 = arith.addi %scan3A_350, %scan3A_351 : i32
    %scan3A_353 = arith.constant 1 : i32
    %scan3A_354:4 = scf.for %scan3A_604 = %scan3A_350 to %scan3A_352 step %scan3A_353 iter_args(%scan3A_605 = %broadcast_in_dim3A_343, %scan3A_606 = %broadcast_in_dim3A_345, %scan3A_607 = %broadcast_in_dim3A_347, %scan3A_608 = %broadcast_in_dim3A_349) -> (vector<16xf32>, vector<16xf32>, vector<16xf32>, vector<16xf32>)  : i32 {
      %mul3A_609 = arith.constant 16 : i32
      %mul3A_610 = arith.muli %scan3A_604, %mul3A_609 : i32
      %get3A_611 = arith.constant 127 : i32
      %get3A_612 = arith.index_cast %get3A_611 : i32 to index
      %get3A_613 = arith.index_cast %mul3A_610 : i32 to index
      %get3A_614 = tpu.vector_load %arg9[%get3A_612, %get3A_613] {strides = array<i32>} : memref<128x200xf32, #tpu.memory_space<vmem>>, vector<16xf32>,
      %mul3A_615 = arith.constant 16 : i32
      %mul3A_616 = arith.muli %scan3A_604, %mul3A_615 : i32
      %add3A_617 = arith.constant 0 : i32
      %add3A_618 = arith.addi %mul3A_616, %add3A_617 : i32
      %broadcast_in_dim3A_619 = arith.constant 0 : i32
      %broadcast_in_dim3A_620 = vector.broadcast %broadcast_in_dim3A_619 : i32 to vector<16x1xi32>
      %gather3A_621 = vector.shape_cast %broadcast_in_dim3A_620 : vector<16x1xi32> to vector<16xi32>
      %gather3A_622 = tpu.dynamic_gather %get3A_614[%gather3A_621] in [0] : vector<16xf32>, vector<16xi32> -> vector<16xf32>
      %get3A_623 = arith.index_cast %add3A_618 : i32 to index
      %get3A_624 = arith.constant 0 : index
      %get3A_625 = tpu.vector_load %arg11[%get3A_623, %get3A_624] {strides = array<i32>} : memref<200x128xf32, #tpu.memory_space<vmem>>, vector<16xf32>,
      %mul3A_626 = arith.mulf %gather3A_622, %get3A_625 : vector<16xf32>
      %add3A_627 = arith.addf %scan3A_605, %mul3A_626 : vector<16xf32>
      %get3A_628 = arith.index_cast %add3A_618 : i32 to index
      %get3A_629 = arith.constant 16 : index
      %get3A_630 = tpu.vector_load %arg11[%get3A_628, %get3A_629] {strides = array<i32>} : memref<200x128xf32, #tpu.memory_space<vmem>>, vector<16xf32>,
      %mul3A_631 = arith.mulf %gather3A_622, %get3A_630 : vector<16xf32>
      %add3A_632 = arith.addf %scan3A_606, %mul3A_631 : vector<16xf32>
      %get3A_633 = arith.index_cast %add3A_618 : i32 to index
      %get3A_634 = arith.constant 32 : index
      %get3A_635 = tpu.vector_load %arg11[%get3A_633, %get3A_634] {strides = array<i32>} : memref<200x128xf32, #tpu.memory_space<vmem>>, vector<16xf32>,
      %mul3A_636 = arith.mulf %gather3A_622, %get3A_635 : vector<16xf32>
      %add3A_637 = arith.addf %scan3A_607, %mul3A_636 : vector<16xf32>
      %get3A_638 = arith.index_cast %add3A_618 : i32 to index
      %get3A_639 = arith.constant 48 : index
      %get3A_640 = tpu.vector_load %arg11[%get3A_638, %get3A_639] {strides = array<i32>} : memref<200x128xf32, #tpu.memory_space<vmem>>, vector<16xf32>,
      %mul3A_641 = arith.mulf %gather3A_622, %get3A_640 : vector<16xf32>
      %add3A_642 = arith.addf %scan3A_608, %mul3A_641 : vector<16xf32>
      %add3A_643 = arith.constant 1 : i32
      %add3A_644 = arith.addi %mul3A_616, %add3A_643 : i32
      %broadcast_in_dim3A_645 = arith.constant 1 : i32
      %broadcast_in_dim3A_646 = vector.broadcast %broadcast_in_dim3A_645 : i32 to vector<16x1xi32>
      %gather3A_647 = vector.shape_cast %broadcast_in_dim3A_646 : vector<16x1xi32> to vector<16xi32>
      %gather3A_648 = tpu.dynamic_gather %get3A_614[%gather3A_647] in [0] : vector<16xf32>, vector<16xi32> -> vector<16xf32>
      %get3A_649 = arith.index_cast %add3A_644 : i32 to index
      %get3A_650 = arith.constant 0 : index
      %get3A_651 = tpu.vector_load %arg11[%get3A_649, %get3A_650] {strides = array<i32>} : memref<200x128xf32, #tpu.memory_space<vmem>>, vector<16xf32>,
      %mul3A_652 = arith.mulf %gather3A_648, %get3A_651 : vector<16xf32>
      %add3A_653 = arith.addf %add3A_627, %mul3A_652 : vector<16xf32>
      %get3A_654 = arith.index_cast %add3A_644 : i32 to index
      %get3A_655 = arith.constant 16 : index
      %get3A_656 = tpu.vector_load %arg11[%get3A_654, %get3A_655] {strides = array<i32>} : memref<200x128xf32, #tpu.memory_space<vmem>>, vector<16xf32>,
      %mul3A_657 = arith.mulf %gather3A_648, %get3A_656 : vector<16xf32>
      %add3A_658 = arith.addf %add3A_632, %mul3A_657 : vector<16xf32>
      %get3A_659 = arith.index_cast %add3A_644 : i32 to index
      %get3A_660 = arith.constant 32 : index
      %get3A_661 = tpu.vector_load %arg11[%get3A_659, %get3A_660] {strides = array<i32>} : memref<200x128xf32, #tpu.memory_space<vmem>>, vector<16xf32>,
      %mul3A_662 = arith.mulf %gather3A_648, %get3A_661 : vector<16xf32>
      %add3A_663 = arith.addf %add3A_637, %mul3A_662 : vector<16xf32>
      %get3A_664 = arith.index_cast %add3A_644 : i32 to index
      %get3A_665 = arith.constant 48 : index
      %get3A_666 = tpu.vector_load %arg11[%get3A_664, %get3A_665] {strides = array<i32>} : memref<200x128xf32, #tpu.memory_space<vmem>>, vector<16xf32>,
      %mul3A_667 = arith.mulf %gather3A_648, %get3A_666 : vector<16xf32>
      %add3A_668 = arith.addf %add3A_642, %mul3A_667 : vector<16xf32>
      %add3A_669 = arith.constant 2 : i32
      %add3A_670 = arith.addi %mul3A_616, %add3A_669 : i32
      %broadcast_in_dim3A_671 = arith.constant 2 : i32
      %broadcast_in_dim3A_672 = vector.broadcast %broadcast_in_dim3A_671 : i32 to vector<16x1xi32>
      %gather3A_673 = vector.shape_cast %broadcast_in_dim3A_672 : vector<16x1xi32> to vector<16xi32>
      %gather3A_674 = tpu.dynamic_gather %get3A_614[%gather3A_673] in [0] : vector<16xf32>, vector<16xi32> -> vector<16xf32>
      %get3A_675 = arith.index_cast %add3A_670 : i32 to index
      %get3A_676 = arith.constant 0 : index
      %get3A_677 = tpu.vector_load %arg11[%get3A_675, %get3A_676] {strides = array<i32>} : memref<200x128xf32, #tpu.memory_space<vmem>>, vector<16xf32>,
      %mul3A_678 = arith.mulf %gather3A_674, %get3A_677 : vector<16xf32>
      %add3A_679 = arith.addf %add3A_653, %mul3A_678 : vector<16xf32>
      %get3A_680 = arith.index_cast %add3A_670 : i32 to index
      %get3A_681 = arith.constant 16 : index
      %get3A_682 = tpu.vector_load %arg11[%get3A_680, %get3A_681] {strides = array<i32>} : memref<200x128xf32, #tpu.memory_space<vmem>>, vector<16xf32>,
      %mul3A_683 = arith.mulf %gather3A_674, %get3A_682 : vector<16xf32>
      %add3A_684 = arith.addf %add3A_658, %mul3A_683 : vector<16xf32>
      %get3A_685 = arith.index_cast %add3A_670 : i32 to index
      %get3A_686 = arith.constant 32 : index
      %get3A_687 = tpu.vector_load %arg11[%get3A_685, %get3A_686] {strides = array<i32>} : memref<200x128xf32, #tpu.memory_space<vmem>>, vector<16xf32>,
      %mul3A_688 = arith.mulf %gather3A_674, %get3A_687 : vector<16xf32>
      %add3A_689 = arith.addf %add3A_663, %mul3A_688 : vector<16xf32>
      %get3A_690 = arith.index_cast %add3A_670 : i32 to index
      %get3A_691 = arith.constant 48 : index
      %get3A_692 = tpu.vector_load %arg11[%get3A_690, %get3A_691] {strides = array<i32>} : memref<200x128xf32, #tpu.memory_space<vmem>>, vector<16xf32>,
      %mul3A_693 = arith.mulf %gather3A_674, %get3A_692 : vector<16xf32>
      %add3A_694 = arith.addf %add3A_668, %mul3A_693 : vector<16xf32>
      %add3A_695 = arith.constant 3 : i32
      %add3A_696 = arith.addi %mul3A_616, %add3A_695 : i32
      %broadcast_in_dim3A_697 = arith.constant 3 : i32
      %broadcast_in_dim3A_698 = vector.broadcast %broadcast_in_dim3A_697 : i32 to vector<16x1xi32>
      %gather3A_699 = vector.shape_cast %broadcast_in_dim3A_698 : vector<16x1xi32> to vector<16xi32>
      %gather3A_700 = tpu.dynamic_gather %get3A_614[%gather3A_699] in [0] : vector<16xf32>, vector<16xi32> -> vector<16xf32>
      %get3A_701 = arith.index_cast %add3A_696 : i32 to index
      %get3A_702 = arith.constant 0 : index
      %get3A_703 = tpu.vector_load %arg11[%get3A_701, %get3A_702] {strides = array<i32>} : memref<200x128xf32, #tpu.memory_space<vmem>>, vector<16xf32>,
      %mul3A_704 = arith.mulf %gather3A_700, %get3A_703 : vector<16xf32>
      %add3A_705 = arith.addf %add3A_679, %mul3A_704 : vector<16xf32>
      %get3A_706 = arith.index_cast %add3A_696 : i32 to index
      %get3A_707 = arith.constant 16 : index
      %get3A_708 = tpu.vector_load %arg11[%get3A_706, %get3A_707] {strides = array<i32>} : memref<200x128xf32, #tpu.memory_space<vmem>>, vector<16xf32>,
      %mul3A_709 = arith.mulf %gather3A_700, %get3A_708 : vector<16xf32>
      %add3A_710 = arith.addf %add3A_684, %mul3A_709 : vector<16xf32>
      %get3A_711 = arith.index_cast %add3A_696 : i32 to index
      %get3A_712 = arith.constant 32 : index
      %get3A_713 = tpu.vector_load %arg11[%get3A_711, %get3A_712] {strides = array<i32>} : memref<200x128xf32, #tpu.memory_space<vmem>>, vector<16xf32>,
      %mul3A_714 = arith.mulf %gather3A_700, %get3A_713 : vector<16xf32>
      %add3A_715 = arith.addf %add3A_689, %mul3A_714 : vector<16xf32>
      %get3A_716 = arith.index_cast %add3A_696 : i32 to index
      %get3A_717 = arith.constant 48 : index
      %get3A_718 = tpu.vector_load %arg11[%get3A_716, %get3A_717] {strides = array<i32>} : memref<200x128xf32, #tpu.memory_space<vmem>>, vector<16xf32>,
      %mul3A_719 = arith.mulf %gather3A_700, %get3A_718 : vector<16xf32>
      %add3A_720 = arith.addf %add3A_694, %mul3A_719 : vector<16xf32>
      %add3A_721 = arith.constant 4 : i32
      %add3A_722 = arith.addi %mul3A_616, %add3A_721 : i32
      %broadcast_in_dim3A_723 = arith.constant 4 : i32
      %broadcast_in_dim3A_724 = vector.broadcast %broadcast_in_dim3A_723 : i32 to vector<16x1xi32>
      %gather3A_725 = vector.shape_cast %broadcast_in_dim3A_724 : vector<16x1xi32> to vector<16xi32>
      %gather3A_726 = tpu.dynamic_gather %get3A_614[%gather3A_725] in [0] : vector<16xf32>, vector<16xi32> -> vector<16xf32>
      %get3A_727 = arith.index_cast %add3A_722 : i32 to index
      %get3A_728 = arith.constant 0 : index
      %get3A_729 = tpu.vector_load %arg11[%get3A_727, %get3A_728] {strides = array<i32>} : memref<200x128xf32, #tpu.memory_space<vmem>>, vector<16xf32>,
      %mul3A_730 = arith.mulf %gather3A_726, %get3A_729 : vector<16xf32>
      %add3A_731 = arith.addf %add3A_705, %mul3A_730 : vector<16xf32>
      %get3A_732 = arith.index_cast %add3A_722 : i32 to index
      %get3A_733 = arith.constant 16 : index
      %get3A_734 = tpu.vector_load %arg11[%get3A_732, %get3A_733] {strides = array<i32>} : memref<200x128xf32, #tpu.memory_space<vmem>>, vector<16xf32>,
      %mul3A_735 = arith.mulf %gather3A_726, %get3A_734 : vector<16xf32>
      %add3A_736 = arith.addf %add3A_710, %mul3A_735 : vector<16xf32>
      %get3A_737 = arith.index_cast %add3A_722 : i32 to index
      %get3A_738 = arith.constant 32 : index
      %get3A_739 = tpu.vector_load %arg11[%get3A_737, %get3A_738] {strides = array<i32>} : memref<200x128xf32, #tpu.memory_space<vmem>>, vector<16xf32>,
      %mul3A_740 = arith.mulf %gather3A_726, %get3A_739 : vector<16xf32>
      %add3A_741 = arith.addf %add3A_715, %mul3A_740 : vector<16xf32>
      %get3A_742 = arith.index_cast %add3A_722 : i32 to index
      %get3A_743 = arith.constant 48 : index
      %get3A_744 = tpu.vector_load %arg11[%get3A_742, %get3A_743] {strides = array<i32>} : memref<200x128xf32, #tpu.memory_space<vmem>>, vector<16xf32>,
      %mul3A_745 = arith.mulf %gather3A_726, %get3A_744 : vector<16xf32>
      %add3A_746 = arith.addf %add3A_720, %mul3A_745 : vector<16xf32>
      %add3A_747 = arith.constant 5 : i32
      %add3A_748 = arith.addi %mul3A_616, %add3A_747 : i32
      %broadcast_in_dim3A_749 = arith.constant 5 : i32
      %broadcast_in_dim3A_750 = vector.broadcast %broadcast_in_dim3A_749 : i32 to vector<16x1xi32>
      %gather3A_751 = vector.shape_cast %broadcast_in_dim3A_750 : vector<16x1xi32> to vector<16xi32>
      %gather3A_752 = tpu.dynamic_gather %get3A_614[%gather3A_751] in [0] : vector<16xf32>, vector<16xi32> -> vector<16xf32>
      %get3A_753 = arith.index_cast %add3A_748 : i32 to index
      %get3A_754 = arith.constant 0 : index
      %get3A_755 = tpu.vector_load %arg11[%get3A_753, %get3A_754] {strides = array<i32>} : memref<200x128xf32, #tpu.memory_space<vmem>>, vector<16xf32>,
      %mul3A_756 = arith.mulf %gather3A_752, %get3A_755 : vector<16xf32>
      %add3A_757 = arith.addf %add3A_731, %mul3A_756 : vector<16xf32>
      %get3A_758 = arith.index_cast %add3A_748 : i32 to index
      %get3A_759 = arith.constant 16 : index
      %get3A_760 = tpu.vector_load %arg11[%get3A_758, %get3A_759] {strides = array<i32>} : memref<200x128xf32, #tpu.memory_space<vmem>>, vector<16xf32>,
      %mul3A_761 = arith.mulf %gather3A_752, %get3A_760 : vector<16xf32>
      %add3A_762 = arith.addf %add3A_736, %mul3A_761 : vector<16xf32>
      %get3A_763 = arith.index_cast %add3A_748 : i32 to index
      %get3A_764 = arith.constant 32 : index
      %get3A_765 = tpu.vector_load %arg11[%get3A_763, %get3A_764] {strides = array<i32>} : memref<200x128xf32, #tpu.memory_space<vmem>>, vector<16xf32>,
      %mul3A_766 = arith.mulf %gather3A_752, %get3A_765 : vector<16xf32>
      %add3A_767 = arith.addf %add3A_741, %mul3A_766 : vector<16xf32>
      %get3A_768 = arith.index_cast %add3A_748 : i32 to index
      %get3A_769 = arith.constant 48 : index
      %get3A_770 = tpu.vector_load %arg11[%get3A_768, %get3A_769] {strides = array<i32>} : memref<200x128xf32, #tpu.memory_space<vmem>>, vector<16xf32>,
      %mul3A_771 = arith.mulf %gather3A_752, %get3A_770 : vector<16xf32>
      %add3A_772 = arith.addf %add3A_746, %mul3A_771 : vector<16xf32>
      %add3A_773 = arith.constant 6 : i32
      %add3A_774 = arith.addi %mul3A_616, %add3A_773 : i32
      %broadcast_in_dim3A_775 = arith.constant 6 : i32
      %broadcast_in_dim3A_776 = vector.broadcast %broadcast_in_dim3A_775 : i32 to vector<16x1xi32>
      %gather3A_777 = vector.shape_cast %broadcast_in_dim3A_776 : vector<16x1xi32> to vector<16xi32>
      %gather3A_778 = tpu.dynamic_gather %get3A_614[%gather3A_777] in [0] : vector<16xf32>, vector<16xi32> -> vector<16xf32>
      %get3A_779 = arith.index_cast %add3A_774 : i32 to index
      %get3A_780 = arith.constant 0 : index
      %get3A_781 = tpu.vector_load %arg11[%get3A_779, %get3A_780] {strides = array<i32>} : memref<200x128xf32, #tpu.memory_space<vmem>>, vector<16xf32>,
      %mul3A_782 = arith.mulf %gather3A_778, %get3A_781 : vector<16xf32>
      %add3A_783 = arith.addf %add3A_757, %mul3A_782 : vector<16xf32>
      %get3A_784 = arith.index_cast %add3A_774 : i32 to index
      %get3A_785 = arith.constant 16 : index
      %get3A_786 = tpu.vector_load %arg11[%get3A_784, %get3A_785] {strides = array<i32>} : memref<200x128xf32, #tpu.memory_space<vmem>>, vector<16xf32>,
      %mul3A_787 = arith.mulf %gather3A_778, %get3A_786 : vector<16xf32>
      %add3A_788 = arith.addf %add3A_762, %mul3A_787 : vector<16xf32>
      %get3A_789 = arith.index_cast %add3A_774 : i32 to index
      %get3A_790 = arith.constant 32 : index
      %get3A_791 = tpu.vector_load %arg11[%get3A_789, %get3A_790] {strides = array<i32>} : memref<200x128xf32, #tpu.memory_space<vmem>>, vector<16xf32>,
      %mul3A_792 = arith.mulf %gather3A_778, %get3A_791 : vector<16xf32>
      %add3A_793 = arith.addf %add3A_767, %mul3A_792 : vector<16xf32>
      %get3A_794 = arith.index_cast %add3A_774 : i32 to index
      %get3A_795 = arith.constant 48 : index
      %get3A_796 = tpu.vector_load %arg11[%get3A_794, %get3A_795] {strides = array<i32>} : memref<200x128xf32, #tpu.memory_space<vmem>>, vector<16xf32>,
      %mul3A_797 = arith.mulf %gather3A_778, %get3A_796 : vector<16xf32>
      %add3A_798 = arith.addf %add3A_772, %mul3A_797 : vector<16xf32>
      %add3A_799 = arith.constant 7 : i32
      %add3A_800 = arith.addi %mul3A_616, %add3A_799 : i32
      %broadcast_in_dim3A_801 = arith.constant 7 : i32
      %broadcast_in_dim3A_802 = vector.broadcast %broadcast_in_dim3A_801 : i32 to vector<16x1xi32>
      %gather3A_803 = vector.shape_cast %broadcast_in_dim3A_802 : vector<16x1xi32> to vector<16xi32>
      %gather3A_804 = tpu.dynamic_gather %get3A_614[%gather3A_803] in [0] : vector<16xf32>, vector<16xi32> -> vector<16xf32>
      %get3A_805 = arith.index_cast %add3A_800 : i32 to index
      %get3A_806 = arith.constant 0 : index
      %get3A_807 = tpu.vector_load %arg11[%get3A_805, %get3A_806] {strides = array<i32>} : memref<200x128xf32, #tpu.memory_space<vmem>>, vector<16xf32>,
      %mul3A_808 = arith.mulf %gather3A_804, %get3A_807 : vector<16xf32>
      %add3A_809 = arith.addf %add3A_783, %mul3A_808 : vector<16xf32>
      %get3A_810 = arith.index_cast %add3A_800 : i32 to index
      %get3A_811 = arith.constant 16 : index
      %get3A_812 = tpu.vector_load %arg11[%get3A_810, %get3A_811] {strides = array<i32>} : memref<200x128xf32, #tpu.memory_space<vmem>>, vector<16xf32>,
      %mul3A_813 = arith.mulf %gather3A_804, %get3A_812 : vector<16xf32>
      %add3A_814 = arith.addf %add3A_788, %mul3A_813 : vector<16xf32>
      %get3A_815 = arith.index_cast %add3A_800 : i32 to index
      %get3A_816 = arith.constant 32 : index
      %get3A_817 = tpu.vector_load %arg11[%get3A_815, %get3A_816] {strides = array<i32>} : memref<200x128xf32, #tpu.memory_space<vmem>>, vector<16xf32>,
      %mul3A_818 = arith.mulf %gather3A_804, %get3A_817 : vector<16xf32>
      %add3A_819 = arith.addf %add3A_793, %mul3A_818 : vector<16xf32>
      %get3A_820 = arith.index_cast %add3A_800 : i32 to index
      %get3A_821 = arith.constant 48 : index
      %get3A_822 = tpu.vector_load %arg11[%get3A_820, %get3A_821] {strides = array<i32>} : memref<200x128xf32, #tpu.memory_space<vmem>>, vector<16xf32>,
      %mul3A_823 = arith.mulf %gather3A_804, %get3A_822 : vector<16xf32>
      %add3A_824 = arith.addf %add3A_798, %mul3A_823 : vector<16xf32>
      %add3A_825 = arith.constant 8 : i32
      %add3A_826 = arith.addi %mul3A_616, %add3A_825 : i32
      %broadcast_in_dim3A_827 = arith.constant 8 : i32
      %broadcast_in_dim3A_828 = vector.broadcast %broadcast_in_dim3A_827 : i32 to vector<16x1xi32>
      %gather3A_829 = vector.shape_cast %broadcast_in_dim3A_828 : vector<16x1xi32> to vector<16xi32>
      %gather3A_830 = tpu.dynamic_gather %get3A_614[%gather3A_829] in [0] : vector<16xf32>, vector<16xi32> -> vector<16xf32>
      %get3A_831 = arith.index_cast %add3A_826 : i32 to index
      %get3A_832 = arith.constant 0 : index
      %get3A_833 = tpu.vector_load %arg11[%get3A_831, %get3A_832] {strides = array<i32>} : memref<200x128xf32, #tpu.memory_space<vmem>>, vector<16xf32>,
      %mul3A_834 = arith.mulf %gather3A_830, %get3A_833 : vector<16xf32>
      %add3A_835 = arith.addf %add3A_809, %mul3A_834 : vector<16xf32>
      %get3A_836 = arith.index_cast %add3A_826 : i32 to index
      %get3A_837 = arith.constant 16 : index
      %get3A_838 = tpu.vector_load %arg11[%get3A_836, %get3A_837] {strides = array<i32>} : memref<200x128xf32, #tpu.memory_space<vmem>>, vector<16xf32>,
      %mul3A_839 = arith.mulf %gather3A_830, %get3A_838 : vector<16xf32>
      %add3A_840 = arith.addf %add3A_814, %mul3A_839 : vector<16xf32>
      %get3A_841 = arith.index_cast %add3A_826 : i32 to index
      %get3A_842 = arith.constant 32 : index
      %get3A_843 = tpu.vector_load %arg11[%get3A_841, %get3A_842] {strides = array<i32>} : memref<200x128xf32, #tpu.memory_space<vmem>>, vector<16xf32>,
      %mul3A_844 = arith.mulf %gather3A_830, %get3A_843 : vector<16xf32>
      %add3A_845 = arith.addf %add3A_819, %mul3A_844 : vector<16xf32>
      %get3A_846 = arith.index_cast %add3A_826 : i32 to index
      %get3A_847 = arith.constant 48 : index
      %get3A_848 = tpu.vector_load %arg11[%get3A_846, %get3A_847] {strides = array<i32>} : memref<200x128xf32, #tpu.memory_space<vmem>>, vector<16xf32>,
      %mul3A_849 = arith.mulf %gather3A_830, %get3A_848 : vector<16xf32>
      %add3A_850 = arith.addf %add3A_824, %mul3A_849 : vector<16xf32>
      %add3A_851 = arith.constant 9 : i32
      %add3A_852 = arith.addi %mul3A_616, %add3A_851 : i32
      %broadcast_in_dim3A_853 = arith.constant 9 : i32
      %broadcast_in_dim3A_854 = vector.broadcast %broadcast_in_dim3A_853 : i32 to vector<16x1xi32>
      %gather3A_855 = vector.shape_cast %broadcast_in_dim3A_854 : vector<16x1xi32> to vector<16xi32>
      %gather3A_856 = tpu.dynamic_gather %get3A_614[%gather3A_855] in [0] : vector<16xf32>, vector<16xi32> -> vector<16xf32>
      %get3A_857 = arith.index_cast %add3A_852 : i32 to index
      %get3A_858 = arith.constant 0 : index
      %get3A_859 = tpu.vector_load %arg11[%get3A_857, %get3A_858] {strides = array<i32>} : memref<200x128xf32, #tpu.memory_space<vmem>>, vector<16xf32>,
      %mul3A_860 = arith.mulf %gather3A_856, %get3A_859 : vector<16xf32>
      %add3A_861 = arith.addf %add3A_835, %mul3A_860 : vector<16xf32>
      %get3A_862 = arith.index_cast %add3A_852 : i32 to index
      %get3A_863 = arith.constant 16 : index
      %get3A_864 = tpu.vector_load %arg11[%get3A_862, %get3A_863] {strides = array<i32>} : memref<200x128xf32, #tpu.memory_space<vmem>>, vector<16xf32>,
      %mul3A_865 = arith.mulf %gather3A_856, %get3A_864 : vector<16xf32>
      %add3A_866 = arith.addf %add3A_840, %mul3A_865 : vector<16xf32>
      %get3A_867 = arith.index_cast %add3A_852 : i32 to index
      %get3A_868 = arith.constant 32 : index
      %get3A_869 = tpu.vector_load %arg11[%get3A_867, %get3A_868] {strides = array<i32>} : memref<200x128xf32, #tpu.memory_space<vmem>>, vector<16xf32>,
      %mul3A_870 = arith.mulf %gather3A_856, %get3A_869 : vector<16xf32>
      %add3A_871 = arith.addf %add3A_845, %mul3A_870 : vector<16xf32>
      %get3A_872 = arith.index_cast %add3A_852 : i32 to index
      %get3A_873 = arith.constant 48 : index
      %get3A_874 = tpu.vector_load %arg11[%get3A_872, %get3A_873] {strides = array<i32>} : memref<200x128xf32, #tpu.memory_space<vmem>>, vector<16xf32>,
      %mul3A_875 = arith.mulf %gather3A_856, %get3A_874 : vector<16xf32>
      %add3A_876 = arith.addf %add3A_850, %mul3A_875 : vector<16xf32>
      %add3A_877 = arith.constant 10 : i32
      %add3A_878 = arith.addi %mul3A_616, %add3A_877 : i32
      %broadcast_in_dim3A_879 = arith.constant 10 : i32
      %broadcast_in_dim3A_880 = vector.broadcast %broadcast_in_dim3A_879 : i32 to vector<16x1xi32>
      %gather3A_881 = vector.shape_cast %broadcast_in_dim3A_880 : vector<16x1xi32> to vector<16xi32>
      %gather3A_882 = tpu.dynamic_gather %get3A_614[%gather3A_881] in [0] : vector<16xf32>, vector<16xi32> -> vector<16xf32>
      %get3A_883 = arith.index_cast %add3A_878 : i32 to index
      %get3A_884 = arith.constant 0 : index
      %get3A_885 = tpu.vector_load %arg11[%get3A_883, %get3A_884] {strides = array<i32>} : memref<200x128xf32, #tpu.memory_space<vmem>>, vector<16xf32>,
      %mul3A_886 = arith.mulf %gather3A_882, %get3A_885 : vector<16xf32>
      %add3A_887 = arith.addf %add3A_861, %mul3A_886 : vector<16xf32>
      %get3A_888 = arith.index_cast %add3A_878 : i32 to index
      %get3A_889 = arith.constant 16 : index
      %get3A_890 = tpu.vector_load %arg11[%get3A_888, %get3A_889] {strides = array<i32>} : memref<200x128xf32, #tpu.memory_space<vmem>>, vector<16xf32>,
      %mul3A_891 = arith.mulf %gather3A_882, %get3A_890 : vector<16xf32>
      %add3A_892 = arith.addf %add3A_866, %mul3A_891 : vector<16xf32>
      %get3A_893 = arith.index_cast %add3A_878 : i32 to index
      %get3A_894 = arith.constant 32 : index
      %get3A_895 = tpu.vector_load %arg11[%get3A_893, %get3A_894] {strides = array<i32>} : memref<200x128xf32, #tpu.memory_space<vmem>>, vector<16xf32>,
      %mul3A_896 = arith.mulf %gather3A_882, %get3A_895 : vector<16xf32>
      %add3A_897 = arith.addf %add3A_871, %mul3A_896 : vector<16xf32>
      %get3A_898 = arith.index_cast %add3A_878 : i32 to index
      %get3A_899 = arith.constant 48 : index
      %get3A_900 = tpu.vector_load %arg11[%get3A_898, %get3A_899] {strides = array<i32>} : memref<200x128xf32, #tpu.memory_space<vmem>>, vector<16xf32>,
      %mul3A_901 = arith.mulf %gather3A_882, %get3A_900 : vector<16xf32>
      %add3A_902 = arith.addf %add3A_876, %mul3A_901 : vector<16xf32>
      %add3A_903 = arith.constant 11 : i32
      %add3A_904 = arith.addi %mul3A_616, %add3A_903 : i32
      %broadcast_in_dim3A_905 = arith.constant 11 : i32
      %broadcast_in_dim3A_906 = vector.broadcast %broadcast_in_dim3A_905 : i32 to vector<16x1xi32>
      %gather3A_907 = vector.shape_cast %broadcast_in_dim3A_906 : vector<16x1xi32> to vector<16xi32>
      %gather3A_908 = tpu.dynamic_gather %get3A_614[%gather3A_907] in [0] : vector<16xf32>, vector<16xi32> -> vector<16xf32>
      %get3A_909 = arith.index_cast %add3A_904 : i32 to index
      %get3A_910 = arith.constant 0 : index
      %get3A_911 = tpu.vector_load %arg11[%get3A_909, %get3A_910] {strides = array<i32>} : memref<200x128xf32, #tpu.memory_space<vmem>>, vector<16xf32>,
      %mul3A_912 = arith.mulf %gather3A_908, %get3A_911 : vector<16xf32>
      %add3A_913 = arith.addf %add3A_887, %mul3A_912 : vector<16xf32>
      %get3A_914 = arith.index_cast %add3A_904 : i32 to index
      %get3A_915 = arith.constant 16 : index
      %get3A_916 = tpu.vector_load %arg11[%get3A_914, %get3A_915] {strides = array<i32>} : memref<200x128xf32, #tpu.memory_space<vmem>>, vector<16xf32>,
      %mul3A_917 = arith.mulf %gather3A_908, %get3A_916 : vector<16xf32>
      %add3A_918 = arith.addf %add3A_892, %mul3A_917 : vector<16xf32>
      %get3A_919 = arith.index_cast %add3A_904 : i32 to index
      %get3A_920 = arith.constant 32 : index
      %get3A_921 = tpu.vector_load %arg11[%get3A_919, %get3A_920] {strides = array<i32>} : memref<200x128xf32, #tpu.memory_space<vmem>>, vector<16xf32>,
      %mul3A_922 = arith.mulf %gather3A_908, %get3A_921 : vector<16xf32>
      %add3A_923 = arith.addf %add3A_897, %mul3A_922 : vector<16xf32>
      %get3A_924 = arith.index_cast %add3A_904 : i32 to index
      %get3A_925 = arith.constant 48 : index
      %get3A_926 = tpu.vector_load %arg11[%get3A_924, %get3A_925] {strides = array<i32>} : memref<200x128xf32, #tpu.memory_space<vmem>>, vector<16xf32>,
      %mul3A_927 = arith.mulf %gather3A_908, %get3A_926 : vector<16xf32>
      %add3A_928 = arith.addf %add3A_902, %mul3A_927 : vector<16xf32>
      %add3A_929 = arith.constant 12 : i32
      %add3A_930 = arith.addi %mul3A_616, %add3A_929 : i32
      %broadcast_in_dim3A_931 = arith.constant 12 : i32
      %broadcast_in_dim3A_932 = vector.broadcast %broadcast_in_dim3A_931 : i32 to vector<16x1xi32>
      %gather3A_933 = vector.shape_cast %broadcast_in_dim3A_932 : vector<16x1xi32> to vector<16xi32>
      %gather3A_934 = tpu.dynamic_gather %get3A_614[%gather3A_933] in [0] : vector<16xf32>, vector<16xi32> -> vector<16xf32>
      %get3A_935 = arith.index_cast %add3A_930 : i32 to index
      %get3A_936 = arith.constant 0 : index
      %get3A_937 = tpu.vector_load %arg11[%get3A_935, %get3A_936] {strides = array<i32>} : memref<200x128xf32, #tpu.memory_space<vmem>>, vector<16xf32>,
      %mul3A_938 = arith.mulf %gather3A_934, %get3A_937 : vector<16xf32>
      %add3A_939 = arith.addf %add3A_913, %mul3A_938 : vector<16xf32>
      %get3A_940 = arith.index_cast %add3A_930 : i32 to index
      %get3A_941 = arith.constant 16 : index
      %get3A_942 = tpu.vector_load %arg11[%get3A_940, %get3A_941] {strides = array<i32>} : memref<200x128xf32, #tpu.memory_space<vmem>>, vector<16xf32>,
      %mul3A_943 = arith.mulf %gather3A_934, %get3A_942 : vector<16xf32>
      %add3A_944 = arith.addf %add3A_918, %mul3A_943 : vector<16xf32>
      %get3A_945 = arith.index_cast %add3A_930 : i32 to index
      %get3A_946 = arith.constant 32 : index
      %get3A_947 = tpu.vector_load %arg11[%get3A_945, %get3A_946] {strides = array<i32>} : memref<200x128xf32, #tpu.memory_space<vmem>>, vector<16xf32>,
      %mul3A_948 = arith.mulf %gather3A_934, %get3A_947 : vector<16xf32>
      %add3A_949 = arith.addf %add3A_923, %mul3A_948 : vector<16xf32>
      %get3A_950 = arith.index_cast %add3A_930 : i32 to index
      %get3A_951 = arith.constant 48 : index
      %get3A_952 = tpu.vector_load %arg11[%get3A_950, %get3A_951] {strides = array<i32>} : memref<200x128xf32, #tpu.memory_space<vmem>>, vector<16xf32>,
      %mul3A_953 = arith.mulf %gather3A_934, %get3A_952 : vector<16xf32>
      %add3A_954 = arith.addf %add3A_928, %mul3A_953 : vector<16xf32>
      %add3A_955 = arith.constant 13 : i32
      %add3A_956 = arith.addi %mul3A_616, %add3A_955 : i32
      %broadcast_in_dim3A_957 = arith.constant 13 : i32
      %broadcast_in_dim3A_958 = vector.broadcast %broadcast_in_dim3A_957 : i32 to vector<16x1xi32>
      %gather3A_959 = vector.shape_cast %broadcast_in_dim3A_958 : vector<16x1xi32> to vector<16xi32>
      %gather3A_960 = tpu.dynamic_gather %get3A_614[%gather3A_959] in [0] : vector<16xf32>, vector<16xi32> -> vector<16xf32>
      %get3A_961 = arith.index_cast %add3A_956 : i32 to index
      %get3A_962 = arith.constant 0 : index
      %get3A_963 = tpu.vector_load %arg11[%get3A_961, %get3A_962] {strides = array<i32>} : memref<200x128xf32, #tpu.memory_space<vmem>>, vector<16xf32>,
      %mul3A_964 = arith.mulf %gather3A_960, %get3A_963 : vector<16xf32>
      %add3A_965 = arith.addf %add3A_939, %mul3A_964 : vector<16xf32>
      %get3A_966 = arith.index_cast %add3A_956 : i32 to index
      %get3A_967 = arith.constant 16 : index
      %get3A_968 = tpu.vector_load %arg11[%get3A_966, %get3A_967] {strides = array<i32>} : memref<200x128xf32, #tpu.memory_space<vmem>>, vector<16xf32>,
      %mul3A_969 = arith.mulf %gather3A_960, %get3A_968 : vector<16xf32>
      %add3A_970 = arith.addf %add3A_944, %mul3A_969 : vector<16xf32>
      %get3A_971 = arith.index_cast %add3A_956 : i32 to index
      %get3A_972 = arith.constant 32 : index
      %get3A_973 = tpu.vector_load %arg11[%get3A_971, %get3A_972] {strides = array<i32>} : memref<200x128xf32, #tpu.memory_space<vmem>>, vector<16xf32>,
      %mul3A_974 = arith.mulf %gather3A_960, %get3A_973 : vector<16xf32>
      %add3A_975 = arith.addf %add3A_949, %mul3A_974 : vector<16xf32>
      %get3A_976 = arith.index_cast %add3A_956 : i32 to index
      %get3A_977 = arith.constant 48 : index
      %get3A_978 = tpu.vector_load %arg11[%get3A_976, %get3A_977] {strides = array<i32>} : memref<200x128xf32, #tpu.memory_space<vmem>>, vector<16xf32>,
      %mul3A_979 = arith.mulf %gather3A_960, %get3A_978 : vector<16xf32>
      %add3A_980 = arith.addf %add3A_954, %mul3A_979 : vector<16xf32>
      %add3A_981 = arith.constant 14 : i32
      %add3A_982 = arith.addi %mul3A_616, %add3A_981 : i32
      %broadcast_in_dim3A_983 = arith.constant 14 : i32
      %broadcast_in_dim3A_984 = vector.broadcast %broadcast_in_dim3A_983 : i32 to vector<16x1xi32>
      %gather3A_985 = vector.shape_cast %broadcast_in_dim3A_984 : vector<16x1xi32> to vector<16xi32>
      %gather3A_986 = tpu.dynamic_gather %get3A_614[%gather3A_985] in [0] : vector<16xf32>, vector<16xi32> -> vector<16xf32>
      %get3A_987 = arith.index_cast %add3A_982 : i32 to index
      %get3A_988 = arith.constant 0 : index
      %get3A_989 = tpu.vector_load %arg11[%get3A_987, %get3A_988] {strides = array<i32>} : memref<200x128xf32, #tpu.memory_space<vmem>>, vector<16xf32>,
      %mul3A_990 = arith.mulf %gather3A_986, %get3A_989 : vector<16xf32>
      %add3A_991 = arith.addf %add3A_965, %mul3A_990 : vector<16xf32>
      %get3A_992 = arith.index_cast %add3A_982 : i32 to index
      %get3A_993 = arith.constant 16 : index
      %get3A_994 = tpu.vector_load %arg11[%get3A_992, %get3A_993] {strides = array<i32>} : memref<200x128xf32, #tpu.memory_space<vmem>>, vector<16xf32>,
      %mul3A_995 = arith.mulf %gather3A_986, %get3A_994 : vector<16xf32>
      %add3A_996 = arith.addf %add3A_970, %mul3A_995 : vector<16xf32>
      %get3A_997 = arith.index_cast %add3A_982 : i32 to index
      %get3A_998 = arith.constant 32 : index
      %get3A_999 = tpu.vector_load %arg11[%get3A_997, %get3A_998] {strides = array<i32>} : memref<200x128xf32, #tpu.memory_space<vmem>>, vector<16xf32>,
      %mul3A_1000 = arith.mulf %gather3A_986, %get3A_999 : vector<16xf32>
      %add3A_1001 = arith.addf %add3A_975, %mul3A_1000 : vector<16xf32>
      %get3A_1002 = arith.index_cast %add3A_982 : i32 to index
      %get3A_1003 = arith.constant 48 : index
      %get3A_1004 = tpu.vector_load %arg11[%get3A_1002, %get3A_1003] {strides = array<i32>} : memref<200x128xf32, #tpu.memory_space<vmem>>, vector<16xf32>,
      %mul3A_1005 = arith.mulf %gather3A_986, %get3A_1004 : vector<16xf32>
      %add3A_1006 = arith.addf %add3A_980, %mul3A_1005 : vector<16xf32>
      %add3A_1007 = arith.constant 15 : i32
      %add3A_1008 = arith.addi %mul3A_616, %add3A_1007 : i32
      %broadcast_in_dim3A_1009 = arith.constant 15 : i32
      %broadcast_in_dim3A_1010 = vector.broadcast %broadcast_in_dim3A_1009 : i32 to vector<16x1xi32>
      %gather3A_1011 = vector.shape_cast %broadcast_in_dim3A_1010 : vector<16x1xi32> to vector<16xi32>
      %gather3A_1012 = tpu.dynamic_gather %get3A_614[%gather3A_1011] in [0] : vector<16xf32>, vector<16xi32> -> vector<16xf32>
      %get3A_1013 = arith.index_cast %add3A_1008 : i32 to index
      %get3A_1014 = arith.constant 0 : index
      %get3A_1015 = tpu.vector_load %arg11[%get3A_1013, %get3A_1014] {strides = array<i32>} : memref<200x128xf32, #tpu.memory_space<vmem>>, vector<16xf32>,
      %mul3A_1016 = arith.mulf %gather3A_1012, %get3A_1015 : vector<16xf32>
      %add3A_1017 = arith.addf %add3A_991, %mul3A_1016 : vector<16xf32>
      %get3A_1018 = arith.index_cast %add3A_1008 : i32 to index
      %get3A_1019 = arith.constant 16 : index
      %get3A_1020 = tpu.vector_load %arg11[%get3A_1018, %get3A_1019] {strides = array<i32>} : memref<200x128xf32, #tpu.memory_space<vmem>>, vector<16xf32>,
      %mul3A_1021 = arith.mulf %gather3A_1012, %get3A_1020 : vector<16xf32>
      %add3A_1022 = arith.addf %add3A_996, %mul3A_1021 : vector<16xf32>
      %get3A_1023 = arith.index_cast %add3A_1008 : i32 to index
      %get3A_1024 = arith.constant 32 : index
      %get3A_1025 = tpu.vector_load %arg11[%get3A_1023, %get3A_1024] {strides = array<i32>} : memref<200x128xf32, #tpu.memory_space<vmem>>, vector<16xf32>,
      %mul3A_1026 = arith.mulf %gather3A_1012, %get3A_1025 : vector<16xf32>
      %add3A_1027 = arith.addf %add3A_1001, %mul3A_1026 : vector<16xf32>
      %get3A_1028 = arith.index_cast %add3A_1008 : i32 to index
      %get3A_1029 = arith.constant 48 : index
      %get3A_1030 = tpu.vector_load %arg11[%get3A_1028, %get3A_1029] {strides = array<i32>} : memref<200x128xf32, #tpu.memory_space<vmem>>, vector<16xf32>,
      %mul3A_1031 = arith.mulf %gather3A_1012, %get3A_1030 : vector<16xf32>
      %add3A_1032 = arith.addf %add3A_1006, %mul3A_1031 : vector<16xf32>
      scf.yield %add3A_1017, %add3A_1022, %add3A_1027, %add3A_1032 : vector<16xf32>, vector<16xf32>, vector<16xf32>, vector<16xf32>
    }
    %scan3A_355 = arith.constant 12 : i32
    %get3A_356 = arith.constant 127 : i32
    %get3A_357 = arith.index_cast %get3A_356 : i32 to index
    %get3A_358 = arith.constant 184 : index
    %get3A_359 = tpu.vector_load %arg9[%get3A_357, %get3A_358] {strides = array<i32>} : memref<128x200xf32, #tpu.memory_space<vmem>>, vector<16xf32>,
    %broadcast_in_dim3A_360 = arith.constant 8 : i32
    %broadcast_in_dim3A_361 = vector.broadcast %broadcast_in_dim3A_360 : i32 to vector<16x1xi32>
    %gather3A_362 = vector.shape_cast %broadcast_in_dim3A_361 : vector<16x1xi32> to vector<16xi32>
    %gather3A_363 = tpu.dynamic_gather %get3A_359[%gather3A_362] in [0] : vector<16xf32>, vector<16xi32> -> vector<16xf32>
    %get3A_364 = arith.constant 192 : i32
    %get3A_365 = arith.index_cast %get3A_364 : i32 to index
    %get3A_366 = arith.constant 0 : index
    %get3A_367 = tpu.vector_load %arg11[%get3A_365, %get3A_366] {strides = array<i32>} : memref<200x128xf32, #tpu.memory_space<vmem>>, vector<16xf32>,
    %mul3A_368 = arith.mulf %gather3A_363, %get3A_367 : vector<16xf32>
    %add3A_369 = arith.addf %scan3A_354#0, %mul3A_368 : vector<16xf32>
    %get3A_370 = arith.constant 192 : i32
    %get3A_371 = arith.index_cast %get3A_370 : i32 to index
    %get3A_372 = arith.constant 16 : index
    %get3A_373 = tpu.vector_load %arg11[%get3A_371, %get3A_372] {strides = array<i32>} : memref<200x128xf32, #tpu.memory_space<vmem>>, vector<16xf32>,
    %mul3A_374 = arith.mulf %gather3A_363, %get3A_373 : vector<16xf32>
    %add3A_375 = arith.addf %scan3A_354#1, %mul3A_374 : vector<16xf32>
    %get3A_376 = arith.constant 192 : i32
    %get3A_377 = arith.index_cast %get3A_376 : i32 to index
    %get3A_378 = arith.constant 32 : index
    %get3A_379 = tpu.vector_load %arg11[%get3A_377, %get3A_378] {strides = array<i32>} : memref<200x128xf32, #tpu.memory_space<vmem>>, vector<16xf32>,
    %mul3A_380 = arith.mulf %gather3A_363, %get3A_379 : vector<16xf32>
    %add3A_381 = arith.addf %scan3A_354#2, %mul3A_380 : vector<16xf32>
    %get3A_382 = arith.constant 192 : i32
    %get3A_383 = arith.index_cast %get3A_382 : i32 to index
    %get3A_384 = arith.constant 48 : index
    %get3A_385 = tpu.vector_load %arg11[%get3A_383, %get3A_384] {strides = array<i32>} : memref<200x128xf32, #tpu.memory_space<vmem>>, vector<16xf32>,
    %mul3A_386 = arith.mulf %gather3A_363, %get3A_385 : vector<16xf32>
    %add3A_387 = arith.addf %scan3A_354#3, %mul3A_386 : vector<16xf32>
    %broadcast_in_dim3A_388 = arith.constant 9 : i32
    %broadcast_in_dim3A_389 = vector.broadcast %broadcast_in_dim3A_388 : i32 to vector<16x1xi32>
    %gather3A_390 = vector.shape_cast %broadcast_in_dim3A_389 : vector<16x1xi32> to vector<16xi32>
    %gather3A_391 = tpu.dynamic_gather %get3A_359[%gather3A_390] in [0] : vector<16xf32>, vector<16xi32> -> vector<16xf32>
    %get3A_392 = arith.constant 193 : i32
    %get3A_393 = arith.index_cast %get3A_392 : i32 to index
    %get3A_394 = arith.constant 0 : index
    %get3A_395 = tpu.vector_load %arg11[%get3A_393, %get3A_394] {strides = array<i32>} : memref<200x128xf32, #tpu.memory_space<vmem>>, vector<16xf32>,
    %mul3A_396 = arith.mulf %gather3A_391, %get3A_395 : vector<16xf32>
    %add3A_397 = arith.addf %add3A_369, %mul3A_396 : vector<16xf32>
    %get3A_398 = arith.constant 193 : i32
    %get3A_399 = arith.index_cast %get3A_398 : i32 to index
    %get3A_400 = arith.constant 16 : index
    %get3A_401 = tpu.vector_load %arg11[%get3A_399, %get3A_400] {strides = array<i32>} : memref<200x128xf32, #tpu.memory_space<vmem>>, vector<16xf32>,
    %mul3A_402 = arith.mulf %gather3A_391, %get3A_401 : vector<16xf32>
    %add3A_403 = arith.addf %add3A_375, %mul3A_402 : vector<16xf32>
    %get3A_404 = arith.constant 193 : i32
    %get3A_405 = arith.index_cast %get3A_404 : i32 to index
    %get3A_406 = arith.constant 32 : index
    %get3A_407 = tpu.vector_load %arg11[%get3A_405, %get3A_406] {strides = array<i32>} : memref<200x128xf32, #tpu.memory_space<vmem>>, vector<16xf32>,
    %mul3A_408 = arith.mulf %gather3A_391, %get3A_407 : vector<16xf32>
    %add3A_409 = arith.addf %add3A_381, %mul3A_408 : vector<16xf32>
    %get3A_410 = arith.constant 193 : i32
    %get3A_411 = arith.index_cast %get3A_410 : i32 to index
    %get3A_412 = arith.constant 48 : index
    %get3A_413 = tpu.vector_load %arg11[%get3A_411, %get3A_412] {strides = array<i32>} : memref<200x128xf32, #tpu.memory_space<vmem>>, vector<16xf32>,
    %mul3A_414 = arith.mulf %gather3A_391, %get3A_413 : vector<16xf32>
    %add3A_415 = arith.addf %add3A_387, %mul3A_414 : vector<16xf32>
    %broadcast_in_dim3A_416 = arith.constant 10 : i32
    %broadcast_in_dim3A_417 = vector.broadcast %broadcast_in_dim3A_416 : i32 to vector<16x1xi32>
    %gather3A_418 = vector.shape_cast %broadcast_in_dim3A_417 : vector<16x1xi32> to vector<16xi32>
    %gather3A_419 = tpu.dynamic_gather %get3A_359[%gather3A_418] in [0] : vector<16xf32>, vector<16xi32> -> vector<16xf32>
    %get3A_420 = arith.constant 194 : i32
    %get3A_421 = arith.index_cast %get3A_420 : i32 to index
    %get3A_422 = arith.constant 0 : index
    %get3A_423 = tpu.vector_load %arg11[%get3A_421, %get3A_422] {strides = array<i32>} : memref<200x128xf32, #tpu.memory_space<vmem>>, vector<16xf32>,
    %mul3A_424 = arith.mulf %gather3A_419, %get3A_423 : vector<16xf32>
    %add3A_425 = arith.addf %add3A_397, %mul3A_424 : vector<16xf32>
    %get3A_426 = arith.constant 194 : i32
    %get3A_427 = arith.index_cast %get3A_426 : i32 to index
    %get3A_428 = arith.constant 16 : index
    %get3A_429 = tpu.vector_load %arg11[%get3A_427, %get3A_428] {strides = array<i32>} : memref<200x128xf32, #tpu.memory_space<vmem>>, vector<16xf32>,
    %mul3A_430 = arith.mulf %gather3A_419, %get3A_429 : vector<16xf32>
    %add3A_431 = arith.addf %add3A_403, %mul3A_430 : vector<16xf32>
    %get3A_432 = arith.constant 194 : i32
    %get3A_433 = arith.index_cast %get3A_432 : i32 to index
    %get3A_434 = arith.constant 32 : index
    %get3A_435 = tpu.vector_load %arg11[%get3A_433, %get3A_434] {strides = array<i32>} : memref<200x128xf32, #tpu.memory_space<vmem>>, vector<16xf32>,
    %mul3A_436 = arith.mulf %gather3A_419, %get3A_435 : vector<16xf32>
    %add3A_437 = arith.addf %add3A_409, %mul3A_436 : vector<16xf32>
    %get3A_438 = arith.constant 194 : i32
    %get3A_439 = arith.index_cast %get3A_438 : i32 to index
    %get3A_440 = arith.constant 48 : index
    %get3A_441 = tpu.vector_load %arg11[%get3A_439, %get3A_440] {strides = array<i32>} : memref<200x128xf32, #tpu.memory_space<vmem>>, vector<16xf32>,
    %mul3A_442 = arith.mulf %gather3A_419, %get3A_441 : vector<16xf32>
    %add3A_443 = arith.addf %add3A_415, %mul3A_442 : vector<16xf32>
    %broadcast_in_dim3A_444 = arith.constant 11 : i32
    %broadcast_in_dim3A_445 = vector.broadcast %broadcast_in_dim3A_444 : i32 to vector<16x1xi32>
    %gather3A_446 = vector.shape_cast %broadcast_in_dim3A_445 : vector<16x1xi32> to vector<16xi32>
    %gather3A_447 = tpu.dynamic_gather %get3A_359[%gather3A_446] in [0] : vector<16xf32>, vector<16xi32> -> vector<16xf32>
    %get3A_448 = arith.constant 195 : i32
    %get3A_449 = arith.index_cast %get3A_448 : i32 to index
    %get3A_450 = arith.constant 0 : index
    %get3A_451 = tpu.vector_load %arg11[%get3A_449, %get3A_450] {strides = array<i32>} : memref<200x128xf32, #tpu.memory_space<vmem>>, vector<16xf32>,
    %mul3A_452 = arith.mulf %gather3A_447, %get3A_451 : vector<16xf32>
    %add3A_453 = arith.addf %add3A_425, %mul3A_452 : vector<16xf32>
    %get3A_454 = arith.constant 195 : i32
    %get3A_455 = arith.index_cast %get3A_454 : i32 to index
    %get3A_456 = arith.constant 16 : index
    %get3A_457 = tpu.vector_load %arg11[%get3A_455, %get3A_456] {strides = array<i32>} : memref<200x128xf32, #tpu.memory_space<vmem>>, vector<16xf32>,
    %mul3A_458 = arith.mulf %gather3A_447, %get3A_457 : vector<16xf32>
    %add3A_459 = arith.addf %add3A_431, %mul3A_458 : vector<16xf32>
    %get3A_460 = arith.constant 195 : i32
    %get3A_461 = arith.index_cast %get3A_460 : i32 to index
    %get3A_462 = arith.constant 32 : index
    %get3A_463 = tpu.vector_load %arg11[%get3A_461, %get3A_462] {strides = array<i32>} : memref<200x128xf32, #tpu.memory_space<vmem>>, vector<16xf32>,
    %mul3A_464 = arith.mulf %gather3A_447, %get3A_463 : vector<16xf32>
    %add3A_465 = arith.addf %add3A_437, %mul3A_464 : vector<16xf32>
    %get3A_466 = arith.constant 195 : i32
    %get3A_467 = arith.index_cast %get3A_466 : i32 to index
    %get3A_468 = arith.constant 48 : index
    %get3A_469 = tpu.vector_load %arg11[%get3A_467, %get3A_468] {strides = array<i32>} : memref<200x128xf32, #tpu.memory_space<vmem>>, vector<16xf32>,
    %mul3A_470 = arith.mulf %gather3A_447, %get3A_469 : vector<16xf32>
    %add3A_471 = arith.addf %add3A_443, %mul3A_470 : vector<16xf32>
    %broadcast_in_dim3A_472 = arith.constant 12 : i32
    %broadcast_in_dim3A_473 = vector.broadcast %broadcast_in_dim3A_472 : i32 to vector<16x1xi32>
    %gather3A_474 = vector.shape_cast %broadcast_in_dim3A_473 : vector<16x1xi32> to vector<16xi32>
    %gather3A_475 = tpu.dynamic_gather %get3A_359[%gather3A_474] in [0] : vector<16xf32>, vector<16xi32> -> vector<16xf32>
    %get3A_476 = arith.constant 196 : i32
    %get3A_477 = arith.index_cast %get3A_476 : i32 to index
    %get3A_478 = arith.constant 0 : index
    %get3A_479 = tpu.vector_load %arg11[%get3A_477, %get3A_478] {strides = array<i32>} : memref<200x128xf32, #tpu.memory_space<vmem>>, vector<16xf32>,
    %mul3A_480 = arith.mulf %gather3A_475, %get3A_479 : vector<16xf32>
    %add3A_481 = arith.addf %add3A_453, %mul3A_480 : vector<16xf32>
    %get3A_482 = arith.constant 196 : i32
    %get3A_483 = arith.index_cast %get3A_482 : i32 to index
    %get3A_484 = arith.constant 16 : index
    %get3A_485 = tpu.vector_load %arg11[%get3A_483, %get3A_484] {strides = array<i32>} : memref<200x128xf32, #tpu.memory_space<vmem>>, vector<16xf32>,
    %mul3A_486 = arith.mulf %gather3A_475, %get3A_485 : vector<16xf32>
    %add3A_487 = arith.addf %add3A_459, %mul3A_486 : vector<16xf32>
    %get3A_488 = arith.constant 196 : i32
    %get3A_489 = arith.index_cast %get3A_488 : i32 to index
    %get3A_490 = arith.constant 32 : index
    %get3A_491 = tpu.vector_load %arg11[%get3A_489, %get3A_490] {strides = array<i32>} : memref<200x128xf32, #tpu.memory_space<vmem>>, vector<16xf32>,
    %mul3A_492 = arith.mulf %gather3A_475, %get3A_491 : vector<16xf32>
    %add3A_493 = arith.addf %add3A_465, %mul3A_492 : vector<16xf32>
    %get3A_494 = arith.constant 196 : i32
    %get3A_495 = arith.index_cast %get3A_494 : i32 to index
    %get3A_496 = arith.constant 48 : index
    %get3A_497 = tpu.vector_load %arg11[%get3A_495, %get3A_496] {strides = array<i32>} : memref<200x128xf32, #tpu.memory_space<vmem>>, vector<16xf32>,
    %mul3A_498 = arith.mulf %gather3A_475, %get3A_497 : vector<16xf32>
    %add3A_499 = arith.addf %add3A_471, %mul3A_498 : vector<16xf32>
    %broadcast_in_dim3A_500 = arith.constant 13 : i32
    %broadcast_in_dim3A_501 = vector.broadcast %broadcast_in_dim3A_500 : i32 to vector<16x1xi32>
    %gather3A_502 = vector.shape_cast %broadcast_in_dim3A_501 : vector<16x1xi32> to vector<16xi32>
    %gather3A_503 = tpu.dynamic_gather %get3A_359[%gather3A_502] in [0] : vector<16xf32>, vector<16xi32> -> vector<16xf32>
    %get3A_504 = arith.constant 197 : i32
    %get3A_505 = arith.index_cast %get3A_504 : i32 to index
    %get3A_506 = arith.constant 0 : index
    %get3A_507 = tpu.vector_load %arg11[%get3A_505, %get3A_506] {strides = array<i32>} : memref<200x128xf32, #tpu.memory_space<vmem>>, vector<16xf32>,
    %mul3A_508 = arith.mulf %gather3A_503, %get3A_507 : vector<16xf32>
    %add3A_509 = arith.addf %add3A_481, %mul3A_508 : vector<16xf32>
    %get3A_510 = arith.constant 197 : i32
    %get3A_511 = arith.index_cast %get3A_510 : i32 to index
    %get3A_512 = arith.constant 16 : index
    %get3A_513 = tpu.vector_load %arg11[%get3A_511, %get3A_512] {strides = array<i32>} : memref<200x128xf32, #tpu.memory_space<vmem>>, vector<16xf32>,
    %mul3A_514 = arith.mulf %gather3A_503, %get3A_513 : vector<16xf32>
    %add3A_515 = arith.addf %add3A_487, %mul3A_514 : vector<16xf32>
    %get3A_516 = arith.constant 197 : i32
    %get3A_517 = arith.index_cast %get3A_516 : i32 to index
    %get3A_518 = arith.constant 32 : index
    %get3A_519 = tpu.vector_load %arg11[%get3A_517, %get3A_518] {strides = array<i32>} : memref<200x128xf32, #tpu.memory_space<vmem>>, vector<16xf32>,
    %mul3A_520 = arith.mulf %gather3A_503, %get3A_519 : vector<16xf32>
    %add3A_521 = arith.addf %add3A_493, %mul3A_520 : vector<16xf32>
    %get3A_522 = arith.constant 197 : i32
    %get3A_523 = arith.index_cast %get3A_522 : i32 to index
    %get3A_524 = arith.constant 48 : index
    %get3A_525 = tpu.vector_load %arg11[%get3A_523, %get3A_524] {strides = array<i32>} : memref<200x128xf32, #tpu.memory_space<vmem>>, vector<16xf32>,
    %mul3A_526 = arith.mulf %gather3A_503, %get3A_525 : vector<16xf32>
    %add3A_527 = arith.addf %add3A_499, %mul3A_526 : vector<16xf32>
    %broadcast_in_dim3A_528 = arith.constant 14 : i32
    %broadcast_in_dim3A_529 = vector.broadcast %broadcast_in_dim3A_528 : i32 to vector<16x1xi32>
    %gather3A_530 = vector.shape_cast %broadcast_in_dim3A_529 : vector<16x1xi32> to vector<16xi32>
    %gather3A_531 = tpu.dynamic_gather %get3A_359[%gather3A_530] in [0] : vector<16xf32>, vector<16xi32> -> vector<16xf32>
    %get3A_532 = arith.constant 198 : i32
    %get3A_533 = arith.index_cast %get3A_532 : i32 to index
    %get3A_534 = arith.constant 0 : index
    %get3A_535 = tpu.vector_load %arg11[%get3A_533, %get3A_534] {strides = array<i32>} : memref<200x128xf32, #tpu.memory_space<vmem>>, vector<16xf32>,
    %mul3A_536 = arith.mulf %gather3A_531, %get3A_535 : vector<16xf32>
    %add3A_537 = arith.addf %add3A_509, %mul3A_536 : vector<16xf32>
    %get3A_538 = arith.constant 198 : i32
    %get3A_539 = arith.index_cast %get3A_538 : i32 to index
    %get3A_540 = arith.constant 16 : index
    %get3A_541 = tpu.vector_load %arg11[%get3A_539, %get3A_540] {strides = array<i32>} : memref<200x128xf32, #tpu.memory_space<vmem>>, vector<16xf32>,
    %mul3A_542 = arith.mulf %gather3A_531, %get3A_541 : vector<16xf32>
    %add3A_543 = arith.addf %add3A_515, %mul3A_542 : vector<16xf32>
    %get3A_544 = arith.constant 198 : i32
    %get3A_545 = arith.index_cast %get3A_544 : i32 to index
    %get3A_546 = arith.constant 32 : index
    %get3A_547 = tpu.vector_load %arg11[%get3A_545, %get3A_546] {strides = array<i32>} : memref<200x128xf32, #tpu.memory_space<vmem>>, vector<16xf32>,
    %mul3A_548 = arith.mulf %gather3A_531, %get3A_547 : vector<16xf32>
    %add3A_549 = arith.addf %add3A_521, %mul3A_548 : vector<16xf32>
    %get3A_550 = arith.constant 198 : i32
    %get3A_551 = arith.index_cast %get3A_550 : i32 to index
    %get3A_552 = arith.constant 48 : index
    %get3A_553 = tpu.vector_load %arg11[%get3A_551, %get3A_552] {strides = array<i32>} : memref<200x128xf32, #tpu.memory_space<vmem>>, vector<16xf32>,
    %mul3A_554 = arith.mulf %gather3A_531, %get3A_553 : vector<16xf32>
    %add3A_555 = arith.addf %add3A_527, %mul3A_554 : vector<16xf32>
    %broadcast_in_dim3A_556 = arith.constant 15 : i32
    %broadcast_in_dim3A_557 = vector.broadcast %broadcast_in_dim3A_556 : i32 to vector<16x1xi32>
    %gather3A_558 = vector.shape_cast %broadcast_in_dim3A_557 : vector<16x1xi32> to vector<16xi32>
    %gather3A_559 = tpu.dynamic_gather %get3A_359[%gather3A_558] in [0] : vector<16xf32>, vector<16xi32> -> vector<16xf32>
    %get3A_560 = arith.constant 199 : i32
    %get3A_561 = arith.index_cast %get3A_560 : i32 to index
    %get3A_562 = arith.constant 0 : index
    %get3A_563 = tpu.vector_load %arg11[%get3A_561, %get3A_562] {strides = array<i32>} : memref<200x128xf32, #tpu.memory_space<vmem>>, vector<16xf32>,
    %mul3A_564 = arith.mulf %gather3A_559, %get3A_563 : vector<16xf32>
    %add3A_565 = arith.addf %add3A_537, %mul3A_564 : vector<16xf32>
    %get3A_566 = arith.constant 199 : i32
    %get3A_567 = arith.index_cast %get3A_566 : i32 to index
    %get3A_568 = arith.constant 16 : index
    %get3A_569 = tpu.vector_load %arg11[%get3A_567, %get3A_568] {strides = array<i32>} : memref<200x128xf32, #tpu.memory_space<vmem>>, vector<16xf32>,
    %mul3A_570 = arith.mulf %gather3A_559, %get3A_569 : vector<16xf32>
    %add3A_571 = arith.addf %add3A_543, %mul3A_570 : vector<16xf32>
    %get3A_572 = arith.constant 199 : i32
    %get3A_573 = arith.index_cast %get3A_572 : i32 to index
    %get3A_574 = arith.constant 32 : index
    %get3A_575 = tpu.vector_load %arg11[%get3A_573, %get3A_574] {strides = array<i32>} : memref<200x128xf32, #tpu.memory_space<vmem>>, vector<16xf32>,
    %mul3A_576 = arith.mulf %gather3A_559, %get3A_575 : vector<16xf32>
    %add3A_577 = arith.addf %add3A_549, %mul3A_576 : vector<16xf32>
    %get3A_578 = arith.constant 199 : i32
    %get3A_579 = arith.index_cast %get3A_578 : i32 to index
    %get3A_580 = arith.constant 48 : index
    %get3A_581 = tpu.vector_load %arg11[%get3A_579, %get3A_580] {strides = array<i32>} : memref<200x128xf32, #tpu.memory_space<vmem>>, vector<16xf32>,
    %mul3A_582 = arith.mulf %gather3A_559, %get3A_581 : vector<16xf32>
    %add3A_583 = arith.addf %add3A_555, %mul3A_582 : vector<16xf32>
    %bitcast3A_584 = vector.bitcast %add3A_565 : vector<16xf32> to vector<16xi32>
    %swap3A_585 = arith.constant 127 : i32
    %swap3A_586 = arith.index_cast %swap3A_585 : i32 to index
    %swap3A_587 = arith.constant 0 : index
    %swap3A_588 = tpu.vector_load %arg8[%swap3A_586, %swap3A_587] {strides = array<i32>} : memref<128x200xi32, #tpu.memory_space<vmem>>, vector<16xi32>,
    tpu.vector_store %arg8[%swap3A_586, %swap3A_587], %bitcast3A_584 {strides = array<i32>} : memref<128x200xi32, #tpu.memory_space<vmem>>, vector<16xi32>,
    %bitcast3A_589 = vector.bitcast %add3A_571 : vector<16xf32> to vector<16xi32>
    %swap3A_590 = arith.constant 127 : i32
    %swap3A_591 = arith.index_cast %swap3A_590 : i32 to index
    %swap3A_592 = arith.constant 16 : index
    %swap3A_593 = tpu.vector_load %arg8[%swap3A_591, %swap3A_592] {strides = array<i32>} : memref<128x200xi32, #tpu.memory_space<vmem>>, vector<16xi32>,
    tpu.vector_store %arg8[%swap3A_591, %swap3A_592], %bitcast3A_589 {strides = array<i32>} : memref<128x200xi32, #tpu.memory_space<vmem>>, vector<16xi32>,
    %bitcast3A_594 = vector.bitcast %add3A_577 : vector<16xf32> to vector<16xi32>
    %swap3A_595 = arith.constant 127 : i32
    %swap3A_596 = arith.index_cast %swap3A_595 : i32 to index
    %swap3A_597 = arith.constant 32 : index
    %swap3A_598 = tpu.vector_load %arg8[%swap3A_596, %swap3A_597] {strides = array<i32>} : memref<128x200xi32, #tpu.memory_space<vmem>>, vector<16xi32>,
    tpu.vector_store %arg8[%swap3A_596, %swap3A_597], %bitcast3A_594 {strides = array<i32>} : memref<128x200xi32, #tpu.memory_space<vmem>>, vector<16xi32>,
    %bitcast3A_599 = vector.bitcast %add3A_583 : vector<16xf32> to vector<16xi32>
    %swap3A_600 = arith.constant 127 : i32
    %swap3A_601 = arith.index_cast %swap3A_600 : i32 to index
    %swap3A_602 = arith.constant 48 : index
    %swap3A_603 = tpu.vector_load %arg8[%swap3A_601, %swap3A_602] {strides = array<i32>} : memref<128x200xi32, #tpu.memory_space<vmem>>, vector<16xi32>,
    tpu.vector_store %arg8[%swap3A_601, %swap3A_602], %bitcast3A_599 {strides = array<i32>} : memref<128x200xi32, #tpu.memory_space<vmem>>, vector<16xi32>,
    "tpu.region"() ({
      %run_scoped3A = tpu.sem_alloc : memref<!tpu.dma_semaphore, #tpu.memory_space<semaphore_mem>>
      %dma_start3A_604 = arith.constant 0 : i32
      %dma_start3A_605 = arith.constant 0 : i32
      %dma_start3A_606 = tpu.memref_slice %arg8[%dma_start3A_604, %dma_start3A_605] : memref<128x200xi32, #tpu.memory_space<vmem>> -> memref<128x64xi32, #tpu.memory_space<vmem>>
      %dma_start3A_607 = arith.constant 0 : i32
      %dma_start3A_608 = tpu.memref_slice %arg6[%mul3A_2, %dma_start3A_607] : memref<4096x64xi32, #tpu.memory_space<hbm>> -> memref<128x64xi32, #tpu.memory_space<hbm>>
      %dma_start3A_609 = arith.constant 0 : i32
      %dma_start3A_610 = tpu.memref_slice %arg6[%mul3A_2, %dma_start3A_609] : memref<4096x64xi32, #tpu.memory_space<hbm>> -> memref<128x64xi32, #tpu.memory_space<hbm>>
      %dma_start3A_611 = arith.constant 0 : i32
      %dma_start3A_612 = arith.constant 0 : i32
      %dma_start3A_613 = tpu.memref_slice %arg8[%dma_start3A_611, %dma_start3A_612] : memref<128x200xi32, #tpu.memory_space<vmem>> -> memref<128x64xi32, #tpu.memory_space<vmem>>
      tpu.enqueue_dma source(%dma_start3A_613 : memref<128x64xi32, #tpu.memory_space<vmem>>) target(%dma_start3A_610 : memref<128x64xi32, #tpu.memory_space<hbm>>) target_semaphore(%run_scoped3A : memref<!tpu.dma_semaphore, #tpu.memory_space<semaphore_mem>>)
      %dma_wait3A_614 = arith.constant 0 : i32
      %dma_wait3A_615 = arith.constant 0 : i32
      %dma_wait3A_616 = tpu.memref_slice %arg8[%dma_wait3A_614, %dma_wait3A_615] : memref<128x200xi32, #tpu.memory_space<vmem>> -> memref<128x64xi32, #tpu.memory_space<vmem>>
      %dma_wait3A_617 = arith.constant 0 : i32
      %dma_wait3A_618 = tpu.memref_slice %arg6[%mul3A_2, %dma_wait3A_617] : memref<4096x64xi32, #tpu.memory_space<hbm>> -> memref<128x64xi32, #tpu.memory_space<hbm>>
      %dma_wait3A_619 = arith.constant 0 : i32
      %dma_wait3A_620 = tpu.memref_slice %arg6[%mul3A_2, %dma_wait3A_619] : memref<4096x64xi32, #tpu.memory_space<hbm>> -> memref<128x64xi32, #tpu.memory_space<hbm>>
      %dma_wait3A_621 = arith.constant 0 : i32
      %dma_wait3A_622 = arith.constant 0 : i32
      %dma_wait3A_623 = tpu.memref_slice %arg8[%dma_wait3A_621, %dma_wait3A_622] : memref<128x200xi32, #tpu.memory_space<vmem>> -> memref<128x64xi32, #tpu.memory_space<vmem>>
      tpu.wait_dma2 semaphore(%run_scoped3A : memref<!tpu.dma_semaphore, #tpu.memory_space<semaphore_mem>>) src(%dma_wait3A_623 : memref<128x64xi32, #tpu.memory_space<vmem>>) dst(%dma_wait3A_620 : memref<128x64xi32, #tpu.memory_space<hbm>>)
      tpu.yield
    }) : () -> ()
    "tpu.region"() ({
      %run_scoped3A = tpu.sem_alloc : memref<!tpu.dma_semaphore, #tpu.memory_space<semaphore_mem>>
      %dma_start3A_604 = arith.constant 0 : i32
      %dma_start3A_605 = arith.constant 0 : i32
      %dma_start3A_606 = tpu.memref_slice %arg10[%dma_start3A_604, %dma_start3A_605] : memref<200x128xf32, #tpu.memory_space<vmem>> -> memref<128x128xf32, #tpu.memory_space<vmem>>
      %dma_start3A_607 = arith.constant 0 : i32
      %dma_start3A_608 = arith.constant 0 : i32
      %dma_start3A_609 = tpu.memref_slice %arg5[%dma_start3A_607, %dma_start3A_608] : memref<1000000x128xf32, #tpu.memory_space<hbm>> -> memref<1000000x128xf32, #tpu.memory_space<hbm>>
      tpu.enqueue_indirect_dma source(%dma_start3A_609 : memref<1000000x128xf32, #tpu.memory_space<hbm>>) target(%dma_start3A_606 : memref<128x128xf32, #tpu.memory_space<vmem>>) offsets(%arg13 : memref<128xi32, #tpu.memory_space<vmem>>) semaphore(%run_scoped3A : memref<!tpu.dma_semaphore, #tpu.memory_space<semaphore_mem>>)
      %dma_wait3A_610 = arith.constant 0 : i32
      %dma_wait3A_611 = arith.constant 0 : i32
      %dma_wait3A_612 = tpu.memref_slice %arg10[%dma_wait3A_610, %dma_wait3A_611] : memref<200x128xf32, #tpu.memory_space<vmem>> -> memref<128x128xf32, #tpu.memory_space<vmem>>
      %dma_wait3A_613 = arith.constant 0 : i32
      %dma_wait3A_614 = arith.constant 0 : i32
      %dma_wait3A_615 = tpu.memref_slice %arg5[%dma_wait3A_613, %dma_wait3A_614] : memref<1000000x128xf32, #tpu.memory_space<hbm>> -> memref<1000000x128xf32, #tpu.memory_space<hbm>>
      tpu.wait_indirect_dma semaphore(%run_scoped3A : memref<!tpu.dma_semaphore, #tpu.memory_space<semaphore_mem>>) src(%dma_wait3A_615 : memref<1000000x128xf32, #tpu.memory_space<hbm>>) dst(%dma_wait3A_612 : memref<128x128xf32, #tpu.memory_space<vmem>>)
      tpu.yield
    }) : () -> ()
    "tpu.region"() ({
      %run_scoped3A = tpu.sem_alloc : memref<!tpu.dma_semaphore, #tpu.memory_space<semaphore_mem>>
      %dma_start3A_604 = arith.constant 0 : i32
      %dma_start3A_605 = arith.constant 0 : i32
      %dma_start3A_606 = tpu.memref_slice %arg10[%dma_start3A_604, %dma_start3A_605] : memref<200x128xf32, #tpu.memory_space<vmem>> -> memref<128x128xf32, #tpu.memory_space<vmem>>
      %dma_start3A_607 = arith.constant 0 : i32
      %dma_start3A_608 = tpu.memref_slice %arg7[%mul3A_2, %dma_start3A_607] : memref<4096x128xf32, #tpu.memory_space<hbm>> -> memref<128x128xf32, #tpu.memory_space<hbm>>
      %dma_start3A_609 = arith.constant 0 : i32
      %dma_start3A_610 = tpu.memref_slice %arg7[%mul3A_2, %dma_start3A_609] : memref<4096x128xf32, #tpu.memory_space<hbm>> -> memref<128x128xf32, #tpu.memory_space<hbm>>
      %dma_start3A_611 = arith.constant 0 : i32
      %dma_start3A_612 = arith.constant 0 : i32
      %dma_start3A_613 = tpu.memref_slice %arg10[%dma_start3A_611, %dma_start3A_612] : memref<200x128xf32, #tpu.memory_space<vmem>> -> memref<128x128xf32, #tpu.memory_space<vmem>>
      tpu.enqueue_dma source(%dma_start3A_613 : memref<128x128xf32, #tpu.memory_space<vmem>>) target(%dma_start3A_610 : memref<128x128xf32, #tpu.memory_space<hbm>>) target_semaphore(%run_scoped3A : memref<!tpu.dma_semaphore, #tpu.memory_space<semaphore_mem>>)
      %dma_wait3A_614 = arith.constant 0 : i32
      %dma_wait3A_615 = arith.constant 0 : i32
      %dma_wait3A_616 = tpu.memref_slice %arg10[%dma_wait3A_614, %dma_wait3A_615] : memref<200x128xf32, #tpu.memory_space<vmem>> -> memref<128x128xf32, #tpu.memory_space<vmem>>
      %dma_wait3A_617 = arith.constant 0 : i32
      %dma_wait3A_618 = tpu.memref_slice %arg7[%mul3A_2, %dma_wait3A_617] : memref<4096x128xf32, #tpu.memory_space<hbm>> -> memref<128x128xf32, #tpu.memory_space<hbm>>
      %dma_wait3A_619 = arith.constant 0 : i32
      %dma_wait3A_620 = tpu.memref_slice %arg7[%mul3A_2, %dma_wait3A_619] : memref<4096x128xf32, #tpu.memory_space<hbm>> -> memref<128x128xf32, #tpu.memory_space<hbm>>
      %dma_wait3A_621 = arith.constant 0 : i32
      %dma_wait3A_622 = arith.constant 0 : i32
      %dma_wait3A_623 = tpu.memref_slice %arg10[%dma_wait3A_621, %dma_wait3A_622] : memref<200x128xf32, #tpu.memory_space<vmem>> -> memref<128x128xf32, #tpu.memory_space<vmem>>
      tpu.wait_dma2 semaphore(%run_scoped3A : memref<!tpu.dma_semaphore, #tpu.memory_space<semaphore_mem>>) src(%dma_wait3A_623 : memref<128x128xf32, #tpu.memory_space<vmem>>) dst(%dma_wait3A_620 : memref<128x128xf32, #tpu.memory_space<hbm>>)
      tpu.yield
    }) : () -> ()
    return
  }
}

module attributes {stable_mosaic.version = 14 : i64} {
  func.func @body(%arg0: i32, %arg1: memref<64x16384xf32, #tpu.memory_space<vmem>>, %arg2: memref<16384x128xf32, #tpu.memory_space<vmem>>) attributes {dimension_semantics = [#tpu.dimension_semantics<arbitrary>], iteration_bounds = array<i64: 62>, scalar_prefetch = 0 : i64, scratch_operands = 0 : i64, tpu.core_type = #tpu.core_type<tc>, window_params = [{transform_indices = @transform_0, window_bounds = array<i64: 64, 16384>}, {transform_indices = @transform_1, window_bounds = array<i64: 16384, 128>}]} {
    %get3A = arith.constant 0 : index
    %get3A_0 = arith.constant 0 : index
    %get3A_1 = vector.load %arg1[%get3A, %get3A_0] : memref<64x16384xf32, #tpu.memory_space<vmem>>, vector<64x16384xf32>
    %transpose3A = tpu.transpose %get3A_1, [1, 0] : vector<64x16384xf32> -> vector<16384x64xf32>
    %swap3A = arith.constant 0 : index
    %swap3A_2 = arith.constant 0 : index
    %swap3A_3 = vector.load %arg2[%swap3A, %swap3A_2] : memref<16384x128xf32, #tpu.memory_space<vmem>>, vector<16384x64xf32>
    tpu.vector_store %arg2[%swap3A, %swap3A_2], %transpose3A {strides = array<i32>} : memref<16384x128xf32, #tpu.memory_space<vmem>>, vector<16384x64xf32>,
    return
  }
  func.func @transform_0(%arg0: i32) -> (i32, i32) {
    %c0_i32 = arith.constant 0 : i32
    %c0_i32_0 = arith.constant 0 : i32
    return %c0_i32, %arg0 : i32, i32
  }
  func.func @transform_1(%arg0: i32) -> (i32, i32) {
    %c0_i32 = arith.constant 0 : i32
    %c0_i32_0 = arith.constant 0 : i32
    return %arg0, %c0_i32 : i32, i32
  }
}

module attributes {stable_mosaic.version = 14 : i64} {
  func.func @body(%arg0: memref<4096x64xi32, #tpu.memory_space<vmem>>, %arg1: memref<4096x128xf32, #tpu.memory_space<vmem>>, %arg2: memref<4096x64xf32, #tpu.memory_space<vmem>>, %arg3: memref<1x128xf32, #tpu.memory_space<vmem>>, %arg4: memref<1x1xf32, #tpu.memory_space<vmem>>, %arg5: memref<4096x1xf32, #tpu.memory_space<vmem>>) attributes {dimension_semantics = [], scalar_prefetch = 0 : i64, scratch_operands = 0 : i64, tpu.core_type = #tpu.core_type<tc>} {
    %get3A = arith.constant 0 : index
    %get3A_0 = arith.constant 0 : index
    %get3A_1 = vector.load %arg0[%get3A, %get3A_0] : memref<4096x64xi32, #tpu.memory_space<vmem>>, vector<4096x64xi32>
    %bitcast_convert_type3A = tpu.bitcast %get3A_1 : vector<4096x64xi32> -> vector<4096x64xf32>
    %get3A_2 = arith.constant 0 : index
    %get3A_3 = arith.constant 0 : index
    %get3A_4 = vector.load %arg1[%get3A_2, %get3A_3] : memref<4096x128xf32, #tpu.memory_space<vmem>>, vector<4096x64xf32>
    %mul3A = arith.mulf %bitcast_convert_type3A, %get3A_4 : vector<4096x64xf32>
    %get3A_5 = arith.constant 0 : index
    %get3A_6 = arith.constant 0 : index
    %get3A_7 = vector.load %arg3[%get3A_5, %get3A_6] : memref<1x128xf32, #tpu.memory_space<vmem>>, vector<1x64xf32>
    %mul3A_8 = vector.broadcast %get3A_7 : vector<1x64xf32> to vector<4096x64xf32>
    %mul3A_9 = arith.mulf %mul3A, %mul3A_8 : vector<4096x64xf32>
    %get3A_10 = arith.constant 0 : index
    %get3A_11 = arith.constant 0 : index
    %get3A_12 = vector.load %arg2[%get3A_10, %get3A_11] : memref<4096x64xf32, #tpu.memory_space<vmem>>, vector<4096x64xf32>
    %get3A_13 = arith.constant 0 : index
    %get3A_14 = arith.constant 64 : index
    %get3A_15 = vector.load %arg3[%get3A_13, %get3A_14] : memref<1x128xf32, #tpu.memory_space<vmem>>, vector<1x64xf32>
    %mul3A_16 = vector.broadcast %get3A_15 : vector<1x64xf32> to vector<4096x64xf32>
    %mul3A_17 = arith.mulf %get3A_12, %mul3A_16 : vector<4096x64xf32>
    %add3A = arith.addf %mul3A_9, %mul3A_17 : vector<4096x64xf32>
    %reduce_sum3A = arith.constant dense<0.000000e+00> : vector<4096xf32>
    %reduce_sum3A_18 = vector.multi_reduction <add>, %add3A, %reduce_sum3A [1] : vector<4096x64xf32> to vector<4096xf32>
    %broadcast_in_dim3A = vector.shape_cast %reduce_sum3A_18 : vector<4096xf32> to vector<4096x1xf32>
    %get3A_19 = arith.constant 0 : index
    %get3A_20 = arith.constant 0 : index
    %get3A_21 = vector.load %arg4[%get3A_19, %get3A_20] : memref<1x1xf32, #tpu.memory_space<vmem>>, vector<1x1xf32>
    %add3A_22 = vector.broadcast %get3A_21 : vector<1x1xf32> to vector<4096x1xf32>
    %add3A_23 = arith.addf %broadcast_in_dim3A, %add3A_22 : vector<4096x1xf32>
    %swap3A = arith.constant 0 : index
    %swap3A_24 = arith.constant 0 : index
    %swap3A_25 = vector.load %arg5[%swap3A, %swap3A_24] : memref<4096x1xf32, #tpu.memory_space<vmem>>, vector<4096x1xf32>
    tpu.vector_store %arg5[%swap3A, %swap3A_24], %add3A_23 {strides = array<i32>} : memref<4096x1xf32, #tpu.memory_space<vmem>>, vector<4096x1xf32>,
    return
  }
}

</mosaic_0001>

<sc_bundles>
// kernel: kernel.5.cloned.1.call-start
scs
__scs_entry_jumppad:
0x0: {  	(pc) =	sbr.rel $0x88, $3  }
0x1: {  	(tag) =	ssettag $0x0;
	lr =	simm.s32 $0x1  }
0x2: {  	[smem:$0x3F9A] =	sst lr;
	_ =	strace $0xD0000000  }
0x3: {  	_ = 	snop  }
0x4: {  	_ = 	snop  }
0x5: {  	_ = 	snop  }
0x6: {  	_ = 	snop  }
0x7: {  	_ = 	snop  }
__scs_overlays_trampoline_lowered:
0x8: {  	[smem:$0x3FA9] =	sst s0  }
0x9: {  	[smem:$0x3FAA] =	sst s1  }
0xa: {  	[smem:$0x3FAB] =	sst s2  }
0xb: {  	[smem:$0x3FAC] =	sst s3  }
0xc: {  	[smem:$0x3FAD] =	sst s4  }
0xd: {  	[smem:$0x3FAE] =	sst s5  }
0xe: {  	[smem:$0x3FAF] =	sst s6  }
0xf: {  	[smem:$0x3FB0] =	sst s7  }
0x10: {  	[smem:$0x3FB1] =	sst s8  }
0x11: {  	[smem:$0x3FB2] =	sst s9;
	s0 =	simm.s32 @!p0 $0x0  }
0x12: {  	s1 =	sld [smem:$0x3F98];
	s0 =	simm.s32 @p0 $0x1  }
0x13: {  	[smem:$0x3FB3] =	sst s0;
	s0 =	simm.s32 @!p1 $0x0  }
0x14: {  	s2 =	sld [smem:$0x3F97];
	s0 =	simm.s32 @p1 $0x1  }
0x15: {  	[smem:$0x3FB4] =	sst s0;
	s0 =	simm.s32 @!p2 $0x0  }
0x16: {  	s3 =	sld [smem:$0x3FDB];
	s0 =	simm.s32 @p2 $0x1  }
0x17: {  	s4 =	simm.s32 $0x1BF5;
	[smem:$0x3FB6] =	sst s0  }
0x18: {  	s0 =	sld [smem:$0x3F99];
	_ =	swait.ge [sflag:s4], $0x0  }
0x19: {  	s7 =	sld [smem:$0x3F9A]  }
0x1a: {  	s8 =	sadd.s32 $0xFFFFE003, lr  }
0x1b: {  	s9 =	sadd.s32 $0xFFFFFEF7, lr;
	s5 =	simm.s32 $0xFFFFFFFF;
	p2 =	slt.u32 s8, $0xFFFFF086  }
0x1c: {  	p1 =	slt.u32 s9, $0xF7A;
	s5 =	simm.s32 @!p2 $0x0  }
0x1d: {  	s5 =	simm.s32 @p1 $0x1;
	p0 =	seq.s32 s7, s2  }
0x1e: {  	s7 =	smul.u32 @!p0 $0xF7A, s2;
	p2 =	seq.s32 @!p0 s5, $0x0  }
0x1f: {  	s9 =	smul.u32 $0xF7A, s1;
	s8 =	simm.s32 @!p0 $0x1BF5;
	p2 =	por !p2, p0  }
0x20: {  	[sflag:s8] =	ssyncset.s32 @!p0 $0xFFFFF086;
	s6 =	sadd.s32 @!p0 s3, s7;
	s7 =	simm.s32 @!p0 $0x108  }
0x21: {  	s3 =	sadd.s32 s3, s9;
	s6 =	sadd.s32 @!p0 $0x88, s6;
	s7 =	simm.s32 @p2 $0x1082  }
0x22: {  	[simem:s7], [sflag:s8] =	dma.local @!p0 [hbm:s6], $0xF7A  }
0x23: {  	s9 =	sor.u32 $0xD0000000, s2;
	s6 =	simm.s32 $0x108;
	_ =	swait.ge @!p0 [sflag:s8], $0x0  }
0x24: {  	s3 =	sadd.s32 $0x88, s3;
	s6 =	simm.s32 @!p1 $0x1082;
	[sflag:s4] =	ssyncset.s32 $0xFFFFF086  }
0x25: {  	[simem:s6], [sflag:s4] =	dma.local [hbm:s3], $0xF7A  }
0x26: {  	[smem:$0x3F9A] =	sst s1;
	(tag) =	ssettag s2;
	_ =	strace s9  }
0x27: {  	s1 =	sld [smem:$0x3FAA]  }
0x28: {  	s2 =	sld [smem:$0x3FAB]  }
0x29: {  	s4 =	sld [smem:$0x3FAD]  }
0x2a: {  	p0 =	seq.s32 s5, $0x0;
	s5 =	sld [smem:$0x3FAE]  }
0x2b: {  	s6 =	sld [smem:$0x3FAF]  }
0x2c: {  	s7 =	sld [smem:$0x3FB0]  }
0x2d: {  	s3 =	simm.s32 $0x108;
	s8 =	sld [smem:$0x3FB1]  }
0x2e: {  	s3 =	simm.s32 @!p0 $0x1082;
	s9 =	sld [smem:$0x3FB2]  }
0x2f: {  	lr =	sadd.s32 s0, s3;
	s0 =	sld [smem:$0x3FA9]  }
0x30: {  	s3 =	sld [smem:$0x3FAC]  }
0x31: {  	[smem:$0x3FB5] =	sst s10  }
0x32: {  	s10 =	sld [smem:$0x3FB3];
	_ =	sdelay $0x3  }
0x33: {  	p0 =	seq.s32 s10, $0x1;
	s10 =	sld [smem:$0x3FB5];
	_ =	sdelay $0x3  }
0x34: {  	[smem:$0x3FB5] =	sst s10  }
0x35: {  	s10 =	sld [smem:$0x3FB4];
	_ =	sdelay $0x3  }
0x36: {  	p1 =	seq.s32 s10, $0x1;
	s10 =	sld [smem:$0x3FB5];
	_ =	sdelay $0x3  }
0x37: {  	[smem:$0x3FB5] =	sst s10  }
0x38: {  	s10 =	sld [smem:$0x3FB6]  }
0x39: {  	_ = 	snop;
	(pc) =	sbr.ind lr, $3  }
0x3a: {  	_ = 	snop  }
0x3b: {  	_ = 	snop  }
0x3c: {  	p2 =	seq.s32 s10, $0x1;
	s10 =	sld [smem:$0x3FB5]  }
0x3d: {  	_ =	shalt  }
0x3e: {  	_ =	shalt  }
0x3f: {  	_ =	shalt  }
0x40: {  	_ =	shalt  }
0x41: {  	_ =	shalt  }
0x42: {  	_ =	shalt  }
0x43: {  	_ =	shalt  }
0x44: {  	_ =	shalt  }
0x45: {  	_ =	shalt  }
0x46: {  	_ =	shalt  }
0x47: {  	_ =	shalt  }
0x48: {  	_ =	shalt  }
0x49: {  	_ =	shalt  }
0x4a: {  	_ =	shalt  }
0x4b: {  	_ =	shalt  }
0x4c: {  	_ =	shalt  }
0x4d: {  	_ =	shalt  }
0x4e: {  	_ =	shalt  }
0x4f: {  	_ =	shalt  }
0x50: {  	_ =	shalt  }
0x51: {  	_ =	shalt  }
0x52: {  	_ =	shalt  }
0x53: {  	_ =	shalt  }
0x54: {  	_ =	shalt  }
0x55: {  	_ =	shalt  }
0x56: {  	_ =	shalt  }
0x57: {  	_ =	shalt  }
0x58: {  	_ =	shalt  }
0x59: {  	_ =	shalt  }
0x5a: {  	_ =	shalt  }
0x5b: {  	_ =	shalt  }
0x5c: {  	_ =	shalt  }
0x5d: {  	_ =	shalt  }
0x5e: {  	_ =	shalt  }
0x5f: {  	_ =	shalt  }
0x60: {  	_ =	shalt  }
0x61: {  	_ =	shalt  }
0x62: {  	_ =	shalt  }
0x63: {  	_ =	shalt  }
0x64: {  	_ =	shalt  }
0x65: {  	_ =	shalt  }
0x66: {  	_ =	shalt  }
0x67: {  	_ =	shalt  }
0x68: {  	_ =	shalt  }
0x69: {  	_ =	shalt  }
0x6a: {  	_ =	shalt  }
0x6b: {  	_ =	shalt  }
0x6c: {  	_ =	shalt  }
0x6d: {  	_ =	shalt  }
0x6e: {  	_ =	shalt  }
0x6f: {  	_ =	shalt  }
0x70: {  	_ =	shalt  }
0x71: {  	_ =	shalt  }
0x72: {  	_ =	shalt  }
0x73: {  	_ =	shalt  }
0x74: {  	_ =	shalt  }
0x75: {  	_ =	shalt  }
0x76: {  	_ =	shalt  }
0x77: {  	_ =	shalt  }
0x78: {  	_ =	shalt  }
0x79: {  	_ =	shalt  }
0x7a: {  	_ =	shalt  }
0x7b: {  	_ =	shalt  }
0x7c: {  	_ =	shalt  }
0x7d: {  	_ =	shalt  }
0x7e: {  	_ =	shalt  }
0x7f: {  	_ =	shalt  }
0x80: {  	_ =	shalt  }
0x81: {  	_ =	shalt  }
0x82: {  	_ =	shalt  }
0x83: {  	_ =	shalt  }
0x84: {  	_ =	shalt  }
0x85: {  	_ =	shalt  }
0x86: {  	_ =	shalt  }
0x87: {  	_ =	shalt  }
.Lfunc_end0:
.L_simem_size_0:
called_computation_lowered:
.L_overlay_start_0:
0x88: {  	s2 =	sld [smem:$0x3FD9]  }
0x89: {  	s3 =	sld [smem:$0x3FFE];
	_ =	sdelay $0x1  }
0x8a: {  	s1 =	srdreg.scid  }
0x8b: {  	s0 =	sand.u32 $0x1, s1  }
0x8c: {  	s17 =	sshll.u32 s0, $0xA;
	s2 =	sadd.s32 s3, s2  }
0x8d: {  	s2 =	sadd.s32 s2, s17  }
0x8e: {  	[smem:$0x3FC1] =	sst s2  }
0x8f: {  	_ = 	snop  }
0x90: {  	s2 =	sld [smem:$0x3FC8];
	(tm) =	ssettm $0x1  }
0x91: {  	s18 =	sld [smem:$0x3FFB];
	_ =	sdelay $0x3  }
0x92: {  	_ =	strace s18  }
0x93: {  	s3 =	sld [smem:$0x3FFC];
	_ =	sdelay $0x3  }
0x94: {  	_ =	strace s3  }
0x95: {  	s3 =	sld [smem:$0x3FFD];
	_ =	sdelay $0x3  }
0x96: {  	_ =	strace s3  }
0x97: {  	_ =	strace $0x8FFFFFFF  }
0x98: {  	s19 =	sld [smem:$0x3FDB];
	_ =	sdelay $0x1  }
0x99: {  	s4 =	simm.s32 $_scs_section_size  }
0x9a: {  	s5 =	simm.s32 $_size__tile_overlayer_lowered;
	s6 =	simm.s32 $_tile_overlayer_lowered  }
0x9b: {  	s22 =	simm.s32 $0x1BFF;
	s21 =	sshll.u32 s6, $0x1;
	s3 =	sadd.s32 s4, s19  }
0x9c: {  	s7 =	simm.s32 $0x0;
	s20 =	sshll.u32 s5, $0x1;
	s5 =	sadd.s32 s21, s3  }
0x9d: {  	[timem:s7], [sflag:s22] =	dma.local [hbm:s5], s20  }
0x9e: {  	_ =	swait.ge [sflag:s22], s20  }
0x9f: {  	s4 =	ssub.s32 $0x0, s20;
	[sflag:s22] =	ssyncset.done $0x0  }
0xa0: {  	[sflag:s22] =	ssyncadd.s32 s4;
	_ =	sdelay $0x1  }
0xa1: {  	s23 =	simm.s32 $0x1B8B  }
0xa2: {  	_ =	swait.ge [sflag:s23], $0x1  }
0xa3: {  	[sflag:s23] =	ssyncset.done $0x0  }
0xa4: {  	s25 =	simm.s32 $0x1B8E;
	s24 =	sld [smem:$0x3FFE];
	[sflag:s23] =	ssyncadd.s32 $0xFFFFFFFF  }
0xa5: {  	s26 =	simm.s32 $execute0_lowered;
	[smem:$0x3FD2] =	sst s25  }
0xa6: {  	s5 =	sshll.u32 s26, $0x1;
	_ =	strace $0x80000046;
	[dreg:$0x1] =	wrdreg $0xFFFFFFFF  }
0xa7: {  	s28 =	simm.s32 $_size_execute0_lowered;
	s3 =	sadd.s32 s3, s5;
	[dreg:$0x0] =	wrdreg $0x0  }
0xa8: {  	s5 =	sshll.u32 s28, $0x1;
	[dreg:$0x2] =	wrdreg s3  }
0xa9: {  	[dreg:$0x3] =	wrdreg s5  }
0xaa: {  	[dreg:$0x4] =	wrdreg $0xC0  }
0xab: {  	_ =	task [dreg:s7], $0x5FFFF  }
0xac: {  	[dreg:$0x1] =	wrdreg $0xFFFFFFFF  }
0xad: {  	[dreg:$0x0] =	wrdreg $0x60  }
0xae: {  	[dreg:$0x2] =	wrdreg s24  }
0xaf: {  	[dreg:$0x3] =	wrdreg s2  }
0xb0: {  	[dreg:$0x4] =	wrdreg $0x9  }
0xb1: {  	_ =	task.clear_ibuf [dreg:s7], $0x5FFFF;
	_ =	strace $0x90000046  }
0xb2: {  	s29 =	simm.s32 $0x9;
	_ =	strace $0x80000048  }
0xb3: {  	_ =	swait.ge [sflag:s29], $0x1  }
0xb4: {  	[sflag:s29] =	ssyncadd.s32 $0xFFFFFFFF  }
0xb5: {  	_ =	strace $0x90000048  }
0xb6: {  	_ =	sfence  }
0xb7: {  	s30 =	sld [smem:$0x0];
	_ =	sdelay $0x2  }
0xb8: {  	s31 =	sshll.u32 s1, $0xD;
	s1 =	sshrl.u32 s1, $0x2  }
0xb9: {  	s3 =	sand.u32 $0x4000, s31;
	s1 =	sadd.s32 s1, s30  }
0xba: {  	s0 =	sor.u32 s3, s0;
	s1 =	sshll.u32 s1, $0x11  }
0xbb: {  	s0 =	sor.u32 s1, s0  }
0xbc: {  	s0 =	sadd.s32 $0x8F2B, s0  }
0xbd: {  	[sflag:s0] =	ssyncadd.remote.s32 $0x1  }
0xbe: {  	_ =	sfence.sel $0xFFFF  }
0xbf: {  	[dreg:$0x0] =	wrdreg $0xFFFFFFFF;
	(pc) =	sbr.abs _section_cstart, $3  }
0xc0: {  	[dreg:$0x1] =	wrdreg $0xFFFFFFFF  }
0xc1: {  	_ =	task.clear_ibuf [dreg:s7], $0x2FFFF;
	_ =	strace $0x9FFFFFFF  }
0xc2: {  	(tm) =	ssettm $0x7FFFFFFF  }
0xc3: {  	_ =	shalt  }
tec
execute0_lowered:
.L_overlay_start_1:
0x0: {  	(tag) =	ssettag $0x1  }
0x1: {  	s0 =	srdreg.scid  }
0x2: {  	s2 =	stileid.u32;
	s1 =	rddreg [dreg:$0x0]  }
0x3: {  	s4 =	rddreg [dreg:$0x1];
	s10 =	simm.s32 $0x1F400;
	s11 =	simm.s32 $0x4  }
0x4: {  	s12 =	simm.s32 $0x80;
	s13 =	simm.s32 $0xC800;
	s14 =	simm.s32 $0x48  }
0x5: {  	s15 =	simm.s32 $0x10800;
	s17 =	simm.s32 $0x12C00;
	s19 =	simm.s32 $0x16C00  }
0x6: {  	s20 =	simm.s32 $0x1;
	s21 =	simm.s32 $0x19000;
	s22 =	simm.s32 $0x1D000  }
0x7: {  	s23 =	simm.s32 $0x2;
	s24 =	simm.s32 $0x3;
	s0 =	sand.u32 $0x1, s0  }
0x8: {  	s25 =	simm.s32 $0x0;
	s2 =	sshll.u32 s2, $0x8;
	s3 =	sshll.u32 s0, $0x7  }
0x9: {  	s0 =	ssub.s32 $0x2, s0;
	s5 =	sor.u32 s3, s2;
	s2 =	simm.s32 $0x0  }
0xa: {  	s9 =	sshrl.u32 s0, $0x1;
	s3 =	smul.u32 $0x19, s5;
	[smem:$0x7FF] =	sst s2  }
0xb: {  	s7 =	sshll.u32 s5, $0x3;
	s8 =	sshll.u32 s5, $0x4;
	s5 =	sshrl.u32 s5, $0x3  }
0xc: {  	s0 =	ssub.s32 s0, s9;
	_ =	strace $0x80000047;
	s7 =	sadd.s32 s7, s1  }
0xd: {  	v20 =	vimm.s32 $0x5;
	v35 =	vimm.s32 $0x9;
	s4 =	sadd.s32 s4, s5;
	s9 =	smax.u32 s0, $0x1;
	s6 =	sadd.s32 s3, s1  }
0xe: {  	v24 =	vimm.s32 $0xB;
	v18 =	vimm.s32 $0xC;
	v27 =	vimm.s32 $0xD;
	s3 =	sadd.s32 $0x33000, s1;
	s1 =	sadd.s32 s8, s1;
	s7 =	sadd.s32 $0xF75400, s7  }
0xf: {  	v22 =	vimm.s32 $0x6;
	v16 =	vimm.s32 $0xE;
	v21 =	vimm.s32 $0xF;
	s5 =	sadd.s32 $0x1000, s6;
	s6 =	sadd.s32 $0x1A000, s6;
	s8 =	sadd.s32 $0xF7D400, s1  }
.LBB2_1:
0x10: {  	[tilespmem:s10], [sflag:$0x4] =	stream.linear.gather [hbm4b:s4+s2], $0x80, $0x38;
	[tilespmem:$0x1F480] =	vst v63  }
0x11: {  	_ =	swait.ge [sflag:s11], $0x80  }
0x12: {  	[sflag:s11] =	ssyncset.done $0x0  }
0x13: {  	[sflag:s11] =	ssyncadd.s32 $0xFFFFFF80  }
0x14: {  	[tilespmem:s2], [sflag:$0x4] =	stream.linear.gather [hbm4b:s5+s2], $0x6400, $0x38;
	[tilespmem:$0x1F480] =	vst v63  }
0x15: {  	_ =	swait.ge [sflag:s11], $0x6400  }
0x16: {  	[sflag:s11] =	ssyncset.done $0x0  }
0x17: {  	s26 =	simm.s32 $0x6400;
	[sflag:s11] =	ssyncadd.s32 $0xFFFF9C00  }
0x18: {  	[tilespmem:s26], [sflag:$0x4] =	stream.linear.gather [hbm4b:s6+s2], $0x6400, $0x38;
	[tilespmem:$0x1F480] =	vst v63  }
0x19: {  	_ =	swait.ge [sflag:s11], $0x6400  }
0x1a: {  	[sflag:s11] =	ssyncset.done $0x0  }
0x1b: {  	[sflag:s11] =	ssyncadd.s32 $0xFFFF9C00  }
0x1c: {  	[tilespmem:s13], [sflag:$0x1] =	stream.indirect.gather [hbm4b:s3+s12], $0x80, s2, s12, $0xb8;
	[tilespmem:$0x1F480] =	vst v63  }
0x1d: {  	_ = 	snop  }
0x1e: {  	[tilespmem:s15], [sflag:$0x1] =	stream.indirect.gather [hbm4b:s3+s14], $0x80, s12, s14, $0xb8;
	[tilespmem:$0x1F480] =	vst v63  }
0x1f: {  	s0 =	simm.s32 $0xC8;
	s31 =	simm.s32 $0x148  }
0x20: {  	[tilespmem:s17], [sflag:$0x2] =	stream.indirect.gather [hbm4b:s3+s12], $0x80, s0, s12, $0xb8;
	[tilespmem:$0x1F480] =	vst v63  }
0x21: {  	s28 =	simm.s32 $0x64C8;
	s29 =	simm.s32 $0x6590;
	s30 =	simm.s32 $0x0  }
0x22: {  	[tilespmem:s19], [sflag:$0x2] =	stream.indirect.gather [hbm4b:s3+s14], $0x80, s31, s14, $0xb8;
	[tilespmem:$0x1F480] =	vst v63  }
.LBB2_2:
0x23: {  	_ =	swait.ge [sflag:s20], $0x4000  }
0x24: {  	[sflag:s20] =	ssyncset.done $0x0  }
0x25: {  	[sflag:s20] =	ssyncadd.s32 $0xFFFFC000  }
0x26: {  	_ =	swait.ge [sflag:s20], $0x2400  }
0x27: {  	[sflag:s20] =	ssyncset.done $0x0  }
0x28: {  	s1 =	simm.s32 $0xCC00;
	[sflag:s20] =	ssyncadd.s32 $0xFFFFDC00  }
0x29: {  	v0 =	vld [tilespmem:s1+$0x380]  }
0x2a: {  	v1 =	vld [tilespmem:s1+$0x390]  }
0x2b: {  	v2 =	vld [tilespmem:s1+$0x300]  }
0x2c: {  	v23 =	vld [tilespmem:s1+$0x310]  }
0x2d: {  	v28 =	vmov s26;
	v25 =	vld [tilespmem:s1+$0x280]  }
0x2e: {  	v26 =	vld [tilespmem:s1+$0x290]  }
0x2f: {  	v29 =	vld [tilespmem:s1+$0x200]  }
0x30: {  	v30 =	vld [tilespmem:s1+$0x210]  }
0x31: {  	s0 =	simm.s32 $0x0;
	v33 =	vld [tilespmem:s1+$0x180]  }
0x32: {  	v19 =	vld.idx.msk [tilespmem:v28+s0+$0x0 ss:$0x1], $0xffff  }
0x33: {  	v34 =	vld [tilespmem:s1+$0x190]  }
0x34: {  	v36 =	vld [tilespmem:s1+$0x100]  }
0x35: {  	v37 =	vld [tilespmem:s1+$0x110]  }
0x36: {  	v39 =	vld [tilespmem:s1+$0x80]  }
0x37: {  	v3 =	vimm.s32 $0xA;
	v40 =	vld [tilespmem:s1+$0x90]  }
0x38: {  	v4 =	vimm.s32 $0x3;
	v42 =	vld [tilespmem:s1+$0x0];
	v17 =	vperm.xlane v19, v16;
	v16 =	vperm.xlane v19, v21  }
0x39: {  	v11 =	vimm.s32 $0x8;
	v43 =	vld [tilespmem:s1+$0x10];
	v21 =	vperm.xlane v19, v18;
	v18 =	vperm.xlane v19, v27  }
0x3a: {  	v7 =	vimm.s32 $0x4;
	v47 =	vld [tilespmem:s1+$0xFFFFFF80];
	v27 =	vperm.xlane v19, v3;
	v24 =	vperm.xlane v19, v24  }
0x3b: {  	v6 =	vimm.s32 $0x2;
	v48 =	vld [tilespmem:s1+$0xFFFFFF90];
	v31 =	vperm.xlane v19, v35;
	v38 =	vperm.xlane v19, v22  }
0x3c: {  	v5 =	vimm.s32 $0x1;
	v49 =	vld [tilespmem:s1+$0xFFFFFF00];
	v44 =	vperm.xlane v19, v7;
	v41 =	vperm.xlane v19, v20  }
0x3d: {  	v52 =	vld [tilespmem:s1+$0xFFFFFF10];
	v3 =	vimm.s32 $0x8;
	v46 =	vperm.xlane v19, v6;
	v45 =	vperm.xlane v19, v4  }
0x3e: {  	v54 =	vld [tilespmem:s1+$0xFFFFFE80];
	v57 =	vperm.xlane v19, v5;
	v32 =	vperm.xlane v19, v3;
	v3 =	vimm.s32 $0x7  }
0x3f: {  	v15 =	vimm.s32 $0xB;
	v56 =	vld [tilespmem:s1+$0xFFFFFE90];
	v35 =	vperm.xlane v19, v3;
	v20 =	vmul.f32 v0, v16  }
0x40: {  	v13 =	vimm.s32 $0xE;
	v58 =	vld [tilespmem:s1+$0xFFFFFE00];
	v22 =	vmul.f32 v2, v17;
	v23 =	vmul.f32 v23, v17  }
0x41: {  	v12 =	vimm.s32 $0xF;
	v59 =	vld [tilespmem:s1+$0xFFFFFE10];
	v25 =	vmul.f32 v25, v18;
	v26 =	vmul.f32 v26, v18  }
0x42: {  	v14 =	vimm.s32 $0x9;
	v61 =	vld [tilespmem:s1+$0xFFFFFD80];
	v29 =	vmul.f32 v29, v21;
	v30 =	vmul.f32 v30, v21  }
0x43: {  	v50 =	vimm.f32 $0.0e+00;
	v62 =	vld [tilespmem:s1+$0xFFFFFD90];
	v33 =	vmul.f32 v33, v24;
	v34 =	vmul.f32 v34, v24  }
0x44: {  	v55 =	vimm.f32 $0.0e+00;
	v63 =	vld [tilespmem:s1+$0xFFFFFD00];
	v36 =	vmul.f32 v36, v27;
	v37 =	vmul.f32 v37, v27  }
0x45: {  	v3 =	vimm.s32 $0x0;
	v0 =	vld [tilespmem:s1+$0xFFFFFD10];
	v39 =	vmul.f32 v39, v31;
	v40 =	vmul.f32 v40, v31  }
0x46: {  	v53 =	vimm.f32 $0.0e+00;
	v2 =	vld [tilespmem:s1+$0xFFFFFC90];
	v60 =	vperm.xlane v19, v3;
	v19 =	vmul.f32 v1, v16  }
0x47: {  	v51 =	vimm.f32 $0.0e+00;
	s0 =	simm.s32 $0x40;
	v1 =	vld [tilespmem:s1+$0xFFFFFC80];
	v42 =	vmul.f32 v42, v32;
	v43 =	vmul.f32 v43, v32  }
.LBB2_3:
0x48: {  	p0 =	sne.s32 s0, $0x2C0;
	v3 =	vld [tilespmem:s1+$0xFFFFFC00];
	v47 =	vmul.f32 v47, v35;
	v48 =	vmul.f32 v48, v35  }
0x49: {  	v49 =	vmul.f32 v49, v38;
	v52 =	vmul.f32 v52, v38;
	v4 =	vld [tilespmem:s1+$0xFFFFFC10]  }
0x4a: {  	v54 =	vmul.f32 v54, v41;
	v56 =	vmul.f32 v56, v41;
	v5 =	vld [tilespmem:s1+$0xFFFFFC20]  }
0x4b: {  	v58 =	vmul.f32 v58, v44;
	v59 =	vmul.f32 v59, v44;
	v6 =	vld [tilespmem:s1+$0xFFFFFC30]  }
0x4c: {  	v61 =	vmul.f32 v61, v45;
	v62 =	vmul.f32 v62, v45;
	v7 =	vld [tilespmem:s1+$0xFFFFFCA0]  }
0x4d: {  	v63 =	vmul.f32 v63, v46;
	v0 =	vmul.f32 v0, v46;
	v8 =	vld [tilespmem:s1+$0xFFFFFCB0]  }
0x4e: {  	v1 =	vmul.f32 v1, v57;
	v2 =	vmul.f32 v2, v57;
	v9 =	vld [tilespmem:s1+$0xFFFFFD20]  }
0x4f: {  	v3 =	vmul.f32 v3, v60;
	v4 =	vmul.f32 v4, v60;
	v10 =	vld [tilespmem:s1+$0xFFFFFD30]  }
0x50: {  	v5 =	vmul.f32 v5, v60;
	v6 =	vmul.f32 v6, v60;
	v60 =	vld [tilespmem:s1+$0xFFFFFDA0]  }
0x51: {  	v3 =	vadd.f32 v3, v50;
	v4 =	vadd.f32 v4, v55;
	v7 =	vmul.f32 v7, v57;
	v50 =	vld [tilespmem:s1+$0xFFFFFDB0]  }
0x52: {  	v5 =	vadd.f32 v5, v53;
	v6 =	vadd.f32 v6, v51;
	v8 =	vmul.f32 v8, v57;
	v51 =	vld [tilespmem:s1+$0xFFFFFE20]  }
0x53: {  	v1 =	vadd.f32 v1, v3;
	v2 =	vadd.f32 v2, v4;
	v3 =	vmul.f32 v9, v46;
	v4 =	vld [tilespmem:s1+$0xFFFFFE30]  }
0x54: {  	v5 =	vadd.f32 v7, v5;
	v6 =	vadd.f32 v8, v6;
	v7 =	vmul.f32 v10, v46;
	v8 =	vld [tilespmem:s1+$0xFFFFFEA0]  }
0x55: {  	v1 =	vadd.f32 v63, v1;
	v0 =	vadd.f32 v0, v2;
	v2 =	vmul.f32 v60, v45;
	v9 =	vld [tilespmem:s1+$0xFFFFFEB0]  }
0x56: {  	v3 =	vadd.f32 v3, v5;
	v5 =	vadd.f32 v7, v6;
	v6 =	vmul.f32 v50, v45;
	v7 =	vld [tilespmem:s1+$0xFFFFFF20]  }
0x57: {  	v1 =	vadd.f32 v61, v1;
	v0 =	vadd.f32 v62, v0;
	v10 =	vmul.f32 v51, v44;
	v45 =	vld [tilespmem:s1+$0xFFFFFF30]  }
0x58: {  	v2 =	vadd.f32 v2, v3;
	v3 =	vadd.f32 v6, v5;
	v4 =	vmul.f32 v4, v44;
	v5 =	vld [tilespmem:s1+$0xFFFFFFA0]  }
0x59: {  	v1 =	vadd.f32 v58, v1;
	v0 =	vadd.f32 v59, v0;
	v6 =	vmul.f32 v8, v41;
	v8 =	vld [tilespmem:s1+$0xFFFFFFB0]  }
0x5a: {  	v2 =	vadd.f32 v10, v2;
	v3 =	vadd.f32 v4, v3;
	v4 =	vmul.f32 v9, v41;
	v9 =	vld [tilespmem:s1+$0x20]  }
0x5b: {  	v1 =	vadd.f32 v54, v1;
	v0 =	vadd.f32 v56, v0;
	v7 =	vmul.f32 v7, v38;
	v10 =	vld [tilespmem:s1+$0x30]  }
0x5c: {  	v2 =	vadd.f32 v6, v2;
	v3 =	vadd.f32 v4, v3;
	v4 =	vmul.f32 v45, v38;
	v6 =	vld [tilespmem:s1+$0xA0]  }
0x5d: {  	v1 =	vadd.f32 v49, v1;
	v0 =	vadd.f32 v52, v0;
	v5 =	vmul.f32 v5, v35;
	v38 =	vld [tilespmem:s1+$0xB0]  }
0x5e: {  	v2 =	vadd.f32 v7, v2;
	v3 =	vadd.f32 v4, v3;
	v4 =	vmul.f32 v8, v35;
	v7 =	vld [tilespmem:s1+$0x120]  }
0x5f: {  	v1 =	vadd.f32 v47, v1;
	v0 =	vadd.f32 v48, v0;
	v8 =	vmul.f32 v9, v32;
	v9 =	vld [tilespmem:s1+$0x130]  }
0x60: {  	v2 =	vadd.f32 v5, v2;
	v3 =	vadd.f32 v4, v3;
	v4 =	vmul.f32 v10, v32;
	v5 =	vld [tilespmem:s1+$0x1A0]  }
0x61: {  	v1 =	vadd.f32 v42, v1;
	v0 =	vadd.f32 v43, v0;
	v6 =	vmul.f32 v6, v31;
	v10 =	vld [tilespmem:s1+$0x1B0]  }
0x62: {  	v2 =	vadd.f32 v8, v2;
	v3 =	vadd.f32 v4, v3;
	v4 =	vmul.f32 v38, v31;
	v8 =	vld [tilespmem:s1+$0x220]  }
0x63: {  	v1 =	vadd.f32 v39, v1;
	v0 =	vadd.f32 v40, v0;
	v7 =	vmul.f32 v7, v27;
	v31 =	vld [tilespmem:s1+$0x230]  }
0x64: {  	v2 =	vadd.f32 v6, v2;
	v3 =	vadd.f32 v4, v3;
	v4 =	vmul.f32 v9, v27;
	v6 =	vld [tilespmem:s1+$0x2A0]  }
0x65: {  	v1 =	vadd.f32 v36, v1;
	v0 =	vadd.f32 v37, v0;
	v5 =	vmul.f32 v5, v24;
	v9 =	vld [tilespmem:s1+$0x2B0]  }
0x66: {  	v2 =	vadd.f32 v7, v2;
	v3 =	vadd.f32 v4, v3;
	v4 =	vmul.f32 v10, v24;
	v7 =	vld [tilespmem:s1+$0x320]  }
0x67: {  	v1 =	vadd.f32 v33, v1;
	v0 =	vadd.f32 v34, v0;
	v8 =	vmul.f32 v8, v21;
	v10 =	vld [tilespmem:s1+$0x330]  }
0x68: {  	v2 =	vadd.f32 v5, v2;
	v3 =	vadd.f32 v4, v3;
	v4 =	vmul.f32 v31, v21;
	v5 =	vld [tilespmem:s1+$0x3A0]  }
0x69: {  	v1 =	vadd.f32 v29, v1;
	v0 =	vadd.f32 v30, v0;
	v6 =	vmul.f32 v6, v18;
	v21 =	vld [tilespmem:s1+$0x3B0];
	s1 =	sadd.s32 $0x800, s1  }
0x6a: {  	v2 =	vadd.f32 v8, v2;
	v29 =	vld [tilespmem:s1+$0x380];
	v3 =	vadd.f32 v4, v3;
	v4 =	vmul.f32 v9, v18  }
0x6b: {  	v1 =	vadd.f32 v25, v1;
	v0 =	vadd.f32 v26, v0;
	v8 =	vld [tilespmem:s1+$0x390];
	v7 =	vmul.f32 v7, v17  }
0x6c: {  	v2 =	vadd.f32 v6, v2;
	v9 =	vld [tilespmem:s1+$0x300];
	v3 =	vadd.f32 v4, v3;
	v4 =	vmul.f32 v10, v17  }
0x6d: {  	v1 =	vadd.f32 v22, v1;
	v0 =	vadd.f32 v23, v0;
	v6 =	vld [tilespmem:s1+$0x310];
	v5 =	vmul.f32 v5, v16  }
0x6e: {  	v2 =	vadd.f32 v7, v2;
	v10 =	vld [tilespmem:s1+$0x280];
	v3 =	vadd.f32 v4, v3;
	v4 =	vmul.f32 v21, v16  }
0x6f: {  	v50 =	vadd.f32 v20, v1;
	v55 =	vadd.f32 v19, v0;
	v7 =	vld [tilespmem:s1+$0x290]  }
0x70: {  	v53 =	vadd.f32 v5, v2;
	v0 =	vld [tilespmem:s1+$0x200];
	v51 =	vadd.f32 v4, v3  }
0x71: {  	v1 =	vld [tilespmem:s1+$0x210]  }
0x72: {  	s16 =	sshra.s32 s0, $0x2;
	v2 =	vld [tilespmem:s1+$0x180]  }
0x73: {  	v3 =	vld.idx.msk [tilespmem:v28+s16+$0x0 ss:$0x1], $0xffff;
	_ =	sdelay $0x2  }
0x74: {  	v4 =	vld [tilespmem:s1+$0x190]  }
0x75: {  	v5 =	vld [tilespmem:s1+$0x100]  }
0x76: {  	v18 =	vimm.s32 $0xC;
	v37 =	vld [tilespmem:s1+$0x110];
	v17 =	vperm.xlane v3, v13  }
0x77: {  	v19 =	vimm.s32 $0xA;
	v39 =	vld [tilespmem:s1+$0x80];
	v16 =	vperm.xlane v3, v12;
	v21 =	vperm.xlane v3, v18  }
0x78: {  	v40 =	vld [tilespmem:s1+$0x90];
	v18 =	vimm.s32 $0xD;
	v27 =	vperm.xlane v3, v19;
	v19 =	vimm.s32 $0x6  }
0x79: {  	v24 =	vperm.xlane v3, v15;
	v42 =	vld [tilespmem:s1+$0x0];
	v38 =	vperm.xlane v3, v19;
	v19 =	vimm.s32 $0x7  }
0x7a: {  	v18 =	vperm.xlane v3, v18;
	v43 =	vld [tilespmem:s1+$0x10];
	v35 =	vperm.xlane v3, v19;
	v19 =	vimm.s32 $0x4  }
0x7b: {  	v32 =	vperm.xlane v3, v11;
	v47 =	vld [tilespmem:s1+$0xFFFFFF80];
	v44 =	vperm.xlane v3, v19;
	v19 =	vimm.s32 $0x5  }
0x7c: {  	v31 =	vperm.xlane v3, v14;
	v48 =	vld [tilespmem:s1+$0xFFFFFF90];
	v41 =	vperm.xlane v3, v19;
	v19 =	vimm.s32 $0x2  }
0x7d: {  	v49 =	vld [tilespmem:s1+$0xFFFFFF00];
	v46 =	vperm.xlane v3, v19;
	v19 =	vimm.s32 $0x3  }
0x7e: {  	v52 =	vld [tilespmem:s1+$0xFFFFFF10];
	v45 =	vperm.xlane v3, v19;
	v19 =	vimm.s32 $0x0  }
0x7f: {  	v54 =	vld [tilespmem:s1+$0xFFFFFE80];
	v60 =	vperm.xlane v3, v19;
	v19 =	vimm.s32 $0x1  }
0x80: {  	v57 =	vperm.xlane v3, v19;
	v56 =	vld [tilespmem:s1+$0xFFFFFE90]  }
0x81: {  	v20 =	vmul.f32 v29, v16;
	v19 =	vmul.f32 v8, v16;
	v58 =	vld [tilespmem:s1+$0xFFFFFE00]  }
0x82: {  	v22 =	vmul.f32 v9, v17;
	v23 =	vmul.f32 v6, v17;
	v59 =	vld [tilespmem:s1+$0xFFFFFE10]  }
0x83: {  	v25 =	vmul.f32 v10, v18;
	v26 =	vmul.f32 v7, v18;
	v61 =	vld [tilespmem:s1+$0xFFFFFD80]  }
.Ltmp0:
0x84: {  	v29 =	vmul.f32 v0, v21;
	v30 =	vmul.f32 v1, v21;
	v62 =	vld [tilespmem:s1+$0xFFFFFD90];
	(pc) =	sbr.rel @p0 .LBB2_3-.Ltmp0, $4  }
0x85: {  	v33 =	vmul.f32 v2, v24;
	v34 =	vmul.f32 v4, v24;
	v63 =	vld [tilespmem:s1+$0xFFFFFD00]  }
0x86: {  	v36 =	vmul.f32 v5, v27;
	v37 =	vmul.f32 v37, v27;
	v0 =	vld [tilespmem:s1+$0xFFFFFD10]  }
0x87: {  	v39 =	vmul.f32 v39, v31;
	v40 =	vmul.f32 v40, v31;
	v1 =	vld [tilespmem:s1+$0xFFFFFC80]  }
0x88: {  	s0 =	sadd.s32 $0x40, s0;
	v42 =	vmul.f32 v42, v32;
	v43 =	vmul.f32 v43, v32;
	v2 =	vld [tilespmem:s1+$0xFFFFFC90]  }
0x89: {  	v3 =	vld [tilespmem:s1+$0xFFFFFC00]  }
0x8a: {  	v4 =	vld [tilespmem:s1+$0xFFFFFC10]  }
0x8b: {  	v5 =	vld [tilespmem:s1+$0xFFFFFC20]  }
0x8c: {  	v6 =	vld [tilespmem:s1+$0xFFFFFC30]  }
0x8d: {  	v7 =	vld [tilespmem:s1+$0xFFFFFCA0]  }
0x8e: {  	v8 =	vld [tilespmem:s1+$0xFFFFFCB0]  }
0x8f: {  	v9 =	vld [tilespmem:s1+$0xFFFFFD20]  }
0x90: {  	v10 =	vld [tilespmem:s1+$0xFFFFFD30];
	v58 =	vmul.f32 v58, v44;
	v59 =	vmul.f32 v59, v44  }
0x91: {  	v28 =	vld [tilespmem:s1+$0xFFFFFDA0];
	v47 =	vmul.f32 v47, v35;
	v48 =	vmul.f32 v48, v35  }
0x92: {  	v13 =	vld [tilespmem:s1+$0xFFFFFDB0];
	v49 =	vmul.f32 v49, v38;
	v52 =	vmul.f32 v52, v38  }
0x93: {  	v11 =	vld [tilespmem:s1+$0xFFFFFE20];
	v54 =	vmul.f32 v54, v41;
	v3 =	vmul.f32 v3, v60  }
0x94: {  	v12 =	vld [tilespmem:s1+$0xFFFFFE30];
	v56 =	vmul.f32 v56, v41;
	v5 =	vmul.f32 v5, v60  }
0x95: {  	v4 =	vmul.f32 v4, v60;
	v6 =	vmul.f32 v6, v60;
	v3 =	vadd.f32 v3, v50;
	v50 =	vld [tilespmem:s1+$0xFFFFFEA0]  }
0x96: {  	v0 =	vmul.f32 v0, v46;
	v1 =	vmul.f32 v1, v57;
	v5 =	vadd.f32 v5, v53;
	v53 =	vld [tilespmem:s1+$0xFFFFFEB0]  }
0x97: {  	v2 =	vmul.f32 v2, v57;
	v4 =	vadd.f32 v4, v55;
	v6 =	vadd.f32 v6, v51;
	v51 =	vld [tilespmem:s1+$0xFFFFFF20]  }
0x98: {  	v15 =	vimm.s32 $0xA;
	v7 =	vmul.f32 v7, v57;
	v8 =	vmul.f32 v8, v57;
	v55 =	vld [tilespmem:s1+$0x120]  }
0x99: {  	v1 =	vadd.f32 v1, v3;
	v3 =	vmul.f32 v63, v46;
	v2 =	vadd.f32 v2, v4;
	v4 =	vld [tilespmem:s1+$0xFFFFFF30]  }
0x9a: {  	v5 =	vadd.f32 v7, v5;
	v6 =	vadd.f32 v8, v6;
	v7 =	vld [tilespmem:s1+$0xFFFFFFA0];
	v8 =	vmul.f32 v9, v46  }
0x9b: {  	v14 =	vimm.s32 $0xC;
	v9 =	vmul.f32 v10, v46;
	v10 =	vmul.f32 v61, v45;
	v61 =	vld [tilespmem:s1+$0x130]  }
0x9c: {  	v57 =	vmul.f32 v62, v45;
	v60 =	vmul.f32 v12, v44;
	v46 =	vld [tilespmem:s1+$0x1A0];
	v1 =	vadd.f32 v3, v1  }
0x9d: {  	v12 =	vimm.s32 $0xE;
	v3 =	vld [tilespmem:s1+$0xFFFFFFB0];
	v0 =	vadd.f32 v0, v2;
	v5 =	vadd.f32 v8, v5  }
0x9e: {  	v2 =	vld [tilespmem:s1+$0x20];
	v8 =	vmul.f32 v28, v45;
	v6 =	vadd.f32 v9, v6;
	v28 =	vmul.f32 v13, v45  }
0x9f: {  	v9 =	vld [tilespmem:s1+$0x30];
	v62 =	vmul.f32 v50, v41;
	v63 =	vmul.f32 v53, v41;
	v1 =	vadd.f32 v10, v1  }
0xa0: {  	v50 =	vld [tilespmem:s1+$0x220];
	v51 =	vmul.f32 v51, v38;
	v0 =	vadd.f32 v57, v0;
	v5 =	vadd.f32 v8, v5  }
0xa1: {  	v53 =	vld [tilespmem:s1+$0x230];
	v6 =	vadd.f32 v28, v6;
	v28 =	vmul.f32 v11, v44;
	v4 =	vmul.f32 v4, v38  }
0xa2: {  	v10 =	vld [tilespmem:s1+$0xA0];
	v7 =	vmul.f32 v7, v35;
	v1 =	vadd.f32 v58, v1;
	v0 =	vadd.f32 v59, v0  }
0xa3: {  	v8 =	vld [tilespmem:s1+$0xB0];
	v61 =	vmul.f32 v61, v27;
	v5 =	vadd.f32 v28, v5;
	v6 =	vadd.f32 v60, v6  }
0xa4: {  	v44 =	vld [tilespmem:s1+$0x2A0];
	v3 =	vmul.f32 v3, v35;
	v1 =	vadd.f32 v54, v1;
	v0 =	vadd.f32 v56, v0  }
0xa5: {  	s31 =	smul.u32 $0x258, s30;
	v28 =	vld [tilespmem:s1+$0x1B0];
	v2 =	vmul.f32 v2, v32;
	v5 =	vadd.f32 v62, v5;
	v6 =	vadd.f32 v63, v6  }
0xa6: {  	v58 =	vld [tilespmem:s1+$0x3A0];
	v57 =	vmul.f32 v9, v32;
	v1 =	vadd.f32 v49, v1;
	v0 =	vadd.f32 v52, v0  }
0xa7: {  	v60 =	vld [tilespmem:s31+$0x64B8];
	v9 =	vmul.f32 v10, v31;
	v5 =	vadd.f32 v51, v5;
	v4 =	vadd.f32 v4, v6  }
0xa8: {  	v54 =	vld [tilespmem:s1+$0x320];
	v59 =	vmul.f32 v8, v31;
	v1 =	vadd.f32 v47, v1;
	v0 =	vadd.f32 v48, v0  }
0xa9: {  	v56 =	vld [tilespmem:s1+$0x330];
	v8 =	vmul.f32 v55, v27;
	v5 =	vadd.f32 v7, v5;
	v3 =	vadd.f32 v3, v4  }
0xaa: {  	v62 =	vld [tilespmem:$0x12820];
	v27 =	vmul.f32 v46, v24;
	v1 =	vadd.f32 v42, v1;
	v0 =	vadd.f32 v43, v0  }
0xab: {  	v10 =	vld [tilespmem:s1+$0x3B0];
	v63 =	vmul.f32 v28, v24;
	v2 =	vadd.f32 v2, v5;
	v3 =	vadd.f32 v57, v3  }
0xac: {  	v52 =	vld [tilespmem:s1+$0x2B0];
	v24 =	vmul.f32 v50, v21;
	v1 =	vadd.f32 v39, v1;
	v0 =	vadd.f32 v40, v0  }
0xad: {  	v31 =	vld [tilespmem:$0x12800];
	v7 =	vmul.f32 v58, v16;
	v2 =	vadd.f32 v9, v2;
	v3 =	vadd.f32 v59, v3  }
0xae: {  	v28 =	vld [tilespmem:$0x12880];
	v6 =	vmul.f32 v54, v17;
	v1 =	vadd.f32 v36, v1;
	v0 =	vadd.f32 v37, v0  }
0xaf: {  	v47 =	vld [tilespmem:$0x12AA0];
	v17 =	vmul.f32 v56, v17;
	v2 =	vadd.f32 v8, v2;
	v3 =	vadd.f32 v61, v3  }
0xb0: {  	v10 =	vmul.f32 v10, v16;
	v9 =	vld [tilespmem:$0x12810];
	v1 =	vadd.f32 v33, v1;
	v0 =	vadd.f32 v34, v0  }
0xb1: {  	v16 =	vld [tilespmem:$0x12980];
	v36 =	vmul.f32 v52, v18;
	v2 =	vadd.f32 v27, v2;
	v3 =	vadd.f32 v63, v3  }
0xb2: {  	v8 =	vld [tilespmem:$0x12830];
	v34 =	vmul.f32 v53, v21;
	v27 =	vmul.f32 v44, v18;
	v33 =	vimm.s32 $0x8  }
0xb3: {  	v37 =	vld [tilespmem:$0x12910];
	v38 =	vperm.xlane v60, v33;
	v1 =	vadd.f32 v29, v1;
	v0 =	vadd.f32 v30, v0  }
0xb4: {  	v21 =	vld [tilespmem:$0x12890];
	v2 =	vadd.f32 v24, v2;
	v3 =	vadd.f32 v34, v3;
	v30 =	vimm.s32 $0x9  }
0xb5: {  	v18 =	vld [tilespmem:$0x128B0];
	v9 =	vmul.f32 v9, v38;
	v1 =	vadd.f32 v25, v1;
	v0 =	vadd.f32 v26, v0  }
0xb6: {  	v29 =	vld [tilespmem:$0x128A0];
	v39 =	vmul.f32 v62, v38;
	v2 =	vadd.f32 v27, v2;
	v3 =	vadd.f32 v36, v3  }
0xb7: {  	v24 =	vld [tilespmem:$0x12900];
	v26 =	vimm.s32 $0xB;
	v1 =	vadd.f32 v22, v1;
	v0 =	vadd.f32 v23, v0  }
0xb8: {  	v25 =	vld [tilespmem:$0x129A0];
	v2 =	vadd.f32 v6, v2;
	v3 =	vadd.f32 v17, v3;
	v17 =	vmul.f32 v31, v38  }
0xb9: {  	v22 =	vld [tilespmem:$0x12920];
	v1 =	vadd.f32 v20, v1;
	v0 =	vadd.f32 v19, v0;
	v20 =	vperm.xlane v60, v30  }
0xba: {  	v23 =	vld [tilespmem:$0x12930];
	v6 =	vmul.f32 v8, v38;
	v2 =	vadd.f32 v7, v2;
	v3 =	vadd.f32 v10, v3  }
0xbb: {  	v8 =	vld [tilespmem:$0x129B0];
	v10 =	vperm.xlane v60, v15;
	v1 =	vadd.f32 v17, v1;
	v40 =	vmul.f32 v28, v20  }
0xbc: {  	v19 =	vld [tilespmem:$0x12990];
	v0 =	vadd.f32 v9, v0;
	v41 =	vmul.f32 v21, v20;
	v42 =	vmul.f32 v29, v20  }
0xbd: {  	v2 =	vadd.f32 v39, v2;
	v9 =	vld [tilespmem:$0x12A00];
	v18 =	vmul.f32 v18, v20;
	v43 =	vmul.f32 v24, v10  }
0xbe: {  	v3 =	vadd.f32 v6, v3;
	v17 =	vld [tilespmem:$0x12A10];
	v44 =	vmul.f32 v22, v10;
	v22 =	vperm.xlane v60, v26  }
0xbf: {  	v20 =	vld [tilespmem:$0x12A20];
	v4 =	vmul.f32 v37, v10;
	v45 =	vmul.f32 v23, v10;
	v23 =	vimm.s32 $0xD  }
0xc0: {  	v21 =	vld [tilespmem:$0x12A30];
	v1 =	vadd.f32 v40, v1;
	v0 =	vadd.f32 v41, v0;
	v46 =	vmul.f32 v16, v22  }
0xc1: {  	v24 =	vld [tilespmem:$0x12A80];
	v2 =	vadd.f32 v42, v2;
	v48 =	vmul.f32 v19, v22;
	v16 =	vperm.xlane v60, v14  }
0xc2: {  	v10 =	vld [tilespmem:$0x12A90];
	v3 =	vadd.f32 v18, v3;
	v49 =	vmul.f32 v25, v22;
	v8 =	vmul.f32 v8, v22  }
0xc3: {  	v18 =	vld [tilespmem:$0x12AB0];
	v1 =	vadd.f32 v43, v1;
	v0 =	vadd.f32 v4, v0;
	v50 =	vmul.f32 v9, v16  }
0xc4: {  	v19 =	vld [tilespmem:$0x12B00];
	v2 =	vadd.f32 v44, v2;
	v51 =	vmul.f32 v20, v16;
	v20 =	vperm.xlane v60, v23  }
0xc5: {  	v22 =	vld [tilespmem:$0x12B20];
	v3 =	vadd.f32 v45, v3;
	v9 =	vmul.f32 v17, v16;
	v52 =	vmul.f32 v21, v16  }
0xc6: {  	v17 =	vld [tilespmem:$0x12B10];
	v1 =	vadd.f32 v46, v1;
	v0 =	vadd.f32 v48, v0;
	v53 =	vmul.f32 v24, v20  }
0xc7: {  	v16 =	vld [tilespmem:$0x12B90];
	v2 =	vadd.f32 v49, v2;
	v54 =	vmul.f32 v10, v20;
	v10 =	vperm.xlane v60, v12  }
0xc8: {  	v3 =	vadd.f32 v8, v3;
	v8 =	vld [tilespmem:$0x12B30];
	v55 =	vmul.f32 v47, v20;
	v56 =	vmul.f32 v18, v20  }
0xc9: {  	v20 =	vimm.s32 $0xF;
	v1 =	vadd.f32 v50, v1;
	v0 =	vadd.f32 v9, v0;
	v9 =	vld [tilespmem:$0x12B80]  }
0xca: {  	v18 =	vld [tilespmem:$0x12BA0];
	v2 =	vadd.f32 v51, v2;
	v3 =	vadd.f32 v52, v3;
	v5 =	vperm.xlane v60, v20  }
0xcb: {  	v57 =	vmul.f32 v19, v10;
	v19 =	vld [tilespmem:$0x12BB0];
	v0 =	vadd.f32 v54, v0;
	v58 =	vmul.f32 v17, v10  }
0xcc: {  	v59 =	vmul.f32 v22, v10;
	v1 =	vadd.f32 v53, v1;
	v2 =	vadd.f32 v55, v2  }
0xcd: {  	v61 =	vmul.f32 v8, v10;
	v8 =	vmul.f32 v16, v5;
	v0 =	vadd.f32 v58, v0  }
0xce: {  	v3 =	vadd.f32 v56, v3;
	v1 =	vadd.f32 v57, v1;
	v60 =	vmul.f32 v9, v5  }
0xcf: {  	v2 =	vadd.f32 v59, v2;
	v62 =	vmul.f32 v18, v5;
	v0 =	vadd.f32 v8, v0  }
0xd0: {  	v3 =	vadd.f32 v61, v3;
	v63 =	vmul.f32 v19, v5;
	v1 =	vadd.f32 v60, v1  }
0xd1: {  	v2 =	vadd.f32 v62, v2;
	[tilespmem:s31+$0x10] =	vst v0  }
0xd2: {  	[tilespmem:s31+$0x0] =	vst v1;
	v1 =	vadd.f32 v63, v3  }
0xd3: {  	[tilespmem:s31+$0x20] =	vst v2  }
0xd4: {  	s0 =	sadd.s32 $0x190, s31;
	[tilespmem:s31+$0x30] =	vst v1  }
0xd5: {  	[tilespmem:s21], [sflag:$0x3] =	stream.indirect.gather [hbm4b:s3+s12], $0x80, s0, s12, $0xb8;
	[tilespmem:$0x1F480] =	vst v63  }
0xd6: {  	s1 =	sadd.s32 $0x210, s31  }
0xd7: {  	[tilespmem:s22], [sflag:$0x3] =	stream.indirect.gather [hbm4b:s3+s14], $0x80, s1, s14, $0xb8;
	[tilespmem:$0x1F480] =	vst v63  }
0xd8: {  	_ =	swait.ge [sflag:s23], $0x4000  }
0xd9: {  	[sflag:s23] =	ssyncset.done $0x0  }
0xda: {  	[sflag:s23] =	ssyncadd.s32 $0xFFFFC000  }
0xdb: {  	_ =	swait.ge [sflag:s23], $0x2400  }
0xdc: {  	[sflag:s23] =	ssyncset.done $0x0  }
0xdd: {  	s1 =	simm.s32 $0x13000;
	[sflag:s23] =	ssyncadd.s32 $0xFFFFDC00  }
0xde: {  	v0 =	vld [tilespmem:s1+$0x380]  }
0xdf: {  	v1 =	vld [tilespmem:s1+$0x390]  }
0xe0: {  	v2 =	vld [tilespmem:s1+$0x300]  }
0xe1: {  	v3 =	vld [tilespmem:s1+$0x310]  }
0xe2: {  	v28 =	vmov s28;
	v4 =	vld [tilespmem:s1+$0x280]  }
0xe3: {  	v5 =	vld [tilespmem:s1+$0x290]  }
0xe4: {  	v6 =	vld [tilespmem:s1+$0x200]  }
0xe5: {  	v7 =	vld [tilespmem:s1+$0x210]  }
0xe6: {  	s16 =	simm.s32 $0x0;
	v8 =	vld [tilespmem:s1+$0x180]  }
0xe7: {  	v9 =	vld.idx.msk [tilespmem:v28+s16+$0x0 ss:$0x1], $0xffff  }
0xe8: {  	v10 =	vld [tilespmem:s1+$0x190]  }
0xe9: {  	v36 =	vld [tilespmem:s1+$0x100]  }
0xea: {  	v37 =	vld [tilespmem:s1+$0x110]  }
0xeb: {  	v39 =	vld [tilespmem:s1+$0x80]  }
0xec: {  	v13 =	vimm.s32 $0xA;
	v40 =	vld [tilespmem:s1+$0x90]  }
0xed: {  	v11 =	vimm.s32 $0x8;
	v42 =	vld [tilespmem:s1+$0x0];
	v17 =	vperm.xlane v9, v12;
	v16 =	vperm.xlane v9, v20  }
0xee: {  	v51 =	vimm.f32 $0.0e+00;
	v43 =	vld [tilespmem:s1+$0x10];
	v21 =	vperm.xlane v9, v14;
	v18 =	vperm.xlane v9, v23  }
0xef: {  	v19 =	vimm.s32 $0x6;
	v47 =	vld [tilespmem:s1+$0xFFFFFF80];
	v27 =	vperm.xlane v9, v15;
	v24 =	vperm.xlane v9, v26  }
0xf0: {  	v48 =	vld [tilespmem:s1+$0xFFFFFF90];
	v32 =	vperm.xlane v9, v33;
	v38 =	vperm.xlane v9, v19;
	v19 =	vimm.s32 $0x7  }
0xf1: {  	v49 =	vld [tilespmem:s1+$0xFFFFFF00];
	v31 =	vperm.xlane v9, v30;
	v35 =	vperm.xlane v9, v19;
	v19 =	vimm.s32 $0x4  }
0xf2: {  	v56 =	vimm.f32 $0.0e+00;
	v50 =	vld [tilespmem:s1+$0xFFFFFF10];
	v44 =	vperm.xlane v9, v19;
	v20 =	vmul.f32 v0, v16  }
0xf3: {  	v54 =	vimm.f32 $0.0e+00;
	v52 =	vld [tilespmem:s1+$0xFFFFFE80];
	v22 =	vmul.f32 v2, v17;
	v23 =	vmul.f32 v3, v17  }
0xf4: {  	v53 =	vimm.f32 $0.0e+00;
	v55 =	vld [tilespmem:s1+$0xFFFFFE90];
	v25 =	vmul.f32 v4, v18;
	v26 =	vmul.f32 v5, v18  }
0xf5: {  	v58 =	vld [tilespmem:s1+$0xFFFFFE00];
	v14 =	vimm.s32 $0xD;
	v29 =	vmul.f32 v6, v21;
	v30 =	vmul.f32 v7, v21  }
0xf6: {  	v59 =	vld [tilespmem:s1+$0xFFFFFE10];
	v15 =	vimm.s32 $0xB;
	v33 =	vmul.f32 v8, v24;
	v34 =	vmul.f32 v10, v24  }
0xf7: {  	v61 =	vld [tilespmem:s1+$0xFFFFFD80];
	v19 =	vimm.s32 $0x5;
	v36 =	vmul.f32 v36, v27;
	v37 =	vmul.f32 v37, v27  }
0xf8: {  	v62 =	vld [tilespmem:s1+$0xFFFFFD90];
	v39 =	vmul.f32 v39, v31;
	v41 =	vperm.xlane v9, v19;
	v19 =	vimm.s32 $0x2  }
0xf9: {  	v63 =	vld [tilespmem:s1+$0xFFFFFD00];
	v40 =	vmul.f32 v40, v31;
	v46 =	vperm.xlane v9, v19;
	v19 =	vimm.s32 $0x3  }
0xfa: {  	s18 =	smul.u32 $0x3, s30;
	v0 =	vld [tilespmem:s1+$0xFFFFFD10];
	v42 =	vmul.f32 v42, v32;
	v45 =	vperm.xlane v9, v19;
	v19 =	vimm.s32 $0x0  }
0xfb: {  	v43 =	vmul.f32 v43, v32;
	v2 =	vld [tilespmem:s1+$0xFFFFFC90];
	v60 =	vperm.xlane v9, v19;
	v19 =	vimm.s32 $0x1  }
0xfc: {  	s0 =	sadd.s32 $0x1, s18;
	s16 =	simm.s32 $0x40;
	v12 =	vimm.s32 $0x9;
	v57 =	vperm.xlane v9, v19;
	v19 =	vmul.f32 v1, v16;
	v1 =	vld [tilespmem:s1+$0xFFFFFC80]  }
.LBB2_5:
0xfd: {  	p0 =	sne.s32 s16, $0x2C0;
	v3 =	vld [tilespmem:s1+$0xFFFFFC00];
	v4 =	vmul.f32 v47, v35;
	v5 =	vmul.f32 v48, v35  }
0xfe: {  	v7 =	vmul.f32 v49, v38;
	v8 =	vmul.f32 v50, v38;
	v6 =	vld [tilespmem:s1+$0xFFFFFC10]  }
0xff: {  	v10 =	vmul.f32 v52, v41;
	v47 =	vmul.f32 v55, v41;
	v9 =	vld [tilespmem:s1+$0xFFFFFC20]  }
0x100: {  	v49 =	vmul.f32 v58, v44;
	v50 =	vmul.f32 v59, v44;
	v48 =	vld [tilespmem:s1+$0xFFFFFC30]  }
0x101: {  	v55 =	vmul.f32 v61, v45;
	v58 =	vmul.f32 v62, v45;
	v52 =	vld [tilespmem:s1+$0xFFFFFCA0]  }
0x102: {  	v61 =	vmul.f32 v63, v46;
	v0 =	vmul.f32 v0, v46;
	v59 =	vld [tilespmem:s1+$0xFFFFFCB0]  }
0x103: {  	v1 =	vmul.f32 v1, v57;
	v2 =	vmul.f32 v2, v57;
	v62 =	vld [tilespmem:s1+$0xFFFFFD20]  }
0x104: {  	v3 =	vmul.f32 v3, v60;
	v6 =	vmul.f32 v6, v60;
	v63 =	vld [tilespmem:s1+$0xFFFFFD30]  }
0x105: {  	v9 =	vmul.f32 v9, v60;
	v48 =	vmul.f32 v48, v60;
	v60 =	vld [tilespmem:s1+$0xFFFFFDA0]  }
0x106: {  	v3 =	vadd.f32 v3, v51;
	v6 =	vadd.f32 v6, v56;
	v51 =	vmul.f32 v52, v57;
	v52 =	vld [tilespmem:s1+$0xFFFFFDB0]  }
0x107: {  	v9 =	vadd.f32 v9, v54;
	v48 =	vadd.f32 v48, v53;
	v53 =	vmul.f32 v59, v57;
	v54 =	vld [tilespmem:s1+$0xFFFFFE20]  }
0x108: {  	v1 =	vadd.f32 v1, v3;
	v2 =	vadd.f32 v2, v6;
	v3 =	vmul.f32 v62, v46;
	v6 =	vld [tilespmem:s1+$0xFFFFFE30]  }
0x109: {  	v9 =	vadd.f32 v51, v9;
	v48 =	vadd.f32 v53, v48;
	v46 =	vmul.f32 v63, v46;
	v51 =	vld [tilespmem:s1+$0xFFFFFEA0]  }
0x10a: {  	v1 =	vadd.f32 v61, v1;
	v0 =	vadd.f32 v0, v2;
	v2 =	vmul.f32 v60, v45;
	v53 =	vld [tilespmem:s1+$0xFFFFFEB0]  }
0x10b: {  	v3 =	vadd.f32 v3, v9;
	v9 =	vadd.f32 v46, v48;
	v45 =	vmul.f32 v52, v45;
	v46 =	vld [tilespmem:s1+$0xFFFFFF20]  }
0x10c: {  	v1 =	vadd.f32 v55, v1;
	v0 =	vadd.f32 v58, v0;
	v48 =	vmul.f32 v54, v44;
	v52 =	vld [tilespmem:s1+$0xFFFFFF30]  }
0x10d: {  	v2 =	vadd.f32 v2, v3;
	v3 =	vadd.f32 v45, v9;
	v6 =	vmul.f32 v6, v44;
	v9 =	vld [tilespmem:s1+$0xFFFFFFA0]  }
0x10e: {  	v1 =	vadd.f32 v49, v1;
	v0 =	vadd.f32 v50, v0;
	v44 =	vmul.f32 v51, v41;
	v45 =	vld [tilespmem:s1+$0xFFFFFFB0]  }
0x10f: {  	v2 =	vadd.f32 v48, v2;
	v3 =	vadd.f32 v6, v3;
	v6 =	vmul.f32 v53, v41;
	v41 =	vld [tilespmem:s1+$0x20]  }
0x110: {  	v1 =	vadd.f32 v10, v1;
	v0 =	vadd.f32 v47, v0;
	v10 =	vmul.f32 v46, v38;
	v46 =	vld [tilespmem:s1+$0x30]  }
0x111: {  	v2 =	vadd.f32 v44, v2;
	v3 =	vadd.f32 v6, v3;
	v6 =	vmul.f32 v52, v38;
	v38 =	vld [tilespmem:s1+$0xA0]  }
0x112: {  	v1 =	vadd.f32 v7, v1;
	v0 =	vadd.f32 v8, v0;
	v7 =	vmul.f32 v9, v35;
	v8 =	vld [tilespmem:s1+$0xB0]  }
0x113: {  	v2 =	vadd.f32 v10, v2;
	v3 =	vadd.f32 v6, v3;
	v6 =	vmul.f32 v45, v35;
	v9 =	vld [tilespmem:s1+$0x120]  }
0x114: {  	v1 =	vadd.f32 v4, v1;
	v0 =	vadd.f32 v5, v0;
	v4 =	vmul.f32 v41, v32;
	v5 =	vld [tilespmem:s1+$0x130]  }
0x115: {  	v2 =	vadd.f32 v7, v2;
	v3 =	vadd.f32 v6, v3;
	v6 =	vmul.f32 v46, v32;
	v7 =	vld [tilespmem:s1+$0x1A0]  }
0x116: {  	v1 =	vadd.f32 v42, v1;
	v0 =	vadd.f32 v43, v0;
	v10 =	vmul.f32 v38, v31;
	v32 =	vld [tilespmem:s1+$0x1B0]  }
0x117: {  	v2 =	vadd.f32 v4, v2;
	v3 =	vadd.f32 v6, v3;
	v4 =	vmul.f32 v8, v31;
	v6 =	vld [tilespmem:s1+$0x220]  }
0x118: {  	v1 =	vadd.f32 v39, v1;
	v0 =	vadd.f32 v40, v0;
	v8 =	vmul.f32 v9, v27;
	v9 =	vld [tilespmem:s1+$0x230]  }
0x119: {  	v2 =	vadd.f32 v10, v2;
	v3 =	vadd.f32 v4, v3;
	v4 =	vmul.f32 v5, v27;
	v5 =	vld [tilespmem:s1+$0x2A0]  }
0x11a: {  	v1 =	vadd.f32 v36, v1;
	v0 =	vadd.f32 v37, v0;
	v7 =	vmul.f32 v7, v24;
	v10 =	vld [tilespmem:s1+$0x2B0]  }
0x11b: {  	v2 =	vadd.f32 v8, v2;
	v3 =	vadd.f32 v4, v3;
	v4 =	vmul.f32 v32, v24;
	v8 =	vld [tilespmem:s1+$0x320]  }
0x11c: {  	v1 =	vadd.f32 v33, v1;
	v0 =	vadd.f32 v34, v0;
	v6 =	vmul.f32 v6, v21;
	v24 =	vld [tilespmem:s1+$0x330]  }
0x11d: {  	v2 =	vadd.f32 v7, v2;
	v3 =	vadd.f32 v4, v3;
	v4 =	vmul.f32 v9, v21;
	v7 =	vld [tilespmem:s1+$0x3A0]  }
0x11e: {  	v1 =	vadd.f32 v29, v1;
	v0 =	vadd.f32 v30, v0;
	v5 =	vmul.f32 v5, v18;
	v9 =	vld [tilespmem:s1+$0x3B0];
	s1 =	sadd.s32 $0x800, s1  }
0x11f: {  	v2 =	vadd.f32 v6, v2;
	v29 =	vld [tilespmem:s1+$0x380];
	v3 =	vadd.f32 v4, v3;
	v4 =	vmul.f32 v10, v18  }
0x120: {  	v1 =	vadd.f32 v25, v1;
	v0 =	vadd.f32 v26, v0;
	v6 =	vld [tilespmem:s1+$0x390];
	v8 =	vmul.f32 v8, v17  }
0x121: {  	v2 =	vadd.f32 v5, v2;
	v10 =	vld [tilespmem:s1+$0x300];
	v3 =	vadd.f32 v4, v3;
	v4 =	vmul.f32 v24, v17  }
0x122: {  	v1 =	vadd.f32 v22, v1;
	v0 =	vadd.f32 v23, v0;
	v5 =	vld [tilespmem:s1+$0x310];
	v7 =	vmul.f32 v7, v16  }
0x123: {  	v2 =	vadd.f32 v8, v2;
	v25 =	vld [tilespmem:s1+$0x280];
	v3 =	vadd.f32 v4, v3;
	v4 =	vmul.f32 v9, v16  }
0x124: {  	v51 =	vadd.f32 v20, v1;
	v56 =	vadd.f32 v19, v0;
	v8 =	vld [tilespmem:s1+$0x290]  }
0x125: {  	v54 =	vadd.f32 v7, v2;
	v0 =	vld [tilespmem:s1+$0x200];
	v53 =	vadd.f32 v4, v3  }
0x126: {  	v1 =	vld [tilespmem:s1+$0x210]  }
0x127: {  	s18 =	sshra.s32 s16, $0x2;
	v2 =	vld [tilespmem:s1+$0x180]  }
0x128: {  	v3 =	vld.idx.msk [tilespmem:v28+s18+$0x0 ss:$0x1], $0xffff;
	_ =	sdelay $0x1  }
0x129: {  	v4 =	vld [tilespmem:s1+$0x190]  }
0x12a: {  	v7 =	vld [tilespmem:s1+$0x100]  }
0x12b: {  	v18 =	vimm.s32 $0xC;
	v16 =	vimm.s32 $0xE;
	v9 =	vld [tilespmem:s1+$0x110]  }
0x12c: {  	v19 =	vimm.s32 $0x6;
	v39 =	vld [tilespmem:s1+$0x80];
	v17 =	vperm.xlane v3, v16;
	v21 =	vperm.xlane v3, v18  }
0x12d: {  	v40 =	vld [tilespmem:s1+$0x90];
	v16 =	vimm.s32 $0xF;
	v18 =	vperm.xlane v3, v14;
	v27 =	vperm.xlane v3, v13  }
0x12e: {  	v38 =	vperm.xlane v3, v19;
	v19 =	vimm.s32 $0x7;
	v42 =	vld [tilespmem:s1+$0x0];
	v16 =	vperm.xlane v3, v16  }
0x12f: {  	v24 =	vperm.xlane v3, v15;
	v35 =	vperm.xlane v3, v19;
	v19 =	vimm.s32 $0x4;
	v43 =	vld [tilespmem:s1+$0x10]  }
0x130: {  	v32 =	vperm.xlane v3, v11;
	v44 =	vperm.xlane v3, v19;
	v19 =	vimm.s32 $0x5;
	v47 =	vld [tilespmem:s1+$0xFFFFFF80]  }
0x131: {  	v31 =	vperm.xlane v3, v12;
	v41 =	vperm.xlane v3, v19;
	v19 =	vimm.s32 $0x2;
	v48 =	vld [tilespmem:s1+$0xFFFFFF90]  }
0x132: {  	v46 =	vperm.xlane v3, v19;
	v19 =	vimm.s32 $0x3;
	v49 =	vld [tilespmem:s1+$0xFFFFFF00]  }
0x133: {  	v45 =	vperm.xlane v3, v19;
	v19 =	vimm.s32 $0x0;
	v50 =	vld [tilespmem:s1+$0xFFFFFF10]  }
0x134: {  	v60 =	vperm.xlane v3, v19;
	v19 =	vimm.s32 $0x1;
	v52 =	vld [tilespmem:s1+$0xFFFFFE80]  }
0x135: {  	v57 =	vperm.xlane v3, v19;
	v55 =	vld [tilespmem:s1+$0xFFFFFE90]  }
0x136: {  	v20 =	vmul.f32 v29, v16;
	v19 =	vmul.f32 v6, v16;
	v58 =	vld [tilespmem:s1+$0xFFFFFE00]  }
0x137: {  	v22 =	vmul.f32 v10, v17;
	v23 =	vmul.f32 v5, v17;
	v59 =	vld [tilespmem:s1+$0xFFFFFE10]  }
0x138: {  	v25 =	vmul.f32 v25, v18;
	v26 =	vmul.f32 v8, v18;
	v61 =	vld [tilespmem:s1+$0xFFFFFD80]  }
.Ltmp1:
0x139: {  	v30 =	vmul.f32 v1, v21;
	v29 =	vmul.f32 v0, v21;
	v62 =	vld [tilespmem:s1+$0xFFFFFD90];
	(pc) =	sbr.rel @p0 .LBB2_5-.Ltmp1, $4  }
0x13a: {  	v33 =	vmul.f32 v2, v24;
	v34 =	vmul.f32 v4, v24;
	v63 =	vld [tilespmem:s1+$0xFFFFFD00]  }
0x13b: {  	v36 =	vmul.f32 v7, v27;
	v37 =	vmul.f32 v9, v27;
	v0 =	vld [tilespmem:s1+$0xFFFFFD10]  }
0x13c: {  	v39 =	vmul.f32 v39, v31;
	v40 =	vmul.f32 v40, v31;
	v1 =	vld [tilespmem:s1+$0xFFFFFC80]  }
0x13d: {  	s16 =	sadd.s32 $0x40, s16;
	v42 =	vmul.f32 v42, v32;
	v43 =	vmul.f32 v43, v32;
	v2 =	vld [tilespmem:s1+$0xFFFFFC90]  }
0x13e: {  	v3 =	vld [tilespmem:s1+$0xFFFFFC00]  }
0x13f: {  	v4 =	vld [tilespmem:s1+$0xFFFFFC10]  }
0x140: {  	v5 =	vld [tilespmem:s1+$0xFFFFFC20]  }
0x141: {  	v6 =	vld [tilespmem:s1+$0xFFFFFC30]  }
0x142: {  	v7 =	vld [tilespmem:s1+$0xFFFFFCA0]  }
0x143: {  	v8 =	vld [tilespmem:s1+$0xFFFFFCB0]  }
0x144: {  	v10 =	vld [tilespmem:s1+$0xFFFFFD30];
	v47 =	vmul.f32 v47, v35;
	v48 =	vmul.f32 v48, v35  }
0x145: {  	v28 =	vld [tilespmem:s1+$0xFFFFFDA0];
	v49 =	vmul.f32 v49, v38;
	v1 =	vmul.f32 v1, v57  }
0x146: {  	v13 =	vld [tilespmem:s1+$0xFFFFFDB0];
	v2 =	vmul.f32 v2, v57;
	v3 =	vmul.f32 v3, v60  }
0x147: {  	v9 =	vld [tilespmem:s1+$0xFFFFFD20];
	v4 =	vmul.f32 v4, v60;
	v5 =	vmul.f32 v5, v60  }
0x148: {  	v11 =	vld [tilespmem:s1+$0xFFFFFE20];
	v6 =	vmul.f32 v6, v60;
	v7 =	vmul.f32 v7, v57  }
0x149: {  	v12 =	vld [tilespmem:s1+$0xFFFFFE30];
	v8 =	vmul.f32 v8, v57;
	v57 =	vmul.f32 v10, v46  }
0x14a: {  	v60 =	vmul.f32 v61, v45;
	v61 =	vmul.f32 v62, v45;
	v10 =	vld [tilespmem:s1+$0xA0]  }
0x14b: {  	v62 =	vmul.f32 v28, v45;
	v28 =	vmul.f32 v13, v45;
	v45 =	vld [tilespmem:s1+$0x130]  }
0x14c: {  	v50 =	vmul.f32 v50, v38;
	v52 =	vmul.f32 v52, v41;
	v3 =	vadd.f32 v3, v51;
	v51 =	vld [tilespmem:s1+$0xFFFFFEA0]  }
0x14d: {  	v55 =	vmul.f32 v55, v41;
	v4 =	vadd.f32 v4, v56;
	v5 =	vadd.f32 v5, v54;
	v54 =	vld [tilespmem:s1+$0xFFFFFEB0]  }
0x14e: {  	v0 =	vmul.f32 v0, v46;
	v6 =	vadd.f32 v6, v53;
	v53 =	vld [tilespmem:s1+$0xFFFFFF20];
	v56 =	vmul.f32 v9, v46  }
0x14f: {  	v9 =	vld [tilespmem:s1+$0x30];
	v1 =	vadd.f32 v1, v3;
	v3 =	vmul.f32 v63, v46;
	v2 =	vadd.f32 v2, v4  }
0x150: {  	v15 =	vimm.s32 $0xB;
	v4 =	vld [tilespmem:s1+$0xFFFFFF30];
	v5 =	vadd.f32 v7, v5;
	v6 =	vadd.f32 v8, v6  }
0x151: {  	v14 =	vimm.s32 $0xD;
	v7 =	vld [tilespmem:s1+$0xFFFFFFA0];
	v1 =	vadd.f32 v3, v1;
	v0 =	vadd.f32 v0, v2  }
0x152: {  	v13 =	vimm.s32 $0xE;
	v8 =	vld [tilespmem:s1+$0xB0];
	v5 =	vadd.f32 v56, v5;
	v6 =	vadd.f32 v57, v6  }
0x153: {  	v63 =	vmul.f32 v58, v44;
	v46 =	vld [tilespmem:s1+$0x1A0];
	v1 =	vadd.f32 v60, v1;
	v0 =	vadd.f32 v61, v0  }
0x154: {  	v3 =	vld [tilespmem:s1+$0xFFFFFFB0];
	v60 =	vmul.f32 v59, v44;
	v6 =	vadd.f32 v28, v6;
	v28 =	vmul.f32 v11, v44  }
0x155: {  	v2 =	vld [tilespmem:s1+$0x20];
	v5 =	vadd.f32 v62, v5;
	v61 =	vmul.f32 v12, v44;
	v62 =	vmul.f32 v51, v41  }
0x156: {  	v58 =	vld [tilespmem:s1+$0x330];
	v11 =	vmul.f32 v53, v38;
	v59 =	vmul.f32 v9, v32;
	v12 =	vimm.s32 $0xF  }
0x157: {  	v56 =	vld [tilespmem:s1+$0x120];
	v4 =	vmul.f32 v4, v38;
	v7 =	vmul.f32 v7, v35;
	v1 =	vadd.f32 v63, v1  }
0x158: {  	v57 =	vld [tilespmem:s1+$0x320];
	v0 =	vadd.f32 v60, v0;
	v5 =	vadd.f32 v28, v5;
	v63 =	vmul.f32 v54, v41  }
0x159: {  	v53 =	vld [tilespmem:s1+$0x230];
	v6 =	vadd.f32 v61, v6;
	v61 =	vmul.f32 v10, v31;
	v3 =	vmul.f32 v3, v35  }
0x15a: {  	v60 =	vld [tilespmem:s1+$0x3A0];
	v2 =	vmul.f32 v2, v32;
	v1 =	vadd.f32 v52, v1;
	v0 =	vadd.f32 v55, v0  }
0x15b: {  	v35 =	vimm.s32 $0xC;
	v5 =	vadd.f32 v62, v5;
	v6 =	vadd.f32 v63, v6;
	v55 =	vld [tilespmem:s1+$0x2B0]  }
0x15c: {  	v62 =	vld [tilespmem:s1+$0x3B0];
	v63 =	vmul.f32 v8, v31;
	v1 =	vadd.f32 v49, v1;
	v0 =	vadd.f32 v50, v0  }
0x15d: {  	v51 =	vld [tilespmem:s1+$0x220];
	v5 =	vadd.f32 v11, v5;
	v4 =	vadd.f32 v4, v6;
	v6 =	vmul.f32 v57, v17  }
0x15e: {  	v44 =	vld [tilespmem:$0x18C10];
	v17 =	vmul.f32 v58, v17;
	v1 =	vadd.f32 v47, v1;
	v0 =	vadd.f32 v48, v0  }
0x15f: {  	v28 =	vld [tilespmem:s1+$0x1B0];
	v5 =	vadd.f32 v7, v5;
	v3 =	vadd.f32 v3, v4;
	v48 =	vmul.f32 v53, v21  }
0x160: {  	v54 =	vld [tilespmem:s1+$0x2A0];
	v7 =	vmul.f32 v60, v16;
	v49 =	vmul.f32 v55, v18;
	v1 =	vadd.f32 v42, v1  }
0x161: {  	s0 =	smul.u32 $0xC8, s0;
	v41 =	vld [tilespmem:$0x18F30];
	v10 =	vmul.f32 v62, v16;
	v0 =	vadd.f32 v43, v0;
	v2 =	vadd.f32 v2, v5  }
0x162: {  	v32 =	vld [tilespmem:$0x18EA0];
	v3 =	vadd.f32 v59, v3;
	v42 =	vmul.f32 v56, v27;
	v1 =	vadd.f32 v39, v1  }
0x163: {  	v5 =	vld [tilespmem:s0+$0x64B8];
	v43 =	vmul.f32 v45, v27;
	v0 =	vadd.f32 v40, v0;
	v2 =	vadd.f32 v61, v2  }
0x164: {  	v31 =	vld [tilespmem:$0x18C00];
	v27 =	vmul.f32 v46, v24;
	v3 =	vadd.f32 v63, v3;
	v1 =	vadd.f32 v36, v1  }
0x165: {  	v50 =	vld [tilespmem:$0x18D10];
	v46 =	vmul.f32 v28, v24;
	v0 =	vadd.f32 v37, v0;
	v2 =	vadd.f32 v42, v2  }
0x166: {  	v45 =	vld [tilespmem:$0x18C20];
	v24 =	vmul.f32 v51, v21;
	v3 =	vadd.f32 v43, v3;
	v1 =	vadd.f32 v33, v1  }
0x167: {  	v47 =	vld [tilespmem:$0x18C30];
	v0 =	vadd.f32 v34, v0;
	v2 =	vadd.f32 v27, v2;
	v33 =	vimm.s32 $0x8  }
0x168: {  	v53 =	vld [tilespmem:$0x18DB0];
	v3 =	vadd.f32 v46, v3;
	v51 =	vperm.xlane v5, v33;
	v1 =	vadd.f32 v29, v1  }
0x169: {  	v16 =	vld [tilespmem:$0x18D80];
	v27 =	vmul.f32 v54, v18;
	v0 =	vadd.f32 v30, v0;
	v2 =	vadd.f32 v24, v2  }
0x16a: {  	v3 =	vadd.f32 v48, v3;
	v24 =	vld [tilespmem:$0x18D00];
	v30 =	vimm.s32 $0x9;
	v9 =	vmul.f32 v44, v51  }
0x16b: {  	v28 =	vld [tilespmem:$0x18C80];
	v52 =	vmul.f32 v45, v51;
	v45 =	vperm.xlane v5, v13;
	v1 =	vadd.f32 v25, v1  }
0x16c: {  	v21 =	vld [tilespmem:$0x18C90];
	v0 =	vadd.f32 v26, v0;
	v3 =	vadd.f32 v49, v3;
	v26 =	vimm.s32 $0xA  }
0x16d: {  	v18 =	vld [tilespmem:$0x18CB0];
	v2 =	vadd.f32 v27, v2;
	v57 =	vperm.xlane v5, v26;
	v1 =	vadd.f32 v22, v1  }
0x16e: {  	v29 =	vld [tilespmem:$0x18CA0];
	v0 =	vadd.f32 v23, v0;
	v3 =	vadd.f32 v17, v3;
	v17 =	vmul.f32 v31, v51  }
0x16f: {  	v22 =	vld [tilespmem:$0x18D20];
	v2 =	vadd.f32 v6, v2;
	v6 =	vmul.f32 v47, v51;
	v59 =	vmul.f32 v24, v57  }
0x170: {  	v23 =	vld [tilespmem:$0x18D30];
	v1 =	vadd.f32 v20, v1;
	v0 =	vadd.f32 v19, v0;
	v20 =	vperm.xlane v5, v30  }
0x171: {  	v55 =	vld [tilespmem:$0x18E00];
	v4 =	vmul.f32 v50, v57;
	v2 =	vadd.f32 v7, v2;
	v3 =	vadd.f32 v10, v3  }
0x172: {  	v19 =	vld [tilespmem:$0x18D90];
	v1 =	vadd.f32 v17, v1;
	v54 =	vmul.f32 v28, v20;
	v56 =	vmul.f32 v21, v20  }
0x173: {  	v25 =	vld [tilespmem:$0x18DA0];
	v0 =	vadd.f32 v9, v0;
	v58 =	vmul.f32 v29, v20;
	v18 =	vmul.f32 v18, v20  }
0x174: {  	v2 =	vadd.f32 v52, v2;
	v17 =	vld [tilespmem:$0x18E10];
	v60 =	vmul.f32 v22, v57;
	v22 =	vperm.xlane v5, v15  }
0x175: {  	v3 =	vadd.f32 v6, v3;
	v20 =	vld [tilespmem:$0x18E20];
	v52 =	vmul.f32 v41, v45;
	v61 =	vmul.f32 v23, v57  }
0x176: {  	v21 =	vld [tilespmem:$0x18E30];
	v1 =	vadd.f32 v54, v1;
	v0 =	vadd.f32 v56, v0;
	v63 =	vmul.f32 v16, v22  }
0x177: {  	v62 =	vld [tilespmem:$0x18E90];
	v2 =	vadd.f32 v58, v2;
	v34 =	vmul.f32 v19, v22;
	v16 =	vperm.xlane v5, v35  }
0x178: {  	v24 =	vld [tilespmem:$0x18E80];
	v3 =	vadd.f32 v18, v3;
	v36 =	vmul.f32 v25, v22;
	v8 =	vmul.f32 v53, v22  }
0x179: {  	v43 =	vld [tilespmem:$0x18F80];
	v1 =	vadd.f32 v59, v1;
	v0 =	vadd.f32 v4, v0;
	v37 =	vmul.f32 v55, v16  }
0x17a: {  	v18 =	vld [tilespmem:$0x18EB0];
	v2 =	vadd.f32 v60, v2;
	v38 =	vmul.f32 v17, v16;
	v39 =	vmul.f32 v20, v16  }
0x17b: {  	v19 =	vld [tilespmem:$0x18F00];
	v3 =	vadd.f32 v61, v3;
	v20 =	vperm.xlane v5, v14;
	v40 =	vmul.f32 v21, v16  }
0x17c: {  	v17 =	vld [tilespmem:$0x18F10];
	v5 =	vperm.xlane v5, v12;
	v1 =	vadd.f32 v63, v1;
	v0 =	vadd.f32 v34, v0  }
0x17d: {  	v22 =	vld [tilespmem:$0x18F20];
	v2 =	vadd.f32 v36, v2;
	v3 =	vadd.f32 v8, v3;
	v42 =	vmul.f32 v24, v20  }
0x17e: {  	v16 =	vld [tilespmem:$0x18F90];
	v44 =	vmul.f32 v62, v20;
	v46 =	vmul.f32 v32, v20;
	v1 =	vadd.f32 v37, v1  }
0x17f: {  	v47 =	vmul.f32 v18, v20;
	v18 =	vld [tilespmem:$0x18FA0];
	v51 =	vmul.f32 v43, v5;
	v0 =	vadd.f32 v38, v0  }
0x180: {  	v2 =	vadd.f32 v39, v2;
	v48 =	vmul.f32 v19, v45;
	v19 =	vld [tilespmem:$0x18FB0];
	v1 =	vadd.f32 v42, v1  }
0x181: {  	v3 =	vadd.f32 v40, v3;
	v0 =	vadd.f32 v44, v0;
	v49 =	vmul.f32 v17, v45  }
0x182: {  	v50 =	vmul.f32 v22, v45;
	v2 =	vadd.f32 v46, v2;
	v1 =	vadd.f32 v48, v1  }
0x183: {  	v3 =	vadd.f32 v47, v3;
	v53 =	vmul.f32 v16, v5;
	v0 =	vadd.f32 v49, v0  }
0x184: {  	v2 =	vadd.f32 v50, v2;
	v54 =	vmul.f32 v18, v5;
	v1 =	vadd.f32 v51, v1  }
0x185: {  	v3 =	vadd.f32 v52, v3;
	v55 =	vmul.f32 v19, v5;
	v0 =	vadd.f32 v53, v0  }
0x186: {  	v2 =	vadd.f32 v54, v2;
	[tilespmem:s0+$0x0] =	vst v1  }
0x187: {  	v1 =	vadd.f32 v55, v3;
	[tilespmem:s0+$0x10] =	vst v0  }
0x188: {  	[tilespmem:s0+$0x20] =	vst v2  }
0x189: {  	s1 =	sadd.s32 $0x258, s31;
	[tilespmem:s0+$0x30] =	vst v1  }
0x18a: {  	[tilespmem:s13], [sflag:$0x1] =	stream.indirect.gather [hbm4b:s3+s12], $0x80, s1, s12, $0xb8;
	[tilespmem:$0x1F480] =	vst v63  }
0x18b: {  	s16 =	sadd.s32 $0x2D8, s31  }
0x18c: {  	[tilespmem:s15], [sflag:$0x1] =	stream.indirect.gather [hbm4b:s3+s14], $0x80, s16, s14, $0xb8;
	[tilespmem:$0x1F480] =	vst v63  }
0x18d: {  	_ =	swait.ge [sflag:s24], $0x4000  }
0x18e: {  	[sflag:s24] =	ssyncset.done $0x0  }
0x18f: {  	[sflag:s24] =	ssyncadd.s32 $0xFFFFC000  }
0x190: {  	_ =	swait.ge [sflag:s24], $0x2400  }
0x191: {  	[sflag:s24] =	ssyncset.done $0x0  }
0x192: {  	s1 =	simm.s32 $0x19400;
	[sflag:s24] =	ssyncadd.s32 $0xFFFFDC00  }
0x193: {  	v0 =	vld [tilespmem:s1+$0x380]  }
0x194: {  	v1 =	vld [tilespmem:s1+$0x390]  }
0x195: {  	v2 =	vld [tilespmem:s1+$0x300]  }
0x196: {  	v3 =	vld [tilespmem:s1+$0x310]  }
0x197: {  	v28 =	vmov s29;
	v4 =	vld [tilespmem:s1+$0x280]  }
0x198: {  	v5 =	vld [tilespmem:s1+$0x290]  }
0x199: {  	v6 =	vld [tilespmem:s1+$0x200]  }
0x19a: {  	v7 =	vld [tilespmem:s1+$0x210]  }
0x19b: {  	s18 =	simm.s32 $0x0;
	v8 =	vld [tilespmem:s1+$0x180]  }
0x19c: {  	v9 =	vld.idx.msk [tilespmem:v28+s18+$0x0 ss:$0x1], $0xffff  }
0x19d: {  	v10 =	vld [tilespmem:s1+$0x190]  }
0x19e: {  	v36 =	vld [tilespmem:s1+$0x100]  }
0x19f: {  	v39 =	vld [tilespmem:s1+$0x110]  }
0x1a0: {  	v40 =	vld [tilespmem:s1+$0x80]  }
0x1a1: {  	v57 =	vimm.s32 $0x7;
	v42 =	vld [tilespmem:s1+$0x90]  }
0x1a2: {  	v56 =	vimm.s32 $0x6;
	v43 =	vld [tilespmem:s1+$0x0];
	v17 =	vperm.xlane v9, v13;
	v16 =	vperm.xlane v9, v12  }
0x1a3: {  	v58 =	vimm.s32 $0x4;
	v52 =	vld [tilespmem:s1+$0x10];
	v21 =	vperm.xlane v9, v35;
	v18 =	vperm.xlane v9, v14  }
0x1a4: {  	v59 =	vimm.s32 $0x5;
	v45 =	vld [tilespmem:s1+$0xFFFFFF80];
	v27 =	vperm.xlane v9, v26;
	v24 =	vperm.xlane v9, v15  }
0x1a5: {  	v60 =	vimm.s32 $0x2;
	v47 =	vld [tilespmem:s1+$0xFFFFFF90];
	v32 =	vperm.xlane v9, v33;
	v31 =	vperm.xlane v9, v30  }
0x1a6: {  	v61 =	vimm.s32 $0x3;
	v49 =	vld [tilespmem:s1+$0xFFFFFF00];
	v38 =	vperm.xlane v9, v56;
	v35 =	vperm.xlane v9, v57  }
0x1a7: {  	v63 =	vimm.s32 $0x1;
	v50 =	vld [tilespmem:s1+$0xFFFFFF10];
	v44 =	vperm.xlane v9, v58;
	v41 =	vperm.xlane v9, v59  }
0x1a8: {  	v62 =	vimm.s32 $0x0;
	v55 =	vld [tilespmem:s1+$0xFFFFFE80];
	v48 =	vperm.xlane v9, v60;
	v46 =	vperm.xlane v9, v61  }
0x1a9: {  	v60 =	vperm.xlane v9, v62;
	v57 =	vperm.xlane v9, v63;
	v56 =	vld [tilespmem:s1+$0xFFFFFE90]  }
0x1aa: {  	v51 =	vimm.f32 $0.0e+00;
	v58 =	vld [tilespmem:s1+$0xFFFFFE00];
	v20 =	vmul.f32 v0, v16;
	v19 =	vmul.f32 v1, v16  }
0x1ab: {  	v54 =	vimm.f32 $0.0e+00;
	v59 =	vld [tilespmem:s1+$0xFFFFFE10];
	v22 =	vmul.f32 v2, v17;
	v23 =	vmul.f32 v3, v17  }
0x1ac: {  	v53 =	vimm.f32 $0.0e+00;
	v61 =	vld [tilespmem:s1+$0xFFFFFD80];
	v26 =	vmul.f32 v4, v18;
	v25 =	vmul.f32 v5, v18  }
0x1ad: {  	v62 =	vld [tilespmem:s1+$0xFFFFFD90];
	v13 =	vimm.s32 $0x4;
	v30 =	vmul.f32 v6, v21;
	v29 =	vmul.f32 v7, v21  }
0x1ae: {  	v63 =	vld [tilespmem:s1+$0xFFFFFD00];
	v15 =	vimm.s32 $0x3;
	v34 =	vmul.f32 v8, v24;
	v33 =	vmul.f32 v10, v24  }
0x1af: {  	v14 =	vimm.s32 $0x2;
	v37 =	vmul.f32 v36, v27;
	v36 =	vmul.f32 v39, v27;
	v0 =	vld [tilespmem:s1+$0xFFFFFD10]  }
0x1b0: {  	v12 =	vimm.s32 $0x0;
	v40 =	vmul.f32 v40, v31;
	v39 =	vmul.f32 v42, v31;
	v1 =	vld [tilespmem:s1+$0xFFFFFC80]  }
0x1b1: {  	s0 =	simm.s32 $0x40;
	v43 =	vmul.f32 v43, v32;
	v42 =	vmul.f32 v52, v32;
	v2 =	vld [tilespmem:s1+$0xFFFFFC90];
	v52 =	vimm.f32 $0.0e+00  }
.LBB2_7:
0x1b2: {  	p0 =	sne.s32 s0, $0x2C0;
	v3 =	vld [tilespmem:s1+$0xFFFFFC00];
	v4 =	vmul.f32 v45, v35;
	v5 =	vmul.f32 v47, v35  }
0x1b3: {  	v7 =	vmul.f32 v49, v38;
	v8 =	vmul.f32 v50, v38;
	v6 =	vld [tilespmem:s1+$0xFFFFFC10]  }
0x1b4: {  	v10 =	vmul.f32 v55, v41;
	v45 =	vmul.f32 v56, v41;
	v9 =	vld [tilespmem:s1+$0xFFFFFC20]  }
0x1b5: {  	v49 =	vmul.f32 v58, v44;
	v50 =	vmul.f32 v59, v44;
	v47 =	vld [tilespmem:s1+$0xFFFFFC30]  }
0x1b6: {  	v56 =	vmul.f32 v61, v46;
	v58 =	vmul.f32 v62, v46;
	v55 =	vld [tilespmem:s1+$0xFFFFFCA0]  }
0x1b7: {  	v61 =	vmul.f32 v63, v48;
	v0 =	vmul.f32 v0, v48;
	v59 =	vld [tilespmem:s1+$0xFFFFFCB0]  }
0x1b8: {  	v1 =	vmul.f32 v1, v57;
	v2 =	vmul.f32 v2, v57;
	v62 =	vld [tilespmem:s1+$0xFFFFFD20]  }
0x1b9: {  	v3 =	vmul.f32 v3, v60;
	v6 =	vmul.f32 v6, v60;
	v63 =	vld [tilespmem:s1+$0xFFFFFD30]  }
0x1ba: {  	v9 =	vmul.f32 v9, v60;
	v47 =	vmul.f32 v47, v60;
	v60 =	vld [tilespmem:s1+$0xFFFFFDA0]  }
0x1bb: {  	v3 =	vadd.f32 v3, v51;
	v6 =	vadd.f32 v6, v54;
	v51 =	vmul.f32 v55, v57;
	v54 =	vld [tilespmem:s1+$0xFFFFFDB0]  }
0x1bc: {  	v9 =	vadd.f32 v9, v53;
	v47 =	vadd.f32 v47, v52;
	v52 =	vmul.f32 v59, v57;
	v53 =	vld [tilespmem:s1+$0xFFFFFE20]  }
0x1bd: {  	v1 =	vadd.f32 v1, v3;
	v2 =	vadd.f32 v2, v6;
	v3 =	vmul.f32 v62, v48;
	v6 =	vld [tilespmem:s1+$0xFFFFFE30]  }
0x1be: {  	v9 =	vadd.f32 v51, v9;
	v47 =	vadd.f32 v52, v47;
	v48 =	vmul.f32 v63, v48;
	v51 =	vld [tilespmem:s1+$0xFFFFFEA0]  }
0x1bf: {  	v1 =	vadd.f32 v61, v1;
	v0 =	vadd.f32 v0, v2;
	v2 =	vmul.f32 v60, v46;
	v52 =	vld [tilespmem:s1+$0xFFFFFEB0]  }
0x1c0: {  	v3 =	vadd.f32 v3, v9;
	v9 =	vadd.f32 v48, v47;
	v46 =	vmul.f32 v54, v46;
	v47 =	vld [tilespmem:s1+$0xFFFFFF20]  }
0x1c1: {  	v1 =	vadd.f32 v56, v1;
	v0 =	vadd.f32 v58, v0;
	v48 =	vmul.f32 v53, v44;
	v53 =	vld [tilespmem:s1+$0xFFFFFF30]  }
0x1c2: {  	v2 =	vadd.f32 v2, v3;
	v3 =	vadd.f32 v46, v9;
	v6 =	vmul.f32 v6, v44;
	v9 =	vld [tilespmem:s1+$0xFFFFFFA0]  }
0x1c3: {  	v1 =	vadd.f32 v49, v1;
	v0 =	vadd.f32 v50, v0;
	v44 =	vmul.f32 v51, v41;
	v46 =	vld [tilespmem:s1+$0xFFFFFFB0]  }
0x1c4: {  	v2 =	vadd.f32 v48, v2;
	v3 =	vadd.f32 v6, v3;
	v6 =	vmul.f32 v52, v41;
	v41 =	vld [tilespmem:s1+$0x20]  }
0x1c5: {  	v1 =	vadd.f32 v10, v1;
	v0 =	vadd.f32 v45, v0;
	v10 =	vmul.f32 v47, v38;
	v45 =	vld [tilespmem:s1+$0x30]  }
0x1c6: {  	v2 =	vadd.f32 v44, v2;
	v3 =	vadd.f32 v6, v3;
	v6 =	vmul.f32 v53, v38;
	v38 =	vld [tilespmem:s1+$0xA0]  }
0x1c7: {  	v1 =	vadd.f32 v7, v1;
	v0 =	vadd.f32 v8, v0;
	v7 =	vmul.f32 v9, v35;
	v8 =	vld [tilespmem:s1+$0xB0]  }
0x1c8: {  	v2 =	vadd.f32 v10, v2;
	v3 =	vadd.f32 v6, v3;
	v6 =	vmul.f32 v46, v35;
	v9 =	vld [tilespmem:s1+$0x120]  }
0x1c9: {  	v1 =	vadd.f32 v4, v1;
	v0 =	vadd.f32 v5, v0;
	v4 =	vmul.f32 v41, v32;
	v5 =	vld [tilespmem:s1+$0x130]  }
0x1ca: {  	v2 =	vadd.f32 v7, v2;
	v3 =	vadd.f32 v6, v3;
	v6 =	vmul.f32 v45, v32;
	v7 =	vld [tilespmem:s1+$0x1A0]  }
0x1cb: {  	v1 =	vadd.f32 v43, v1;
	v0 =	vadd.f32 v42, v0;
	v10 =	vmul.f32 v38, v31;
	v32 =	vld [tilespmem:s1+$0x1B0]  }
0x1cc: {  	v2 =	vadd.f32 v4, v2;
	v3 =	vadd.f32 v6, v3;
	v4 =	vmul.f32 v8, v31;
	v6 =	vld [tilespmem:s1+$0x220]  }
0x1cd: {  	v1 =	vadd.f32 v40, v1;
	v0 =	vadd.f32 v39, v0;
	v8 =	vmul.f32 v9, v27;
	v9 =	vld [tilespmem:s1+$0x230]  }
0x1ce: {  	v2 =	vadd.f32 v10, v2;
	v3 =	vadd.f32 v4, v3;
	v4 =	vmul.f32 v5, v27;
	v5 =	vld [tilespmem:s1+$0x2A0]  }
0x1cf: {  	v1 =	vadd.f32 v37, v1;
	v0 =	vadd.f32 v36, v0;
	v7 =	vmul.f32 v7, v24;
	v10 =	vld [tilespmem:s1+$0x2B0]  }
0x1d0: {  	v2 =	vadd.f32 v8, v2;
	v3 =	vadd.f32 v4, v3;
	v4 =	vmul.f32 v32, v24;
	v8 =	vld [tilespmem:s1+$0x320]  }
0x1d1: {  	v1 =	vadd.f32 v34, v1;
	v0 =	vadd.f32 v33, v0;
	v6 =	vmul.f32 v6, v21;
	v24 =	vld [tilespmem:s1+$0x330]  }
0x1d2: {  	v2 =	vadd.f32 v7, v2;
	v3 =	vadd.f32 v4, v3;
	v4 =	vmul.f32 v9, v21;
	v7 =	vld [tilespmem:s1+$0x3A0]  }
0x1d3: {  	v1 =	vadd.f32 v30, v1;
	v0 =	vadd.f32 v29, v0;
	v5 =	vmul.f32 v5, v18;
	v9 =	vld [tilespmem:s1+$0x3B0];
	s1 =	sadd.s32 $0x800, s1  }
0x1d4: {  	v2 =	vadd.f32 v6, v2;
	v29 =	vld [tilespmem:s1+$0x380];
	v3 =	vadd.f32 v4, v3;
	v4 =	vmul.f32 v10, v18  }
0x1d5: {  	v1 =	vadd.f32 v26, v1;
	v0 =	vadd.f32 v25, v0;
	v6 =	vld [tilespmem:s1+$0x390];
	v8 =	vmul.f32 v8, v17  }
0x1d6: {  	v2 =	vadd.f32 v5, v2;
	v10 =	vld [tilespmem:s1+$0x300];
	v3 =	vadd.f32 v4, v3;
	v4 =	vmul.f32 v24, v17  }
0x1d7: {  	v1 =	vadd.f32 v22, v1;
	v0 =	vadd.f32 v23, v0;
	v5 =	vld [tilespmem:s1+$0x310];
	v7 =	vmul.f32 v7, v16  }
0x1d8: {  	v2 =	vadd.f32 v8, v2;
	v25 =	vld [tilespmem:s1+$0x280];
	v3 =	vadd.f32 v4, v3;
	v4 =	vmul.f32 v9, v16  }
0x1d9: {  	v51 =	vadd.f32 v20, v1;
	v54 =	vadd.f32 v19, v0;
	v8 =	vld [tilespmem:s1+$0x290]  }
0x1da: {  	v53 =	vadd.f32 v7, v2;
	v0 =	vld [tilespmem:s1+$0x200];
	v52 =	vadd.f32 v4, v3  }
0x1db: {  	v1 =	vld [tilespmem:s1+$0x210]  }
0x1dc: {  	s16 =	sshra.s32 s0, $0x2;
	v2 =	vld [tilespmem:s1+$0x180]  }
0x1dd: {  	v3 =	vld.idx.msk [tilespmem:v28+s16+$0x0 ss:$0x1], $0xffff;
	_ =	sdelay $0x1  }
0x1de: {  	v4 =	vld [tilespmem:s1+$0x190]  }
0x1df: {  	v7 =	vld [tilespmem:s1+$0x100]  }
0x1e0: {  	v11 =	vimm.s32 $0xE;
	v18 =	vimm.s32 $0xC;
	v19 =	vimm.s32 $0xA;
	v9 =	vld [tilespmem:s1+$0x110]  }
0x1e1: {  	v39 =	vld [tilespmem:s1+$0x80];
	v17 =	vperm.xlane v3, v11;
	v11 =	vimm.s32 $0xF;
	v21 =	vperm.xlane v3, v18  }
0x1e2: {  	v42 =	vld [tilespmem:s1+$0x90];
	v18 =	vimm.s32 $0xD;
	v27 =	vperm.xlane v3, v19;
	v19 =	vimm.s32 $0xB  }
0x1e3: {  	v43 =	vld [tilespmem:s1+$0x0];
	v16 =	vperm.xlane v3, v11;
	v24 =	vperm.xlane v3, v19;
	v19 =	vimm.s32 $0x8  }
0x1e4: {  	v18 =	vperm.xlane v3, v18;
	v11 =	vld [tilespmem:s1+$0x10];
	v32 =	vperm.xlane v3, v19;
	v19 =	vimm.s32 $0x9  }
0x1e5: {  	v45 =	vld [tilespmem:s1+$0xFFFFFF80];
	v31 =	vperm.xlane v3, v19;
	v19 =	vimm.s32 $0x6  }
0x1e6: {  	v47 =	vld [tilespmem:s1+$0xFFFFFF90];
	v38 =	vperm.xlane v3, v19;
	v19 =	vimm.s32 $0x7  }
0x1e7: {  	v49 =	vld [tilespmem:s1+$0xFFFFFF00];
	v35 =	vperm.xlane v3, v19;
	v19 =	vimm.s32 $0x5  }
0x1e8: {  	v44 =	vperm.xlane v3, v13;
	v41 =	vperm.xlane v3, v19;
	v50 =	vld [tilespmem:s1+$0xFFFFFF10]  }
0x1e9: {  	v48 =	vperm.xlane v3, v14;
	v46 =	vperm.xlane v3, v15;
	v19 =	vimm.s32 $0x1;
	v55 =	vld [tilespmem:s1+$0xFFFFFE80]  }
0x1ea: {  	v60 =	vperm.xlane v3, v12;
	v57 =	vperm.xlane v3, v19;
	v56 =	vld [tilespmem:s1+$0xFFFFFE90]  }
0x1eb: {  	v20 =	vmul.f32 v29, v16;
	v19 =	vmul.f32 v6, v16;
	v58 =	vld [tilespmem:s1+$0xFFFFFE00]  }
0x1ec: {  	v22 =	vmul.f32 v10, v17;
	v23 =	vmul.f32 v5, v17;
	v59 =	vld [tilespmem:s1+$0xFFFFFE10]  }
0x1ed: {  	v26 =	vmul.f32 v25, v18;
	v25 =	vmul.f32 v8, v18;
	v61 =	vld [tilespmem:s1+$0xFFFFFD80]  }
.Ltmp2:
0x1ee: {  	v30 =	vmul.f32 v0, v21;
	v29 =	vmul.f32 v1, v21;
	v62 =	vld [tilespmem:s1+$0xFFFFFD90];
	(pc) =	sbr.rel @p0 .LBB2_7-.Ltmp2, $4  }
0x1ef: {  	v34 =	vmul.f32 v2, v24;
	v33 =	vmul.f32 v4, v24;
	v63 =	vld [tilespmem:s1+$0xFFFFFD00]  }
0x1f0: {  	v37 =	vmul.f32 v7, v27;
	v36 =	vmul.f32 v9, v27;
	v0 =	vld [tilespmem:s1+$0xFFFFFD10]  }
0x1f1: {  	v40 =	vmul.f32 v39, v31;
	v39 =	vmul.f32 v42, v31;
	v1 =	vld [tilespmem:s1+$0xFFFFFC80]  }
0x1f2: {  	s0 =	sadd.s32 $0x40, s0;
	v43 =	vmul.f32 v43, v32;
	v42 =	vmul.f32 v11, v32;
	v2 =	vld [tilespmem:s1+$0xFFFFFC90]  }
0x1f3: {  	v3 =	vld [tilespmem:s1+$0xFFFFFC00]  }
0x1f4: {  	v4 =	vld [tilespmem:s1+$0xFFFFFC10]  }
0x1f5: {  	v5 =	vld [tilespmem:s1+$0xFFFFFC20]  }
0x1f6: {  	v6 =	vld [tilespmem:s1+$0xFFFFFC30]  }
0x1f7: {  	v7 =	vld [tilespmem:s1+$0xFFFFFCA0]  }
0x1f8: {  	v8 =	vld [tilespmem:s1+$0xFFFFFCB0]  }
0x1f9: {  	v9 =	vld [tilespmem:s1+$0xFFFFFD20]  }
0x1fa: {  	v10 =	vld [tilespmem:s1+$0xFFFFFD30];
	v14 =	vmul.f32 v61, v46;
	v58 =	vmul.f32 v58, v44  }
0x1fb: {  	v11 =	vld [tilespmem:s1+$0xFFFFFDA0];
	v61 =	vmul.f32 v59, v44;
	v49 =	vmul.f32 v49, v38  }
0x1fc: {  	v28 =	vld [tilespmem:s1+$0xFFFFFDB0];
	v50 =	vmul.f32 v50, v38;
	v59 =	vmul.f32 v45, v35  }
0x1fd: {  	v12 =	vld [tilespmem:s1+$0xFFFFFE20];
	v3 =	vmul.f32 v3, v60;
	v4 =	vmul.f32 v4, v60  }
0x1fe: {  	v5 =	vmul.f32 v5, v60;
	v6 =	vmul.f32 v6, v60;
	v60 =	vld [tilespmem:s1+$0xFFFFFE30]  }
0x1ff: {  	v47 =	vmul.f32 v47, v35;
	v45 =	vimm.s32 $0xD;
	v13 =	vmul.f32 v10, v48;
	v10 =	vld [tilespmem:s1+$0x120]  }
0x200: {  	v0 =	vmul.f32 v0, v48;
	v1 =	vmul.f32 v1, v57;
	v3 =	vadd.f32 v3, v51;
	v51 =	vld [tilespmem:s1+$0xFFFFFEA0]  }
0x201: {  	v2 =	vmul.f32 v2, v57;
	v7 =	vmul.f32 v7, v57;
	v6 =	vadd.f32 v6, v52;
	v52 =	vld [tilespmem:s1+$0xFFFFFEB0]  }
0x202: {  	v8 =	vmul.f32 v8, v57;
	v4 =	vadd.f32 v4, v54;
	v54 =	vmul.f32 v11, v46;
	v11 =	vld [tilespmem:s1+$0xB0]  }
0x203: {  	v57 =	vmul.f32 v63, v48;
	v5 =	vadd.f32 v5, v53;
	v1 =	vadd.f32 v1, v3;
	v3 =	vld [tilespmem:s1+$0xFFFFFF20]  }
0x204: {  	v63 =	vmul.f32 v9, v48;
	v53 =	vmul.f32 v62, v46;
	v2 =	vadd.f32 v2, v4;
	v4 =	vld [tilespmem:s1+$0xFFFFFF30]  }
0x205: {  	v62 =	vmul.f32 v12, v44;
	v5 =	vadd.f32 v7, v5;
	v6 =	vadd.f32 v8, v6;
	v8 =	vld [tilespmem:s1+$0xFFFFFFA0]  }
0x206: {  	v12 =	vmul.f32 v55, v41;
	v7 =	vld [tilespmem:s1+$0x20];
	v10 =	vmul.f32 v10, v27;
	v1 =	vadd.f32 v57, v1  }
0x207: {  	v0 =	vadd.f32 v0, v2;
	v2 =	vld [tilespmem:s1+$0xFFFFFFB0];
	v5 =	vadd.f32 v63, v5;
	v57 =	vmul.f32 v28, v46  }
0x208: {  	v6 =	vadd.f32 v13, v6;
	v28 =	vld [tilespmem:s1+$0x30];
	v63 =	vmul.f32 v60, v44;
	v13 =	vmul.f32 v56, v41  }
0x209: {  	v46 =	vld [tilespmem:s1+$0xA0];
	v55 =	vmul.f32 v52, v41;
	v1 =	vadd.f32 v14, v1;
	v0 =	vadd.f32 v53, v0  }
0x20a: {  	v5 =	vadd.f32 v54, v5;
	v6 =	vadd.f32 v57, v6;
	v14 =	vmul.f32 v51, v41;
	v57 =	vld [tilespmem:s1+$0x220]  }
0x20b: {  	v3 =	vmul.f32 v3, v38;
	v4 =	vmul.f32 v4, v38;
	v1 =	vadd.f32 v58, v1;
	v58 =	vld [tilespmem:s1+$0x230]  }
0x20c: {  	v8 =	vmul.f32 v8, v35;
	v7 =	vmul.f32 v7, v32;
	v0 =	vadd.f32 v61, v0;
	v61 =	vld [tilespmem:s1+$0x2B0]  }
0x20d: {  	v5 =	vadd.f32 v62, v5;
	v6 =	vadd.f32 v63, v6;
	v62 =	vld [tilespmem:s1+$0x320];
	v2 =	vmul.f32 v2, v35  }
0x20e: {  	v63 =	vld [tilespmem:s1+$0x330];
	v35 =	vmul.f32 v11, v31;
	v1 =	vadd.f32 v12, v1;
	v0 =	vadd.f32 v13, v0  }
0x20f: {  	v9 =	vld [tilespmem:s1+$0x130];
	v5 =	vadd.f32 v14, v5;
	v6 =	vadd.f32 v55, v6;
	v12 =	vmul.f32 v28, v32  }
0x210: {  	v44 =	vld [tilespmem:s1+$0x1A0];
	v13 =	vmul.f32 v46, v31;
	v48 =	vmul.f32 v57, v21;
	v1 =	vadd.f32 v49, v1  }
0x211: {  	v56 =	vld [tilespmem:s1+$0x1B0];
	v0 =	vadd.f32 v50, v0;
	v3 =	vadd.f32 v3, v5;
	v49 =	vmul.f32 v58, v21  }
0x212: {  	v60 =	vld [tilespmem:s1+$0x2A0];
	v4 =	vadd.f32 v4, v6;
	v51 =	vmul.f32 v61, v18;
	v53 =	vmul.f32 v62, v17  }
0x213: {  	v52 =	vld [tilespmem:$0x1F0B0];
	v54 =	vmul.f32 v63, v17;
	v1 =	vadd.f32 v59, v1;
	v0 =	vadd.f32 v47, v0  }
0x214: {  	v11 =	vld [tilespmem:s31+$0x6648];
	v58 =	vimm.s32 $0x9;
	v3 =	vadd.f32 v8, v3;
	v2 =	vadd.f32 v2, v4  }
0x215: {  	v41 =	vld [tilespmem:$0x1F000];
	v63 =	vimm.s32 $0xA;
	v1 =	vadd.f32 v43, v1;
	v0 =	vadd.f32 v42, v0  }
0x216: {  	v38 =	vld [tilespmem:$0x1F2A0];
	v47 =	vmul.f32 v56, v24;
	v3 =	vadd.f32 v7, v3;
	v2 =	vadd.f32 v12, v2  }
0x217: {  	v14 =	vld [tilespmem:s1+$0x3B0];
	v56 =	vimm.s32 $0x8;
	v1 =	vadd.f32 v40, v1;
	v0 =	vadd.f32 v39, v0  }
0x218: {  	v28 =	vld [tilespmem:s1+$0x3A0];
	v42 =	vmul.f32 v9, v27;
	v3 =	vadd.f32 v13, v3;
	v2 =	vadd.f32 v35, v2  }
0x219: {  	v46 =	vld [tilespmem:$0x1F020];
	v4 =	vperm.xlane v11, v56;
	v1 =	vadd.f32 v37, v1;
	v0 =	vadd.f32 v36, v0  }
0x21a: {  	v55 =	vld [tilespmem:$0x1F110];
	v27 =	vmul.f32 v44, v24;
	v3 =	vadd.f32 v10, v3;
	v2 =	vadd.f32 v42, v2  }
0x21b: {  	v56 =	vimm.s32 $0xF;
	v43 =	vld [tilespmem:$0x1F010];
	v1 =	vadd.f32 v34, v1;
	v0 =	vadd.f32 v33, v0  }
0x21c: {  	v57 =	vld [tilespmem:$0x1F130];
	v7 =	vmul.f32 v14, v16;
	v3 =	vadd.f32 v27, v3;
	v2 =	vadd.f32 v47, v2  }
0x21d: {  	v50 =	vld [tilespmem:$0x1F0A0];
	v40 =	vimm.s32 $0xC;
	v1 =	vadd.f32 v30, v1;
	v0 =	vadd.f32 v29, v0  }
0x21e: {  	v21 =	vld [tilespmem:$0x1F090];
	v29 =	vmul.f32 v60, v18;
	v3 =	vadd.f32 v48, v3;
	v2 =	vadd.f32 v49, v2  }
0x21f: {  	v17 =	vld [tilespmem:$0x1F120];
	v10 =	vmul.f32 v46, v4;
	v1 =	vadd.f32 v26, v1;
	v0 =	vadd.f32 v25, v0  }
0x220: {  	v24 =	vld [tilespmem:$0x1F030];
	v9 =	vmul.f32 v43, v4;
	v3 =	vadd.f32 v29, v3;
	v2 =	vadd.f32 v51, v2  }
0x221: {  	v27 =	vld [tilespmem:$0x1F080];
	v34 =	vimm.s32 $0xB;
	v1 =	vadd.f32 v22, v1;
	v0 =	vadd.f32 v23, v0  }
0x222: {  	v61 =	vld [tilespmem:$0x1F200];
	v3 =	vadd.f32 v53, v3;
	v2 =	vadd.f32 v54, v2;
	v22 =	vmul.f32 v28, v16  }
0x223: {  	v59 =	vld [tilespmem:$0x1F1B0];
	v1 =	vadd.f32 v20, v1;
	v0 =	vadd.f32 v19, v0;
	v19 =	vmul.f32 v41, v4  }
0x224: {  	v18 =	vld [tilespmem:$0x1F100];
	v51 =	vimm.s32 $0xE;
	v3 =	vadd.f32 v22, v3;
	v22 =	vperm.xlane v11, v58  }
0x225: {  	v36 =	vld [tilespmem:$0x1F290];
	v2 =	vadd.f32 v7, v2;
	v4 =	vmul.f32 v24, v4;
	v1 =	vadd.f32 v19, v1  }
0x226: {  	v49 =	vld [tilespmem:$0x1F380];
	v0 =	vadd.f32 v9, v0;
	v60 =	vmul.f32 v27, v22;
	v62 =	vmul.f32 v21, v22  }
0x227: {  	v16 =	vld [tilespmem:$0x1F180];
	v3 =	vadd.f32 v10, v3;
	v19 =	vperm.xlane v11, v63;
	v31 =	vmul.f32 v50, v22  }
0x228: {  	v20 =	vld [tilespmem:$0x1F190];
	v2 =	vadd.f32 v4, v2;
	v5 =	vmul.f32 v52, v22;
	v9 =	vperm.xlane v11, v40  }
0x229: {  	v23 =	vld [tilespmem:$0x1F1A0];
	v1 =	vadd.f32 v60, v1;
	v0 =	vadd.f32 v62, v0;
	v32 =	vmul.f32 v18, v19  }
0x22a: {  	v21 =	vld [tilespmem:$0x1F210];
	v8 =	vmul.f32 v55, v19;
	v3 =	vadd.f32 v31, v3;
	v33 =	vmul.f32 v17, v19  }
0x22b: {  	v22 =	vld [tilespmem:$0x1F220];
	v17 =	vperm.xlane v11, v34;
	v2 =	vadd.f32 v5, v2;
	v35 =	vmul.f32 v57, v19  }
0x22c: {  	v24 =	vld [tilespmem:$0x1F280];
	v42 =	vmul.f32 v61, v9;
	v5 =	vperm.xlane v11, v51;
	v1 =	vadd.f32 v32, v1  }
0x22d: {  	v52 =	vld [tilespmem:$0x1F390];
	v0 =	vadd.f32 v8, v0;
	v37 =	vmul.f32 v16, v17;
	v39 =	vmul.f32 v20, v17  }
0x22e: {  	v18 =	vld [tilespmem:$0x1F230];
	v3 =	vadd.f32 v33, v3;
	v41 =	vmul.f32 v23, v17;
	v7 =	vmul.f32 v59, v17  }
0x22f: {  	v2 =	vadd.f32 v35, v2;
	v16 =	vld [tilespmem:$0x1F2B0];
	v20 =	vperm.xlane v11, v45;
	v11 =	vperm.xlane v11, v56  }
0x230: {  	v17 =	vld [tilespmem:$0x1F300];
	v43 =	vmul.f32 v21, v9;
	v44 =	vmul.f32 v22, v9;
	v1 =	vadd.f32 v37, v1  }
0x231: {  	v19 =	vld [tilespmem:$0x1F310];
	v0 =	vadd.f32 v39, v0;
	v3 =	vadd.f32 v41, v3;
	v48 =	vmul.f32 v24, v20  }
0x232: {  	v21 =	vld [tilespmem:$0x1F320];
	v2 =	vadd.f32 v7, v2;
	v50 =	vmul.f32 v36, v20;
	v53 =	vmul.f32 v38, v20  }
0x233: {  	v47 =	vld [tilespmem:$0x1F330];
	v59 =	vmul.f32 v49, v11;
	v60 =	vmul.f32 v52, v11;
	v1 =	vadd.f32 v42, v1  }
0x234: {  	v46 =	vmul.f32 v18, v9;
	v0 =	vadd.f32 v43, v0;
	v54 =	vmul.f32 v16, v20;
	v16 =	vld [tilespmem:$0x1F3A0]  }
0x235: {  	v3 =	vadd.f32 v44, v3;
	v55 =	vmul.f32 v17, v5;
	v17 =	vld [tilespmem:$0x1F3B0];
	v1 =	vadd.f32 v48, v1  }
0x236: {  	v57 =	vmul.f32 v19, v5;
	v2 =	vadd.f32 v46, v2;
	v0 =	vadd.f32 v50, v0  }
0x237: {  	v3 =	vadd.f32 v53, v3;
	v58 =	vmul.f32 v21, v5;
	v1 =	vadd.f32 v55, v1  }
0x238: {  	v5 =	vmul.f32 v47, v5;
	v2 =	vadd.f32 v54, v2;
	v0 =	vadd.f32 v57, v0  }
0x239: {  	v3 =	vadd.f32 v58, v3;
	v1 =	vadd.f32 v59, v1;
	v61 =	vmul.f32 v16, v11  }
0x23a: {  	v2 =	vadd.f32 v5, v2;
	v0 =	vadd.f32 v60, v0;
	v62 =	vmul.f32 v17, v11  }
0x23b: {  	s30 =	sadd.s32 $0x1, s30;
	v3 =	vadd.f32 v61, v3;
	[tilespmem:s31+$0x190] =	vst v1  }
0x23c: {  	p0 =	sne.s32 s30, $0x2A;
	v63 =	vadd.f32 v62, v2;
	[tilespmem:s31+$0x1A0] =	vst v0  }
.Ltmp3:
0x23d: {  	[tilespmem:s31+$0x1B0] =	vst v3;
	(pc) =	sbr.rel @p0 .LBB2_2-.Ltmp3, $4  }
0x23e: {  	s0 =	sadd.s32 $0x320, s31;
	s26 =	sadd.s32 $0x258, s26;
	v27 =	vimm.s32 $0xD;
	[tilespmem:s31+$0x1C0] =	vst v63  }
0x23f: {  	v23 =	vimm.s32 $0x8;
	v35 =	vimm.s32 $0x9;
	v22 =	vimm.s32 $0x6;
	[tilespmem:s17], [sflag:$0x2] =	stream.indirect.gather [hbm4b:s3+s12], $0x80, s0, s12, $0xb8;
	[tilespmem:$0x1F480] =	vst v63  }
0x240: {  	s28 =	sadd.s32 $0x258, s28;
	s29 =	sadd.s32 $0x258, s29;
	v24 =	vimm.s32 $0xB;
	v19 =	vimm.s32 $0x7;
	v18 =	vimm.s32 $0xC;
	s31 =	sadd.s32 $0x3A0, s31  }
0x241: {  	v20 =	vimm.s32 $0x5;
	v21 =	vimm.s32 $0xF;
	v16 =	vimm.s32 $0xE;
	[tilespmem:s19], [sflag:$0x2] =	stream.indirect.gather [hbm4b:s3+s14], $0x80, s31, s14, $0xb8;
	[tilespmem:$0x1F480] =	vst v63  }
0x242: {  	_ =	swait.ge [sflag:s20], $0x4000  }
0x243: {  	[sflag:s20] =	ssyncset.done $0x0  }
0x244: {  	[sflag:s20] =	ssyncadd.s32 $0xFFFFC000  }
0x245: {  	_ =	swait.ge [sflag:s20], $0x2400  }
0x246: {  	[sflag:s20] =	ssyncset.done $0x0  }
0x247: {  	s1 =	simm.s32 $0xCC00;
	[sflag:s20] =	ssyncadd.s32 $0xFFFFDC00  }
0x248: {  	v0 =	vld [tilespmem:s1+$0x380]  }
0x249: {  	v1 =	vld [tilespmem:s1+$0x390]  }
0x24a: {  	v2 =	vld [tilespmem:s1+$0x300]  }
0x24b: {  	v3 =	vld [tilespmem:s1+$0x310]  }
0x24c: {  	v4 =	vld [tilespmem:s1+$0x280]  }
0x24d: {  	v5 =	vld [tilespmem:s1+$0x290]  }
0x24e: {  	v6 =	vld [tilespmem:s1+$0x200]  }
0x24f: {  	v7 =	vld [tilespmem:s1+$0x210]  }
0x250: {  	s0 =	simm.s32 $0x0;
	v8 =	vld [tilespmem:s1+$0x180]  }
0x251: {  	v9 =	vld [tilespmem:s0+$0xC670]  }
0x252: {  	v10 =	vld [tilespmem:s1+$0x190]  }
0x253: {  	v11 =	vld [tilespmem:s1+$0x100]  }
0x254: {  	v36 =	vld [tilespmem:s1+$0x110]  }
0x255: {  	v38 =	vld [tilespmem:s1+$0x80]  }
0x256: {  	v39 =	vld [tilespmem:s1+$0x90]  }
0x257: {  	v41 =	vld [tilespmem:s1+$0x0];
	v17 =	vperm.xlane v9, v16;
	v16 =	vperm.xlane v9, v21  }
0x258: {  	v12 =	vimm.s32 $0xA;
	v42 =	vld [tilespmem:s1+$0x10];
	v21 =	vperm.xlane v9, v18;
	v18 =	vperm.xlane v9, v27  }
0x259: {  	v44 =	vld [tilespmem:s1+$0xFFFFFF80];
	v27 =	vperm.xlane v9, v12;
	v24 =	vperm.xlane v9, v24  }
0x25a: {  	v14 =	vimm.s32 $0x4;
	v45 =	vld [tilespmem:s1+$0xFFFFFF90];
	v31 =	vperm.xlane v9, v23;
	v30 =	vperm.xlane v9, v35  }
0x25b: {  	v48 =	vld [tilespmem:s1+$0xFFFFFF00];
	v37 =	vperm.xlane v9, v22;
	v43 =	vperm.xlane v9, v14;
	v14 =	vimm.s32 $0x2  }
0x25c: {  	v50 =	vld [tilespmem:s1+$0xFFFFFF10];
	v34 =	vperm.xlane v9, v19;
	v47 =	vperm.xlane v9, v14;
	v14 =	vimm.s32 $0x3  }
0x25d: {  	v52 =	vld [tilespmem:s1+$0xFFFFFE80];
	v40 =	vperm.xlane v9, v20;
	v46 =	vperm.xlane v9, v14  }
0x25e: {  	v13 =	vimm.s32 $0xE;
	v55 =	vld [tilespmem:s1+$0xFFFFFE90];
	v20 =	vmul.f32 v0, v16;
	v19 =	vmul.f32 v1, v16  }
0x25f: {  	v15 =	vimm.s32 $0x8;
	v57 =	vld [tilespmem:s1+$0xFFFFFE00];
	v22 =	vmul.f32 v2, v17;
	v23 =	vmul.f32 v3, v17  }
0x260: {  	v49 =	vimm.f32 $0.0e+00;
	v58 =	vld [tilespmem:s1+$0xFFFFFE10];
	v25 =	vmul.f32 v4, v18;
	v26 =	vmul.f32 v5, v18  }
0x261: {  	v54 =	vimm.f32 $0.0e+00;
	v60 =	vld [tilespmem:s1+$0xFFFFFD80];
	v28 =	vmul.f32 v6, v21;
	v29 =	vmul.f32 v7, v21  }
0x262: {  	v53 =	vimm.f32 $0.0e+00;
	v61 =	vld [tilespmem:s1+$0xFFFFFD90];
	v32 =	vmul.f32 v8, v24;
	v33 =	vmul.f32 v10, v24  }
0x263: {  	v51 =	vimm.f32 $0.0e+00;
	v62 =	vld [tilespmem:s1+$0xFFFFFD00];
	v35 =	vmul.f32 v11, v27;
	v36 =	vmul.f32 v36, v27  }
0x264: {  	v63 =	vld [tilespmem:s1+$0xFFFFFC80];
	v12 =	vimm.s32 $0xF;
	v38 =	vmul.f32 v38, v30;
	v39 =	vmul.f32 v39, v30  }
0x265: {  	v14 =	vimm.s32 $0x0;
	v0 =	vld [tilespmem:s1+$0xFFFFFD10];
	v41 =	vmul.f32 v41, v31;
	v42 =	vmul.f32 v42, v31  }
0x266: {  	v1 =	vld [tilespmem:s1+$0xFFFFFC90];
	v44 =	vmul.f32 v44, v34;
	v59 =	vperm.xlane v9, v14;
	v14 =	vimm.s32 $0x1  }
0x267: {  	s0 =	simm.s32 $0x40;
	v45 =	vmul.f32 v45, v34;
	v2 =	vld [tilespmem:s1+$0xFFFFFC00];
	v56 =	vperm.xlane v9, v14;
	v14 =	vimm.s32 $0x9  }
.LBB2_10:
0x268: {  	p0 =	sne.s32 s0, $0x2C0;
	v3 =	vld [tilespmem:s1+$0xFFFFFC10];
	v4 =	vmul.f32 v48, v37;
	v5 =	vmul.f32 v50, v37  }
0x269: {  	v7 =	vmul.f32 v52, v40;
	v8 =	vmul.f32 v55, v40;
	v6 =	vld [tilespmem:s1+$0xFFFFFC20]  }
0x26a: {  	v10 =	vmul.f32 v57, v43;
	v11 =	vmul.f32 v58, v43;
	v9 =	vld [tilespmem:s1+$0xFFFFFC30]  }
0x26b: {  	v50 =	vmul.f32 v60, v46;
	v52 =	vmul.f32 v61, v46;
	v48 =	vld [tilespmem:s1+$0xFFFFFCA0]  }
0x26c: {  	v57 =	vmul.f32 v62, v47;
	v0 =	vmul.f32 v0, v47;
	v55 =	vld [tilespmem:s1+$0xFFFFFCB0]  }
0x26d: {  	v58 =	vmul.f32 v63, v56;
	v1 =	vmul.f32 v1, v56;
	v60 =	vld [tilespmem:s1+$0xFFFFFD20]  }
0x26e: {  	v2 =	vmul.f32 v2, v59;
	v3 =	vmul.f32 v3, v59;
	v61 =	vld [tilespmem:s1+$0xFFFFFD30]  }
0x26f: {  	v6 =	vmul.f32 v6, v59;
	v9 =	vmul.f32 v9, v59;
	v59 =	vld [tilespmem:s1+$0xFFFFFDA0]  }
0x270: {  	v2 =	vadd.f32 v2, v49;
	v3 =	vadd.f32 v3, v54;
	v48 =	vmul.f32 v48, v56;
	v49 =	vld [tilespmem:s1+$0xFFFFFDB0]  }
0x271: {  	v6 =	vadd.f32 v6, v53;
	v9 =	vadd.f32 v9, v51;
	v51 =	vmul.f32 v55, v56;
	v53 =	vld [tilespmem:s1+$0xFFFFFE20]  }
0x272: {  	v2 =	vadd.f32 v58, v2;
	v1 =	vadd.f32 v1, v3;
	v3 =	vmul.f32 v60, v47;
	v54 =	vld [tilespmem:s1+$0xFFFFFE30]  }
0x273: {  	v6 =	vadd.f32 v48, v6;
	v9 =	vadd.f32 v51, v9;
	v47 =	vmul.f32 v61, v47;
	v48 =	vld [tilespmem:s1+$0xFFFFFEA0]  }
0x274: {  	v2 =	vadd.f32 v57, v2;
	v0 =	vadd.f32 v0, v1;
	v1 =	vmul.f32 v59, v46;
	v51 =	vld [tilespmem:s1+$0xFFFFFEB0]  }
0x275: {  	v3 =	vadd.f32 v3, v6;
	v6 =	vadd.f32 v47, v9;
	v9 =	vmul.f32 v49, v46;
	v46 =	vld [tilespmem:s1+$0xFFFFFF20]  }
0x276: {  	v2 =	vadd.f32 v50, v2;
	v0 =	vadd.f32 v52, v0;
	v47 =	vmul.f32 v53, v43;
	v49 =	vld [tilespmem:s1+$0xFFFFFF30]  }
0x277: {  	v1 =	vadd.f32 v1, v3;
	v3 =	vadd.f32 v9, v6;
	v6 =	vmul.f32 v54, v43;
	v9 =	vld [tilespmem:s1+$0xFFFFFFA0]  }
0x278: {  	v2 =	vadd.f32 v10, v2;
	v0 =	vadd.f32 v11, v0;
	v10 =	vmul.f32 v48, v40;
	v11 =	vld [tilespmem:s1+$0xFFFFFFB0]  }
0x279: {  	v1 =	vadd.f32 v47, v1;
	v3 =	vadd.f32 v6, v3;
	v6 =	vmul.f32 v51, v40;
	v40 =	vld [tilespmem:s1+$0x20]  }
0x27a: {  	v2 =	vadd.f32 v7, v2;
	v0 =	vadd.f32 v8, v0;
	v7 =	vmul.f32 v46, v37;
	v8 =	vld [tilespmem:s1+$0x30]  }
0x27b: {  	v1 =	vadd.f32 v10, v1;
	v3 =	vadd.f32 v6, v3;
	v6 =	vmul.f32 v49, v37;
	v10 =	vld [tilespmem:s1+$0xA0]  }
0x27c: {  	v2 =	vadd.f32 v4, v2;
	v0 =	vadd.f32 v5, v0;
	v4 =	vmul.f32 v9, v34;
	v5 =	vld [tilespmem:s1+$0xB0]  }
0x27d: {  	v1 =	vadd.f32 v7, v1;
	v3 =	vadd.f32 v6, v3;
	v6 =	vmul.f32 v11, v34;
	v7 =	vld [tilespmem:s1+$0x120]  }
0x27e: {  	v2 =	vadd.f32 v44, v2;
	v0 =	vadd.f32 v45, v0;
	v9 =	vmul.f32 v40, v31;
	v11 =	vld [tilespmem:s1+$0x130]  }
0x27f: {  	v1 =	vadd.f32 v4, v1;
	v3 =	vadd.f32 v6, v3;
	v4 =	vmul.f32 v8, v31;
	v6 =	vld [tilespmem:s1+$0x1A0]  }
0x280: {  	v2 =	vadd.f32 v41, v2;
	v0 =	vadd.f32 v42, v0;
	v8 =	vmul.f32 v10, v30;
	v10 =	vld [tilespmem:s1+$0x1B0]  }
0x281: {  	v1 =	vadd.f32 v9, v1;
	v3 =	vadd.f32 v4, v3;
	v4 =	vmul.f32 v5, v30;
	v5 =	vld [tilespmem:s1+$0x220]  }
0x282: {  	v2 =	vadd.f32 v38, v2;
	v0 =	vadd.f32 v39, v0;
	v7 =	vmul.f32 v7, v27;
	v9 =	vld [tilespmem:s1+$0x230]  }
0x283: {  	v1 =	vadd.f32 v8, v1;
	v3 =	vadd.f32 v4, v3;
	v4 =	vmul.f32 v11, v27;
	v8 =	vld [tilespmem:s1+$0x2A0]  }
0x284: {  	v2 =	vadd.f32 v35, v2;
	v0 =	vadd.f32 v36, v0;
	v6 =	vmul.f32 v6, v24;
	v11 =	vld [tilespmem:s1+$0x2B0]  }
0x285: {  	v1 =	vadd.f32 v7, v1;
	v3 =	vadd.f32 v4, v3;
	v4 =	vmul.f32 v10, v24;
	v7 =	vld [tilespmem:s1+$0x320]  }
0x286: {  	v2 =	vadd.f32 v32, v2;
	v0 =	vadd.f32 v33, v0;
	v5 =	vmul.f32 v5, v21;
	v10 =	vld [tilespmem:s1+$0x330]  }
0x287: {  	v1 =	vadd.f32 v6, v1;
	v3 =	vadd.f32 v4, v3;
	v4 =	vmul.f32 v9, v21;
	v6 =	vld [tilespmem:s1+$0x3A0]  }
0x288: {  	v2 =	vadd.f32 v28, v2;
	v0 =	vadd.f32 v29, v0;
	v8 =	vmul.f32 v8, v18;
	v9 =	vld [tilespmem:s1+$0x3B0];
	s1 =	sadd.s32 $0x800, s1  }
0x289: {  	v1 =	vadd.f32 v5, v1;
	v28 =	vld [tilespmem:s1+$0x380];
	v3 =	vadd.f32 v4, v3;
	v4 =	vmul.f32 v11, v18  }
0x28a: {  	v2 =	vadd.f32 v25, v2;
	v0 =	vadd.f32 v26, v0;
	v5 =	vld [tilespmem:s1+$0x390];
	v7 =	vmul.f32 v7, v17  }
0x28b: {  	v1 =	vadd.f32 v8, v1;
	v11 =	vld [tilespmem:s1+$0x300];
	v3 =	vadd.f32 v4, v3;
	v4 =	vmul.f32 v10, v17  }
0x28c: {  	v2 =	vadd.f32 v22, v2;
	v0 =	vadd.f32 v23, v0;
	v8 =	vld [tilespmem:s1+$0x310];
	v6 =	vmul.f32 v6, v16  }
0x28d: {  	v1 =	vadd.f32 v7, v1;
	v10 =	vld [tilespmem:s1+$0x280];
	v3 =	vadd.f32 v4, v3;
	v4 =	vmul.f32 v9, v16  }
0x28e: {  	v49 =	vadd.f32 v20, v2;
	v54 =	vadd.f32 v19, v0;
	v7 =	vld [tilespmem:s1+$0x290]  }
0x28f: {  	v53 =	vadd.f32 v6, v1;
	v0 =	vld [tilespmem:s1+$0x200];
	v51 =	vadd.f32 v4, v3  }
0x290: {  	v1 =	vld [tilespmem:s1+$0x210]  }
0x291: {  	v2 =	vld [tilespmem:s1+$0x180]  }
0x292: {  	s16 =	sshra.s32 s0, $0x2;
	v3 =	vld [tilespmem:s1+$0x190]  }
0x293: {  	v4 =	vld [tilespmem:s16+$0xC670];
	_ =	sdelay $0x3  }
0x294: {  	v6 =	vld [tilespmem:s1+$0x100]  }
0x295: {  	v18 =	vimm.s32 $0xC;
	v19 =	vimm.s32 $0xA;
	v9 =	vld [tilespmem:s1+$0x110];
	v17 =	vperm.xlane v4, v13  }
0x296: {  	v38 =	vld [tilespmem:s1+$0x80];
	v16 =	vperm.xlane v4, v12;
	v27 =	vperm.xlane v4, v19;
	v19 =	vimm.s32 $0xB  }
0x297: {  	v39 =	vld [tilespmem:s1+$0x90];
	v21 =	vperm.xlane v4, v18;
	v24 =	vperm.xlane v4, v19;
	v19 =	vimm.s32 $0x6  }
0x298: {  	v41 =	vld [tilespmem:s1+$0x0];
	v18 =	vimm.s32 $0xD;
	v37 =	vperm.xlane v4, v19;
	v19 =	vimm.s32 $0x7  }
0x299: {  	v42 =	vld [tilespmem:s1+$0x10];
	v18 =	vperm.xlane v4, v18;
	v34 =	vperm.xlane v4, v19;
	v19 =	vimm.s32 $0x4  }
0x29a: {  	v31 =	vperm.xlane v4, v15;
	v44 =	vld [tilespmem:s1+$0xFFFFFF80];
	v43 =	vperm.xlane v4, v19;
	v19 =	vimm.s32 $0x5  }
0x29b: {  	v30 =	vperm.xlane v4, v14;
	v45 =	vld [tilespmem:s1+$0xFFFFFF90];
	v40 =	vperm.xlane v4, v19;
	v19 =	vimm.s32 $0x2  }
0x29c: {  	v48 =	vld [tilespmem:s1+$0xFFFFFF00];
	v47 =	vperm.xlane v4, v19;
	v19 =	vimm.s32 $0x3  }
0x29d: {  	v50 =	vld [tilespmem:s1+$0xFFFFFF10];
	v46 =	vperm.xlane v4, v19;
	v19 =	vimm.s32 $0x0  }
0x29e: {  	v52 =	vld [tilespmem:s1+$0xFFFFFE80];
	v59 =	vperm.xlane v4, v19;
	v19 =	vimm.s32 $0x1  }
0x29f: {  	v55 =	vld [tilespmem:s1+$0xFFFFFE90];
	v56 =	vperm.xlane v4, v19  }
0x2a0: {  	v20 =	vmul.f32 v28, v16;
	v19 =	vmul.f32 v5, v16;
	v57 =	vld [tilespmem:s1+$0xFFFFFE00]  }
0x2a1: {  	v22 =	vmul.f32 v11, v17;
	v23 =	vmul.f32 v8, v17;
	v58 =	vld [tilespmem:s1+$0xFFFFFE10]  }
0x2a2: {  	v25 =	vmul.f32 v10, v18;
	v26 =	vmul.f32 v7, v18;
	v60 =	vld [tilespmem:s1+$0xFFFFFD80]  }
0x2a3: {  	v28 =	vmul.f32 v0, v21;
	v29 =	vmul.f32 v1, v21;
	v61 =	vld [tilespmem:s1+$0xFFFFFD90]  }
.Ltmp4:
0x2a4: {  	v32 =	vmul.f32 v2, v24;
	v33 =	vmul.f32 v3, v24;
	v62 =	vld [tilespmem:s1+$0xFFFFFD00];
	(pc) =	sbr.rel @p0 .LBB2_10-.Ltmp4, $4  }
0x2a5: {  	v35 =	vmul.f32 v6, v27;
	v36 =	vmul.f32 v9, v27;
	v0 =	vld [tilespmem:s1+$0xFFFFFD10]  }
0x2a6: {  	v38 =	vmul.f32 v38, v30;
	v39 =	vmul.f32 v39, v30;
	v63 =	vld [tilespmem:s1+$0xFFFFFC80]  }
0x2a7: {  	v41 =	vmul.f32 v41, v31;
	v42 =	vmul.f32 v42, v31;
	v1 =	vld [tilespmem:s1+$0xFFFFFC90]  }
0x2a8: {  	s0 =	sadd.s32 $0x40, s0;
	v44 =	vmul.f32 v44, v34;
	v45 =	vmul.f32 v45, v34;
	v2 =	vld [tilespmem:s1+$0xFFFFFC00]  }
0x2a9: {  	v3 =	vld [tilespmem:s1+$0xFFFFFC10]  }
0x2aa: {  	v4 =	vld [tilespmem:s1+$0xFFFFFC20]  }
0x2ab: {  	v5 =	vld [tilespmem:s1+$0xFFFFFC30]  }
0x2ac: {  	v6 =	vld [tilespmem:s1+$0xFFFFFCA0]  }
0x2ad: {  	v7 =	vld [tilespmem:s1+$0xFFFFFCB0]  }
0x2ae: {  	v8 =	vld [tilespmem:s1+$0xFFFFFD20]  }
0x2af: {  	v9 =	vld [tilespmem:s1+$0xFFFFFD30];
	v62 =	vmul.f32 v62, v47;
	v60 =	vmul.f32 v60, v46  }
0x2b0: {  	v10 =	vld [tilespmem:s1+$0xFFFFFDA0];
	v48 =	vmul.f32 v48, v37;
	v50 =	vmul.f32 v50, v37  }
0x2b1: {  	v11 =	vld [tilespmem:s1+$0xFFFFFDB0];
	v52 =	vmul.f32 v52, v40;
	v63 =	vmul.f32 v63, v56  }
0x2b2: {  	v12 =	vld [tilespmem:s1+$0xFFFFFE20];
	v1 =	vmul.f32 v1, v56;
	v2 =	vmul.f32 v2, v59  }
0x2b3: {  	v13 =	vld [tilespmem:s1+$0xFFFFFE30];
	v3 =	vmul.f32 v3, v59;
	v4 =	vmul.f32 v4, v59  }
0x2b4: {  	v5 =	vmul.f32 v5, v59;
	v59 =	vld [tilespmem:s1+$0xFFFFFEA0];
	v6 =	vmul.f32 v6, v56  }
0x2b5: {  	v7 =	vmul.f32 v7, v56;
	v56 =	vmul.f32 v9, v47;
	v9 =	vld [tilespmem:s1+$0x130]  }
0x2b6: {  	v14 =	vimm.s32 $0x8;
	v15 =	vimm.s32 $0xC;
	v2 =	vadd.f32 v2, v49;
	v49 =	vld [tilespmem:s1+$0xFFFFFF30]  }
0x2b7: {  	v0 =	vmul.f32 v0, v47;
	v3 =	vadd.f32 v3, v54;
	v54 =	vld [tilespmem:s1+$0xFFFFFEB0];
	v4 =	vadd.f32 v4, v53  }
0x2b8: {  	v5 =	vadd.f32 v5, v51;
	v51 =	vld [tilespmem:s1+$0xFFFFFF20];
	v53 =	vmul.f32 v11, v46;
	v2 =	vadd.f32 v63, v2  }
0x2b9: {  	v11 =	vld [tilespmem:s1+$0xA0];
	v63 =	vmul.f32 v8, v47;
	v1 =	vadd.f32 v1, v3;
	v4 =	vadd.f32 v6, v4  }
0x2ba: {  	v8 =	vld [tilespmem:s1+$0x1A0];
	v5 =	vadd.f32 v7, v5;
	v2 =	vadd.f32 v62, v2;
	v62 =	vmul.f32 v61, v46  }
0x2bb: {  	v47 =	vld [tilespmem:s1+$0x1B0];
	v61 =	vmul.f32 v55, v40;
	v0 =	vadd.f32 v0, v1;
	v4 =	vadd.f32 v63, v4  }
0x2bc: {  	v3 =	vld [tilespmem:s1+$0xFFFFFFA0];
	v5 =	vadd.f32 v56, v5;
	v63 =	vmul.f32 v10, v46;
	v56 =	vmul.f32 v57, v43  }
0x2bd: {  	v7 =	vld [tilespmem:s1+$0xFFFFFFB0];
	v57 =	vmul.f32 v58, v43;
	v58 =	vmul.f32 v12, v43;
	v12 =	vimm.s32 $0xF  }
0x2be: {  	v6 =	vld [tilespmem:s1+$0x30];
	v2 =	vadd.f32 v60, v2;
	v60 =	vmul.f32 v13, v43;
	v51 =	vmul.f32 v51, v37  }
0x2bf: {  	v55 =	vld [tilespmem:$0x12890];
	v13 =	vimm.s32 $0xE;
	v0 =	vadd.f32 v62, v0;
	v4 =	vadd.f32 v63, v4  }
0x2c0: {  	v1 =	vld [tilespmem:s1+$0x20];
	v5 =	vadd.f32 v53, v5;
	v62 =	vmul.f32 v59, v40;
	v63 =	vmul.f32 v54, v40  }
0x2c1: {  	v46 =	vld [tilespmem:s1+$0xB0];
	v8 =	vmul.f32 v8, v24;
	v2 =	vadd.f32 v56, v2;
	v0 =	vadd.f32 v57, v0  }
0x2c2: {  	v10 =	vld [tilespmem:s1+$0x120];
	v56 =	vmul.f32 v49, v37;
	v4 =	vadd.f32 v58, v4;
	v5 =	vadd.f32 v60, v5  }
0x2c3: {  	v54 =	vld [tilespmem:s1+$0x220];
	v3 =	vmul.f32 v3, v34;
	v2 =	vadd.f32 v52, v2;
	v0 =	vadd.f32 v61, v0  }
0x2c4: {  	v59 =	vld [tilespmem:s1+$0x320];
	v7 =	vmul.f32 v7, v34;
	v4 =	vadd.f32 v62, v4;
	v5 =	vadd.f32 v63, v5  }
0x2c5: {  	v53 =	vld [tilespmem:$0x12830];
	v1 =	vmul.f32 v1, v31;
	v2 =	vadd.f32 v48, v2;
	v0 =	vadd.f32 v50, v0  }
0x2c6: {  	v49 =	vld [tilespmem:$0x12810];
	v46 =	vmul.f32 v46, v30;
	v4 =	vadd.f32 v51, v4;
	v5 =	vadd.f32 v56, v5  }
0x2c7: {  	v57 =	vld [tilespmem:s1+$0x2A0];
	v10 =	vmul.f32 v10, v27;
	v2 =	vadd.f32 v44, v2;
	v0 =	vadd.f32 v45, v0  }
0x2c8: {  	v58 =	vld [tilespmem:s1+$0x2B0];
	v62 =	vmul.f32 v6, v31;
	v3 =	vadd.f32 v3, v4;
	v61 =	vadd.f32 v7, v5  }
0x2c9: {  	v52 =	vld [tilespmem:s1+$0x230];
	v48 =	vmul.f32 v9, v27;
	v2 =	vadd.f32 v41, v2;
	v0 =	vadd.f32 v42, v0  }
0x2ca: {  	v60 =	vld [tilespmem:s1+$0x330];
	v44 =	vmul.f32 v11, v30;
	v1 =	vadd.f32 v1, v3;
	v3 =	vadd.f32 v62, v61  }
0x2cb: {  	v63 =	vld [tilespmem:s1+$0x3A0];
	v51 =	vmul.f32 v47, v24;
	v2 =	vadd.f32 v38, v2;
	v0 =	vadd.f32 v39, v0  }
0x2cc: {  	v24 =	vmul.f32 v54, v21;
	v45 =	vld [tilespmem:s1+$0x3B0];
	v1 =	vadd.f32 v44, v1;
	v3 =	vadd.f32 v46, v3  }
0x2cd: {  	v56 =	vmul.f32 v58, v18;
	v5 =	vld [tilespmem:$0xC728];
	v2 =	vadd.f32 v35, v2;
	v0 =	vadd.f32 v36, v0  }
0x2ce: {  	v27 =	vld [tilespmem:$0x12880];
	v54 =	vmul.f32 v52, v21;
	v1 =	vadd.f32 v10, v1;
	v3 =	vadd.f32 v48, v3  }
0x2cf: {  	v50 =	vld [tilespmem:$0x12820];
	v21 =	vmul.f32 v57, v18;
	v2 =	vadd.f32 v32, v2;
	v0 =	vadd.f32 v33, v0  }
0x2d0: {  	v30 =	vld [tilespmem:$0x12800];
	v6 =	vmul.f32 v63, v16;
	v1 =	vadd.f32 v8, v1;
	v3 =	vadd.f32 v51, v3  }
0x2d1: {  	v18 =	vld [tilespmem:$0x128B0];
	v11 =	vmul.f32 v45, v16;
	v2 =	vadd.f32 v28, v2;
	v0 =	vadd.f32 v29, v0  }
0x2d2: {  	v57 =	vld [tilespmem:$0x12910];
	v40 =	vperm.xlane v5, v15;
	v1 =	vadd.f32 v24, v1;
	v3 =	vadd.f32 v54, v3  }
0x2d3: {  	v28 =	vld [tilespmem:$0x128A0];
	v29 =	vimm.s32 $0x9;
	v2 =	vadd.f32 v25, v2;
	v25 =	vmul.f32 v59, v17  }
0x2d4: {  	v62 =	vld [tilespmem:$0x12A00];
	v17 =	vmul.f32 v60, v17;
	v59 =	vperm.xlane v5, v29;
	v0 =	vadd.f32 v26, v0  }
0x2d5: {  	v38 =	vld [tilespmem:$0x12AA0];
	v1 =	vadd.f32 v21, v1;
	v2 =	vadd.f32 v22, v2;
	v22 =	vperm.xlane v5, v14  }
0x2d6: {  	v24 =	vld [tilespmem:$0x12900];
	v26 =	vimm.s32 $0xA;
	v61 =	vmul.f32 v27, v59;
	v8 =	vmul.f32 v55, v59  }
0x2d7: {  	v16 =	vld [tilespmem:$0x12980];
	v3 =	vadd.f32 v56, v3;
	v63 =	vperm.xlane v5, v26;
	v9 =	vmul.f32 v18, v59  }
0x2d8: {  	v21 =	vld [tilespmem:$0x12920];
	v0 =	vadd.f32 v23, v0;
	v1 =	vadd.f32 v25, v1;
	v32 =	vmul.f32 v28, v59  }
0x2d9: {  	v45 =	vld [tilespmem:$0x12B30];
	v3 =	vadd.f32 v17, v3;
	v17 =	vmul.f32 v30, v22;
	v7 =	vmul.f32 v49, v22  }
0x2da: {  	v18 =	vld [tilespmem:$0x12A20];
	v25 =	vimm.s32 $0xB;
	v58 =	vmul.f32 v50, v22;
	v10 =	vmul.f32 v53, v22  }
0x2db: {  	v23 =	vld [tilespmem:$0x12930];
	v2 =	vadd.f32 v20, v2;
	v33 =	vmul.f32 v24, v63;
	v4 =	vmul.f32 v57, v63  }
0x2dc: {  	v60 =	vld [tilespmem:$0x129B0];
	v49 =	vperm.xlane v5, v13;
	v0 =	vadd.f32 v19, v0;
	v1 =	vadd.f32 v6, v1  }
0x2dd: {  	v20 =	vld [tilespmem:$0x129A0];
	v3 =	vadd.f32 v11, v3;
	v2 =	vadd.f32 v17, v2;
	v34 =	vmul.f32 v21, v63  }
0x2de: {  	v22 =	vld [tilespmem:$0x12A30];
	v21 =	vperm.xlane v5, v25;
	v57 =	vmul.f32 v45, v49;
	v0 =	vadd.f32 v7, v0  }
0x2df: {  	v24 =	vld [tilespmem:$0x12A80];
	v1 =	vadd.f32 v58, v1;
	v3 =	vadd.f32 v10, v3;
	v7 =	vmul.f32 v62, v40  }
0x2e0: {  	v19 =	vld [tilespmem:$0x12990];
	v43 =	vmul.f32 v18, v40;
	v2 =	vadd.f32 v61, v2;
	v35 =	vmul.f32 v23, v63  }
0x2e1: {  	v17 =	vld [tilespmem:$0x12A10];
	v37 =	vmul.f32 v16, v21;
	v11 =	vmul.f32 v60, v21;
	v23 =	vimm.s32 $0xD  }
0x2e2: {  	v36 =	vld [tilespmem:$0x12A90];
	v0 =	vadd.f32 v8, v0;
	v1 =	vadd.f32 v32, v1;
	v41 =	vmul.f32 v20, v21  }
0x2e3: {  	v47 =	vld [tilespmem:$0x12B80];
	v3 =	vadd.f32 v9, v3;
	v18 =	vperm.xlane v5, v23;
	v44 =	vmul.f32 v22, v40  }
0x2e4: {  	v16 =	vld [tilespmem:$0x12AB0];
	v5 =	vperm.xlane v5, v12;
	v2 =	vadd.f32 v33, v2;
	v0 =	vadd.f32 v4, v0  }
0x2e5: {  	v39 =	vmul.f32 v19, v21;
	v19 =	vld [tilespmem:$0x12B00];
	v1 =	vadd.f32 v34, v1;
	v3 =	vadd.f32 v35, v3  }
0x2e6: {  	v42 =	vmul.f32 v17, v40;
	v17 =	vld [tilespmem:$0x12B10];
	v46 =	vmul.f32 v24, v18;
	v2 =	vadd.f32 v37, v2  }
0x2e7: {  	v20 =	vld [tilespmem:$0x12B20];
	v48 =	vmul.f32 v36, v18;
	v51 =	vmul.f32 v38, v18;
	v0 =	vadd.f32 v39, v0  }
0x2e8: {  	v50 =	vld [tilespmem:$0x12B90];
	v56 =	vmul.f32 v47, v5;
	v1 =	vadd.f32 v41, v1;
	v2 =	vadd.f32 v7, v2  }
0x2e9: {  	v3 =	vadd.f32 v11, v3;
	v52 =	vmul.f32 v16, v18;
	v16 =	vld [tilespmem:$0x12BA0];
	v0 =	vadd.f32 v42, v0  }
0x2ea: {  	v18 =	vld [tilespmem:$0x12BB0];
	v1 =	vadd.f32 v43, v1;
	v53 =	vmul.f32 v19, v49;
	v2 =	vadd.f32 v46, v2  }
0x2eb: {  	v3 =	vadd.f32 v44, v3;
	v54 =	vmul.f32 v17, v49;
	v0 =	vadd.f32 v48, v0  }
0x2ec: {  	v55 =	vmul.f32 v20, v49;
	v1 =	vadd.f32 v51, v1;
	v2 =	vadd.f32 v53, v2  }
0x2ed: {  	v58 =	vmul.f32 v50, v5;
	v3 =	vadd.f32 v52, v3;
	v0 =	vadd.f32 v54, v0  }
0x2ee: {  	v59 =	vmul.f32 v16, v5;
	v1 =	vadd.f32 v55, v1;
	v2 =	vadd.f32 v56, v2  }
0x2ef: {  	v60 =	vmul.f32 v18, v5;
	v3 =	vadd.f32 v57, v3;
	v0 =	vadd.f32 v58, v0  }
0x2f0: {  	v1 =	vadd.f32 v59, v1;
	[tilespmem:$0x6270] =	vst v2  }
0x2f1: {  	v2 =	vadd.f32 v60, v3;
	[tilespmem:$0x6280] =	vst v0  }
0x2f2: {  	[tilespmem:$0x6290] =	vst v1  }
0x2f3: {  	[tilespmem:$0x62A0] =	vst v2  }
0x2f4: {  	_ =	swait.ge [sflag:s23], $0x4000  }
0x2f5: {  	[sflag:s23] =	ssyncset.done $0x0  }
0x2f6: {  	[sflag:s23] =	ssyncadd.s32 $0xFFFFC000  }
0x2f7: {  	_ =	swait.ge [sflag:s23], $0x2400  }
0x2f8: {  	[sflag:s23] =	ssyncset.done $0x0  }
0x2f9: {  	s1 =	simm.s32 $0x13000;
	[sflag:s23] =	ssyncadd.s32 $0xFFFFDC00  }
0x2fa: {  	v0 =	vld [tilespmem:s1+$0x380]  }
0x2fb: {  	v1 =	vld [tilespmem:s1+$0x390]  }
0x2fc: {  	v2 =	vld [tilespmem:s1+$0x300]  }
0x2fd: {  	v3 =	vld [tilespmem:s1+$0x310]  }
0x2fe: {  	v61 =	vld [tilespmem:s1+$0x280]  }
0x2ff: {  	v62 =	vld [tilespmem:s1+$0x290]  }
0x300: {  	v6 =	vld [tilespmem:s1+$0x200]  }
0x301: {  	v7 =	vld [tilespmem:s1+$0x210]  }
0x302: {  	s0 =	simm.s32 $0x0;
	v8 =	vld [tilespmem:s1+$0x180]  }
0x303: {  	v63 =	vld [tilespmem:s0+$0xC738]  }
0x304: {  	v10 =	vld [tilespmem:s1+$0x190]  }
0x305: {  	v11 =	vld [tilespmem:s1+$0x100]  }
0x306: {  	v35 =	vld [tilespmem:s1+$0x110]  }
0x307: {  	v38 =	vld [tilespmem:s1+$0x80]  }
0x308: {  	v41 =	vld [tilespmem:s1+$0x90]  }
0x309: {  	v42 =	vld [tilespmem:s1+$0x0];
	v17 =	vperm.xlane v63, v13;
	v16 =	vperm.xlane v63, v12  }
0x30a: {  	v44 =	vld [tilespmem:s1+$0x10];
	v21 =	vperm.xlane v63, v15;
	v18 =	vperm.xlane v63, v23  }
0x30b: {  	v45 =	vld [tilespmem:s1+$0xFFFFFF80];
	v27 =	vperm.xlane v63, v26;
	v24 =	vperm.xlane v63, v25;
	v12 =	vimm.s32 $0x6  }
0x30c: {  	v50 =	vld [tilespmem:s1+$0xFFFFFF90];
	v31 =	vperm.xlane v63, v14;
	v37 =	vperm.xlane v63, v12;
	v12 =	vimm.s32 $0x7  }
0x30d: {  	v51 =	vimm.f32 $0.0e+00;
	v48 =	vld [tilespmem:s1+$0xFFFFFF00];
	v30 =	vperm.xlane v63, v29;
	v34 =	vperm.xlane v63, v12  }
0x30e: {  	v52 =	vimm.f32 $0.0e+00;
	v49 =	vld [tilespmem:s1+$0xFFFFFF10];
	v20 =	vmul.f32 v0, v16;
	v22 =	vmul.f32 v2, v17  }
0x30f: {  	v53 =	vimm.f32 $0.0e+00;
	v54 =	vld [tilespmem:s1+$0xFFFFFE80];
	v23 =	vmul.f32 v3, v17;
	v26 =	vmul.f32 v61, v18  }
0x310: {  	v55 =	vld [tilespmem:s1+$0xFFFFFE90];
	v13 =	vimm.s32 $0xA;
	v25 =	vmul.f32 v62, v18;
	v29 =	vmul.f32 v6, v21  }
0x311: {  	v57 =	vld [tilespmem:s1+$0xFFFFFE00];
	v15 =	vimm.s32 $0x8;
	v28 =	vmul.f32 v7, v21;
	v33 =	vmul.f32 v8, v24  }
0x312: {  	v58 =	vld [tilespmem:s1+$0xFFFFFE10];
	v12 =	vimm.s32 $0x4;
	v32 =	vmul.f32 v10, v24;
	v36 =	vmul.f32 v11, v27  }
0x313: {  	v60 =	vld [tilespmem:s1+$0xFFFFFD80];
	v35 =	vmul.f32 v35, v27;
	v43 =	vperm.xlane v63, v12;
	v12 =	vimm.s32 $0x5  }
0x314: {  	v61 =	vld [tilespmem:s1+$0xFFFFFD90];
	v39 =	vmul.f32 v38, v30;
	v40 =	vperm.xlane v63, v12;
	v12 =	vimm.s32 $0x2  }
0x315: {  	v62 =	vld [tilespmem:s1+$0xFFFFFD00];
	v38 =	vmul.f32 v41, v30;
	v47 =	vperm.xlane v63, v12;
	v12 =	vimm.s32 $0x3  }
0x316: {  	v0 =	vld [tilespmem:s1+$0xFFFFFD10];
	v42 =	vmul.f32 v42, v31;
	v46 =	vperm.xlane v63, v12;
	v12 =	vimm.s32 $0x0  }
0x317: {  	v41 =	vmul.f32 v44, v31;
	v2 =	vld [tilespmem:s1+$0xFFFFFC00];
	v59 =	vperm.xlane v63, v12;
	v12 =	vimm.s32 $0x1  }
0x318: {  	v14 =	vimm.s32 $0x9;
	v45 =	vmul.f32 v45, v34;
	v56 =	vperm.xlane v63, v12;
	v63 =	vld [tilespmem:s1+$0xFFFFFC80]  }
0x319: {  	s0 =	simm.s32 $0x40;
	v44 =	vmul.f32 v50, v34;
	v50 =	vimm.f32 $0.0e+00;
	v12 =	vmul.f32 v1, v16;
	v1 =	vld [tilespmem:s1+$0xFFFFFC90]  }
.LBB2_12:
0x31a: {  	p0 =	sne.s32 s0, $0x2C0;
	v3 =	vld [tilespmem:s1+$0xFFFFFC10];
	v4 =	vmul.f32 v48, v37;
	v5 =	vmul.f32 v49, v37  }
0x31b: {  	v7 =	vmul.f32 v54, v40;
	v8 =	vmul.f32 v55, v40;
	v6 =	vld [tilespmem:s1+$0xFFFFFC20]  }
0x31c: {  	v10 =	vmul.f32 v57, v43;
	v11 =	vmul.f32 v58, v43;
	v9 =	vld [tilespmem:s1+$0xFFFFFC30]  }
0x31d: {  	v49 =	vmul.f32 v60, v46;
	v54 =	vmul.f32 v61, v46;
	v48 =	vld [tilespmem:s1+$0xFFFFFCA0]  }
0x31e: {  	v57 =	vmul.f32 v62, v47;
	v0 =	vmul.f32 v0, v47;
	v55 =	vld [tilespmem:s1+$0xFFFFFCB0]  }
0x31f: {  	v58 =	vmul.f32 v63, v56;
	v1 =	vmul.f32 v1, v56;
	v60 =	vld [tilespmem:s1+$0xFFFFFD20]  }
0x320: {  	v2 =	vmul.f32 v2, v59;
	v3 =	vmul.f32 v3, v59;
	v61 =	vld [tilespmem:s1+$0xFFFFFD30]  }
0x321: {  	v6 =	vmul.f32 v6, v59;
	v9 =	vmul.f32 v9, v59;
	v59 =	vld [tilespmem:s1+$0xFFFFFDA0]  }
0x322: {  	v2 =	vadd.f32 v2, v51;
	v3 =	vadd.f32 v3, v53;
	v48 =	vmul.f32 v48, v56;
	v51 =	vld [tilespmem:s1+$0xFFFFFDB0]  }
0x323: {  	v6 =	vadd.f32 v6, v52;
	v9 =	vadd.f32 v9, v50;
	v50 =	vmul.f32 v55, v56;
	v52 =	vld [tilespmem:s1+$0xFFFFFE20]  }
0x324: {  	v2 =	vadd.f32 v58, v2;
	v1 =	vadd.f32 v1, v3;
	v3 =	vmul.f32 v60, v47;
	v53 =	vld [tilespmem:s1+$0xFFFFFE30]  }
0x325: {  	v6 =	vadd.f32 v48, v6;
	v9 =	vadd.f32 v50, v9;
	v47 =	vmul.f32 v61, v47;
	v48 =	vld [tilespmem:s1+$0xFFFFFEA0]  }
0x326: {  	v2 =	vadd.f32 v57, v2;
	v0 =	vadd.f32 v0, v1;
	v1 =	vmul.f32 v59, v46;
	v50 =	vld [tilespmem:s1+$0xFFFFFEB0]  }
0x327: {  	v3 =	vadd.f32 v3, v6;
	v6 =	vadd.f32 v47, v9;
	v9 =	vmul.f32 v51, v46;
	v46 =	vld [tilespmem:s1+$0xFFFFFF20]  }
0x328: {  	v2 =	vadd.f32 v49, v2;
	v0 =	vadd.f32 v54, v0;
	v47 =	vmul.f32 v52, v43;
	v49 =	vld [tilespmem:s1+$0xFFFFFF30]  }
0x329: {  	v1 =	vadd.f32 v1, v3;
	v3 =	vadd.f32 v9, v6;
	v6 =	vmul.f32 v53, v43;
	v9 =	vld [tilespmem:s1+$0xFFFFFFA0]  }
0x32a: {  	v2 =	vadd.f32 v10, v2;
	v0 =	vadd.f32 v11, v0;
	v10 =	vmul.f32 v48, v40;
	v11 =	vld [tilespmem:s1+$0xFFFFFFB0]  }
0x32b: {  	v1 =	vadd.f32 v47, v1;
	v3 =	vadd.f32 v6, v3;
	v6 =	vmul.f32 v50, v40;
	v40 =	vld [tilespmem:s1+$0x20]  }
0x32c: {  	v2 =	vadd.f32 v7, v2;
	v0 =	vadd.f32 v8, v0;
	v7 =	vmul.f32 v46, v37;
	v8 =	vld [tilespmem:s1+$0x30]  }
0x32d: {  	v1 =	vadd.f32 v10, v1;
	v3 =	vadd.f32 v6, v3;
	v6 =	vmul.f32 v49, v37;
	v10 =	vld [tilespmem:s1+$0xA0]  }
0x32e: {  	v2 =	vadd.f32 v4, v2;
	v0 =	vadd.f32 v5, v0;
	v4 =	vmul.f32 v9, v34;
	v5 =	vld [tilespmem:s1+$0xB0]  }
0x32f: {  	v1 =	vadd.f32 v7, v1;
	v3 =	vadd.f32 v6, v3;
	v6 =	vmul.f32 v11, v34;
	v7 =	vld [tilespmem:s1+$0x120]  }
0x330: {  	v2 =	vadd.f32 v45, v2;
	v0 =	vadd.f32 v44, v0;
	v9 =	vmul.f32 v40, v31;
	v11 =	vld [tilespmem:s1+$0x130]  }
0x331: {  	v1 =	vadd.f32 v4, v1;
	v3 =	vadd.f32 v6, v3;
	v4 =	vmul.f32 v8, v31;
	v6 =	vld [tilespmem:s1+$0x1A0]  }
0x332: {  	v2 =	vadd.f32 v42, v2;
	v0 =	vadd.f32 v41, v0;
	v8 =	vmul.f32 v10, v30;
	v10 =	vld [tilespmem:s1+$0x1B0]  }
0x333: {  	v1 =	vadd.f32 v9, v1;
	v3 =	vadd.f32 v4, v3;
	v4 =	vmul.f32 v5, v30;
	v5 =	vld [tilespmem:s1+$0x220]  }
0x334: {  	v2 =	vadd.f32 v39, v2;
	v0 =	vadd.f32 v38, v0;
	v7 =	vmul.f32 v7, v27;
	v9 =	vld [tilespmem:s1+$0x230]  }
0x335: {  	v1 =	vadd.f32 v8, v1;
	v3 =	vadd.f32 v4, v3;
	v4 =	vmul.f32 v11, v27;
	v8 =	vld [tilespmem:s1+$0x2A0]  }
0x336: {  	v2 =	vadd.f32 v36, v2;
	v0 =	vadd.f32 v35, v0;
	v6 =	vmul.f32 v6, v24;
	v11 =	vld [tilespmem:s1+$0x2B0]  }
0x337: {  	v1 =	vadd.f32 v7, v1;
	v3 =	vadd.f32 v4, v3;
	v4 =	vmul.f32 v10, v24;
	v7 =	vld [tilespmem:s1+$0x320]  }
0x338: {  	v2 =	vadd.f32 v33, v2;
	v0 =	vadd.f32 v32, v0;
	v5 =	vmul.f32 v5, v21;
	v10 =	vld [tilespmem:s1+$0x330]  }
0x339: {  	v1 =	vadd.f32 v6, v1;
	v3 =	vadd.f32 v4, v3;
	v4 =	vmul.f32 v9, v21;
	v6 =	vld [tilespmem:s1+$0x3A0]  }
0x33a: {  	v2 =	vadd.f32 v29, v2;
	v0 =	vadd.f32 v28, v0;
	v8 =	vmul.f32 v8, v18;
	v9 =	vld [tilespmem:s1+$0x3B0];
	s1 =	sadd.s32 $0x800, s1  }
0x33b: {  	v1 =	vadd.f32 v5, v1;
	v28 =	vld [tilespmem:s1+$0x380];
	v3 =	vadd.f32 v4, v3;
	v4 =	vmul.f32 v11, v18  }
0x33c: {  	v2 =	vadd.f32 v26, v2;
	v0 =	vadd.f32 v25, v0;
	v5 =	vld [tilespmem:s1+$0x390];
	v7 =	vmul.f32 v7, v17  }
0x33d: {  	v1 =	vadd.f32 v8, v1;
	v11 =	vld [tilespmem:s1+$0x300];
	v3 =	vadd.f32 v4, v3;
	v4 =	vmul.f32 v10, v17  }
0x33e: {  	v2 =	vadd.f32 v22, v2;
	v0 =	vadd.f32 v23, v0;
	v8 =	vld [tilespmem:s1+$0x310];
	v6 =	vmul.f32 v6, v16  }
0x33f: {  	v1 =	vadd.f32 v7, v1;
	v10 =	vld [tilespmem:s1+$0x280];
	v3 =	vadd.f32 v4, v3;
	v4 =	vmul.f32 v9, v16  }
0x340: {  	v51 =	vadd.f32 v20, v2;
	v53 =	vadd.f32 v12, v0;
	v7 =	vld [tilespmem:s1+$0x290]  }
0x341: {  	v52 =	vadd.f32 v6, v1;
	v0 =	vld [tilespmem:s1+$0x200];
	v50 =	vadd.f32 v4, v3  }
0x342: {  	v1 =	vld [tilespmem:s1+$0x210]  }
0x343: {  	v2 =	vld [tilespmem:s1+$0x180]  }
0x344: {  	s16 =	sshra.s32 s0, $0x2;
	v3 =	vld [tilespmem:s1+$0x190]  }
0x345: {  	v4 =	vld [tilespmem:s16+$0xC738];
	_ =	sdelay $0x3  }
0x346: {  	v12 =	vimm.s32 $0xE  }
0x347: {  	v17 =	vperm.xlane v4, v12;
	v12 =	vimm.s32 $0xF  }
0x348: {  	v6 =	vld [tilespmem:s1+$0x100];
	v16 =	vperm.xlane v4, v12;
	v12 =	vimm.s32 $0xC  }
0x349: {  	v9 =	vld [tilespmem:s1+$0x110];
	v21 =	vperm.xlane v4, v12;
	v12 =	vimm.s32 $0xD  }
0x34a: {  	v38 =	vld [tilespmem:s1+$0x80];
	v18 =	vperm.xlane v4, v12;
	v12 =	vimm.s32 $0xB  }
0x34b: {  	v41 =	vld [tilespmem:s1+$0x90];
	v24 =	vperm.xlane v4, v12;
	v12 =	vimm.s32 $0x6  }
0x34c: {  	v42 =	vld [tilespmem:s1+$0x0];
	v37 =	vperm.xlane v4, v12;
	v12 =	vimm.s32 $0x7  }
0x34d: {  	v27 =	vperm.xlane v4, v13;
	v44 =	vld [tilespmem:s1+$0x10];
	v34 =	vperm.xlane v4, v12;
	v12 =	vimm.s32 $0x4  }
0x34e: {  	v31 =	vperm.xlane v4, v15;
	v45 =	vld [tilespmem:s1+$0xFFFFFF80];
	v43 =	vperm.xlane v4, v12;
	v12 =	vimm.s32 $0x5  }
0x34f: {  	v30 =	vperm.xlane v4, v14;
	v19 =	vld [tilespmem:s1+$0xFFFFFF90];
	v40 =	vperm.xlane v4, v12;
	v12 =	vimm.s32 $0x2  }
0x350: {  	v48 =	vld [tilespmem:s1+$0xFFFFFF00];
	v47 =	vperm.xlane v4, v12;
	v12 =	vimm.s32 $0x3  }
0x351: {  	v49 =	vld [tilespmem:s1+$0xFFFFFF10];
	v46 =	vperm.xlane v4, v12;
	v12 =	vimm.s32 $0x0  }
0x352: {  	v54 =	vld [tilespmem:s1+$0xFFFFFE80];
	v59 =	vperm.xlane v4, v12;
	v12 =	vimm.s32 $0x1  }
0x353: {  	v55 =	vld [tilespmem:s1+$0xFFFFFE90];
	v56 =	vperm.xlane v4, v12  }
0x354: {  	v20 =	vmul.f32 v28, v16;
	v12 =	vmul.f32 v5, v16;
	v57 =	vld [tilespmem:s1+$0xFFFFFE00]  }
0x355: {  	v22 =	vmul.f32 v11, v17;
	v23 =	vmul.f32 v8, v17;
	v58 =	vld [tilespmem:s1+$0xFFFFFE10]  }
0x356: {  	v26 =	vmul.f32 v10, v18;
	v25 =	vmul.f32 v7, v18;
	v60 =	vld [tilespmem:s1+$0xFFFFFD80]  }
0x357: {  	v29 =	vmul.f32 v0, v21;
	v28 =	vmul.f32 v1, v21;
	v61 =	vld [tilespmem:s1+$0xFFFFFD90]  }
.Ltmp5:
0x358: {  	v33 =	vmul.f32 v2, v24;
	v32 =	vmul.f32 v3, v24;
	v62 =	vld [tilespmem:s1+$0xFFFFFD00];
	(pc) =	sbr.rel @p0 .LBB2_12-.Ltmp5, $4  }
0x359: {  	v36 =	vmul.f32 v6, v27;
	v35 =	vmul.f32 v9, v27;
	v0 =	vld [tilespmem:s1+$0xFFFFFD10]  }
0x35a: {  	v39 =	vmul.f32 v38, v30;
	v38 =	vmul.f32 v41, v30;
	v63 =	vld [tilespmem:s1+$0xFFFFFC80]  }
0x35b: {  	v42 =	vmul.f32 v42, v31;
	v41 =	vmul.f32 v44, v31;
	v1 =	vld [tilespmem:s1+$0xFFFFFC90]  }
0x35c: {  	s0 =	sadd.s32 $0x40, s0;
	v45 =	vmul.f32 v45, v34;
	v44 =	vmul.f32 v19, v34;
	v2 =	vld [tilespmem:s1+$0xFFFFFC00]  }
0x35d: {  	v3 =	vld [tilespmem:s1+$0xFFFFFC10]  }
0x35e: {  	v4 =	vld [tilespmem:s1+$0xFFFFFC20]  }
0x35f: {  	v5 =	vld [tilespmem:s1+$0xFFFFFC30]  }
0x360: {  	v6 =	vld [tilespmem:s1+$0xFFFFFCA0]  }
0x361: {  	v7 =	vld [tilespmem:s1+$0xFFFFFCB0]  }
0x362: {  	v19 =	vld [tilespmem:s1+$0xFFFFFE20]  }
0x363: {  	v8 =	vld [tilespmem:s1+$0xFFFFFD20]  }
0x364: {  	v9 =	vld [tilespmem:s1+$0xFFFFFD30]  }
0x365: {  	v10 =	vld [tilespmem:s1+$0xFFFFFDA0];
	v63 =	vmul.f32 v63, v56  }
0x366: {  	v11 =	vld [tilespmem:s1+$0xFFFFFDB0];
	v2 =	vmul.f32 v2, v59;
	v3 =	vmul.f32 v3, v59  }
0x367: {  	[tilespmem:$0x1FFE0] =	vst v19;
	v19 =	vld [tilespmem:s1+$0xFFFFFE30];
	v4 =	vmul.f32 v4, v59;
	v5 =	vmul.f32 v5, v59  }
0x368: {  	v59 =	vmul.f32 v62, v47;
	v62 =	vmul.f32 v8, v47;
	v8 =	vld [tilespmem:s1+$0x30]  }
0x369: {  	v1 =	vmul.f32 v1, v56;
	v6 =	vmul.f32 v6, v56;
	v2 =	vadd.f32 v2, v51;
	v51 =	vld [tilespmem:s1+$0xFFFFFEA0]  }
0x36a: {  	v7 =	vmul.f32 v7, v56;
	v56 =	vmul.f32 v61, v46;
	v61 =	vld [tilespmem:$0x1FFE0]  }
0x36b: {  	v3 =	vadd.f32 v3, v53;
	v53 =	vld [tilespmem:s1+$0xFFFFFEB0]  }
0x36c: {  	v10 =	vmul.f32 v10, v46;
	v5 =	vadd.f32 v5, v50;
	v50 =	vld [tilespmem:s1+$0xFFFFFF20]  }
0x36d: {  	v11 =	vmul.f32 v11, v46;
	v4 =	vadd.f32 v4, v52;
	v52 =	vmul.f32 v60, v46;
	v46 =	vld [tilespmem:s1+$0xA0]  }
0x36e: {  	v60 =	vmul.f32 v58, v43;
	v58 =	vld [tilespmem:s1+$0x2A0]  }
0x36f: {  	v2 =	vadd.f32 v63, v2;
	v63 =	vmul.f32 v9, v47;
	v9 =	vld [tilespmem:s1+$0xFFFFFFB0]  }
0x370: {  	v0 =	vmul.f32 v0, v47;
	v47 =	vld [tilespmem:$0x18C20];
	v1 =	vadd.f32 v1, v3  }
0x371: {  	v49 =	vmul.f32 v49, v37;
	v3 =	vld [tilespmem:s1+$0xFFFFFF30];
	v4 =	vadd.f32 v6, v4;
	v5 =	vadd.f32 v7, v5  }
0x372: {  	v6 =	vld [tilespmem:s1+$0xFFFFFFA0];
	[tilespmem:$0x1FFF0] =	vst v19;
	v2 =	vadd.f32 v59, v2;
	v59 =	vmul.f32 v57, v43;
	v0 =	vadd.f32 v0, v1  }
0x373: {  	v4 =	vadd.f32 v62, v4;
	v5 =	vadd.f32 v63, v5;
	v19 =	vld [tilespmem:$0x1FFF0];
	v62 =	vmul.f32 v54, v40  }
0x374: {  	v1 =	vld [tilespmem:s1+$0x20];
	v63 =	vmul.f32 v55, v40;
	v2 =	vadd.f32 v52, v2;
	v54 =	vmul.f32 v53, v40  }
0x375: {  	v55 =	vld [tilespmem:s1+$0x1B0];
	v50 =	vmul.f32 v50, v37;
	v0 =	vadd.f32 v56, v0;
	v4 =	vadd.f32 v10, v4  }
0x376: {  	v10 =	vmul.f32 v61, v43;
	v5 =	vadd.f32 v11, v5;
	v11 =	vld [tilespmem:s1+$0x120];
	v56 =	vmul.f32 v48, v37  }
0x377: {  	v61 =	vld [tilespmem:s1+$0x320];
	v2 =	vadd.f32 v59, v2;
	v3 =	vmul.f32 v3, v37;
	v6 =	vmul.f32 v6, v34  }
0x378: {  	v59 =	vld [tilespmem:s1+$0x2B0];
	v0 =	vadd.f32 v60, v0;
	v4 =	vadd.f32 v10, v4;
	v19 =	vmul.f32 v19, v43  }
0x379: {  	v10 =	vld [tilespmem:s1+$0x1A0];
	v60 =	vmul.f32 v9, v34;
	v2 =	vadd.f32 v62, v2;
	v1 =	vmul.f32 v1, v31  }
0x37a: {  	v34 =	vld [tilespmem:s1+$0x3A0];
	v0 =	vadd.f32 v63, v0;
	v63 =	vmul.f32 v8, v31;
	v5 =	vadd.f32 v19, v5  }
0x37b: {  	v7 =	vld [tilespmem:s1+$0xB0];
	v19 =	vmul.f32 v51, v40;
	v2 =	vadd.f32 v56, v2;
	v11 =	vmul.f32 v11, v27  }
0x37c: {  	v57 =	vld [tilespmem:s1+$0x220];
	v40 =	vimm.s32 $0xC;
	v0 =	vadd.f32 v49, v0;
	v49 =	vmul.f32 v55, v24  }
0x37d: {  	v43 =	vld [tilespmem:s1+$0x130];
	v53 =	vmul.f32 v59, v18;
	v4 =	vadd.f32 v19, v4;
	v5 =	vadd.f32 v54, v5  }
0x37e: {  	v62 =	vld [tilespmem:s1+$0x330];
	v2 =	vadd.f32 v45, v2;
	v10 =	vmul.f32 v10, v24;
	v54 =	vmul.f32 v61, v17  }
0x37f: {  	v19 =	vld [tilespmem:s1+$0x230];
	v8 =	vmul.f32 v34, v16;
	v34 =	vimm.s32 $0xB;
	v0 =	vadd.f32 v44, v0  }
0x380: {  	v51 =	vld [tilespmem:$0x18C80];
	v44 =	vmul.f32 v7, v30;
	v4 =	vadd.f32 v50, v4;
	v3 =	vadd.f32 v3, v5  }
0x381: {  	v7 =	vld [tilespmem:$0xC7F0];
	v2 =	vadd.f32 v42, v2;
	v50 =	vmul.f32 v57, v21;
	v0 =	vadd.f32 v41, v0  }
0x382: {  	v42 =	vld [tilespmem:s1+$0x3B0];
	v41 =	vmul.f32 v46, v30;
	v46 =	vmul.f32 v43, v27;
	v4 =	vadd.f32 v6, v4  }
0x383: {  	v24 =	vld [tilespmem:$0x18C30];
	v3 =	vadd.f32 v60, v3;
	v2 =	vadd.f32 v39, v2;
	v6 =	vmul.f32 v62, v17  }
0x384: {  	v55 =	vld [tilespmem:$0x18D10];
	v0 =	vadd.f32 v38, v0;
	v52 =	vmul.f32 v19, v21;
	v1 =	vadd.f32 v1, v4  }
0x385: {  	v45 =	vld [tilespmem:$0x18C00];
	v21 =	vmul.f32 v58, v18;
	v3 =	vadd.f32 v63, v3;
	v2 =	vadd.f32 v36, v2  }
0x386: {  	v19 =	vld [tilespmem:$0x18C90];
	v56 =	vperm.xlane v7, v15;
	v59 =	vperm.xlane v7, v14;
	v0 =	vadd.f32 v35, v0  }
0x387: {  	v18 =	vld [tilespmem:$0x18CB0];
	v4 =	vmul.f32 v42, v16;
	v1 =	vadd.f32 v41, v1;
	v3 =	vadd.f32 v44, v3  }
0x388: {  	v17 =	vld [tilespmem:$0x18D20];
	v2 =	vadd.f32 v33, v2;
	v58 =	vmul.f32 v47, v56;
	v60 =	vmul.f32 v24, v56  }
0x389: {  	v57 =	vld [tilespmem:$0x18D30];
	v62 =	vmul.f32 v51, v59;
	v0 =	vadd.f32 v32, v0;
	v1 =	vadd.f32 v11, v1  }
0x38a: {  	v27 =	vld [tilespmem:$0x18C10];
	v51 =	vimm.s32 $0xE;
	v3 =	vadd.f32 v46, v3;
	v2 =	vadd.f32 v29, v2  }
0x38b: {  	v16 =	vld [tilespmem:$0x18D80];
	v30 =	vmul.f32 v19, v59;
	v19 =	vperm.xlane v7, v13;
	v0 =	vadd.f32 v28, v0  }
0x38c: {  	v61 =	vld [tilespmem:$0x18DB0];
	v11 =	vmul.f32 v18, v59;
	v1 =	vadd.f32 v10, v1;
	v3 =	vadd.f32 v49, v3  }
0x38d: {  	v28 =	vld [tilespmem:$0x18CA0];
	v2 =	vadd.f32 v26, v2;
	v9 =	vmul.f32 v55, v19;
	v33 =	vmul.f32 v17, v19  }
0x38e: {  	v17 =	vperm.xlane v7, v34;
	v0 =	vadd.f32 v25, v0;
	v1 =	vadd.f32 v50, v1  }
0x38f: {  	v35 =	vmul.f32 v57, v19;
	v25 =	vld [tilespmem:$0x18DA0];
	v3 =	vadd.f32 v52, v3;
	v2 =	vadd.f32 v22, v2  }
0x390: {  	v22 =	vmul.f32 v27, v56;
	v37 =	vmul.f32 v16, v17;
	v0 =	vadd.f32 v23, v0;
	v23 =	vld [tilespmem:$0x18D90]  }
0x391: {  	v5 =	vmul.f32 v61, v17;
	v1 =	vadd.f32 v21, v1;
	v21 =	vld [tilespmem:$0x18D00];
	v3 =	vadd.f32 v53, v3  }
0x392: {  	v38 =	vld [tilespmem:$0x18EA0];
	v2 =	vadd.f32 v20, v2;
	v20 =	vmul.f32 v45, v56;
	v31 =	vmul.f32 v28, v59  }
0x393: {  	v63 =	vld [tilespmem:$0x18E00];
	v45 =	vimm.s32 $0xD;
	v1 =	vadd.f32 v54, v1;
	v3 =	vadd.f32 v6, v3  }
0x394: {  	v36 =	vld [tilespmem:$0x18E90];
	v0 =	vadd.f32 v12, v0;
	v2 =	vadd.f32 v20, v2;
	v41 =	vmul.f32 v25, v17  }
0x395: {  	v1 =	vadd.f32 v8, v1;
	v3 =	vadd.f32 v4, v3;
	v39 =	vmul.f32 v23, v17;
	v17 =	vld [tilespmem:$0x18F00]  }
0x396: {  	v20 =	vld [tilespmem:$0x18E10];
	v0 =	vadd.f32 v22, v0;
	v2 =	vadd.f32 v62, v2;
	v32 =	vmul.f32 v21, v19  }
0x397: {  	v18 =	vld [tilespmem:$0x18E20];
	v56 =	vimm.s32 $0xF;
	v1 =	vadd.f32 v58, v1;
	v3 =	vadd.f32 v60, v3  }
0x398: {  	v6 =	vperm.xlane v7, v51;
	v0 =	vadd.f32 v30, v0;
	v21 =	vld [tilespmem:$0x18E30];
	v2 =	vadd.f32 v32, v2  }
0x399: {  	v19 =	vld [tilespmem:$0x18F10];
	v1 =	vadd.f32 v31, v1;
	v3 =	vadd.f32 v11, v3;
	v11 =	vperm.xlane v7, v40  }
0x39a: {  	v22 =	vld [tilespmem:$0x18E80];
	v0 =	vadd.f32 v9, v0;
	v2 =	vadd.f32 v37, v2;
	v55 =	vmul.f32 v17, v6  }
0x39b: {  	v16 =	vld [tilespmem:$0x18EB0];
	v1 =	vadd.f32 v33, v1;
	v42 =	vmul.f32 v63, v11;
	v43 =	vmul.f32 v20, v11  }
0x39c: {  	v49 =	vld [tilespmem:$0x18F80];
	v3 =	vadd.f32 v35, v3;
	v44 =	vmul.f32 v18, v11;
	v18 =	vperm.xlane v7, v45  }
0x39d: {  	v47 =	vld [tilespmem:$0x18F30];
	v0 =	vadd.f32 v39, v0;
	v46 =	vmul.f32 v21, v11;
	v7 =	vperm.xlane v7, v56  }
0x39e: {  	v20 =	vld [tilespmem:$0x18F20];
	v57 =	vmul.f32 v19, v6;
	v1 =	vadd.f32 v41, v1;
	v3 =	vadd.f32 v5, v3  }
0x39f: {  	v52 =	vld [tilespmem:$0x18F90];
	v2 =	vadd.f32 v42, v2;
	v48 =	vmul.f32 v22, v18;
	v50 =	vmul.f32 v36, v18  }
0x3a0: {  	v0 =	vadd.f32 v43, v0;
	v53 =	vmul.f32 v38, v18;
	v54 =	vmul.f32 v16, v18;
	v16 =	vld [tilespmem:$0x18FA0]  }
0x3a1: {  	v17 =	vld [tilespmem:$0x18FB0];
	v59 =	vmul.f32 v49, v7;
	v1 =	vadd.f32 v44, v1;
	v2 =	vadd.f32 v48, v2  }
0x3a2: {  	v5 =	vmul.f32 v47, v6;
	v3 =	vadd.f32 v46, v3;
	v0 =	vadd.f32 v50, v0  }
0x3a3: {  	v58 =	vmul.f32 v20, v6;
	v1 =	vadd.f32 v53, v1;
	v2 =	vadd.f32 v55, v2  }
0x3a4: {  	v60 =	vmul.f32 v52, v7;
	v3 =	vadd.f32 v54, v3;
	v0 =	vadd.f32 v57, v0  }
0x3a5: {  	v61 =	vmul.f32 v16, v7;
	v1 =	vadd.f32 v58, v1;
	v2 =	vadd.f32 v59, v2  }
0x3a6: {  	v62 =	vmul.f32 v17, v7;
	v3 =	vadd.f32 v5, v3;
	v0 =	vadd.f32 v60, v0  }
0x3a7: {  	v1 =	vadd.f32 v61, v1;
	[tilespmem:$0x6338] =	vst v2  }
0x3a8: {  	v63 =	vadd.f32 v62, v3;
	[tilespmem:$0x6348] =	vst v0  }
0x3a9: {  	s0 =	simm.s32 $0x0;
	v24 =	vimm.s32 $0xB;
	v27 =	vimm.s32 $0xD;
	v35 =	vimm.s32 $0x9;
	[tilespmem:$0x6358] =	vst v1  }
0x3aa: {  	s26 =	sadd.s32 $0x0, s7;
	s16 =	simm.s32 $0xC8;
	s1 =	simm.s32 $0x8;
	v21 =	vimm.s32 $0xF;
	v18 =	vimm.s32 $0xC;
	v16 =	vimm.s32 $0xE;
	[tilespmem:$0x6368] =	vst v63  }
.LBB2_14:
0x3ab: {  	[hbm4b:s26+s2] =	stream.linear.scatter [tilespmem:s0], [sflag:$0x4], $0x40, $0x38;
	[tilespmem:$0x1F480] =	vst v63  }
0x3ac: {  	s18 =	smov.u32 s1;
	s0 =	smov.u32 s16;
	p0 =	sne.s32 s1, $0x3F8  }
.Ltmp6:
0x3ad: {  	s1 =	sadd.s32 $0x8, s1;
	(pc) =	sbr.rel @p0 .LBB2_14-.Ltmp6, $2  }
0x3ae: {  	_ =	sdelay $0x2  }
0x3af: {  	s16 =	sadd.s32 $0xC8, s16;
	s26 =	sadd.s32 s18, s7  }
0x3b0: {  	[hbm4b:s26+s2] =	stream.linear.scatter [tilespmem:s0], [sflag:$0x4], $0x40, $0x38;
	[tilespmem:$0x1F480] =	vst v63  }
0x3b1: {  	_ =	swait.ge [sflag:s11], $0x2000  }
0x3b2: {  	[sflag:s11] =	ssyncset.done $0x0  }
0x3b3: {  	[sflag:s11] =	ssyncadd.s32 $0xFFFFE000  }
0x3b4: {  	[tilespmem:s13], [sflag:$0x4] =	stream.indirect.gather [hbm4b:s3+s12], $0x80, s10, s12, $0xb8;
	[tilespmem:$0x1F480] =	vst v63  }
0x3b5: {  	s25 =	sadd.s32 $0x1, s25;
	_ =	swait.ge [sflag:s11], $0x4000  }
0x3b6: {  	p0 =	sne.s32 s25, s9;
	[sflag:s11] =	ssyncset.done $0x0  }
.Ltmp7:
0x3b7: {  	[sflag:s11] =	ssyncadd.s32 $0xFFFFC000;
	(pc) =	sbr.rel @p0 .LBB2_1-.Ltmp7, $4  }
0x3b8: {  	[hbm4b:s8+s2] =	stream.linear.scatter [tilespmem:s13], [sflag:$0x4], $0x4000, $0x38;
	[tilespmem:$0x1F480] =	vst v63  }
0x3b9: {  	_ =	swait.ge [sflag:s11], $0x4000  }
0x3ba: {  	[sflag:s11] =	ssyncset.done $0x0  }
0x3bb: {  	v20 =	vimm.s32 $0x5;
	v22 =	vimm.s32 $0x6;
	[sflag:s11] =	ssyncadd.s32 $0xFFFFC000  }
0x3bc: {  	_ =	sfence.sel $0x180000  }
0x3bd: {  	[bflag:$0x0] =	sbarrier.arrive $0xFFFF  }
0x3be: {  	_ =	strace $0x90000047  }
0x3bf: {  	s0 =	stileid.u32;
	[bflag:$0x2] =	sbarrier.arrive $0xFFFF  }
0x3c0: {  	p0 =	sne.s32 s0, $0x0;
	s0 =	rddreg [dreg:$0x2]  }
0x3c1: {  	s0 =	sadd.s32 @!p0 $0x100000, s0  }
0x3c2: {  	[sflag:s0] =	ssyncadd.tile.s32 @!p0 $0x1;
	_ =	shalt  }
.Lfunc_end2:
_tile_overlayer_lowered:
.L_overlay_start_2:
0x3c3: {  	(tag) =	ssettag $0x2  }
0x3c4: {  	s0 =	rddreg [dreg:$0x0];
	s2 =	stileid.u32  }
0x3c5: {  	s1 =	rddreg [dreg:$0x1];
	p0 =	sne.s32 s2, $0x0  }
0x3c6: {  	s3 =	rddreg [dreg:$0x2];
	[bflag:$0x3] =	sbarrier.arrive $0xFFFF;
	s2 =	simm.s32 @!p0 $0x1C04  }
0x3c7: {  	[timem:s3], [sflag:s2] =	dma.local @!p0 [hbm:s0], s1  }
0x3c8: {  	s0 =	simm.s32 @!p0 $0x4  }
0x3c9: {  	_ =	swait.ge @!p0 [sflag:s0], s1  }
0x3ca: {  	s1 =	ssub.s32 @!p0 $0x0, s1;
	[sflag:s0] =	ssyncset.done @!p0 $0x0  }
0x3cb: {  	[sflag:s0] =	ssyncadd.s32 @!p0 s1  }
0x3cc: {  	[bflag:$0x3] =	sbarrier.arrive $0xFFFF  }
0x3cd: {  	_ =	shalt  }

</sc_bundles>
